<compile_context>
chip_gen: v7x
topology: tpu7x:2x2x1
jax: 0.10.2.dev20260603
libtpu: 0.0.44.dev20260713+nightly
codegen_flags: <defaults>
</compile_context>

<pallas_src>
import functools

import jax
import jax.numpy as jnp
from jax import lax
from jax.experimental import pallas as pl
from jax.experimental.pallas import tpu as pltpu
from jax.experimental.pallas import tpu_sc as plsc

MAX_ATOMS = 32
MAX_DEGREE = 4
MAX_RINGS = 6
BATCH = 4096

A1 = MAX_ATOMS + 1
EW = MAX_ATOMS * MAX_DEGREE
L = 16
NWORKERS = 32
MOL_PER_W = BATCH // NWORKERS
GROUPS = MOL_PER_W // L


def _setbit(w0, w1, n):
    hi = n >= 32
    sh = jnp.where(hi, 0, n)
    m0 = jnp.where(hi, 0, lax.shift_left(1, sh))
    m1 = jnp.where(hi, 1, 0)
    return w0 | m0, w1 | m1


def _clearbit(w0, w1, n):
    hi = n >= 32
    sh = jnp.where(hi, 0, n)
    m0 = jnp.where(hi, 0, lax.shift_left(1, sh))
    m1 = jnp.where(hi, 1, 0)
    return w0 & ~m0, w1 & ~m1


def _getbit(w0, w1, n):
    hi = n >= 32
    sh = jnp.where(hi, n - 32, n)
    w = jnp.where(hi, w1, w0)
    return lax.shift_right_logical(w, sh) & 1


def _body(edge_hbm, tree_out, ring_out, rings_out,
          edges_v, tree_v, ring_v, rings_v):
    info = plsc.get_sparse_core_info()
    wid = lax.axis_index("s") * info.num_cores + lax.axis_index("c")

    lane = lax.iota(jnp.int32, L)
    ebase = lane * EW
    tbase = lane * A1
    rbase = lane * (2 * A1)
    gbase = lane * (MAX_RINGS * MAX_ATOMS)
    zero = jnp.zeros((L,), jnp.int32)
    mone = jnp.full((L,), -1, jnp.int32)

    def group_body(g, gcarry):
        base = wid * MOL_PER_W + g * L

        pltpu.sync_copy(edge_hbm.at[pl.ds(base * EW, L * EW)], edges_v)

        for i in range(A1):
            tree_v[pl.ds(i * L, L)] = zero
        for i in range(2 * A1):
            ring_v[pl.ds(i * L, L)] = zero
        for i in range(MAX_RINGS * MAX_ATOMS):
            rings_v[pl.ds(i * L, L)] = mone

        def p1_body(t, carry):
            lnf0, lnf1, nnv0, nnv1, nr = carry
            f0 = ~lnf0 & nnv0
            f1 = ~lnf1 & nnv1 & 1
            low = f0 & jnp.negative(f0)
            fb = lax.bitcast_convert_type(low.astype(jnp.float32), jnp.int32)
            e = (lax.shift_right_logical(fb, 23) & 0xFF) - 127
            v = jnp.where(f0 != 0, e, jnp.where(f1 != 0, 32, 0))
            vpos = v > 0
            for d in range(MAX_DEGREE):
                eoff = jnp.maximum((v - 1) * MAX_DEGREE + d, 0)
                nn_raw = plsc.load_gather(edges_v, [ebase + eoff]) + 1
                nn = jnp.where(vpos, nn_raw, 0)
                s_lnf = _getbit(lnf0, lnf1, nn)
                s_lnv = _getbit(nnv0, nnv1, nn)
                cf = (1 - s_lnf) * s_lnv * jnp.where(nn != 0, 1, 0)
                ok = cf * jnp.where(nr < A1, 1, 0)
                row = jnp.minimum(nr, A1 - 1)
                plsc.addupdate_scatter(ring_v, [rbase + row * 2], v * ok)
                plsc.addupdate_scatter(ring_v, [rbase + row * 2 + 1], nn * ok)
                nr = nr + cf
                plsc.addupdate_scatter(tree_v, [tbase + nn], s_lnf * v)
                lnf0, lnf1 = _clearbit(lnf0, lnf1, nn)
            nnv0, nnv1 = _clearbit(nnv0, nnv1, v)
            return (lnf0, lnf1, nnv0, nnv1, nr)

        init = (jnp.full((L,), -4, jnp.int32),
                jnp.full((L,), 1, jnp.int32),
                jnp.full((L,), -2, jnp.int32),
                jnp.full((L,), 1, jnp.int32),
                zero)
        lax.fori_loop(1, MAX_ATOMS + 1, p1_body, init)

        NR = MAX_RINGS

        def alive(j, ss):
            acc = ss[0]
            for i in range(1, NR):
                acc = acc | ss[i]
            return (j < MAX_ATOMS) & jnp.any(acc != 0)

        R0 = [plsc.load_gather(ring_v, [rbase + i * 2]) for i in range(NR)]
        R1 = [plsc.load_gather(ring_v, [rbase + i * 2 + 1])
              for i in range(NR)]

        b0s, b1s = zip(*[_setbit(zero, zero, R0[i]) for i in range(NR)])

        def w1_cond(c):
            return alive(c[0], c[1])

        def w1_body(c):
            j, ss, a0s, a1s = c
            ns_, n0_, n1_ = [], [], []
            for i in range(NR):
                nxt = plsc.load_gather(tree_v, [tbase + ss[i]])
                a0, a1 = _setbit(a0s[i], a1s[i], nxt)
                ns_.append(nxt)
                n0_.append(a0)
                n1_.append(a1)
            return (j + 1, tuple(ns_), tuple(n0_), tuple(n1_))

        _, _, VB00, VB01 = lax.while_loop(
            w1_cond, w1_body, (jnp.int32(0), tuple(R0), b0s, b1s))

        c0s, c1s = zip(*[_setbit(zero, zero, R1[i]) for i in range(NR)])
        for i in range(NR):
            plsc.addupdate_scatter(rings_v, [gbase + i * MAX_ATOMS], R1[i])

        def w2_cond(c):
            return alive(c[0], c[1])

        def w2_body(c):
            j, ss, a0s, a1s, aidxs = c
            ns_, n0_, n1_, na_ = [], [], [], []
            for i in range(NR):
                nxt = plsc.load_gather(tree_v, [tbase + ss[i]])
                same = ((VB00[i] & a0s[i]) | (VB01[i] & a1s[i])) != 0
                ns = jnp.where(same, 0, 1)
                aidx = aidxs[i] + ns
                okk = ns * jnp.where(aidx < MAX_ATOMS, 1, 0)
                pos = jnp.minimum(aidx, MAX_ATOMS - 1)
                plsc.addupdate_scatter(
                    rings_v, [gbase + i * MAX_ATOMS + pos], nxt * okk)
                a0, a1 = _setbit(a0s[i], a1s[i], nxt)
                ns_.append(nxt)
                n0_.append(a0)
                n1_.append(a1)
                na_.append(aidx)
            return (j + 1, tuple(ns_), tuple(n0_), tuple(n1_), tuple(na_))

        _, _, VB10, VB11, AIDX = lax.while_loop(
            w2_cond, w2_body,
            (jnp.int32(0), tuple(R1), c0s, c1s, (zero,) * NR))

        d0s, d1s = zip(*[_setbit(zero, zero, R0[i]) for i in range(NR)])
        aidx2 = []
        for i in range(NR):
            aidx = AIDX[i] + 1
            okk = jnp.where(aidx < MAX_ATOMS, 1, 0)
            pos = jnp.minimum(aidx, MAX_ATOMS - 1)
            plsc.addupdate_scatter(
                rings_v, [gbase + i * MAX_ATOMS + pos], R0[i] * okk)
            aidx2.append(aidx)

        def w3_cond(c):
            return alive(c[0], c[1])

        def w3_body(c):
            j, ss, a0s, a1s, aidxs = c
            ns_, n0_, n1_, na_ = [], [], [], []
            for i in range(NR):
                nxt = plsc.load_gather(tree_v, [tbase + ss[i]])
                a0, a1 = _setbit(a0s[i], a1s[i], nxt)
                same = ((a0 & VB10[i]) | (a1 & VB11[i])) != 0
                ns = jnp.where(same, 0, 1)
                aidx = aidxs[i] + ns
                okk = ns * jnp.where(aidx < MAX_ATOMS, 1, 0)
                pos = jnp.minimum(aidx, MAX_ATOMS - 1)
                plsc.addupdate_scatter(
                    rings_v, [gbase + i * MAX_ATOMS + pos], nxt * okk)
                ns_.append(nxt)
                n0_.append(a0)
                n1_.append(a1)
                na_.append(aidx)
            return (j + 1, tuple(ns_), tuple(n0_), tuple(n1_), tuple(na_))

        lax.while_loop(
            w3_cond, w3_body,
            (jnp.int32(0), tuple(R0), d0s, d1s, tuple(aidx2)))

        pltpu.sync_copy(tree_v, tree_out.at[pl.ds(base * A1, L * A1)])
        pltpu.sync_copy(ring_v, ring_out.at[pl.ds(base * 2 * A1, L * 2 * A1)])
        pltpu.sync_copy(
            rings_v,
            rings_out.at[pl.ds(base * MAX_RINGS * MAX_ATOMS,
                               L * MAX_RINGS * MAX_ATOMS)])
        return gcarry

    lax.fori_loop(0, GROUPS, group_body, 0)


@jax.jit
def kernel(edge):
    B = edge.shape[0]
    flat = edge.astype(jnp.int32).reshape(B * EW)
    call = pl.kernel(
        _body,
        out_type=(
            jax.ShapeDtypeStruct((B * A1,), jnp.int32),
            jax.ShapeDtypeStruct((B * 2 * A1,), jnp.int32),
            jax.ShapeDtypeStruct((B * MAX_RINGS * MAX_ATOMS,), jnp.int32),
        ),
        mesh=plsc.VectorSubcoreMesh(core_axis_name="c", subcore_axis_name="s"),
        scratch_types=(
            pltpu.VMEM((L * EW,), jnp.int32),
            pltpu.VMEM((L * A1,), jnp.int32),
            pltpu.VMEM((L * 2 * A1,), jnp.int32),
            pltpu.VMEM((L * MAX_RINGS * MAX_ATOMS,), jnp.int32),
        ),
        compiler_params=pltpu.CompilerParams(needs_layout_passes=False),
    )
    tree_f, ring_f, rings_f = call(flat)
    return (tree_f.reshape(B, A1),
            ring_f.reshape(B, A1, 2),
            rings_f.reshape(B, MAX_RINGS, MAX_ATOMS))

# --- scband reference (transcript-rebuilt; emitter-appended) ---
"""Pipeline reference for scband-find-ring-atoms-64682207477990 (READ-ONLY COPY).

The authoritative reference and input builder live on the scoring server;
editing this copy changes nothing except your own understanding.
"""

import jax, jax.numpy as jnp
import numpy as np

MAX_ATOMS = 32
MAX_DEGREE = 4
MAX_RINGS = 6
BATCH = 4096


def setup_inputs(seed: int = 0):
    key = jax.random.key(seed)
    edge = jax.random.randint(key, (BATCH, MAX_ATOMS, MAX_DEGREE), 0, MAX_ATOMS, dtype=jnp.int32)
    return {"edge": edge}


def _forward(edge):
    edge = edge.astype(jnp.int32)
    B = edge.shape[0]
    masked_edges = edge + 1
    masked_edges = jnp.pad(masked_edges, ((0, 0), (1, 0), (0, 0)))
    A1 = MAX_ATOMS + 1
    leaf_not_found = jnp.ones((B, A1), jnp.int32)
    node_not_visited = jnp.ones((B, A1), jnp.int32)
    Tree = jnp.zeros((B, A1), jnp.int32)
    ones_b = jnp.ones((B, 1), jnp.int32)
    num_rings = jnp.zeros((B, 1), jnp.int32)
    ring_idx = jnp.zeros((B, A1, 2), jnp.int32)
    bidx = jnp.arange(B, dtype=jnp.int32)
    visiting = ones_b
    for atom_idx in range(1, MAX_ATOMS + 1):
        if atom_idx == 1:
            node_not_visited = node_not_visited.at[bidx, 0].set(0)
            leaf_not_found = leaf_not_found.at[bidx, 0].set(0)
            leaf_not_found = leaf_not_found.at[bidx, 1].set(0)
            visiting = ones_b
        else:
            leaf_found = 1 - leaf_not_found
            visiting = jnp.argmax(node_not_visited * leaf_found, axis=-1).astype(jnp.int32).reshape(B, 1)
        v = visiting[:, 0]
        for d in range(MAX_DEGREE):
            next_node = masked_edges[bidx, v, d].reshape(B, 1)
            nn = next_node[:, 0]
            s_lnf = leaf_not_found[bidx, nn].reshape(B, 1)
            s_lf = 1 - s_lnf
            s_lnv = node_not_visited[bidx, nn].reshape(B, 1)
            cycle_found = s_lf * s_lnv * (next_node != 0).astype(jnp.int32)
            ring_idx = ring_idx.at[bidx, num_rings[:, 0], 0].add((visiting * cycle_found)[:, 0], mode='drop')
            ring_idx = ring_idx.at[bidx, num_rings[:, 0], 1].add((next_node * cycle_found)[:, 0], mode='drop')
            num_rings = num_rings + cycle_found
            Tree = Tree.at[bidx, nn].add((s_lnf * visiting)[:, 0])
            leaf_not_found = leaf_not_found.at[bidx, nn].set(0)
        node_not_visited = node_not_visited.at[bidx, v].set(0)
    max_num_rings = jnp.max(num_rings)
    rings = jnp.zeros((B, MAX_RINGS, MAX_ATOMS), jnp.int32)

    def find_rings(i, rings):
        atom_in_ring_idx = jnp.zeros((B, 1), jnp.int32)
        starting = jnp.take(ring_idx, i, axis=1)[:, 0].reshape(B, 1)
        vb0 = jnp.zeros((B, A1), jnp.int32).at[bidx, starting[:, 0]].set(1)
        for j in range(MAX_ATOMS):
            nxt = Tree[bidx, starting[:, 0]].reshape(B, 1)
            vb0 = vb0.at[bidx, nxt[:, 0]].set(1)
            starting = nxt
        starting = jnp.take(ring_idx, i, axis=1)[:, 1].reshape(B, 1)
        vb1 = jnp.zeros((B, A1), jnp.int32).at[bidx, starting[:, 0]].set(1)
        rings = rings.at[bidx, i, atom_in_ring_idx[:, 0]].set(starting[:, 0], mode='drop')
        for j in range(MAX_ATOMS):
            nxt = Tree[bidx, starting[:, 0]].reshape(B, 1)
            same = jnp.any((vb0 * vb1) == 1, axis=-1)
            not_same = jnp.logical_not(same).astype(jnp.int32).reshape(B, 1)
            atom_in_ring_idx = atom_in_ring_idx + not_same
            rings = rings.at[bidx, i, atom_in_ring_idx[:, 0]].add((nxt * not_same)[:, 0], mode='drop')
            vb1 = vb1.at[bidx, nxt[:, 0]].set(1)
            starting = nxt
        starting = jnp.take(ring_idx, i, axis=1)[:, 0].reshape(B, 1)
        vb0 = jnp.zeros((B, A1), jnp.int32).at[bidx, starting[:, 0]].set(1)
        atom_in_ring_idx = atom_in_ring_idx + 1
        rings = rings.at[bidx, i, atom_in_ring_idx[:, 0]].set(starting[:, 0], mode='drop')
        for j in range(MAX_ATOMS):
            nxt = Tree[bidx, starting[:, 0]].reshape(B, 1)
            vb0 = vb0.at[bidx, nxt[:, 0]].set(1)
            same = jnp.any((vb0 * vb1) == 1, axis=-1)
            not_same = jnp.logical_not(same).astype(jnp.int32).reshape(B, 1)
            atom_in_ring_idx = atom_in_ring_idx + not_same
            rings = rings.at[bidx, i, atom_in_ring_idx[:, 0]].add((nxt * not_same)[:, 0], mode='drop')
            starting = nxt
        return rings

    def cond(carry):
        i, _ = carry
        return i < jnp.minimum(max_num_rings, jnp.int32(MAX_RINGS))

    def body(carry):
        i, r = carry
        return (i + jnp.int32(1), find_rings(i, r))

    _, rings = jax.lax.while_loop(cond, body, (jnp.int32(0), rings))
    rings_output = rings - 1
    return (Tree, ring_idx, rings_output)


def reference(edge):
    return _forward(edge)

if __name__ == "__main__":
    import jax
    _d = setup_inputs()
    print(jax.jit(kernel)(*tuple(_d.values())))

</pallas_src>

<mosaic_0001>
#map = affine_map<(d0, d1) -> (0)>
module attributes {stable_mosaic.version = 14 : i64} {
  func.func @_body(%arg0: i32, %arg1: i32, %arg2: memref<524288xi32, #tpu.memory_space<hbm>>, %arg3: memref<135168xi32, #tpu.memory_space<hbm>>, %arg4: memref<270336xi32, #tpu.memory_space<hbm>>, %arg5: memref<786432xi32, #tpu.memory_space<hbm>>, %arg6: memref<2048xi32, #tpu.memory_space<vmem>>, %arg7: memref<528xi32, #tpu.memory_space<vmem>>, %arg8: memref<1056xi32, #tpu.memory_space<vmem>>, %arg9: memref<3072xi32, #tpu.memory_space<vmem>>) attributes {dimension_semantics = [#tpu.dimension_semantics<core_parallel>, #tpu.dimension_semantics<subcore_parallel>], iteration_bounds = array<i64: 2, 16>, scalar_prefetch = 0 : i64, scratch_operands = 4 : i64, tpu.core_type = #tpu.core_type<sc_vector_subcore>, window_params = [{transform_indices = #map}, {transform_indices = #map}, {transform_indices = #map}, {transform_indices = #map}]} {
    %mul3A = arith.constant 2 : i32
    %mul3A_0 = arith.muli %arg1, %mul3A : i32
    %add3A = arith.addi %mul3A_0, %arg0 : i32
    %iota3A = tpu.iota {dimensions = array<i32: 0>} : vector<16xi32>
    %mul3A_1 = arith.constant 128 : i32
    %mul3A_2 = vector.broadcast %mul3A_1 : i32 to vector<16xi32>
    %mul3A_3 = arith.muli %iota3A, %mul3A_2 : vector<16xi32>
    %mul3A_4 = arith.constant 33 : i32
    %mul3A_5 = vector.broadcast %mul3A_4 : i32 to vector<16xi32>
    %mul3A_6 = arith.muli %iota3A, %mul3A_5 : vector<16xi32>
    %mul3A_7 = arith.constant 66 : i32
    %mul3A_8 = vector.broadcast %mul3A_7 : i32 to vector<16xi32>
    %mul3A_9 = arith.muli %iota3A, %mul3A_8 : vector<16xi32>
    %mul3A_10 = arith.constant 192 : i32
    %mul3A_11 = vector.broadcast %mul3A_10 : i32 to vector<16xi32>
    %mul3A_12 = arith.muli %iota3A, %mul3A_11 : vector<16xi32>
    %broadcast_in_dim3A = arith.constant 0 : i32
    %broadcast_in_dim3A_13 = vector.broadcast %broadcast_in_dim3A : i32 to vector<16xi32>
    %broadcast_in_dim3A_14 = arith.constant -1 : i32
    %broadcast_in_dim3A_15 = vector.broadcast %broadcast_in_dim3A_14 : i32 to vector<16xi32>
    %scan3A = arith.constant 0 : i32
    %scan3A_16 = arith.constant 0 : i32
    %scan3A_17 = arith.constant 8 : i32
    %scan3A_18 = arith.addi %scan3A_16, %scan3A_17 : i32
    %scan3A_19 = arith.constant 1 : i32
    scf.for %scan3A_21 = %scan3A_16 to %scan3A_18 step %scan3A_19  : i32 {
      %mul3A_22 = arith.constant 128 : i32
      %mul3A_23 = arith.muli %add3A, %mul3A_22 : i32
      %mul3A_24 = arith.constant 16 : i32
      %mul3A_25 = arith.muli %scan3A_21, %mul3A_24 : i32
      %add3A_26 = arith.addi %mul3A_23, %mul3A_25 : i32
      %mul3A_27 = arith.constant 128 : i32
      %mul3A_28 = arith.muli %add3A_26, %mul3A_27 : i32
      "tpu.region"() ({
        %run_scoped3A = tpu.sem_alloc : memref<!tpu.dma_semaphore, #tpu.memory_space<semaphore_mem>>
        %dma_start3A = tpu.memref_slice %arg2[%mul3A_28] : memref<524288xi32, #tpu.memory_space<hbm>> -> memref<2048xi32, #tpu.memory_space<hbm>>
        %dma_start3A_1171 = tpu.memref_slice %arg2[%mul3A_28] : memref<524288xi32, #tpu.memory_space<hbm>> -> memref<2048xi32, #tpu.memory_space<hbm>>
        tpu.enqueue_dma source(%dma_start3A_1171 : memref<2048xi32, #tpu.memory_space<hbm>>) target(%arg6 : memref<2048xi32, #tpu.memory_space<vmem>>) target_semaphore(%run_scoped3A : memref<!tpu.dma_semaphore, #tpu.memory_space<semaphore_mem>>)
        %dma_wait3A = tpu.memref_slice %arg2[%mul3A_28] : memref<524288xi32, #tpu.memory_space<hbm>> -> memref<2048xi32, #tpu.memory_space<hbm>>
        %dma_wait3A_1172 = tpu.memref_slice %arg2[%mul3A_28] : memref<524288xi32, #tpu.memory_space<hbm>> -> memref<2048xi32, #tpu.memory_space<hbm>>
        tpu.wait_dma2 semaphore(%run_scoped3A : memref<!tpu.dma_semaphore, #tpu.memory_space<semaphore_mem>>) src(%dma_wait3A_1172 : memref<2048xi32, #tpu.memory_space<hbm>>) dst(%arg6 : memref<2048xi32, #tpu.memory_space<vmem>>)
        tpu.yield
      }) : () -> ()
      %swap3A = arith.constant 0 : index
      %swap3A_29 = tpu.vector_load %arg7[%swap3A] {strides = array<i32>} : memref<528xi32, #tpu.memory_space<vmem>>, vector<16xi32>,
      tpu.vector_store %arg7[%swap3A], %broadcast_in_dim3A_13 {strides = array<i32>} : memref<528xi32, #tpu.memory_space<vmem>>, vector<16xi32>,
      %swap3A_30 = arith.constant 16 : index
      %swap3A_31 = tpu.vector_load %arg7[%swap3A_30] {strides = array<i32>} : memref<528xi32, #tpu.memory_space<vmem>>, vector<16xi32>,
      tpu.vector_store %arg7[%swap3A_30], %broadcast_in_dim3A_13 {strides = array<i32>} : memref<528xi32, #tpu.memory_space<vmem>>, vector<16xi32>,
      %swap3A_32 = arith.constant 32 : index
      %swap3A_33 = tpu.vector_load %arg7[%swap3A_32] {strides = array<i32>} : memref<528xi32, #tpu.memory_space<vmem>>, vector<16xi32>,
      tpu.vector_store %arg7[%swap3A_32], %broadcast_in_dim3A_13 {strides = array<i32>} : memref<528xi32, #tpu.memory_space<vmem>>, vector<16xi32>,
      %swap3A_34 = arith.constant 48 : index
      %swap3A_35 = tpu.vector_load %arg7[%swap3A_34] {strides = array<i32>} : memref<528xi32, #tpu.memory_space<vmem>>, vector<16xi32>,
      tpu.vector_store %arg7[%swap3A_34], %broadcast_in_dim3A_13 {strides = array<i32>} : memref<528xi32, #tpu.memory_space<vmem>>, vector<16xi32>,
      %swap3A_36 = arith.constant 64 : index
      %swap3A_37 = tpu.vector_load %arg7[%swap3A_36] {strides = array<i32>} : memref<528xi32, #tpu.memory_space<vmem>>, vector<16xi32>,
      tpu.vector_store %arg7[%swap3A_36], %broadcast_in_dim3A_13 {strides = array<i32>} : memref<528xi32, #tpu.memory_space<vmem>>, vector<16xi32>,
      %swap3A_38 = arith.constant 80 : index
      %swap3A_39 = tpu.vector_load %arg7[%swap3A_38] {strides = array<i32>} : memref<528xi32, #tpu.memory_space<vmem>>, vector<16xi32>,
      tpu.vector_store %arg7[%swap3A_38], %broadcast_in_dim3A_13 {strides = array<i32>} : memref<528xi32, #tpu.memory_space<vmem>>, vector<16xi32>,
      %swap3A_40 = arith.constant 96 : index
      %swap3A_41 = tpu.vector_load %arg7[%swap3A_40] {strides = array<i32>} : memref<528xi32, #tpu.memory_space<vmem>>, vector<16xi32>,
      tpu.vector_store %arg7[%swap3A_40], %broadcast_in_dim3A_13 {strides = array<i32>} : memref<528xi32, #tpu.memory_space<vmem>>, vector<16xi32>,
      %swap3A_42 = arith.constant 112 : index
      %swap3A_43 = tpu.vector_load %arg7[%swap3A_42] {strides = array<i32>} : memref<528xi32, #tpu.memory_space<vmem>>, vector<16xi32>,
      tpu.vector_store %arg7[%swap3A_42], %broadcast_in_dim3A_13 {strides = array<i32>} : memref<528xi32, #tpu.memory_space<vmem>>, vector<16xi32>,
      %swap3A_44 = arith.constant 128 : index
      %swap3A_45 = tpu.vector_load %arg7[%swap3A_44] {strides = array<i32>} : memref<528xi32, #tpu.memory_space<vmem>>, vector<16xi32>,
      tpu.vector_store %arg7[%swap3A_44], %broadcast_in_dim3A_13 {strides = array<i32>} : memref<528xi32, #tpu.memory_space<vmem>>, vector<16xi32>,
      %swap3A_46 = arith.constant 144 : index
      %swap3A_47 = tpu.vector_load %arg7[%swap3A_46] {strides = array<i32>} : memref<528xi32, #tpu.memory_space<vmem>>, vector<16xi32>,
      tpu.vector_store %arg7[%swap3A_46], %broadcast_in_dim3A_13 {strides = array<i32>} : memref<528xi32, #tpu.memory_space<vmem>>, vector<16xi32>,
      %swap3A_48 = arith.constant 160 : index
      %swap3A_49 = tpu.vector_load %arg7[%swap3A_48] {strides = array<i32>} : memref<528xi32, #tpu.memory_space<vmem>>, vector<16xi32>,
      tpu.vector_store %arg7[%swap3A_48], %broadcast_in_dim3A_13 {strides = array<i32>} : memref<528xi32, #tpu.memory_space<vmem>>, vector<16xi32>,
      %swap3A_50 = arith.constant 176 : index
      %swap3A_51 = tpu.vector_load %arg7[%swap3A_50] {strides = array<i32>} : memref<528xi32, #tpu.memory_space<vmem>>, vector<16xi32>,
      tpu.vector_store %arg7[%swap3A_50], %broadcast_in_dim3A_13 {strides = array<i32>} : memref<528xi32, #tpu.memory_space<vmem>>, vector<16xi32>,
      %swap3A_52 = arith.constant 192 : index
      %swap3A_53 = tpu.vector_load %arg7[%swap3A_52] {strides = array<i32>} : memref<528xi32, #tpu.memory_space<vmem>>, vector<16xi32>,
      tpu.vector_store %arg7[%swap3A_52], %broadcast_in_dim3A_13 {strides = array<i32>} : memref<528xi32, #tpu.memory_space<vmem>>, vector<16xi32>,
      %swap3A_54 = arith.constant 208 : index
      %swap3A_55 = tpu.vector_load %arg7[%swap3A_54] {strides = array<i32>} : memref<528xi32, #tpu.memory_space<vmem>>, vector<16xi32>,
      tpu.vector_store %arg7[%swap3A_54], %broadcast_in_dim3A_13 {strides = array<i32>} : memref<528xi32, #tpu.memory_space<vmem>>, vector<16xi32>,
      %swap3A_56 = arith.constant 224 : index
      %swap3A_57 = tpu.vector_load %arg7[%swap3A_56] {strides = array<i32>} : memref<528xi32, #tpu.memory_space<vmem>>, vector<16xi32>,
      tpu.vector_store %arg7[%swap3A_56], %broadcast_in_dim3A_13 {strides = array<i32>} : memref<528xi32, #tpu.memory_space<vmem>>, vector<16xi32>,
      %swap3A_58 = arith.constant 240 : index
      %swap3A_59 = tpu.vector_load %arg7[%swap3A_58] {strides = array<i32>} : memref<528xi32, #tpu.memory_space<vmem>>, vector<16xi32>,
      tpu.vector_store %arg7[%swap3A_58], %broadcast_in_dim3A_13 {strides = array<i32>} : memref<528xi32, #tpu.memory_space<vmem>>, vector<16xi32>,
      %swap3A_60 = arith.constant 256 : index
      %swap3A_61 = tpu.vector_load %arg7[%swap3A_60] {strides = array<i32>} : memref<528xi32, #tpu.memory_space<vmem>>, vector<16xi32>,
      tpu.vector_store %arg7[%swap3A_60], %broadcast_in_dim3A_13 {strides = array<i32>} : memref<528xi32, #tpu.memory_space<vmem>>, vector<16xi32>,
      %swap3A_62 = arith.constant 272 : index
      %swap3A_63 = tpu.vector_load %arg7[%swap3A_62] {strides = array<i32>} : memref<528xi32, #tpu.memory_space<vmem>>, vector<16xi32>,
      tpu.vector_store %arg7[%swap3A_62], %broadcast_in_dim3A_13 {strides = array<i32>} : memref<528xi32, #tpu.memory_space<vmem>>, vector<16xi32>,
      %swap3A_64 = arith.constant 288 : index
      %swap3A_65 = tpu.vector_load %arg7[%swap3A_64] {strides = array<i32>} : memref<528xi32, #tpu.memory_space<vmem>>, vector<16xi32>,
      tpu.vector_store %arg7[%swap3A_64], %broadcast_in_dim3A_13 {strides = array<i32>} : memref<528xi32, #tpu.memory_space<vmem>>, vector<16xi32>,
      %swap3A_66 = arith.constant 304 : index
      %swap3A_67 = tpu.vector_load %arg7[%swap3A_66] {strides = array<i32>} : memref<528xi32, #tpu.memory_space<vmem>>, vector<16xi32>,
      tpu.vector_store %arg7[%swap3A_66], %broadcast_in_dim3A_13 {strides = array<i32>} : memref<528xi32, #tpu.memory_space<vmem>>, vector<16xi32>,
      %swap3A_68 = arith.constant 320 : index
      %swap3A_69 = tpu.vector_load %arg7[%swap3A_68] {strides = array<i32>} : memref<528xi32, #tpu.memory_space<vmem>>, vector<16xi32>,
      tpu.vector_store %arg7[%swap3A_68], %broadcast_in_dim3A_13 {strides = array<i32>} : memref<528xi32, #tpu.memory_space<vmem>>, vector<16xi32>,
      %swap3A_70 = arith.constant 336 : index
      %swap3A_71 = tpu.vector_load %arg7[%swap3A_70] {strides = array<i32>} : memref<528xi32, #tpu.memory_space<vmem>>, vector<16xi32>,
      tpu.vector_store %arg7[%swap3A_70], %broadcast_in_dim3A_13 {strides = array<i32>} : memref<528xi32, #tpu.memory_space<vmem>>, vector<16xi32>,
      %swap3A_72 = arith.constant 352 : index
      %swap3A_73 = tpu.vector_load %arg7[%swap3A_72] {strides = array<i32>} : memref<528xi32, #tpu.memory_space<vmem>>, vector<16xi32>,
      tpu.vector_store %arg7[%swap3A_72], %broadcast_in_dim3A_13 {strides = array<i32>} : memref<528xi32, #tpu.memory_space<vmem>>, vector<16xi32>,
      %swap3A_74 = arith.constant 368 : index
      %swap3A_75 = tpu.vector_load %arg7[%swap3A_74] {strides = array<i32>} : memref<528xi32, #tpu.memory_space<vmem>>, vector<16xi32>,
      tpu.vector_store %arg7[%swap3A_74], %broadcast_in_dim3A_13 {strides = array<i32>} : memref<528xi32, #tpu.memory_space<vmem>>, vector<16xi32>,
      %swap3A_76 = arith.constant 384 : index
      %swap3A_77 = tpu.vector_load %arg7[%swap3A_76] {strides = array<i32>} : memref<528xi32, #tpu.memory_space<vmem>>, vector<16xi32>,
      tpu.vector_store %arg7[%swap3A_76], %broadcast_in_dim3A_13 {strides = array<i32>} : memref<528xi32, #tpu.memory_space<vmem>>, vector<16xi32>,
      %swap3A_78 = arith.constant 400 : index
      %swap3A_79 = tpu.vector_load %arg7[%swap3A_78] {strides = array<i32>} : memref<528xi32, #tpu.memory_space<vmem>>, vector<16xi32>,
      tpu.vector_store %arg7[%swap3A_78], %broadcast_in_dim3A_13 {strides = array<i32>} : memref<528xi32, #tpu.memory_space<vmem>>, vector<16xi32>,
      %swap3A_80 = arith.constant 416 : index
      %swap3A_81 = tpu.vector_load %arg7[%swap3A_80] {strides = array<i32>} : memref<528xi32, #tpu.memory_space<vmem>>, vector<16xi32>,
      tpu.vector_store %arg7[%swap3A_80], %broadcast_in_dim3A_13 {strides = array<i32>} : memref<528xi32, #tpu.memory_space<vmem>>, vector<16xi32>,
      %swap3A_82 = arith.constant 432 : index
      %swap3A_83 = tpu.vector_load %arg7[%swap3A_82] {strides = array<i32>} : memref<528xi32, #tpu.memory_space<vmem>>, vector<16xi32>,
      tpu.vector_store %arg7[%swap3A_82], %broadcast_in_dim3A_13 {strides = array<i32>} : memref<528xi32, #tpu.memory_space<vmem>>, vector<16xi32>,
      %swap3A_84 = arith.constant 448 : index
      %swap3A_85 = tpu.vector_load %arg7[%swap3A_84] {strides = array<i32>} : memref<528xi32, #tpu.memory_space<vmem>>, vector<16xi32>,
      tpu.vector_store %arg7[%swap3A_84], %broadcast_in_dim3A_13 {strides = array<i32>} : memref<528xi32, #tpu.memory_space<vmem>>, vector<16xi32>,
      %swap3A_86 = arith.constant 464 : index
      %swap3A_87 = tpu.vector_load %arg7[%swap3A_86] {strides = array<i32>} : memref<528xi32, #tpu.memory_space<vmem>>, vector<16xi32>,
      tpu.vector_store %arg7[%swap3A_86], %broadcast_in_dim3A_13 {strides = array<i32>} : memref<528xi32, #tpu.memory_space<vmem>>, vector<16xi32>,
      %swap3A_88 = arith.constant 480 : index
      %swap3A_89 = tpu.vector_load %arg7[%swap3A_88] {strides = array<i32>} : memref<528xi32, #tpu.memory_space<vmem>>, vector<16xi32>,
      tpu.vector_store %arg7[%swap3A_88], %broadcast_in_dim3A_13 {strides = array<i32>} : memref<528xi32, #tpu.memory_space<vmem>>, vector<16xi32>,
      %swap3A_90 = arith.constant 496 : index
      %swap3A_91 = tpu.vector_load %arg7[%swap3A_90] {strides = array<i32>} : memref<528xi32, #tpu.memory_space<vmem>>, vector<16xi32>,
      tpu.vector_store %arg7[%swap3A_90], %broadcast_in_dim3A_13 {strides = array<i32>} : memref<528xi32, #tpu.memory_space<vmem>>, vector<16xi32>,
      %swap3A_92 = arith.constant 512 : index
      %swap3A_93 = tpu.vector_load %arg7[%swap3A_92] {strides = array<i32>} : memref<528xi32, #tpu.memory_space<vmem>>, vector<16xi32>,
      tpu.vector_store %arg7[%swap3A_92], %broadcast_in_dim3A_13 {strides = array<i32>} : memref<528xi32, #tpu.memory_space<vmem>>, vector<16xi32>,
      %swap3A_94 = arith.constant 0 : index
      %swap3A_95 = tpu.vector_load %arg8[%swap3A_94] {strides = array<i32>} : memref<1056xi32, #tpu.memory_space<vmem>>, vector<16xi32>,
      tpu.vector_store %arg8[%swap3A_94], %broadcast_in_dim3A_13 {strides = array<i32>} : memref<1056xi32, #tpu.memory_space<vmem>>, vector<16xi32>,
      %swap3A_96 = arith.constant 16 : index
      %swap3A_97 = tpu.vector_load %arg8[%swap3A_96] {strides = array<i32>} : memref<1056xi32, #tpu.memory_space<vmem>>, vector<16xi32>,
      tpu.vector_store %arg8[%swap3A_96], %broadcast_in_dim3A_13 {strides = array<i32>} : memref<1056xi32, #tpu.memory_space<vmem>>, vector<16xi32>,
      %swap3A_98 = arith.constant 32 : index
      %swap3A_99 = tpu.vector_load %arg8[%swap3A_98] {strides = array<i32>} : memref<1056xi32, #tpu.memory_space<vmem>>, vector<16xi32>,
      tpu.vector_store %arg8[%swap3A_98], %broadcast_in_dim3A_13 {strides = array<i32>} : memref<1056xi32, #tpu.memory_space<vmem>>, vector<16xi32>,
      %swap3A_100 = arith.constant 48 : index
      %swap3A_101 = tpu.vector_load %arg8[%swap3A_100] {strides = array<i32>} : memref<1056xi32, #tpu.memory_space<vmem>>, vector<16xi32>,
      tpu.vector_store %arg8[%swap3A_100], %broadcast_in_dim3A_13 {strides = array<i32>} : memref<1056xi32, #tpu.memory_space<vmem>>, vector<16xi32>,
      %swap3A_102 = arith.constant 64 : index
      %swap3A_103 = tpu.vector_load %arg8[%swap3A_102] {strides = array<i32>} : memref<1056xi32, #tpu.memory_space<vmem>>, vector<16xi32>,
      tpu.vector_store %arg8[%swap3A_102], %broadcast_in_dim3A_13 {strides = array<i32>} : memref<1056xi32, #tpu.memory_space<vmem>>, vector<16xi32>,
      %swap3A_104 = arith.constant 80 : index
      %swap3A_105 = tpu.vector_load %arg8[%swap3A_104] {strides = array<i32>} : memref<1056xi32, #tpu.memory_space<vmem>>, vector<16xi32>,
      tpu.vector_store %arg8[%swap3A_104], %broadcast_in_dim3A_13 {strides = array<i32>} : memref<1056xi32, #tpu.memory_space<vmem>>, vector<16xi32>,
      %swap3A_106 = arith.constant 96 : index
      %swap3A_107 = tpu.vector_load %arg8[%swap3A_106] {strides = array<i32>} : memref<1056xi32, #tpu.memory_space<vmem>>, vector<16xi32>,
      tpu.vector_store %arg8[%swap3A_106], %broadcast_in_dim3A_13 {strides = array<i32>} : memref<1056xi32, #tpu.memory_space<vmem>>, vector<16xi32>,
      %swap3A_108 = arith.constant 112 : index
      %swap3A_109 = tpu.vector_load %arg8[%swap3A_108] {strides = array<i32>} : memref<1056xi32, #tpu.memory_space<vmem>>, vector<16xi32>,
      tpu.vector_store %arg8[%swap3A_108], %broadcast_in_dim3A_13 {strides = array<i32>} : memref<1056xi32, #tpu.memory_space<vmem>>, vector<16xi32>,
      %swap3A_110 = arith.constant 128 : index
      %swap3A_111 = tpu.vector_load %arg8[%swap3A_110] {strides = array<i32>} : memref<1056xi32, #tpu.memory_space<vmem>>, vector<16xi32>,
      tpu.vector_store %arg8[%swap3A_110], %broadcast_in_dim3A_13 {strides = array<i32>} : memref<1056xi32, #tpu.memory_space<vmem>>, vector<16xi32>,
      %swap3A_112 = arith.constant 144 : index
      %swap3A_113 = tpu.vector_load %arg8[%swap3A_112] {strides = array<i32>} : memref<1056xi32, #tpu.memory_space<vmem>>, vector<16xi32>,
      tpu.vector_store %arg8[%swap3A_112], %broadcast_in_dim3A_13 {strides = array<i32>} : memref<1056xi32, #tpu.memory_space<vmem>>, vector<16xi32>,
      %swap3A_114 = arith.constant 160 : index
      %swap3A_115 = tpu.vector_load %arg8[%swap3A_114] {strides = array<i32>} : memref<1056xi32, #tpu.memory_space<vmem>>, vector<16xi32>,
      tpu.vector_store %arg8[%swap3A_114], %broadcast_in_dim3A_13 {strides = array<i32>} : memref<1056xi32, #tpu.memory_space<vmem>>, vector<16xi32>,
      %swap3A_116 = arith.constant 176 : index
      %swap3A_117 = tpu.vector_load %arg8[%swap3A_116] {strides = array<i32>} : memref<1056xi32, #tpu.memory_space<vmem>>, vector<16xi32>,
      tpu.vector_store %arg8[%swap3A_116], %broadcast_in_dim3A_13 {strides = array<i32>} : memref<1056xi32, #tpu.memory_space<vmem>>, vector<16xi32>,
      %swap3A_118 = arith.constant 192 : index
      %swap3A_119 = tpu.vector_load %arg8[%swap3A_118] {strides = array<i32>} : memref<1056xi32, #tpu.memory_space<vmem>>, vector<16xi32>,
      tpu.vector_store %arg8[%swap3A_118], %broadcast_in_dim3A_13 {strides = array<i32>} : memref<1056xi32, #tpu.memory_space<vmem>>, vector<16xi32>,
      %swap3A_120 = arith.constant 208 : index
      %swap3A_121 = tpu.vector_load %arg8[%swap3A_120] {strides = array<i32>} : memref<1056xi32, #tpu.memory_space<vmem>>, vector<16xi32>,
      tpu.vector_store %arg8[%swap3A_120], %broadcast_in_dim3A_13 {strides = array<i32>} : memref<1056xi32, #tpu.memory_space<vmem>>, vector<16xi32>,
      %swap3A_122 = arith.constant 224 : index
      %swap3A_123 = tpu.vector_load %arg8[%swap3A_122] {strides = array<i32>} : memref<1056xi32, #tpu.memory_space<vmem>>, vector<16xi32>,
      tpu.vector_store %arg8[%swap3A_122], %broadcast_in_dim3A_13 {strides = array<i32>} : memref<1056xi32, #tpu.memory_space<vmem>>, vector<16xi32>,
      %swap3A_124 = arith.constant 240 : index
      %swap3A_125 = tpu.vector_load %arg8[%swap3A_124] {strides = array<i32>} : memref<1056xi32, #tpu.memory_space<vmem>>, vector<16xi32>,
      tpu.vector_store %arg8[%swap3A_124], %broadcast_in_dim3A_13 {strides = array<i32>} : memref<1056xi32, #tpu.memory_space<vmem>>, vector<16xi32>,
      %swap3A_126 = arith.constant 256 : index
      %swap3A_127 = tpu.vector_load %arg8[%swap3A_126] {strides = array<i32>} : memref<1056xi32, #tpu.memory_space<vmem>>, vector<16xi32>,
      tpu.vector_store %arg8[%swap3A_126], %broadcast_in_dim3A_13 {strides = array<i32>} : memref<1056xi32, #tpu.memory_space<vmem>>, vector<16xi32>,
      %swap3A_128 = arith.constant 272 : index
      %swap3A_129 = tpu.vector_load %arg8[%swap3A_128] {strides = array<i32>} : memref<1056xi32, #tpu.memory_space<vmem>>, vector<16xi32>,
      tpu.vector_store %arg8[%swap3A_128], %broadcast_in_dim3A_13 {strides = array<i32>} : memref<1056xi32, #tpu.memory_space<vmem>>, vector<16xi32>,
      %swap3A_130 = arith.constant 288 : index
      %swap3A_131 = tpu.vector_load %arg8[%swap3A_130] {strides = array<i32>} : memref<1056xi32, #tpu.memory_space<vmem>>, vector<16xi32>,
      tpu.vector_store %arg8[%swap3A_130], %broadcast_in_dim3A_13 {strides = array<i32>} : memref<1056xi32, #tpu.memory_space<vmem>>, vector<16xi32>,
      %swap3A_132 = arith.constant 304 : index
      %swap3A_133 = tpu.vector_load %arg8[%swap3A_132] {strides = array<i32>} : memref<1056xi32, #tpu.memory_space<vmem>>, vector<16xi32>,
      tpu.vector_store %arg8[%swap3A_132], %broadcast_in_dim3A_13 {strides = array<i32>} : memref<1056xi32, #tpu.memory_space<vmem>>, vector<16xi32>,
      %swap3A_134 = arith.constant 320 : index
      %swap3A_135 = tpu.vector_load %arg8[%swap3A_134] {strides = array<i32>} : memref<1056xi32, #tpu.memory_space<vmem>>, vector<16xi32>,
      tpu.vector_store %arg8[%swap3A_134], %broadcast_in_dim3A_13 {strides = array<i32>} : memref<1056xi32, #tpu.memory_space<vmem>>, vector<16xi32>,
      %swap3A_136 = arith.constant 336 : index
      %swap3A_137 = tpu.vector_load %arg8[%swap3A_136] {strides = array<i32>} : memref<1056xi32, #tpu.memory_space<vmem>>, vector<16xi32>,
      tpu.vector_store %arg8[%swap3A_136], %broadcast_in_dim3A_13 {strides = array<i32>} : memref<1056xi32, #tpu.memory_space<vmem>>, vector<16xi32>,
      %swap3A_138 = arith.constant 352 : index
      %swap3A_139 = tpu.vector_load %arg8[%swap3A_138] {strides = array<i32>} : memref<1056xi32, #tpu.memory_space<vmem>>, vector<16xi32>,
      tpu.vector_store %arg8[%swap3A_138], %broadcast_in_dim3A_13 {strides = array<i32>} : memref<1056xi32, #tpu.memory_space<vmem>>, vector<16xi32>,
      %swap3A_140 = arith.constant 368 : index
      %swap3A_141 = tpu.vector_load %arg8[%swap3A_140] {strides = array<i32>} : memref<1056xi32, #tpu.memory_space<vmem>>, vector<16xi32>,
      tpu.vector_store %arg8[%swap3A_140], %broadcast_in_dim3A_13 {strides = array<i32>} : memref<1056xi32, #tpu.memory_space<vmem>>, vector<16xi32>,
      %swap3A_142 = arith.constant 384 : index
      %swap3A_143 = tpu.vector_load %arg8[%swap3A_142] {strides = array<i32>} : memref<1056xi32, #tpu.memory_space<vmem>>, vector<16xi32>,
      tpu.vector_store %arg8[%swap3A_142], %broadcast_in_dim3A_13 {strides = array<i32>} : memref<1056xi32, #tpu.memory_space<vmem>>, vector<16xi32>,
      %swap3A_144 = arith.constant 400 : index
      %swap3A_145 = tpu.vector_load %arg8[%swap3A_144] {strides = array<i32>} : memref<1056xi32, #tpu.memory_space<vmem>>, vector<16xi32>,
      tpu.vector_store %arg8[%swap3A_144], %broadcast_in_dim3A_13 {strides = array<i32>} : memref<1056xi32, #tpu.memory_space<vmem>>, vector<16xi32>,
      %swap3A_146 = arith.constant 416 : index
      %swap3A_147 = tpu.vector_load %arg8[%swap3A_146] {strides = array<i32>} : memref<1056xi32, #tpu.memory_space<vmem>>, vector<16xi32>,
      tpu.vector_store %arg8[%swap3A_146], %broadcast_in_dim3A_13 {strides = array<i32>} : memref<1056xi32, #tpu.memory_space<vmem>>, vector<16xi32>,
      %swap3A_148 = arith.constant 432 : index
      %swap3A_149 = tpu.vector_load %arg8[%swap3A_148] {strides = array<i32>} : memref<1056xi32, #tpu.memory_space<vmem>>, vector<16xi32>,
      tpu.vector_store %arg8[%swap3A_148], %broadcast_in_dim3A_13 {strides = array<i32>} : memref<1056xi32, #tpu.memory_space<vmem>>, vector<16xi32>,
      %swap3A_150 = arith.constant 448 : index
      %swap3A_151 = tpu.vector_load %arg8[%swap3A_150] {strides = array<i32>} : memref<1056xi32, #tpu.memory_space<vmem>>, vector<16xi32>,
      tpu.vector_store %arg8[%swap3A_150], %broadcast_in_dim3A_13 {strides = array<i32>} : memref<1056xi32, #tpu.memory_space<vmem>>, vector<16xi32>,
      %swap3A_152 = arith.constant 464 : index
      %swap3A_153 = tpu.vector_load %arg8[%swap3A_152] {strides = array<i32>} : memref<1056xi32, #tpu.memory_space<vmem>>, vector<16xi32>,
      tpu.vector_store %arg8[%swap3A_152], %broadcast_in_dim3A_13 {strides = array<i32>} : memref<1056xi32, #tpu.memory_space<vmem>>, vector<16xi32>,
      %swap3A_154 = arith.constant 480 : index
      %swap3A_155 = tpu.vector_load %arg8[%swap3A_154] {strides = array<i32>} : memref<1056xi32, #tpu.memory_space<vmem>>, vector<16xi32>,
      tpu.vector_store %arg8[%swap3A_154], %broadcast_in_dim3A_13 {strides = array<i32>} : memref<1056xi32, #tpu.memory_space<vmem>>, vector<16xi32>,
      %swap3A_156 = arith.constant 496 : index
      %swap3A_157 = tpu.vector_load %arg8[%swap3A_156] {strides = array<i32>} : memref<1056xi32, #tpu.memory_space<vmem>>, vector<16xi32>,
      tpu.vector_store %arg8[%swap3A_156], %broadcast_in_dim3A_13 {strides = array<i32>} : memref<1056xi32, #tpu.memory_space<vmem>>, vector<16xi32>,
      %swap3A_158 = arith.constant 512 : index
      %swap3A_159 = tpu.vector_load %arg8[%swap3A_158] {strides = array<i32>} : memref<1056xi32, #tpu.memory_space<vmem>>, vector<16xi32>,
      tpu.vector_store %arg8[%swap3A_158], %broadcast_in_dim3A_13 {strides = array<i32>} : memref<1056xi32, #tpu.memory_space<vmem>>, vector<16xi32>,
      %swap3A_160 = arith.constant 528 : index
      %swap3A_161 = tpu.vector_load %arg8[%swap3A_160] {strides = array<i32>} : memref<1056xi32, #tpu.memory_space<vmem>>, vector<16xi32>,
      tpu.vector_store %arg8[%swap3A_160], %broadcast_in_dim3A_13 {strides = array<i32>} : memref<1056xi32, #tpu.memory_space<vmem>>, vector<16xi32>,
      %swap3A_162 = arith.constant 544 : index
      %swap3A_163 = tpu.vector_load %arg8[%swap3A_162] {strides = array<i32>} : memref<1056xi32, #tpu.memory_space<vmem>>, vector<16xi32>,
      tpu.vector_store %arg8[%swap3A_162], %broadcast_in_dim3A_13 {strides = array<i32>} : memref<1056xi32, #tpu.memory_space<vmem>>, vector<16xi32>,
      %swap3A_164 = arith.constant 560 : index
      %swap3A_165 = tpu.vector_load %arg8[%swap3A_164] {strides = array<i32>} : memref<1056xi32, #tpu.memory_space<vmem>>, vector<16xi32>,
      tpu.vector_store %arg8[%swap3A_164], %broadcast_in_dim3A_13 {strides = array<i32>} : memref<1056xi32, #tpu.memory_space<vmem>>, vector<16xi32>,
      %swap3A_166 = arith.constant 576 : index
      %swap3A_167 = tpu.vector_load %arg8[%swap3A_166] {strides = array<i32>} : memref<1056xi32, #tpu.memory_space<vmem>>, vector<16xi32>,
      tpu.vector_store %arg8[%swap3A_166], %broadcast_in_dim3A_13 {strides = array<i32>} : memref<1056xi32, #tpu.memory_space<vmem>>, vector<16xi32>,
      %swap3A_168 = arith.constant 592 : index
      %swap3A_169 = tpu.vector_load %arg8[%swap3A_168] {strides = array<i32>} : memref<1056xi32, #tpu.memory_space<vmem>>, vector<16xi32>,
      tpu.vector_store %arg8[%swap3A_168], %broadcast_in_dim3A_13 {strides = array<i32>} : memref<1056xi32, #tpu.memory_space<vmem>>, vector<16xi32>,
      %swap3A_170 = arith.constant 608 : index
      %swap3A_171 = tpu.vector_load %arg8[%swap3A_170] {strides = array<i32>} : memref<1056xi32, #tpu.memory_space<vmem>>, vector<16xi32>,
      tpu.vector_store %arg8[%swap3A_170], %broadcast_in_dim3A_13 {strides = array<i32>} : memref<1056xi32, #tpu.memory_space<vmem>>, vector<16xi32>,
      %swap3A_172 = arith.constant 624 : index
      %swap3A_173 = tpu.vector_load %arg8[%swap3A_172] {strides = array<i32>} : memref<1056xi32, #tpu.memory_space<vmem>>, vector<16xi32>,
      tpu.vector_store %arg8[%swap3A_172], %broadcast_in_dim3A_13 {strides = array<i32>} : memref<1056xi32, #tpu.memory_space<vmem>>, vector<16xi32>,
      %swap3A_174 = arith.constant 640 : index
      %swap3A_175 = tpu.vector_load %arg8[%swap3A_174] {strides = array<i32>} : memref<1056xi32, #tpu.memory_space<vmem>>, vector<16xi32>,
      tpu.vector_store %arg8[%swap3A_174], %broadcast_in_dim3A_13 {strides = array<i32>} : memref<1056xi32, #tpu.memory_space<vmem>>, vector<16xi32>,
      %swap3A_176 = arith.constant 656 : index
      %swap3A_177 = tpu.vector_load %arg8[%swap3A_176] {strides = array<i32>} : memref<1056xi32, #tpu.memory_space<vmem>>, vector<16xi32>,
      tpu.vector_store %arg8[%swap3A_176], %broadcast_in_dim3A_13 {strides = array<i32>} : memref<1056xi32, #tpu.memory_space<vmem>>, vector<16xi32>,
      %swap3A_178 = arith.constant 672 : index
      %swap3A_179 = tpu.vector_load %arg8[%swap3A_178] {strides = array<i32>} : memref<1056xi32, #tpu.memory_space<vmem>>, vector<16xi32>,
      tpu.vector_store %arg8[%swap3A_178], %broadcast_in_dim3A_13 {strides = array<i32>} : memref<1056xi32, #tpu.memory_space<vmem>>, vector<16xi32>,
      %swap3A_180 = arith.constant 688 : index
      %swap3A_181 = tpu.vector_load %arg8[%swap3A_180] {strides = array<i32>} : memref<1056xi32, #tpu.memory_space<vmem>>, vector<16xi32>,
      tpu.vector_store %arg8[%swap3A_180], %broadcast_in_dim3A_13 {strides = array<i32>} : memref<1056xi32, #tpu.memory_space<vmem>>, vector<16xi32>,
      %swap3A_182 = arith.constant 704 : index
      %swap3A_183 = tpu.vector_load %arg8[%swap3A_182] {strides = array<i32>} : memref<1056xi32, #tpu.memory_space<vmem>>, vector<16xi32>,
      tpu.vector_store %arg8[%swap3A_182], %broadcast_in_dim3A_13 {strides = array<i32>} : memref<1056xi32, #tpu.memory_space<vmem>>, vector<16xi32>,
      %swap3A_184 = arith.constant 720 : index
      %swap3A_185 = tpu.vector_load %arg8[%swap3A_184] {strides = array<i32>} : memref<1056xi32, #tpu.memory_space<vmem>>, vector<16xi32>,
      tpu.vector_store %arg8[%swap3A_184], %broadcast_in_dim3A_13 {strides = array<i32>} : memref<1056xi32, #tpu.memory_space<vmem>>, vector<16xi32>,
      %swap3A_186 = arith.constant 736 : index
      %swap3A_187 = tpu.vector_load %arg8[%swap3A_186] {strides = array<i32>} : memref<1056xi32, #tpu.memory_space<vmem>>, vector<16xi32>,
      tpu.vector_store %arg8[%swap3A_186], %broadcast_in_dim3A_13 {strides = array<i32>} : memref<1056xi32, #tpu.memory_space<vmem>>, vector<16xi32>,
      %swap3A_188 = arith.constant 752 : index
      %swap3A_189 = tpu.vector_load %arg8[%swap3A_188] {strides = array<i32>} : memref<1056xi32, #tpu.memory_space<vmem>>, vector<16xi32>,
      tpu.vector_store %arg8[%swap3A_188], %broadcast_in_dim3A_13 {strides = array<i32>} : memref<1056xi32, #tpu.memory_space<vmem>>, vector<16xi32>,
      %swap3A_190 = arith.constant 768 : index
      %swap3A_191 = tpu.vector_load %arg8[%swap3A_190] {strides = array<i32>} : memref<1056xi32, #tpu.memory_space<vmem>>, vector<16xi32>,
      tpu.vector_store %arg8[%swap3A_190], %broadcast_in_dim3A_13 {strides = array<i32>} : memref<1056xi32, #tpu.memory_space<vmem>>, vector<16xi32>,
      %swap3A_192 = arith.constant 784 : index
      %swap3A_193 = tpu.vector_load %arg8[%swap3A_192] {strides = array<i32>} : memref<1056xi32, #tpu.memory_space<vmem>>, vector<16xi32>,
      tpu.vector_store %arg8[%swap3A_192], %broadcast_in_dim3A_13 {strides = array<i32>} : memref<1056xi32, #tpu.memory_space<vmem>>, vector<16xi32>,
      %swap3A_194 = arith.constant 800 : index
      %swap3A_195 = tpu.vector_load %arg8[%swap3A_194] {strides = array<i32>} : memref<1056xi32, #tpu.memory_space<vmem>>, vector<16xi32>,
      tpu.vector_store %arg8[%swap3A_194], %broadcast_in_dim3A_13 {strides = array<i32>} : memref<1056xi32, #tpu.memory_space<vmem>>, vector<16xi32>,
      %swap3A_196 = arith.constant 816 : index
      %swap3A_197 = tpu.vector_load %arg8[%swap3A_196] {strides = array<i32>} : memref<1056xi32, #tpu.memory_space<vmem>>, vector<16xi32>,
      tpu.vector_store %arg8[%swap3A_196], %broadcast_in_dim3A_13 {strides = array<i32>} : memref<1056xi32, #tpu.memory_space<vmem>>, vector<16xi32>,
      %swap3A_198 = arith.constant 832 : index
      %swap3A_199 = tpu.vector_load %arg8[%swap3A_198] {strides = array<i32>} : memref<1056xi32, #tpu.memory_space<vmem>>, vector<16xi32>,
      tpu.vector_store %arg8[%swap3A_198], %broadcast_in_dim3A_13 {strides = array<i32>} : memref<1056xi32, #tpu.memory_space<vmem>>, vector<16xi32>,
      %swap3A_200 = arith.constant 848 : index
      %swap3A_201 = tpu.vector_load %arg8[%swap3A_200] {strides = array<i32>} : memref<1056xi32, #tpu.memory_space<vmem>>, vector<16xi32>,
      tpu.vector_store %arg8[%swap3A_200], %broadcast_in_dim3A_13 {strides = array<i32>} : memref<1056xi32, #tpu.memory_space<vmem>>, vector<16xi32>,
      %swap3A_202 = arith.constant 864 : index
      %swap3A_203 = tpu.vector_load %arg8[%swap3A_202] {strides = array<i32>} : memref<1056xi32, #tpu.memory_space<vmem>>, vector<16xi32>,
      tpu.vector_store %arg8[%swap3A_202], %broadcast_in_dim3A_13 {strides = array<i32>} : memref<1056xi32, #tpu.memory_space<vmem>>, vector<16xi32>,
      %swap3A_204 = arith.constant 880 : index
      %swap3A_205 = tpu.vector_load %arg8[%swap3A_204] {strides = array<i32>} : memref<1056xi32, #tpu.memory_space<vmem>>, vector<16xi32>,
      tpu.vector_store %arg8[%swap3A_204], %broadcast_in_dim3A_13 {strides = array<i32>} : memref<1056xi32, #tpu.memory_space<vmem>>, vector<16xi32>,
      %swap3A_206 = arith.constant 896 : index
      %swap3A_207 = tpu.vector_load %arg8[%swap3A_206] {strides = array<i32>} : memref<1056xi32, #tpu.memory_space<vmem>>, vector<16xi32>,
      tpu.vector_store %arg8[%swap3A_206], %broadcast_in_dim3A_13 {strides = array<i32>} : memref<1056xi32, #tpu.memory_space<vmem>>, vector<16xi32>,
      %swap3A_208 = arith.constant 912 : index
      %swap3A_209 = tpu.vector_load %arg8[%swap3A_208] {strides = array<i32>} : memref<1056xi32, #tpu.memory_space<vmem>>, vector<16xi32>,
      tpu.vector_store %arg8[%swap3A_208], %broadcast_in_dim3A_13 {strides = array<i32>} : memref<1056xi32, #tpu.memory_space<vmem>>, vector<16xi32>,
      %swap3A_210 = arith.constant 928 : index
      %swap3A_211 = tpu.vector_load %arg8[%swap3A_210] {strides = array<i32>} : memref<1056xi32, #tpu.memory_space<vmem>>, vector<16xi32>,
      tpu.vector_store %arg8[%swap3A_210], %broadcast_in_dim3A_13 {strides = array<i32>} : memref<1056xi32, #tpu.memory_space<vmem>>, vector<16xi32>,
      %swap3A_212 = arith.constant 944 : index
      %swap3A_213 = tpu.vector_load %arg8[%swap3A_212] {strides = array<i32>} : memref<1056xi32, #tpu.memory_space<vmem>>, vector<16xi32>,
      tpu.vector_store %arg8[%swap3A_212], %broadcast_in_dim3A_13 {strides = array<i32>} : memref<1056xi32, #tpu.memory_space<vmem>>, vector<16xi32>,
      %swap3A_214 = arith.constant 960 : index
      %swap3A_215 = tpu.vector_load %arg8[%swap3A_214] {strides = array<i32>} : memref<1056xi32, #tpu.memory_space<vmem>>, vector<16xi32>,
      tpu.vector_store %arg8[%swap3A_214], %broadcast_in_dim3A_13 {strides = array<i32>} : memref<1056xi32, #tpu.memory_space<vmem>>, vector<16xi32>,
      %swap3A_216 = arith.constant 976 : index
      %swap3A_217 = tpu.vector_load %arg8[%swap3A_216] {strides = array<i32>} : memref<1056xi32, #tpu.memory_space<vmem>>, vector<16xi32>,
      tpu.vector_store %arg8[%swap3A_216], %broadcast_in_dim3A_13 {strides = array<i32>} : memref<1056xi32, #tpu.memory_space<vmem>>, vector<16xi32>,
      %swap3A_218 = arith.constant 992 : index
      %swap3A_219 = tpu.vector_load %arg8[%swap3A_218] {strides = array<i32>} : memref<1056xi32, #tpu.memory_space<vmem>>, vector<16xi32>,
      tpu.vector_store %arg8[%swap3A_218], %broadcast_in_dim3A_13 {strides = array<i32>} : memref<1056xi32, #tpu.memory_space<vmem>>, vector<16xi32>,
      %swap3A_220 = arith.constant 1008 : index
      %swap3A_221 = tpu.vector_load %arg8[%swap3A_220] {strides = array<i32>} : memref<1056xi32, #tpu.memory_space<vmem>>, vector<16xi32>,
      tpu.vector_store %arg8[%swap3A_220], %broadcast_in_dim3A_13 {strides = array<i32>} : memref<1056xi32, #tpu.memory_space<vmem>>, vector<16xi32>,
      %swap3A_222 = arith.constant 1024 : index
      %swap3A_223 = tpu.vector_load %arg8[%swap3A_222] {strides = array<i32>} : memref<1056xi32, #tpu.memory_space<vmem>>, vector<16xi32>,
      tpu.vector_store %arg8[%swap3A_222], %broadcast_in_dim3A_13 {strides = array<i32>} : memref<1056xi32, #tpu.memory_space<vmem>>, vector<16xi32>,
      %swap3A_224 = arith.constant 1040 : index
      %swap3A_225 = tpu.vector_load %arg8[%swap3A_224] {strides = array<i32>} : memref<1056xi32, #tpu.memory_space<vmem>>, vector<16xi32>,
      tpu.vector_store %arg8[%swap3A_224], %broadcast_in_dim3A_13 {strides = array<i32>} : memref<1056xi32, #tpu.memory_space<vmem>>, vector<16xi32>,
      %swap3A_226 = arith.constant 0 : index
      %swap3A_227 = tpu.vector_load %arg9[%swap3A_226] {strides = array<i32>} : memref<3072xi32, #tpu.memory_space<vmem>>, vector<16xi32>,
      tpu.vector_store %arg9[%swap3A_226], %broadcast_in_dim3A_15 {strides = array<i32>} : memref<3072xi32, #tpu.memory_space<vmem>>, vector<16xi32>,
      %swap3A_228 = arith.constant 16 : index
      %swap3A_229 = tpu.vector_load %arg9[%swap3A_228] {strides = array<i32>} : memref<3072xi32, #tpu.memory_space<vmem>>, vector<16xi32>,
      tpu.vector_store %arg9[%swap3A_228], %broadcast_in_dim3A_15 {strides = array<i32>} : memref<3072xi32, #tpu.memory_space<vmem>>, vector<16xi32>,
      %swap3A_230 = arith.constant 32 : index
      %swap3A_231 = tpu.vector_load %arg9[%swap3A_230] {strides = array<i32>} : memref<3072xi32, #tpu.memory_space<vmem>>, vector<16xi32>,
      tpu.vector_store %arg9[%swap3A_230], %broadcast_in_dim3A_15 {strides = array<i32>} : memref<3072xi32, #tpu.memory_space<vmem>>, vector<16xi32>,
      %swap3A_232 = arith.constant 48 : index
      %swap3A_233 = tpu.vector_load %arg9[%swap3A_232] {strides = array<i32>} : memref<3072xi32, #tpu.memory_space<vmem>>, vector<16xi32>,
      tpu.vector_store %arg9[%swap3A_232], %broadcast_in_dim3A_15 {strides = array<i32>} : memref<3072xi32, #tpu.memory_space<vmem>>, vector<16xi32>,
      %swap3A_234 = arith.constant 64 : index
      %swap3A_235 = tpu.vector_load %arg9[%swap3A_234] {strides = array<i32>} : memref<3072xi32, #tpu.memory_space<vmem>>, vector<16xi32>,
      tpu.vector_store %arg9[%swap3A_234], %broadcast_in_dim3A_15 {strides = array<i32>} : memref<3072xi32, #tpu.memory_space<vmem>>, vector<16xi32>,
      %swap3A_236 = arith.constant 80 : index
      %swap3A_237 = tpu.vector_load %arg9[%swap3A_236] {strides = array<i32>} : memref<3072xi32, #tpu.memory_space<vmem>>, vector<16xi32>,
      tpu.vector_store %arg9[%swap3A_236], %broadcast_in_dim3A_15 {strides = array<i32>} : memref<3072xi32, #tpu.memory_space<vmem>>, vector<16xi32>,
      %swap3A_238 = arith.constant 96 : index
      %swap3A_239 = tpu.vector_load %arg9[%swap3A_238] {strides = array<i32>} : memref<3072xi32, #tpu.memory_space<vmem>>, vector<16xi32>,
      tpu.vector_store %arg9[%swap3A_238], %broadcast_in_dim3A_15 {strides = array<i32>} : memref<3072xi32, #tpu.memory_space<vmem>>, vector<16xi32>,
      %swap3A_240 = arith.constant 112 : index
      %swap3A_241 = tpu.vector_load %arg9[%swap3A_240] {strides = array<i32>} : memref<3072xi32, #tpu.memory_space<vmem>>, vector<16xi32>,
      tpu.vector_store %arg9[%swap3A_240], %broadcast_in_dim3A_15 {strides = array<i32>} : memref<3072xi32, #tpu.memory_space<vmem>>, vector<16xi32>,
      %swap3A_242 = arith.constant 128 : index
      %swap3A_243 = tpu.vector_load %arg9[%swap3A_242] {strides = array<i32>} : memref<3072xi32, #tpu.memory_space<vmem>>, vector<16xi32>,
      tpu.vector_store %arg9[%swap3A_242], %broadcast_in_dim3A_15 {strides = array<i32>} : memref<3072xi32, #tpu.memory_space<vmem>>, vector<16xi32>,
      %swap3A_244 = arith.constant 144 : index
      %swap3A_245 = tpu.vector_load %arg9[%swap3A_244] {strides = array<i32>} : memref<3072xi32, #tpu.memory_space<vmem>>, vector<16xi32>,
      tpu.vector_store %arg9[%swap3A_244], %broadcast_in_dim3A_15 {strides = array<i32>} : memref<3072xi32, #tpu.memory_space<vmem>>, vector<16xi32>,
      %swap3A_246 = arith.constant 160 : index
      %swap3A_247 = tpu.vector_load %arg9[%swap3A_246] {strides = array<i32>} : memref<3072xi32, #tpu.memory_space<vmem>>, vector<16xi32>,
      tpu.vector_store %arg9[%swap3A_246], %broadcast_in_dim3A_15 {strides = array<i32>} : memref<3072xi32, #tpu.memory_space<vmem>>, vector<16xi32>,
      %swap3A_248 = arith.constant 176 : index
      %swap3A_249 = tpu.vector_load %arg9[%swap3A_248] {strides = array<i32>} : memref<3072xi32, #tpu.memory_space<vmem>>, vector<16xi32>,
      tpu.vector_store %arg9[%swap3A_248], %broadcast_in_dim3A_15 {strides = array<i32>} : memref<3072xi32, #tpu.memory_space<vmem>>, vector<16xi32>,
      %swap3A_250 = arith.constant 192 : index
      %swap3A_251 = tpu.vector_load %arg9[%swap3A_250] {strides = array<i32>} : memref<3072xi32, #tpu.memory_space<vmem>>, vector<16xi32>,
      tpu.vector_store %arg9[%swap3A_250], %broadcast_in_dim3A_15 {strides = array<i32>} : memref<3072xi32, #tpu.memory_space<vmem>>, vector<16xi32>,
      %swap3A_252 = arith.constant 208 : index
      %swap3A_253 = tpu.vector_load %arg9[%swap3A_252] {strides = array<i32>} : memref<3072xi32, #tpu.memory_space<vmem>>, vector<16xi32>,
      tpu.vector_store %arg9[%swap3A_252], %broadcast_in_dim3A_15 {strides = array<i32>} : memref<3072xi32, #tpu.memory_space<vmem>>, vector<16xi32>,
      %swap3A_254 = arith.constant 224 : index
      %swap3A_255 = tpu.vector_load %arg9[%swap3A_254] {strides = array<i32>} : memref<3072xi32, #tpu.memory_space<vmem>>, vector<16xi32>,
      tpu.vector_store %arg9[%swap3A_254], %broadcast_in_dim3A_15 {strides = array<i32>} : memref<3072xi32, #tpu.memory_space<vmem>>, vector<16xi32>,
      %swap3A_256 = arith.constant 240 : index
      %swap3A_257 = tpu.vector_load %arg9[%swap3A_256] {strides = array<i32>} : memref<3072xi32, #tpu.memory_space<vmem>>, vector<16xi32>,
      tpu.vector_store %arg9[%swap3A_256], %broadcast_in_dim3A_15 {strides = array<i32>} : memref<3072xi32, #tpu.memory_space<vmem>>, vector<16xi32>,
      %swap3A_258 = arith.constant 256 : index
      %swap3A_259 = tpu.vector_load %arg9[%swap3A_258] {strides = array<i32>} : memref<3072xi32, #tpu.memory_space<vmem>>, vector<16xi32>,
      tpu.vector_store %arg9[%swap3A_258], %broadcast_in_dim3A_15 {strides = array<i32>} : memref<3072xi32, #tpu.memory_space<vmem>>, vector<16xi32>,
      %swap3A_260 = arith.constant 272 : index
      %swap3A_261 = tpu.vector_load %arg9[%swap3A_260] {strides = array<i32>} : memref<3072xi32, #tpu.memory_space<vmem>>, vector<16xi32>,
      tpu.vector_store %arg9[%swap3A_260], %broadcast_in_dim3A_15 {strides = array<i32>} : memref<3072xi32, #tpu.memory_space<vmem>>, vector<16xi32>,
      %swap3A_262 = arith.constant 288 : index
      %swap3A_263 = tpu.vector_load %arg9[%swap3A_262] {strides = array<i32>} : memref<3072xi32, #tpu.memory_space<vmem>>, vector<16xi32>,
      tpu.vector_store %arg9[%swap3A_262], %broadcast_in_dim3A_15 {strides = array<i32>} : memref<3072xi32, #tpu.memory_space<vmem>>, vector<16xi32>,
      %swap3A_264 = arith.constant 304 : index
      %swap3A_265 = tpu.vector_load %arg9[%swap3A_264] {strides = array<i32>} : memref<3072xi32, #tpu.memory_space<vmem>>, vector<16xi32>,
      tpu.vector_store %arg9[%swap3A_264], %broadcast_in_dim3A_15 {strides = array<i32>} : memref<3072xi32, #tpu.memory_space<vmem>>, vector<16xi32>,
      %swap3A_266 = arith.constant 320 : index
      %swap3A_267 = tpu.vector_load %arg9[%swap3A_266] {strides = array<i32>} : memref<3072xi32, #tpu.memory_space<vmem>>, vector<16xi32>,
      tpu.vector_store %arg9[%swap3A_266], %broadcast_in_dim3A_15 {strides = array<i32>} : memref<3072xi32, #tpu.memory_space<vmem>>, vector<16xi32>,
      %swap3A_268 = arith.constant 336 : index
      %swap3A_269 = tpu.vector_load %arg9[%swap3A_268] {strides = array<i32>} : memref<3072xi32, #tpu.memory_space<vmem>>, vector<16xi32>,
      tpu.vector_store %arg9[%swap3A_268], %broadcast_in_dim3A_15 {strides = array<i32>} : memref<3072xi32, #tpu.memory_space<vmem>>, vector<16xi32>,
      %swap3A_270 = arith.constant 352 : index
      %swap3A_271 = tpu.vector_load %arg9[%swap3A_270] {strides = array<i32>} : memref<3072xi32, #tpu.memory_space<vmem>>, vector<16xi32>,
      tpu.vector_store %arg9[%swap3A_270], %broadcast_in_dim3A_15 {strides = array<i32>} : memref<3072xi32, #tpu.memory_space<vmem>>, vector<16xi32>,
      %swap3A_272 = arith.constant 368 : index
      %swap3A_273 = tpu.vector_load %arg9[%swap3A_272] {strides = array<i32>} : memref<3072xi32, #tpu.memory_space<vmem>>, vector<16xi32>,
      tpu.vector_store %arg9[%swap3A_272], %broadcast_in_dim3A_15 {strides = array<i32>} : memref<3072xi32, #tpu.memory_space<vmem>>, vector<16xi32>,
      %swap3A_274 = arith.constant 384 : index
      %swap3A_275 = tpu.vector_load %arg9[%swap3A_274] {strides = array<i32>} : memref<3072xi32, #tpu.memory_space<vmem>>, vector<16xi32>,
      tpu.vector_store %arg9[%swap3A_274], %broadcast_in_dim3A_15 {strides = array<i32>} : memref<3072xi32, #tpu.memory_space<vmem>>, vector<16xi32>,
      %swap3A_276 = arith.constant 400 : index
      %swap3A_277 = tpu.vector_load %arg9[%swap3A_276] {strides = array<i32>} : memref<3072xi32, #tpu.memory_space<vmem>>, vector<16xi32>,
      tpu.vector_store %arg9[%swap3A_276], %broadcast_in_dim3A_15 {strides = array<i32>} : memref<3072xi32, #tpu.memory_space<vmem>>, vector<16xi32>,
      %swap3A_278 = arith.constant 416 : index
      %swap3A_279 = tpu.vector_load %arg9[%swap3A_278] {strides = array<i32>} : memref<3072xi32, #tpu.memory_space<vmem>>, vector<16xi32>,
      tpu.vector_store %arg9[%swap3A_278], %broadcast_in_dim3A_15 {strides = array<i32>} : memref<3072xi32, #tpu.memory_space<vmem>>, vector<16xi32>,
      %swap3A_280 = arith.constant 432 : index
      %swap3A_281 = tpu.vector_load %arg9[%swap3A_280] {strides = array<i32>} : memref<3072xi32, #tpu.memory_space<vmem>>, vector<16xi32>,
      tpu.vector_store %arg9[%swap3A_280], %broadcast_in_dim3A_15 {strides = array<i32>} : memref<3072xi32, #tpu.memory_space<vmem>>, vector<16xi32>,
      %swap3A_282 = arith.constant 448 : index
      %swap3A_283 = tpu.vector_load %arg9[%swap3A_282] {strides = array<i32>} : memref<3072xi32, #tpu.memory_space<vmem>>, vector<16xi32>,
      tpu.vector_store %arg9[%swap3A_282], %broadcast_in_dim3A_15 {strides = array<i32>} : memref<3072xi32, #tpu.memory_space<vmem>>, vector<16xi32>,
      %swap3A_284 = arith.constant 464 : index
      %swap3A_285 = tpu.vector_load %arg9[%swap3A_284] {strides = array<i32>} : memref<3072xi32, #tpu.memory_space<vmem>>, vector<16xi32>,
      tpu.vector_store %arg9[%swap3A_284], %broadcast_in_dim3A_15 {strides = array<i32>} : memref<3072xi32, #tpu.memory_space<vmem>>, vector<16xi32>,
      %swap3A_286 = arith.constant 480 : index
      %swap3A_287 = tpu.vector_load %arg9[%swap3A_286] {strides = array<i32>} : memref<3072xi32, #tpu.memory_space<vmem>>, vector<16xi32>,
      tpu.vector_store %arg9[%swap3A_286], %broadcast_in_dim3A_15 {strides = array<i32>} : memref<3072xi32, #tpu.memory_space<vmem>>, vector<16xi32>,
      %swap3A_288 = arith.constant 496 : index
      %swap3A_289 = tpu.vector_load %arg9[%swap3A_288] {strides = array<i32>} : memref<3072xi32, #tpu.memory_space<vmem>>, vector<16xi32>,
      tpu.vector_store %arg9[%swap3A_288], %broadcast_in_dim3A_15 {strides = array<i32>} : memref<3072xi32, #tpu.memory_space<vmem>>, vector<16xi32>,
      %swap3A_290 = arith.constant 512 : index
      %swap3A_291 = tpu.vector_load %arg9[%swap3A_290] {strides = array<i32>} : memref<3072xi32, #tpu.memory_space<vmem>>, vector<16xi32>,
      tpu.vector_store %arg9[%swap3A_290], %broadcast_in_dim3A_15 {strides = array<i32>} : memref<3072xi32, #tpu.memory_space<vmem>>, vector<16xi32>,
      %swap3A_292 = arith.constant 528 : index
      %swap3A_293 = tpu.vector_load %arg9[%swap3A_292] {strides = array<i32>} : memref<3072xi32, #tpu.memory_space<vmem>>, vector<16xi32>,
      tpu.vector_store %arg9[%swap3A_292], %broadcast_in_dim3A_15 {strides = array<i32>} : memref<3072xi32, #tpu.memory_space<vmem>>, vector<16xi32>,
      %swap3A_294 = arith.constant 544 : index
      %swap3A_295 = tpu.vector_load %arg9[%swap3A_294] {strides = array<i32>} : memref<3072xi32, #tpu.memory_space<vmem>>, vector<16xi32>,
      tpu.vector_store %arg9[%swap3A_294], %broadcast_in_dim3A_15 {strides = array<i32>} : memref<3072xi32, #tpu.memory_space<vmem>>, vector<16xi32>,
      %swap3A_296 = arith.constant 560 : index
      %swap3A_297 = tpu.vector_load %arg9[%swap3A_296] {strides = array<i32>} : memref<3072xi32, #tpu.memory_space<vmem>>, vector<16xi32>,
      tpu.vector_store %arg9[%swap3A_296], %broadcast_in_dim3A_15 {strides = array<i32>} : memref<3072xi32, #tpu.memory_space<vmem>>, vector<16xi32>,
      %swap3A_298 = arith.constant 576 : index
      %swap3A_299 = tpu.vector_load %arg9[%swap3A_298] {strides = array<i32>} : memref<3072xi32, #tpu.memory_space<vmem>>, vector<16xi32>,
      tpu.vector_store %arg9[%swap3A_298], %broadcast_in_dim3A_15 {strides = array<i32>} : memref<3072xi32, #tpu.memory_space<vmem>>, vector<16xi32>,
      %swap3A_300 = arith.constant 592 : index
      %swap3A_301 = tpu.vector_load %arg9[%swap3A_300] {strides = array<i32>} : memref<3072xi32, #tpu.memory_space<vmem>>, vector<16xi32>,
      tpu.vector_store %arg9[%swap3A_300], %broadcast_in_dim3A_15 {strides = array<i32>} : memref<3072xi32, #tpu.memory_space<vmem>>, vector<16xi32>,
      %swap3A_302 = arith.constant 608 : index
      %swap3A_303 = tpu.vector_load %arg9[%swap3A_302] {strides = array<i32>} : memref<3072xi32, #tpu.memory_space<vmem>>, vector<16xi32>,
      tpu.vector_store %arg9[%swap3A_302], %broadcast_in_dim3A_15 {strides = array<i32>} : memref<3072xi32, #tpu.memory_space<vmem>>, vector<16xi32>,
      %swap3A_304 = arith.constant 624 : index
      %swap3A_305 = tpu.vector_load %arg9[%swap3A_304] {strides = array<i32>} : memref<3072xi32, #tpu.memory_space<vmem>>, vector<16xi32>,
      tpu.vector_store %arg9[%swap3A_304], %broadcast_in_dim3A_15 {strides = array<i32>} : memref<3072xi32, #tpu.memory_space<vmem>>, vector<16xi32>,
      %swap3A_306 = arith.constant 640 : index
      %swap3A_307 = tpu.vector_load %arg9[%swap3A_306] {strides = array<i32>} : memref<3072xi32, #tpu.memory_space<vmem>>, vector<16xi32>,
      tpu.vector_store %arg9[%swap3A_306], %broadcast_in_dim3A_15 {strides = array<i32>} : memref<3072xi32, #tpu.memory_space<vmem>>, vector<16xi32>,
      %swap3A_308 = arith.constant 656 : index
      %swap3A_309 = tpu.vector_load %arg9[%swap3A_308] {strides = array<i32>} : memref<3072xi32, #tpu.memory_space<vmem>>, vector<16xi32>,
      tpu.vector_store %arg9[%swap3A_308], %broadcast_in_dim3A_15 {strides = array<i32>} : memref<3072xi32, #tpu.memory_space<vmem>>, vector<16xi32>,
      %swap3A_310 = arith.constant 672 : index
      %swap3A_311 = tpu.vector_load %arg9[%swap3A_310] {strides = array<i32>} : memref<3072xi32, #tpu.memory_space<vmem>>, vector<16xi32>,
      tpu.vector_store %arg9[%swap3A_310], %broadcast_in_dim3A_15 {strides = array<i32>} : memref<3072xi32, #tpu.memory_space<vmem>>, vector<16xi32>,
      %swap3A_312 = arith.constant 688 : index
      %swap3A_313 = tpu.vector_load %arg9[%swap3A_312] {strides = array<i32>} : memref<3072xi32, #tpu.memory_space<vmem>>, vector<16xi32>,
      tpu.vector_store %arg9[%swap3A_312], %broadcast_in_dim3A_15 {strides = array<i32>} : memref<3072xi32, #tpu.memory_space<vmem>>, vector<16xi32>,
      %swap3A_314 = arith.constant 704 : index
      %swap3A_315 = tpu.vector_load %arg9[%swap3A_314] {strides = array<i32>} : memref<3072xi32, #tpu.memory_space<vmem>>, vector<16xi32>,
      tpu.vector_store %arg9[%swap3A_314], %broadcast_in_dim3A_15 {strides = array<i32>} : memref<3072xi32, #tpu.memory_space<vmem>>, vector<16xi32>,
      %swap3A_316 = arith.constant 720 : index
      %swap3A_317 = tpu.vector_load %arg9[%swap3A_316] {strides = array<i32>} : memref<3072xi32, #tpu.memory_space<vmem>>, vector<16xi32>,
      tpu.vector_store %arg9[%swap3A_316], %broadcast_in_dim3A_15 {strides = array<i32>} : memref<3072xi32, #tpu.memory_space<vmem>>, vector<16xi32>,
      %swap3A_318 = arith.constant 736 : index
      %swap3A_319 = tpu.vector_load %arg9[%swap3A_318] {strides = array<i32>} : memref<3072xi32, #tpu.memory_space<vmem>>, vector<16xi32>,
      tpu.vector_store %arg9[%swap3A_318], %broadcast_in_dim3A_15 {strides = array<i32>} : memref<3072xi32, #tpu.memory_space<vmem>>, vector<16xi32>,
      %swap3A_320 = arith.constant 752 : index
      %swap3A_321 = tpu.vector_load %arg9[%swap3A_320] {strides = array<i32>} : memref<3072xi32, #tpu.memory_space<vmem>>, vector<16xi32>,
      tpu.vector_store %arg9[%swap3A_320], %broadcast_in_dim3A_15 {strides = array<i32>} : memref<3072xi32, #tpu.memory_space<vmem>>, vector<16xi32>,
      %swap3A_322 = arith.constant 768 : index
      %swap3A_323 = tpu.vector_load %arg9[%swap3A_322] {strides = array<i32>} : memref<3072xi32, #tpu.memory_space<vmem>>, vector<16xi32>,
      tpu.vector_store %arg9[%swap3A_322], %broadcast_in_dim3A_15 {strides = array<i32>} : memref<3072xi32, #tpu.memory_space<vmem>>, vector<16xi32>,
      %swap3A_324 = arith.constant 784 : index
      %swap3A_325 = tpu.vector_load %arg9[%swap3A_324] {strides = array<i32>} : memref<3072xi32, #tpu.memory_space<vmem>>, vector<16xi32>,
      tpu.vector_store %arg9[%swap3A_324], %broadcast_in_dim3A_15 {strides = array<i32>} : memref<3072xi32, #tpu.memory_space<vmem>>, vector<16xi32>,
      %swap3A_326 = arith.constant 800 : index
      %swap3A_327 = tpu.vector_load %arg9[%swap3A_326] {strides = array<i32>} : memref<3072xi32, #tpu.memory_space<vmem>>, vector<16xi32>,
      tpu.vector_store %arg9[%swap3A_326], %broadcast_in_dim3A_15 {strides = array<i32>} : memref<3072xi32, #tpu.memory_space<vmem>>, vector<16xi32>,
      %swap3A_328 = arith.constant 816 : index
      %swap3A_329 = tpu.vector_load %arg9[%swap3A_328] {strides = array<i32>} : memref<3072xi32, #tpu.memory_space<vmem>>, vector<16xi32>,
      tpu.vector_store %arg9[%swap3A_328], %broadcast_in_dim3A_15 {strides = array<i32>} : memref<3072xi32, #tpu.memory_space<vmem>>, vector<16xi32>,
      %swap3A_330 = arith.constant 832 : index
      %swap3A_331 = tpu.vector_load %arg9[%swap3A_330] {strides = array<i32>} : memref<3072xi32, #tpu.memory_space<vmem>>, vector<16xi32>,
      tpu.vector_store %arg9[%swap3A_330], %broadcast_in_dim3A_15 {strides = array<i32>} : memref<3072xi32, #tpu.memory_space<vmem>>, vector<16xi32>,
      %swap3A_332 = arith.constant 848 : index
      %swap3A_333 = tpu.vector_load %arg9[%swap3A_332] {strides = array<i32>} : memref<3072xi32, #tpu.memory_space<vmem>>, vector<16xi32>,
      tpu.vector_store %arg9[%swap3A_332], %broadcast_in_dim3A_15 {strides = array<i32>} : memref<3072xi32, #tpu.memory_space<vmem>>, vector<16xi32>,
      %swap3A_334 = arith.constant 864 : index
      %swap3A_335 = tpu.vector_load %arg9[%swap3A_334] {strides = array<i32>} : memref<3072xi32, #tpu.memory_space<vmem>>, vector<16xi32>,
      tpu.vector_store %arg9[%swap3A_334], %broadcast_in_dim3A_15 {strides = array<i32>} : memref<3072xi32, #tpu.memory_space<vmem>>, vector<16xi32>,
      %swap3A_336 = arith.constant 880 : index
      %swap3A_337 = tpu.vector_load %arg9[%swap3A_336] {strides = array<i32>} : memref<3072xi32, #tpu.memory_space<vmem>>, vector<16xi32>,
      tpu.vector_store %arg9[%swap3A_336], %broadcast_in_dim3A_15 {strides = array<i32>} : memref<3072xi32, #tpu.memory_space<vmem>>, vector<16xi32>,
      %swap3A_338 = arith.constant 896 : index
      %swap3A_339 = tpu.vector_load %arg9[%swap3A_338] {strides = array<i32>} : memref<3072xi32, #tpu.memory_space<vmem>>, vector<16xi32>,
      tpu.vector_store %arg9[%swap3A_338], %broadcast_in_dim3A_15 {strides = array<i32>} : memref<3072xi32, #tpu.memory_space<vmem>>, vector<16xi32>,
      %swap3A_340 = arith.constant 912 : index
      %swap3A_341 = tpu.vector_load %arg9[%swap3A_340] {strides = array<i32>} : memref<3072xi32, #tpu.memory_space<vmem>>, vector<16xi32>,
      tpu.vector_store %arg9[%swap3A_340], %broadcast_in_dim3A_15 {strides = array<i32>} : memref<3072xi32, #tpu.memory_space<vmem>>, vector<16xi32>,
      %swap3A_342 = arith.constant 928 : index
      %swap3A_343 = tpu.vector_load %arg9[%swap3A_342] {strides = array<i32>} : memref<3072xi32, #tpu.memory_space<vmem>>, vector<16xi32>,
      tpu.vector_store %arg9[%swap3A_342], %broadcast_in_dim3A_15 {strides = array<i32>} : memref<3072xi32, #tpu.memory_space<vmem>>, vector<16xi32>,
      %swap3A_344 = arith.constant 944 : index
      %swap3A_345 = tpu.vector_load %arg9[%swap3A_344] {strides = array<i32>} : memref<3072xi32, #tpu.memory_space<vmem>>, vector<16xi32>,
      tpu.vector_store %arg9[%swap3A_344], %broadcast_in_dim3A_15 {strides = array<i32>} : memref<3072xi32, #tpu.memory_space<vmem>>, vector<16xi32>,
      %swap3A_346 = arith.constant 960 : index
      %swap3A_347 = tpu.vector_load %arg9[%swap3A_346] {strides = array<i32>} : memref<3072xi32, #tpu.memory_space<vmem>>, vector<16xi32>,
      tpu.vector_store %arg9[%swap3A_346], %broadcast_in_dim3A_15 {strides = array<i32>} : memref<3072xi32, #tpu.memory_space<vmem>>, vector<16xi32>,
      %swap3A_348 = arith.constant 976 : index
      %swap3A_349 = tpu.vector_load %arg9[%swap3A_348] {strides = array<i32>} : memref<3072xi32, #tpu.memory_space<vmem>>, vector<16xi32>,
      tpu.vector_store %arg9[%swap3A_348], %broadcast_in_dim3A_15 {strides = array<i32>} : memref<3072xi32, #tpu.memory_space<vmem>>, vector<16xi32>,
      %swap3A_350 = arith.constant 992 : index
      %swap3A_351 = tpu.vector_load %arg9[%swap3A_350] {strides = array<i32>} : memref<3072xi32, #tpu.memory_space<vmem>>, vector<16xi32>,
      tpu.vector_store %arg9[%swap3A_350], %broadcast_in_dim3A_15 {strides = array<i32>} : memref<3072xi32, #tpu.memory_space<vmem>>, vector<16xi32>,
      %swap3A_352 = arith.constant 1008 : index
      %swap3A_353 = tpu.vector_load %arg9[%swap3A_352] {strides = array<i32>} : memref<3072xi32, #tpu.memory_space<vmem>>, vector<16xi32>,
      tpu.vector_store %arg9[%swap3A_352], %broadcast_in_dim3A_15 {strides = array<i32>} : memref<3072xi32, #tpu.memory_space<vmem>>, vector<16xi32>,
      %swap3A_354 = arith.constant 1024 : index
      %swap3A_355 = tpu.vector_load %arg9[%swap3A_354] {strides = array<i32>} : memref<3072xi32, #tpu.memory_space<vmem>>, vector<16xi32>,
      tpu.vector_store %arg9[%swap3A_354], %broadcast_in_dim3A_15 {strides = array<i32>} : memref<3072xi32, #tpu.memory_space<vmem>>, vector<16xi32>,
      %swap3A_356 = arith.constant 1040 : index
      %swap3A_357 = tpu.vector_load %arg9[%swap3A_356] {strides = array<i32>} : memref<3072xi32, #tpu.memory_space<vmem>>, vector<16xi32>,
      tpu.vector_store %arg9[%swap3A_356], %broadcast_in_dim3A_15 {strides = array<i32>} : memref<3072xi32, #tpu.memory_space<vmem>>, vector<16xi32>,
      %swap3A_358 = arith.constant 1056 : index
      %swap3A_359 = tpu.vector_load %arg9[%swap3A_358] {strides = array<i32>} : memref<3072xi32, #tpu.memory_space<vmem>>, vector<16xi32>,
      tpu.vector_store %arg9[%swap3A_358], %broadcast_in_dim3A_15 {strides = array<i32>} : memref<3072xi32, #tpu.memory_space<vmem>>, vector<16xi32>,
      %swap3A_360 = arith.constant 1072 : index
      %swap3A_361 = tpu.vector_load %arg9[%swap3A_360] {strides = array<i32>} : memref<3072xi32, #tpu.memory_space<vmem>>, vector<16xi32>,
      tpu.vector_store %arg9[%swap3A_360], %broadcast_in_dim3A_15 {strides = array<i32>} : memref<3072xi32, #tpu.memory_space<vmem>>, vector<16xi32>,
      %swap3A_362 = arith.constant 1088 : index
      %swap3A_363 = tpu.vector_load %arg9[%swap3A_362] {strides = array<i32>} : memref<3072xi32, #tpu.memory_space<vmem>>, vector<16xi32>,
      tpu.vector_store %arg9[%swap3A_362], %broadcast_in_dim3A_15 {strides = array<i32>} : memref<3072xi32, #tpu.memory_space<vmem>>, vector<16xi32>,
      %swap3A_364 = arith.constant 1104 : index
      %swap3A_365 = tpu.vector_load %arg9[%swap3A_364] {strides = array<i32>} : memref<3072xi32, #tpu.memory_space<vmem>>, vector<16xi32>,
      tpu.vector_store %arg9[%swap3A_364], %broadcast_in_dim3A_15 {strides = array<i32>} : memref<3072xi32, #tpu.memory_space<vmem>>, vector<16xi32>,
      %swap3A_366 = arith.constant 1120 : index
      %swap3A_367 = tpu.vector_load %arg9[%swap3A_366] {strides = array<i32>} : memref<3072xi32, #tpu.memory_space<vmem>>, vector<16xi32>,
      tpu.vector_store %arg9[%swap3A_366], %broadcast_in_dim3A_15 {strides = array<i32>} : memref<3072xi32, #tpu.memory_space<vmem>>, vector<16xi32>,
      %swap3A_368 = arith.constant 1136 : index
      %swap3A_369 = tpu.vector_load %arg9[%swap3A_368] {strides = array<i32>} : memref<3072xi32, #tpu.memory_space<vmem>>, vector<16xi32>,
      tpu.vector_store %arg9[%swap3A_368], %broadcast_in_dim3A_15 {strides = array<i32>} : memref<3072xi32, #tpu.memory_space<vmem>>, vector<16xi32>,
      %swap3A_370 = arith.constant 1152 : index
      %swap3A_371 = tpu.vector_load %arg9[%swap3A_370] {strides = array<i32>} : memref<3072xi32, #tpu.memory_space<vmem>>, vector<16xi32>,
      tpu.vector_store %arg9[%swap3A_370], %broadcast_in_dim3A_15 {strides = array<i32>} : memref<3072xi32, #tpu.memory_space<vmem>>, vector<16xi32>,
      %swap3A_372 = arith.constant 1168 : index
      %swap3A_373 = tpu.vector_load %arg9[%swap3A_372] {strides = array<i32>} : memref<3072xi32, #tpu.memory_space<vmem>>, vector<16xi32>,
      tpu.vector_store %arg9[%swap3A_372], %broadcast_in_dim3A_15 {strides = array<i32>} : memref<3072xi32, #tpu.memory_space<vmem>>, vector<16xi32>,
      %swap3A_374 = arith.constant 1184 : index
      %swap3A_375 = tpu.vector_load %arg9[%swap3A_374] {strides = array<i32>} : memref<3072xi32, #tpu.memory_space<vmem>>, vector<16xi32>,
      tpu.vector_store %arg9[%swap3A_374], %broadcast_in_dim3A_15 {strides = array<i32>} : memref<3072xi32, #tpu.memory_space<vmem>>, vector<16xi32>,
      %swap3A_376 = arith.constant 1200 : index
      %swap3A_377 = tpu.vector_load %arg9[%swap3A_376] {strides = array<i32>} : memref<3072xi32, #tpu.memory_space<vmem>>, vector<16xi32>,
      tpu.vector_store %arg9[%swap3A_376], %broadcast_in_dim3A_15 {strides = array<i32>} : memref<3072xi32, #tpu.memory_space<vmem>>, vector<16xi32>,
      %swap3A_378 = arith.constant 1216 : index
      %swap3A_379 = tpu.vector_load %arg9[%swap3A_378] {strides = array<i32>} : memref<3072xi32, #tpu.memory_space<vmem>>, vector<16xi32>,
      tpu.vector_store %arg9[%swap3A_378], %broadcast_in_dim3A_15 {strides = array<i32>} : memref<3072xi32, #tpu.memory_space<vmem>>, vector<16xi32>,
      %swap3A_380 = arith.constant 1232 : index
      %swap3A_381 = tpu.vector_load %arg9[%swap3A_380] {strides = array<i32>} : memref<3072xi32, #tpu.memory_space<vmem>>, vector<16xi32>,
      tpu.vector_store %arg9[%swap3A_380], %broadcast_in_dim3A_15 {strides = array<i32>} : memref<3072xi32, #tpu.memory_space<vmem>>, vector<16xi32>,
      %swap3A_382 = arith.constant 1248 : index
      %swap3A_383 = tpu.vector_load %arg9[%swap3A_382] {strides = array<i32>} : memref<3072xi32, #tpu.memory_space<vmem>>, vector<16xi32>,
      tpu.vector_store %arg9[%swap3A_382], %broadcast_in_dim3A_15 {strides = array<i32>} : memref<3072xi32, #tpu.memory_space<vmem>>, vector<16xi32>,
      %swap3A_384 = arith.constant 1264 : index
      %swap3A_385 = tpu.vector_load %arg9[%swap3A_384] {strides = array<i32>} : memref<3072xi32, #tpu.memory_space<vmem>>, vector<16xi32>,
      tpu.vector_store %arg9[%swap3A_384], %broadcast_in_dim3A_15 {strides = array<i32>} : memref<3072xi32, #tpu.memory_space<vmem>>, vector<16xi32>,
      %swap3A_386 = arith.constant 1280 : index
      %swap3A_387 = tpu.vector_load %arg9[%swap3A_386] {strides = array<i32>} : memref<3072xi32, #tpu.memory_space<vmem>>, vector<16xi32>,
      tpu.vector_store %arg9[%swap3A_386], %broadcast_in_dim3A_15 {strides = array<i32>} : memref<3072xi32, #tpu.memory_space<vmem>>, vector<16xi32>,
      %swap3A_388 = arith.constant 1296 : index
      %swap3A_389 = tpu.vector_load %arg9[%swap3A_388] {strides = array<i32>} : memref<3072xi32, #tpu.memory_space<vmem>>, vector<16xi32>,
      tpu.vector_store %arg9[%swap3A_388], %broadcast_in_dim3A_15 {strides = array<i32>} : memref<3072xi32, #tpu.memory_space<vmem>>, vector<16xi32>,
      %swap3A_390 = arith.constant 1312 : index
      %swap3A_391 = tpu.vector_load %arg9[%swap3A_390] {strides = array<i32>} : memref<3072xi32, #tpu.memory_space<vmem>>, vector<16xi32>,
      tpu.vector_store %arg9[%swap3A_390], %broadcast_in_dim3A_15 {strides = array<i32>} : memref<3072xi32, #tpu.memory_space<vmem>>, vector<16xi32>,
      %swap3A_392 = arith.constant 1328 : index
      %swap3A_393 = tpu.vector_load %arg9[%swap3A_392] {strides = array<i32>} : memref<3072xi32, #tpu.memory_space<vmem>>, vector<16xi32>,
      tpu.vector_store %arg9[%swap3A_392], %broadcast_in_dim3A_15 {strides = array<i32>} : memref<3072xi32, #tpu.memory_space<vmem>>, vector<16xi32>,
      %swap3A_394 = arith.constant 1344 : index
      %swap3A_395 = tpu.vector_load %arg9[%swap3A_394] {strides = array<i32>} : memref<3072xi32, #tpu.memory_space<vmem>>, vector<16xi32>,
      tpu.vector_store %arg9[%swap3A_394], %broadcast_in_dim3A_15 {strides = array<i32>} : memref<3072xi32, #tpu.memory_space<vmem>>, vector<16xi32>,
      %swap3A_396 = arith.constant 1360 : index
      %swap3A_397 = tpu.vector_load %arg9[%swap3A_396] {strides = array<i32>} : memref<3072xi32, #tpu.memory_space<vmem>>, vector<16xi32>,
      tpu.vector_store %arg9[%swap3A_396], %broadcast_in_dim3A_15 {strides = array<i32>} : memref<3072xi32, #tpu.memory_space<vmem>>, vector<16xi32>,
      %swap3A_398 = arith.constant 1376 : index
      %swap3A_399 = tpu.vector_load %arg9[%swap3A_398] {strides = array<i32>} : memref<3072xi32, #tpu.memory_space<vmem>>, vector<16xi32>,
      tpu.vector_store %arg9[%swap3A_398], %broadcast_in_dim3A_15 {strides = array<i32>} : memref<3072xi32, #tpu.memory_space<vmem>>, vector<16xi32>,
      %swap3A_400 = arith.constant 1392 : index
      %swap3A_401 = tpu.vector_load %arg9[%swap3A_400] {strides = array<i32>} : memref<3072xi32, #tpu.memory_space<vmem>>, vector<16xi32>,
      tpu.vector_store %arg9[%swap3A_400], %broadcast_in_dim3A_15 {strides = array<i32>} : memref<3072xi32, #tpu.memory_space<vmem>>, vector<16xi32>,
      %swap3A_402 = arith.constant 1408 : index
      %swap3A_403 = tpu.vector_load %arg9[%swap3A_402] {strides = array<i32>} : memref<3072xi32, #tpu.memory_space<vmem>>, vector<16xi32>,
      tpu.vector_store %arg9[%swap3A_402], %broadcast_in_dim3A_15 {strides = array<i32>} : memref<3072xi32, #tpu.memory_space<vmem>>, vector<16xi32>,
      %swap3A_404 = arith.constant 1424 : index
      %swap3A_405 = tpu.vector_load %arg9[%swap3A_404] {strides = array<i32>} : memref<3072xi32, #tpu.memory_space<vmem>>, vector<16xi32>,
      tpu.vector_store %arg9[%swap3A_404], %broadcast_in_dim3A_15 {strides = array<i32>} : memref<3072xi32, #tpu.memory_space<vmem>>, vector<16xi32>,
      %swap3A_406 = arith.constant 1440 : index
      %swap3A_407 = tpu.vector_load %arg9[%swap3A_406] {strides = array<i32>} : memref<3072xi32, #tpu.memory_space<vmem>>, vector<16xi32>,
      tpu.vector_store %arg9[%swap3A_406], %broadcast_in_dim3A_15 {strides = array<i32>} : memref<3072xi32, #tpu.memory_space<vmem>>, vector<16xi32>,
      %swap3A_408 = arith.constant 1456 : index
      %swap3A_409 = tpu.vector_load %arg9[%swap3A_408] {strides = array<i32>} : memref<3072xi32, #tpu.memory_space<vmem>>, vector<16xi32>,
      tpu.vector_store %arg9[%swap3A_408], %broadcast_in_dim3A_15 {strides = array<i32>} : memref<3072xi32, #tpu.memory_space<vmem>>, vector<16xi32>,
      %swap3A_410 = arith.constant 1472 : index
      %swap3A_411 = tpu.vector_load %arg9[%swap3A_410] {strides = array<i32>} : memref<3072xi32, #tpu.memory_space<vmem>>, vector<16xi32>,
      tpu.vector_store %arg9[%swap3A_410], %broadcast_in_dim3A_15 {strides = array<i32>} : memref<3072xi32, #tpu.memory_space<vmem>>, vector<16xi32>,
      %swap3A_412 = arith.constant 1488 : index
      %swap3A_413 = tpu.vector_load %arg9[%swap3A_412] {strides = array<i32>} : memref<3072xi32, #tpu.memory_space<vmem>>, vector<16xi32>,
      tpu.vector_store %arg9[%swap3A_412], %broadcast_in_dim3A_15 {strides = array<i32>} : memref<3072xi32, #tpu.memory_space<vmem>>, vector<16xi32>,
      %swap3A_414 = arith.constant 1504 : index
      %swap3A_415 = tpu.vector_load %arg9[%swap3A_414] {strides = array<i32>} : memref<3072xi32, #tpu.memory_space<vmem>>, vector<16xi32>,
      tpu.vector_store %arg9[%swap3A_414], %broadcast_in_dim3A_15 {strides = array<i32>} : memref<3072xi32, #tpu.memory_space<vmem>>, vector<16xi32>,
      %swap3A_416 = arith.constant 1520 : index
      %swap3A_417 = tpu.vector_load %arg9[%swap3A_416] {strides = array<i32>} : memref<3072xi32, #tpu.memory_space<vmem>>, vector<16xi32>,
      tpu.vector_store %arg9[%swap3A_416], %broadcast_in_dim3A_15 {strides = array<i32>} : memref<3072xi32, #tpu.memory_space<vmem>>, vector<16xi32>,
      %swap3A_418 = arith.constant 1536 : index
      %swap3A_419 = tpu.vector_load %arg9[%swap3A_418] {strides = array<i32>} : memref<3072xi32, #tpu.memory_space<vmem>>, vector<16xi32>,
      tpu.vector_store %arg9[%swap3A_418], %broadcast_in_dim3A_15 {strides = array<i32>} : memref<3072xi32, #tpu.memory_space<vmem>>, vector<16xi32>,
      %swap3A_420 = arith.constant 1552 : index
      %swap3A_421 = tpu.vector_load %arg9[%swap3A_420] {strides = array<i32>} : memref<3072xi32, #tpu.memory_space<vmem>>, vector<16xi32>,
      tpu.vector_store %arg9[%swap3A_420], %broadcast_in_dim3A_15 {strides = array<i32>} : memref<3072xi32, #tpu.memory_space<vmem>>, vector<16xi32>,
      %swap3A_422 = arith.constant 1568 : index
      %swap3A_423 = tpu.vector_load %arg9[%swap3A_422] {strides = array<i32>} : memref<3072xi32, #tpu.memory_space<vmem>>, vector<16xi32>,
      tpu.vector_store %arg9[%swap3A_422], %broadcast_in_dim3A_15 {strides = array<i32>} : memref<3072xi32, #tpu.memory_space<vmem>>, vector<16xi32>,
      %swap3A_424 = arith.constant 1584 : index
      %swap3A_425 = tpu.vector_load %arg9[%swap3A_424] {strides = array<i32>} : memref<3072xi32, #tpu.memory_space<vmem>>, vector<16xi32>,
      tpu.vector_store %arg9[%swap3A_424], %broadcast_in_dim3A_15 {strides = array<i32>} : memref<3072xi32, #tpu.memory_space<vmem>>, vector<16xi32>,
      %swap3A_426 = arith.constant 1600 : index
      %swap3A_427 = tpu.vector_load %arg9[%swap3A_426] {strides = array<i32>} : memref<3072xi32, #tpu.memory_space<vmem>>, vector<16xi32>,
      tpu.vector_store %arg9[%swap3A_426], %broadcast_in_dim3A_15 {strides = array<i32>} : memref<3072xi32, #tpu.memory_space<vmem>>, vector<16xi32>,
      %swap3A_428 = arith.constant 1616 : index
      %swap3A_429 = tpu.vector_load %arg9[%swap3A_428] {strides = array<i32>} : memref<3072xi32, #tpu.memory_space<vmem>>, vector<16xi32>,
      tpu.vector_store %arg9[%swap3A_428], %broadcast_in_dim3A_15 {strides = array<i32>} : memref<3072xi32, #tpu.memory_space<vmem>>, vector<16xi32>,
      %swap3A_430 = arith.constant 1632 : index
      %swap3A_431 = tpu.vector_load %arg9[%swap3A_430] {strides = array<i32>} : memref<3072xi32, #tpu.memory_space<vmem>>, vector<16xi32>,
      tpu.vector_store %arg9[%swap3A_430], %broadcast_in_dim3A_15 {strides = array<i32>} : memref<3072xi32, #tpu.memory_space<vmem>>, vector<16xi32>,
      %swap3A_432 = arith.constant 1648 : index
      %swap3A_433 = tpu.vector_load %arg9[%swap3A_432] {strides = array<i32>} : memref<3072xi32, #tpu.memory_space<vmem>>, vector<16xi32>,
      tpu.vector_store %arg9[%swap3A_432], %broadcast_in_dim3A_15 {strides = array<i32>} : memref<3072xi32, #tpu.memory_space<vmem>>, vector<16xi32>,
      %swap3A_434 = arith.constant 1664 : index
      %swap3A_435 = tpu.vector_load %arg9[%swap3A_434] {strides = array<i32>} : memref<3072xi32, #tpu.memory_space<vmem>>, vector<16xi32>,
      tpu.vector_store %arg9[%swap3A_434], %broadcast_in_dim3A_15 {strides = array<i32>} : memref<3072xi32, #tpu.memory_space<vmem>>, vector<16xi32>,
      %swap3A_436 = arith.constant 1680 : index
      %swap3A_437 = tpu.vector_load %arg9[%swap3A_436] {strides = array<i32>} : memref<3072xi32, #tpu.memory_space<vmem>>, vector<16xi32>,
      tpu.vector_store %arg9[%swap3A_436], %broadcast_in_dim3A_15 {strides = array<i32>} : memref<3072xi32, #tpu.memory_space<vmem>>, vector<16xi32>,
      %swap3A_438 = arith.constant 1696 : index
      %swap3A_439 = tpu.vector_load %arg9[%swap3A_438] {strides = array<i32>} : memref<3072xi32, #tpu.memory_space<vmem>>, vector<16xi32>,
      tpu.vector_store %arg9[%swap3A_438], %broadcast_in_dim3A_15 {strides = array<i32>} : memref<3072xi32, #tpu.memory_space<vmem>>, vector<16xi32>,
      %swap3A_440 = arith.constant 1712 : index
      %swap3A_441 = tpu.vector_load %arg9[%swap3A_440] {strides = array<i32>} : memref<3072xi32, #tpu.memory_space<vmem>>, vector<16xi32>,
      tpu.vector_store %arg9[%swap3A_440], %broadcast_in_dim3A_15 {strides = array<i32>} : memref<3072xi32, #tpu.memory_space<vmem>>, vector<16xi32>,
      %swap3A_442 = arith.constant 1728 : index
      %swap3A_443 = tpu.vector_load %arg9[%swap3A_442] {strides = array<i32>} : memref<3072xi32, #tpu.memory_space<vmem>>, vector<16xi32>,
      tpu.vector_store %arg9[%swap3A_442], %broadcast_in_dim3A_15 {strides = array<i32>} : memref<3072xi32, #tpu.memory_space<vmem>>, vector<16xi32>,
      %swap3A_444 = arith.constant 1744 : index
      %swap3A_445 = tpu.vector_load %arg9[%swap3A_444] {strides = array<i32>} : memref<3072xi32, #tpu.memory_space<vmem>>, vector<16xi32>,
      tpu.vector_store %arg9[%swap3A_444], %broadcast_in_dim3A_15 {strides = array<i32>} : memref<3072xi32, #tpu.memory_space<vmem>>, vector<16xi32>,
      %swap3A_446 = arith.constant 1760 : index
      %swap3A_447 = tpu.vector_load %arg9[%swap3A_446] {strides = array<i32>} : memref<3072xi32, #tpu.memory_space<vmem>>, vector<16xi32>,
      tpu.vector_store %arg9[%swap3A_446], %broadcast_in_dim3A_15 {strides = array<i32>} : memref<3072xi32, #tpu.memory_space<vmem>>, vector<16xi32>,
      %swap3A_448 = arith.constant 1776 : index
      %swap3A_449 = tpu.vector_load %arg9[%swap3A_448] {strides = array<i32>} : memref<3072xi32, #tpu.memory_space<vmem>>, vector<16xi32>,
      tpu.vector_store %arg9[%swap3A_448], %broadcast_in_dim3A_15 {strides = array<i32>} : memref<3072xi32, #tpu.memory_space<vmem>>, vector<16xi32>,
      %swap3A_450 = arith.constant 1792 : index
      %swap3A_451 = tpu.vector_load %arg9[%swap3A_450] {strides = array<i32>} : memref<3072xi32, #tpu.memory_space<vmem>>, vector<16xi32>,
      tpu.vector_store %arg9[%swap3A_450], %broadcast_in_dim3A_15 {strides = array<i32>} : memref<3072xi32, #tpu.memory_space<vmem>>, vector<16xi32>,
      %swap3A_452 = arith.constant 1808 : index
      %swap3A_453 = tpu.vector_load %arg9[%swap3A_452] {strides = array<i32>} : memref<3072xi32, #tpu.memory_space<vmem>>, vector<16xi32>,
      tpu.vector_store %arg9[%swap3A_452], %broadcast_in_dim3A_15 {strides = array<i32>} : memref<3072xi32, #tpu.memory_space<vmem>>, vector<16xi32>,
      %swap3A_454 = arith.constant 1824 : index
      %swap3A_455 = tpu.vector_load %arg9[%swap3A_454] {strides = array<i32>} : memref<3072xi32, #tpu.memory_space<vmem>>, vector<16xi32>,
      tpu.vector_store %arg9[%swap3A_454], %broadcast_in_dim3A_15 {strides = array<i32>} : memref<3072xi32, #tpu.memory_space<vmem>>, vector<16xi32>,
      %swap3A_456 = arith.constant 1840 : index
      %swap3A_457 = tpu.vector_load %arg9[%swap3A_456] {strides = array<i32>} : memref<3072xi32, #tpu.memory_space<vmem>>, vector<16xi32>,
      tpu.vector_store %arg9[%swap3A_456], %broadcast_in_dim3A_15 {strides = array<i32>} : memref<3072xi32, #tpu.memory_space<vmem>>, vector<16xi32>,
      %swap3A_458 = arith.constant 1856 : index
      %swap3A_459 = tpu.vector_load %arg9[%swap3A_458] {strides = array<i32>} : memref<3072xi32, #tpu.memory_space<vmem>>, vector<16xi32>,
      tpu.vector_store %arg9[%swap3A_458], %broadcast_in_dim3A_15 {strides = array<i32>} : memref<3072xi32, #tpu.memory_space<vmem>>, vector<16xi32>,
      %swap3A_460 = arith.constant 1872 : index
      %swap3A_461 = tpu.vector_load %arg9[%swap3A_460] {strides = array<i32>} : memref<3072xi32, #tpu.memory_space<vmem>>, vector<16xi32>,
      tpu.vector_store %arg9[%swap3A_460], %broadcast_in_dim3A_15 {strides = array<i32>} : memref<3072xi32, #tpu.memory_space<vmem>>, vector<16xi32>,
      %swap3A_462 = arith.constant 1888 : index
      %swap3A_463 = tpu.vector_load %arg9[%swap3A_462] {strides = array<i32>} : memref<3072xi32, #tpu.memory_space<vmem>>, vector<16xi32>,
      tpu.vector_store %arg9[%swap3A_462], %broadcast_in_dim3A_15 {strides = array<i32>} : memref<3072xi32, #tpu.memory_space<vmem>>, vector<16xi32>,
      %swap3A_464 = arith.constant 1904 : index
      %swap3A_465 = tpu.vector_load %arg9[%swap3A_464] {strides = array<i32>} : memref<3072xi32, #tpu.memory_space<vmem>>, vector<16xi32>,
      tpu.vector_store %arg9[%swap3A_464], %broadcast_in_dim3A_15 {strides = array<i32>} : memref<3072xi32, #tpu.memory_space<vmem>>, vector<16xi32>,
      %swap3A_466 = arith.constant 1920 : index
      %swap3A_467 = tpu.vector_load %arg9[%swap3A_466] {strides = array<i32>} : memref<3072xi32, #tpu.memory_space<vmem>>, vector<16xi32>,
      tpu.vector_store %arg9[%swap3A_466], %broadcast_in_dim3A_15 {strides = array<i32>} : memref<3072xi32, #tpu.memory_space<vmem>>, vector<16xi32>,
      %swap3A_468 = arith.constant 1936 : index
      %swap3A_469 = tpu.vector_load %arg9[%swap3A_468] {strides = array<i32>} : memref<3072xi32, #tpu.memory_space<vmem>>, vector<16xi32>,
      tpu.vector_store %arg9[%swap3A_468], %broadcast_in_dim3A_15 {strides = array<i32>} : memref<3072xi32, #tpu.memory_space<vmem>>, vector<16xi32>,
      %swap3A_470 = arith.constant 1952 : index
      %swap3A_471 = tpu.vector_load %arg9[%swap3A_470] {strides = array<i32>} : memref<3072xi32, #tpu.memory_space<vmem>>, vector<16xi32>,
      tpu.vector_store %arg9[%swap3A_470], %broadcast_in_dim3A_15 {strides = array<i32>} : memref<3072xi32, #tpu.memory_space<vmem>>, vector<16xi32>,
      %swap3A_472 = arith.constant 1968 : index
      %swap3A_473 = tpu.vector_load %arg9[%swap3A_472] {strides = array<i32>} : memref<3072xi32, #tpu.memory_space<vmem>>, vector<16xi32>,
      tpu.vector_store %arg9[%swap3A_472], %broadcast_in_dim3A_15 {strides = array<i32>} : memref<3072xi32, #tpu.memory_space<vmem>>, vector<16xi32>,
      %swap3A_474 = arith.constant 1984 : index
      %swap3A_475 = tpu.vector_load %arg9[%swap3A_474] {strides = array<i32>} : memref<3072xi32, #tpu.memory_space<vmem>>, vector<16xi32>,
      tpu.vector_store %arg9[%swap3A_474], %broadcast_in_dim3A_15 {strides = array<i32>} : memref<3072xi32, #tpu.memory_space<vmem>>, vector<16xi32>,
      %swap3A_476 = arith.constant 2000 : index
      %swap3A_477 = tpu.vector_load %arg9[%swap3A_476] {strides = array<i32>} : memref<3072xi32, #tpu.memory_space<vmem>>, vector<16xi32>,
      tpu.vector_store %arg9[%swap3A_476], %broadcast_in_dim3A_15 {strides = array<i32>} : memref<3072xi32, #tpu.memory_space<vmem>>, vector<16xi32>,
      %swap3A_478 = arith.constant 2016 : index
      %swap3A_479 = tpu.vector_load %arg9[%swap3A_478] {strides = array<i32>} : memref<3072xi32, #tpu.memory_space<vmem>>, vector<16xi32>,
      tpu.vector_store %arg9[%swap3A_478], %broadcast_in_dim3A_15 {strides = array<i32>} : memref<3072xi32, #tpu.memory_space<vmem>>, vector<16xi32>,
      %swap3A_480 = arith.constant 2032 : index
      %swap3A_481 = tpu.vector_load %arg9[%swap3A_480] {strides = array<i32>} : memref<3072xi32, #tpu.memory_space<vmem>>, vector<16xi32>,
      tpu.vector_store %arg9[%swap3A_480], %broadcast_in_dim3A_15 {strides = array<i32>} : memref<3072xi32, #tpu.memory_space<vmem>>, vector<16xi32>,
      %swap3A_482 = arith.constant 2048 : index
      %swap3A_483 = tpu.vector_load %arg9[%swap3A_482] {strides = array<i32>} : memref<3072xi32, #tpu.memory_space<vmem>>, vector<16xi32>,
      tpu.vector_store %arg9[%swap3A_482], %broadcast_in_dim3A_15 {strides = array<i32>} : memref<3072xi32, #tpu.memory_space<vmem>>, vector<16xi32>,
      %swap3A_484 = arith.constant 2064 : index
      %swap3A_485 = tpu.vector_load %arg9[%swap3A_484] {strides = array<i32>} : memref<3072xi32, #tpu.memory_space<vmem>>, vector<16xi32>,
      tpu.vector_store %arg9[%swap3A_484], %broadcast_in_dim3A_15 {strides = array<i32>} : memref<3072xi32, #tpu.memory_space<vmem>>, vector<16xi32>,
      %swap3A_486 = arith.constant 2080 : index
      %swap3A_487 = tpu.vector_load %arg9[%swap3A_486] {strides = array<i32>} : memref<3072xi32, #tpu.memory_space<vmem>>, vector<16xi32>,
      tpu.vector_store %arg9[%swap3A_486], %broadcast_in_dim3A_15 {strides = array<i32>} : memref<3072xi32, #tpu.memory_space<vmem>>, vector<16xi32>,
      %swap3A_488 = arith.constant 2096 : index
      %swap3A_489 = tpu.vector_load %arg9[%swap3A_488] {strides = array<i32>} : memref<3072xi32, #tpu.memory_space<vmem>>, vector<16xi32>,
      tpu.vector_store %arg9[%swap3A_488], %broadcast_in_dim3A_15 {strides = array<i32>} : memref<3072xi32, #tpu.memory_space<vmem>>, vector<16xi32>,
      %swap3A_490 = arith.constant 2112 : index
      %swap3A_491 = tpu.vector_load %arg9[%swap3A_490] {strides = array<i32>} : memref<3072xi32, #tpu.memory_space<vmem>>, vector<16xi32>,
      tpu.vector_store %arg9[%swap3A_490], %broadcast_in_dim3A_15 {strides = array<i32>} : memref<3072xi32, #tpu.memory_space<vmem>>, vector<16xi32>,
      %swap3A_492 = arith.constant 2128 : index
      %swap3A_493 = tpu.vector_load %arg9[%swap3A_492] {strides = array<i32>} : memref<3072xi32, #tpu.memory_space<vmem>>, vector<16xi32>,
      tpu.vector_store %arg9[%swap3A_492], %broadcast_in_dim3A_15 {strides = array<i32>} : memref<3072xi32, #tpu.memory_space<vmem>>, vector<16xi32>,
      %swap3A_494 = arith.constant 2144 : index
      %swap3A_495 = tpu.vector_load %arg9[%swap3A_494] {strides = array<i32>} : memref<3072xi32, #tpu.memory_space<vmem>>, vector<16xi32>,
      tpu.vector_store %arg9[%swap3A_494], %broadcast_in_dim3A_15 {strides = array<i32>} : memref<3072xi32, #tpu.memory_space<vmem>>, vector<16xi32>,
      %swap3A_496 = arith.constant 2160 : index
      %swap3A_497 = tpu.vector_load %arg9[%swap3A_496] {strides = array<i32>} : memref<3072xi32, #tpu.memory_space<vmem>>, vector<16xi32>,
      tpu.vector_store %arg9[%swap3A_496], %broadcast_in_dim3A_15 {strides = array<i32>} : memref<3072xi32, #tpu.memory_space<vmem>>, vector<16xi32>,
      %swap3A_498 = arith.constant 2176 : index
      %swap3A_499 = tpu.vector_load %arg9[%swap3A_498] {strides = array<i32>} : memref<3072xi32, #tpu.memory_space<vmem>>, vector<16xi32>,
      tpu.vector_store %arg9[%swap3A_498], %broadcast_in_dim3A_15 {strides = array<i32>} : memref<3072xi32, #tpu.memory_space<vmem>>, vector<16xi32>,
      %swap3A_500 = arith.constant 2192 : index
      %swap3A_501 = tpu.vector_load %arg9[%swap3A_500] {strides = array<i32>} : memref<3072xi32, #tpu.memory_space<vmem>>, vector<16xi32>,
      tpu.vector_store %arg9[%swap3A_500], %broadcast_in_dim3A_15 {strides = array<i32>} : memref<3072xi32, #tpu.memory_space<vmem>>, vector<16xi32>,
      %swap3A_502 = arith.constant 2208 : index
      %swap3A_503 = tpu.vector_load %arg9[%swap3A_502] {strides = array<i32>} : memref<3072xi32, #tpu.memory_space<vmem>>, vector<16xi32>,
      tpu.vector_store %arg9[%swap3A_502], %broadcast_in_dim3A_15 {strides = array<i32>} : memref<3072xi32, #tpu.memory_space<vmem>>, vector<16xi32>,
      %swap3A_504 = arith.constant 2224 : index
      %swap3A_505 = tpu.vector_load %arg9[%swap3A_504] {strides = array<i32>} : memref<3072xi32, #tpu.memory_space<vmem>>, vector<16xi32>,
      tpu.vector_store %arg9[%swap3A_504], %broadcast_in_dim3A_15 {strides = array<i32>} : memref<3072xi32, #tpu.memory_space<vmem>>, vector<16xi32>,
      %swap3A_506 = arith.constant 2240 : index
      %swap3A_507 = tpu.vector_load %arg9[%swap3A_506] {strides = array<i32>} : memref<3072xi32, #tpu.memory_space<vmem>>, vector<16xi32>,
      tpu.vector_store %arg9[%swap3A_506], %broadcast_in_dim3A_15 {strides = array<i32>} : memref<3072xi32, #tpu.memory_space<vmem>>, vector<16xi32>,
      %swap3A_508 = arith.constant 2256 : index
      %swap3A_509 = tpu.vector_load %arg9[%swap3A_508] {strides = array<i32>} : memref<3072xi32, #tpu.memory_space<vmem>>, vector<16xi32>,
      tpu.vector_store %arg9[%swap3A_508], %broadcast_in_dim3A_15 {strides = array<i32>} : memref<3072xi32, #tpu.memory_space<vmem>>, vector<16xi32>,
      %swap3A_510 = arith.constant 2272 : index
      %swap3A_511 = tpu.vector_load %arg9[%swap3A_510] {strides = array<i32>} : memref<3072xi32, #tpu.memory_space<vmem>>, vector<16xi32>,
      tpu.vector_store %arg9[%swap3A_510], %broadcast_in_dim3A_15 {strides = array<i32>} : memref<3072xi32, #tpu.memory_space<vmem>>, vector<16xi32>,
      %swap3A_512 = arith.constant 2288 : index
      %swap3A_513 = tpu.vector_load %arg9[%swap3A_512] {strides = array<i32>} : memref<3072xi32, #tpu.memory_space<vmem>>, vector<16xi32>,
      tpu.vector_store %arg9[%swap3A_512], %broadcast_in_dim3A_15 {strides = array<i32>} : memref<3072xi32, #tpu.memory_space<vmem>>, vector<16xi32>,
      %swap3A_514 = arith.constant 2304 : index
      %swap3A_515 = tpu.vector_load %arg9[%swap3A_514] {strides = array<i32>} : memref<3072xi32, #tpu.memory_space<vmem>>, vector<16xi32>,
      tpu.vector_store %arg9[%swap3A_514], %broadcast_in_dim3A_15 {strides = array<i32>} : memref<3072xi32, #tpu.memory_space<vmem>>, vector<16xi32>,
      %swap3A_516 = arith.constant 2320 : index
      %swap3A_517 = tpu.vector_load %arg9[%swap3A_516] {strides = array<i32>} : memref<3072xi32, #tpu.memory_space<vmem>>, vector<16xi32>,
      tpu.vector_store %arg9[%swap3A_516], %broadcast_in_dim3A_15 {strides = array<i32>} : memref<3072xi32, #tpu.memory_space<vmem>>, vector<16xi32>,
      %swap3A_518 = arith.constant 2336 : index
      %swap3A_519 = tpu.vector_load %arg9[%swap3A_518] {strides = array<i32>} : memref<3072xi32, #tpu.memory_space<vmem>>, vector<16xi32>,
      tpu.vector_store %arg9[%swap3A_518], %broadcast_in_dim3A_15 {strides = array<i32>} : memref<3072xi32, #tpu.memory_space<vmem>>, vector<16xi32>,
      %swap3A_520 = arith.constant 2352 : index
      %swap3A_521 = tpu.vector_load %arg9[%swap3A_520] {strides = array<i32>} : memref<3072xi32, #tpu.memory_space<vmem>>, vector<16xi32>,
      tpu.vector_store %arg9[%swap3A_520], %broadcast_in_dim3A_15 {strides = array<i32>} : memref<3072xi32, #tpu.memory_space<vmem>>, vector<16xi32>,
      %swap3A_522 = arith.constant 2368 : index
      %swap3A_523 = tpu.vector_load %arg9[%swap3A_522] {strides = array<i32>} : memref<3072xi32, #tpu.memory_space<vmem>>, vector<16xi32>,
      tpu.vector_store %arg9[%swap3A_522], %broadcast_in_dim3A_15 {strides = array<i32>} : memref<3072xi32, #tpu.memory_space<vmem>>, vector<16xi32>,
      %swap3A_524 = arith.constant 2384 : index
      %swap3A_525 = tpu.vector_load %arg9[%swap3A_524] {strides = array<i32>} : memref<3072xi32, #tpu.memory_space<vmem>>, vector<16xi32>,
      tpu.vector_store %arg9[%swap3A_524], %broadcast_in_dim3A_15 {strides = array<i32>} : memref<3072xi32, #tpu.memory_space<vmem>>, vector<16xi32>,
      %swap3A_526 = arith.constant 2400 : index
      %swap3A_527 = tpu.vector_load %arg9[%swap3A_526] {strides = array<i32>} : memref<3072xi32, #tpu.memory_space<vmem>>, vector<16xi32>,
      tpu.vector_store %arg9[%swap3A_526], %broadcast_in_dim3A_15 {strides = array<i32>} : memref<3072xi32, #tpu.memory_space<vmem>>, vector<16xi32>,
      %swap3A_528 = arith.constant 2416 : index
      %swap3A_529 = tpu.vector_load %arg9[%swap3A_528] {strides = array<i32>} : memref<3072xi32, #tpu.memory_space<vmem>>, vector<16xi32>,
      tpu.vector_store %arg9[%swap3A_528], %broadcast_in_dim3A_15 {strides = array<i32>} : memref<3072xi32, #tpu.memory_space<vmem>>, vector<16xi32>,
      %swap3A_530 = arith.constant 2432 : index
      %swap3A_531 = tpu.vector_load %arg9[%swap3A_530] {strides = array<i32>} : memref<3072xi32, #tpu.memory_space<vmem>>, vector<16xi32>,
      tpu.vector_store %arg9[%swap3A_530], %broadcast_in_dim3A_15 {strides = array<i32>} : memref<3072xi32, #tpu.memory_space<vmem>>, vector<16xi32>,
      %swap3A_532 = arith.constant 2448 : index
      %swap3A_533 = tpu.vector_load %arg9[%swap3A_532] {strides = array<i32>} : memref<3072xi32, #tpu.memory_space<vmem>>, vector<16xi32>,
      tpu.vector_store %arg9[%swap3A_532], %broadcast_in_dim3A_15 {strides = array<i32>} : memref<3072xi32, #tpu.memory_space<vmem>>, vector<16xi32>,
      %swap3A_534 = arith.constant 2464 : index
      %swap3A_535 = tpu.vector_load %arg9[%swap3A_534] {strides = array<i32>} : memref<3072xi32, #tpu.memory_space<vmem>>, vector<16xi32>,
      tpu.vector_store %arg9[%swap3A_534], %broadcast_in_dim3A_15 {strides = array<i32>} : memref<3072xi32, #tpu.memory_space<vmem>>, vector<16xi32>,
      %swap3A_536 = arith.constant 2480 : index
      %swap3A_537 = tpu.vector_load %arg9[%swap3A_536] {strides = array<i32>} : memref<3072xi32, #tpu.memory_space<vmem>>, vector<16xi32>,
      tpu.vector_store %arg9[%swap3A_536], %broadcast_in_dim3A_15 {strides = array<i32>} : memref<3072xi32, #tpu.memory_space<vmem>>, vector<16xi32>,
      %swap3A_538 = arith.constant 2496 : index
      %swap3A_539 = tpu.vector_load %arg9[%swap3A_538] {strides = array<i32>} : memref<3072xi32, #tpu.memory_space<vmem>>, vector<16xi32>,
      tpu.vector_store %arg9[%swap3A_538], %broadcast_in_dim3A_15 {strides = array<i32>} : memref<3072xi32, #tpu.memory_space<vmem>>, vector<16xi32>,
      %swap3A_540 = arith.constant 2512 : index
      %swap3A_541 = tpu.vector_load %arg9[%swap3A_540] {strides = array<i32>} : memref<3072xi32, #tpu.memory_space<vmem>>, vector<16xi32>,
      tpu.vector_store %arg9[%swap3A_540], %broadcast_in_dim3A_15 {strides = array<i32>} : memref<3072xi32, #tpu.memory_space<vmem>>, vector<16xi32>,
      %swap3A_542 = arith.constant 2528 : index
      %swap3A_543 = tpu.vector_load %arg9[%swap3A_542] {strides = array<i32>} : memref<3072xi32, #tpu.memory_space<vmem>>, vector<16xi32>,
      tpu.vector_store %arg9[%swap3A_542], %broadcast_in_dim3A_15 {strides = array<i32>} : memref<3072xi32, #tpu.memory_space<vmem>>, vector<16xi32>,
      %swap3A_544 = arith.constant 2544 : index
      %swap3A_545 = tpu.vector_load %arg9[%swap3A_544] {strides = array<i32>} : memref<3072xi32, #tpu.memory_space<vmem>>, vector<16xi32>,
      tpu.vector_store %arg9[%swap3A_544], %broadcast_in_dim3A_15 {strides = array<i32>} : memref<3072xi32, #tpu.memory_space<vmem>>, vector<16xi32>,
      %swap3A_546 = arith.constant 2560 : index
      %swap3A_547 = tpu.vector_load %arg9[%swap3A_546] {strides = array<i32>} : memref<3072xi32, #tpu.memory_space<vmem>>, vector<16xi32>,
      tpu.vector_store %arg9[%swap3A_546], %broadcast_in_dim3A_15 {strides = array<i32>} : memref<3072xi32, #tpu.memory_space<vmem>>, vector<16xi32>,
      %swap3A_548 = arith.constant 2576 : index
      %swap3A_549 = tpu.vector_load %arg9[%swap3A_548] {strides = array<i32>} : memref<3072xi32, #tpu.memory_space<vmem>>, vector<16xi32>,
      tpu.vector_store %arg9[%swap3A_548], %broadcast_in_dim3A_15 {strides = array<i32>} : memref<3072xi32, #tpu.memory_space<vmem>>, vector<16xi32>,
      %swap3A_550 = arith.constant 2592 : index
      %swap3A_551 = tpu.vector_load %arg9[%swap3A_550] {strides = array<i32>} : memref<3072xi32, #tpu.memory_space<vmem>>, vector<16xi32>,
      tpu.vector_store %arg9[%swap3A_550], %broadcast_in_dim3A_15 {strides = array<i32>} : memref<3072xi32, #tpu.memory_space<vmem>>, vector<16xi32>,
      %swap3A_552 = arith.constant 2608 : index
      %swap3A_553 = tpu.vector_load %arg9[%swap3A_552] {strides = array<i32>} : memref<3072xi32, #tpu.memory_space<vmem>>, vector<16xi32>,
      tpu.vector_store %arg9[%swap3A_552], %broadcast_in_dim3A_15 {strides = array<i32>} : memref<3072xi32, #tpu.memory_space<vmem>>, vector<16xi32>,
      %swap3A_554 = arith.constant 2624 : index
      %swap3A_555 = tpu.vector_load %arg9[%swap3A_554] {strides = array<i32>} : memref<3072xi32, #tpu.memory_space<vmem>>, vector<16xi32>,
      tpu.vector_store %arg9[%swap3A_554], %broadcast_in_dim3A_15 {strides = array<i32>} : memref<3072xi32, #tpu.memory_space<vmem>>, vector<16xi32>,
      %swap3A_556 = arith.constant 2640 : index
      %swap3A_557 = tpu.vector_load %arg9[%swap3A_556] {strides = array<i32>} : memref<3072xi32, #tpu.memory_space<vmem>>, vector<16xi32>,
      tpu.vector_store %arg9[%swap3A_556], %broadcast_in_dim3A_15 {strides = array<i32>} : memref<3072xi32, #tpu.memory_space<vmem>>, vector<16xi32>,
      %swap3A_558 = arith.constant 2656 : index
      %swap3A_559 = tpu.vector_load %arg9[%swap3A_558] {strides = array<i32>} : memref<3072xi32, #tpu.memory_space<vmem>>, vector<16xi32>,
      tpu.vector_store %arg9[%swap3A_558], %broadcast_in_dim3A_15 {strides = array<i32>} : memref<3072xi32, #tpu.memory_space<vmem>>, vector<16xi32>,
      %swap3A_560 = arith.constant 2672 : index
      %swap3A_561 = tpu.vector_load %arg9[%swap3A_560] {strides = array<i32>} : memref<3072xi32, #tpu.memory_space<vmem>>, vector<16xi32>,
      tpu.vector_store %arg9[%swap3A_560], %broadcast_in_dim3A_15 {strides = array<i32>} : memref<3072xi32, #tpu.memory_space<vmem>>, vector<16xi32>,
      %swap3A_562 = arith.constant 2688 : index
      %swap3A_563 = tpu.vector_load %arg9[%swap3A_562] {strides = array<i32>} : memref<3072xi32, #tpu.memory_space<vmem>>, vector<16xi32>,
      tpu.vector_store %arg9[%swap3A_562], %broadcast_in_dim3A_15 {strides = array<i32>} : memref<3072xi32, #tpu.memory_space<vmem>>, vector<16xi32>,
      %swap3A_564 = arith.constant 2704 : index
      %swap3A_565 = tpu.vector_load %arg9[%swap3A_564] {strides = array<i32>} : memref<3072xi32, #tpu.memory_space<vmem>>, vector<16xi32>,
      tpu.vector_store %arg9[%swap3A_564], %broadcast_in_dim3A_15 {strides = array<i32>} : memref<3072xi32, #tpu.memory_space<vmem>>, vector<16xi32>,
      %swap3A_566 = arith.constant 2720 : index
      %swap3A_567 = tpu.vector_load %arg9[%swap3A_566] {strides = array<i32>} : memref<3072xi32, #tpu.memory_space<vmem>>, vector<16xi32>,
      tpu.vector_store %arg9[%swap3A_566], %broadcast_in_dim3A_15 {strides = array<i32>} : memref<3072xi32, #tpu.memory_space<vmem>>, vector<16xi32>,
      %swap3A_568 = arith.constant 2736 : index
      %swap3A_569 = tpu.vector_load %arg9[%swap3A_568] {strides = array<i32>} : memref<3072xi32, #tpu.memory_space<vmem>>, vector<16xi32>,
      tpu.vector_store %arg9[%swap3A_568], %broadcast_in_dim3A_15 {strides = array<i32>} : memref<3072xi32, #tpu.memory_space<vmem>>, vector<16xi32>,
      %swap3A_570 = arith.constant 2752 : index
      %swap3A_571 = tpu.vector_load %arg9[%swap3A_570] {strides = array<i32>} : memref<3072xi32, #tpu.memory_space<vmem>>, vector<16xi32>,
      tpu.vector_store %arg9[%swap3A_570], %broadcast_in_dim3A_15 {strides = array<i32>} : memref<3072xi32, #tpu.memory_space<vmem>>, vector<16xi32>,
      %swap3A_572 = arith.constant 2768 : index
      %swap3A_573 = tpu.vector_load %arg9[%swap3A_572] {strides = array<i32>} : memref<3072xi32, #tpu.memory_space<vmem>>, vector<16xi32>,
      tpu.vector_store %arg9[%swap3A_572], %broadcast_in_dim3A_15 {strides = array<i32>} : memref<3072xi32, #tpu.memory_space<vmem>>, vector<16xi32>,
      %swap3A_574 = arith.constant 2784 : index
      %swap3A_575 = tpu.vector_load %arg9[%swap3A_574] {strides = array<i32>} : memref<3072xi32, #tpu.memory_space<vmem>>, vector<16xi32>,
      tpu.vector_store %arg9[%swap3A_574], %broadcast_in_dim3A_15 {strides = array<i32>} : memref<3072xi32, #tpu.memory_space<vmem>>, vector<16xi32>,
      %swap3A_576 = arith.constant 2800 : index
      %swap3A_577 = tpu.vector_load %arg9[%swap3A_576] {strides = array<i32>} : memref<3072xi32, #tpu.memory_space<vmem>>, vector<16xi32>,
      tpu.vector_store %arg9[%swap3A_576], %broadcast_in_dim3A_15 {strides = array<i32>} : memref<3072xi32, #tpu.memory_space<vmem>>, vector<16xi32>,
      %swap3A_578 = arith.constant 2816 : index
      %swap3A_579 = tpu.vector_load %arg9[%swap3A_578] {strides = array<i32>} : memref<3072xi32, #tpu.memory_space<vmem>>, vector<16xi32>,
      tpu.vector_store %arg9[%swap3A_578], %broadcast_in_dim3A_15 {strides = array<i32>} : memref<3072xi32, #tpu.memory_space<vmem>>, vector<16xi32>,
      %swap3A_580 = arith.constant 2832 : index
      %swap3A_581 = tpu.vector_load %arg9[%swap3A_580] {strides = array<i32>} : memref<3072xi32, #tpu.memory_space<vmem>>, vector<16xi32>,
      tpu.vector_store %arg9[%swap3A_580], %broadcast_in_dim3A_15 {strides = array<i32>} : memref<3072xi32, #tpu.memory_space<vmem>>, vector<16xi32>,
      %swap3A_582 = arith.constant 2848 : index
      %swap3A_583 = tpu.vector_load %arg9[%swap3A_582] {strides = array<i32>} : memref<3072xi32, #tpu.memory_space<vmem>>, vector<16xi32>,
      tpu.vector_store %arg9[%swap3A_582], %broadcast_in_dim3A_15 {strides = array<i32>} : memref<3072xi32, #tpu.memory_space<vmem>>, vector<16xi32>,
      %swap3A_584 = arith.constant 2864 : index
      %swap3A_585 = tpu.vector_load %arg9[%swap3A_584] {strides = array<i32>} : memref<3072xi32, #tpu.memory_space<vmem>>, vector<16xi32>,
      tpu.vector_store %arg9[%swap3A_584], %broadcast_in_dim3A_15 {strides = array<i32>} : memref<3072xi32, #tpu.memory_space<vmem>>, vector<16xi32>,
      %swap3A_586 = arith.constant 2880 : index
      %swap3A_587 = tpu.vector_load %arg9[%swap3A_586] {strides = array<i32>} : memref<3072xi32, #tpu.memory_space<vmem>>, vector<16xi32>,
      tpu.vector_store %arg9[%swap3A_586], %broadcast_in_dim3A_15 {strides = array<i32>} : memref<3072xi32, #tpu.memory_space<vmem>>, vector<16xi32>,
      %swap3A_588 = arith.constant 2896 : index
      %swap3A_589 = tpu.vector_load %arg9[%swap3A_588] {strides = array<i32>} : memref<3072xi32, #tpu.memory_space<vmem>>, vector<16xi32>,
      tpu.vector_store %arg9[%swap3A_588], %broadcast_in_dim3A_15 {strides = array<i32>} : memref<3072xi32, #tpu.memory_space<vmem>>, vector<16xi32>,
      %swap3A_590 = arith.constant 2912 : index
      %swap3A_591 = tpu.vector_load %arg9[%swap3A_590] {strides = array<i32>} : memref<3072xi32, #tpu.memory_space<vmem>>, vector<16xi32>,
      tpu.vector_store %arg9[%swap3A_590], %broadcast_in_dim3A_15 {strides = array<i32>} : memref<3072xi32, #tpu.memory_space<vmem>>, vector<16xi32>,
      %swap3A_592 = arith.constant 2928 : index
      %swap3A_593 = tpu.vector_load %arg9[%swap3A_592] {strides = array<i32>} : memref<3072xi32, #tpu.memory_space<vmem>>, vector<16xi32>,
      tpu.vector_store %arg9[%swap3A_592], %broadcast_in_dim3A_15 {strides = array<i32>} : memref<3072xi32, #tpu.memory_space<vmem>>, vector<16xi32>,
      %swap3A_594 = arith.constant 2944 : index
      %swap3A_595 = tpu.vector_load %arg9[%swap3A_594] {strides = array<i32>} : memref<3072xi32, #tpu.memory_space<vmem>>, vector<16xi32>,
      tpu.vector_store %arg9[%swap3A_594], %broadcast_in_dim3A_15 {strides = array<i32>} : memref<3072xi32, #tpu.memory_space<vmem>>, vector<16xi32>,
      %swap3A_596 = arith.constant 2960 : index
      %swap3A_597 = tpu.vector_load %arg9[%swap3A_596] {strides = array<i32>} : memref<3072xi32, #tpu.memory_space<vmem>>, vector<16xi32>,
      tpu.vector_store %arg9[%swap3A_596], %broadcast_in_dim3A_15 {strides = array<i32>} : memref<3072xi32, #tpu.memory_space<vmem>>, vector<16xi32>,
      %swap3A_598 = arith.constant 2976 : index
      %swap3A_599 = tpu.vector_load %arg9[%swap3A_598] {strides = array<i32>} : memref<3072xi32, #tpu.memory_space<vmem>>, vector<16xi32>,
      tpu.vector_store %arg9[%swap3A_598], %broadcast_in_dim3A_15 {strides = array<i32>} : memref<3072xi32, #tpu.memory_space<vmem>>, vector<16xi32>,
      %swap3A_600 = arith.constant 2992 : index
      %swap3A_601 = tpu.vector_load %arg9[%swap3A_600] {strides = array<i32>} : memref<3072xi32, #tpu.memory_space<vmem>>, vector<16xi32>,
      tpu.vector_store %arg9[%swap3A_600], %broadcast_in_dim3A_15 {strides = array<i32>} : memref<3072xi32, #tpu.memory_space<vmem>>, vector<16xi32>,
      %swap3A_602 = arith.constant 3008 : index
      %swap3A_603 = tpu.vector_load %arg9[%swap3A_602] {strides = array<i32>} : memref<3072xi32, #tpu.memory_space<vmem>>, vector<16xi32>,
      tpu.vector_store %arg9[%swap3A_602], %broadcast_in_dim3A_15 {strides = array<i32>} : memref<3072xi32, #tpu.memory_space<vmem>>, vector<16xi32>,
      %swap3A_604 = arith.constant 3024 : index
      %swap3A_605 = tpu.vector_load %arg9[%swap3A_604] {strides = array<i32>} : memref<3072xi32, #tpu.memory_space<vmem>>, vector<16xi32>,
      tpu.vector_store %arg9[%swap3A_604], %broadcast_in_dim3A_15 {strides = array<i32>} : memref<3072xi32, #tpu.memory_space<vmem>>, vector<16xi32>,
      %swap3A_606 = arith.constant 3040 : index
      %swap3A_607 = tpu.vector_load %arg9[%swap3A_606] {strides = array<i32>} : memref<3072xi32, #tpu.memory_space<vmem>>, vector<16xi32>,
      tpu.vector_store %arg9[%swap3A_606], %broadcast_in_dim3A_15 {strides = array<i32>} : memref<3072xi32, #tpu.memory_space<vmem>>, vector<16xi32>,
      %swap3A_608 = arith.constant 3056 : index
      %swap3A_609 = tpu.vector_load %arg9[%swap3A_608] {strides = array<i32>} : memref<3072xi32, #tpu.memory_space<vmem>>, vector<16xi32>,
      tpu.vector_store %arg9[%swap3A_608], %broadcast_in_dim3A_15 {strides = array<i32>} : memref<3072xi32, #tpu.memory_space<vmem>>, vector<16xi32>,
      %broadcast_in_dim3A_610 = arith.constant -4 : i32
      %broadcast_in_dim3A_611 = vector.broadcast %broadcast_in_dim3A_610 : i32 to vector<16xi32>
      %broadcast_in_dim3A_612 = arith.constant 1 : i32
      %broadcast_in_dim3A_613 = vector.broadcast %broadcast_in_dim3A_612 : i32 to vector<16xi32>
      %broadcast_in_dim3A_614 = arith.constant -2 : i32
      %broadcast_in_dim3A_615 = vector.broadcast %broadcast_in_dim3A_614 : i32 to vector<16xi32>
      %broadcast_in_dim3A_616 = arith.constant 1 : i32
      %broadcast_in_dim3A_617 = vector.broadcast %broadcast_in_dim3A_616 : i32 to vector<16xi32>
      %scan3A_618 = arith.constant 1 : i32
      %scan3A_619 = arith.constant 32 : i32
      %scan3A_620 = arith.addi %scan3A_618, %scan3A_619 : i32
      %scan3A_621 = arith.constant 1 : i32
      %scan3A_622:5 = scf.for %scan3A_1171 = %scan3A_618 to %scan3A_620 step %scan3A_621 iter_args(%scan3A_1172 = %broadcast_in_dim3A_611, %scan3A_1173 = %broadcast_in_dim3A_613, %scan3A_1174 = %broadcast_in_dim3A_615, %scan3A_1175 = %broadcast_in_dim3A_617, %scan3A_1176 = %broadcast_in_dim3A_13) -> (vector<16xi32>, vector<16xi32>, vector<16xi32>, vector<16xi32>, vector<16xi32>)  : i32 {
        %not3A = arith.constant dense<-1> : vector<16xi32>
        %not3A_1177 = arith.xori %scan3A_1172, %not3A : vector<16xi32>
        %and3A = arith.andi %not3A_1177, %scan3A_1174 : vector<16xi32>
        %not3A_1178 = arith.constant dense<-1> : vector<16xi32>
        %not3A_1179 = arith.xori %scan3A_1173, %not3A_1178 : vector<16xi32>
        %and3A_1180 = arith.andi %not3A_1179, %scan3A_1175 : vector<16xi32>
        %and3A_1181 = arith.constant 1 : i32
        %and3A_1182 = vector.broadcast %and3A_1181 : i32 to vector<16xi32>
        %and3A_1183 = arith.andi %and3A_1180, %and3A_1182 : vector<16xi32>
        %neg3A = arith.constant 0 : i32
        %neg3A_1184 = vector.broadcast %neg3A : i32 to vector<16xi32>
        %neg3A_1185 = arith.subi %neg3A_1184, %and3A : vector<16xi32>
        %and3A_1186 = arith.andi %and3A, %neg3A_1185 : vector<16xi32>
        %convert_element_type3A = arith.sitofp %and3A_1186 : vector<16xi32> to vector<16xf32>
        %bitcast_convert_type3A = tpu.bitcast %convert_element_type3A : vector<16xf32> -> vector<16xi32>
        %shift_right_logical3A = arith.constant 23 : i32
        %shift_right_logical3A_1187 = vector.broadcast %shift_right_logical3A : i32 to vector<16xi32>
        %shift_right_logical3A_1188 = arith.shrui %bitcast_convert_type3A, %shift_right_logical3A_1187 : vector<16xi32>
        %and3A_1189 = arith.constant 255 : i32
        %and3A_1190 = vector.broadcast %and3A_1189 : i32 to vector<16xi32>
        %and3A_1191 = arith.andi %shift_right_logical3A_1188, %and3A_1190 : vector<16xi32>
        %sub3A = arith.constant 127 : i32
        %sub3A_1192 = vector.broadcast %sub3A : i32 to vector<16xi32>
        %sub3A_1193 = arith.subi %and3A_1191, %sub3A_1192 : vector<16xi32>
        %ne3A = arith.constant 0 : i32
        %ne3A_1194 = vector.broadcast %ne3A : i32 to vector<16xi32>
        %ne3A_1195 = arith.cmpi ne, %and3A, %ne3A_1194 : vector<16xi32>
        %ne3A_1196 = arith.constant 0 : i32
        %ne3A_1197 = vector.broadcast %ne3A_1196 : i32 to vector<16xi32>
        %ne3A_1198 = arith.cmpi ne, %and3A_1183, %ne3A_1197 : vector<16xi32>
        %jit3A_1199 = arith.constant 32 : i32
        %jit3A_1200 = arith.constant 0 : i32
        %broadcast_in_dim3A_1201 = vector.broadcast %jit3A_1199 : i32 to vector<16xi32>
        %broadcast_in_dim3A_1202 = vector.broadcast %jit3A_1200 : i32 to vector<16xi32>
        %select_n3A_1203 = arith.select %ne3A_1198, %broadcast_in_dim3A_1201, %broadcast_in_dim3A_1202 : vector<16xi1>, vector<16xi32>
        %select_n3A_1204 = arith.select %ne3A_1195, %sub3A_1193, %select_n3A_1203 : vector<16xi1>, vector<16xi32>
        %gt3A = arith.constant 0 : i32
        %gt3A_1205 = vector.broadcast %gt3A : i32 to vector<16xi32>
        %gt3A_1206 = arith.cmpi sgt, %select_n3A_1204, %gt3A_1205 : vector<16xi32>
        %sub3A_1207 = arith.constant 1 : i32
        %sub3A_1208 = vector.broadcast %sub3A_1207 : i32 to vector<16xi32>
        %sub3A_1209 = arith.subi %select_n3A_1204, %sub3A_1208 : vector<16xi32>
        %mul3A_1210 = arith.constant 4 : i32
        %mul3A_1211 = vector.broadcast %mul3A_1210 : i32 to vector<16xi32>
        %mul3A_1212 = arith.muli %sub3A_1209, %mul3A_1211 : vector<16xi32>
        %add3A_1213 = arith.constant 0 : i32
        %add3A_1214 = vector.broadcast %add3A_1213 : i32 to vector<16xi32>
        %add3A_1215 = arith.addi %mul3A_1212, %add3A_1214 : vector<16xi32>
        %max3A = arith.constant 0 : i32
        %max3A_1216 = vector.broadcast %max3A : i32 to vector<16xi32>
        %max3A_1217 = arith.maxsi %add3A_1215, %max3A_1216 : vector<16xi32>
        %add3A_1218 = arith.addi %mul3A_3, %max3A_1217 : vector<16xi32>
        %gather3A_1219 = tpu.vector_load_idx %arg6[%add3A_1218] : memref<2048xi32, #tpu.memory_space<vmem>>[vector<16xi32>], vector<16xi32>,
        %add3A_1220 = arith.constant 1 : i32
        %add3A_1221 = vector.broadcast %add3A_1220 : i32 to vector<16xi32>
        %add3A_1222 = arith.addi %gather3A_1219, %add3A_1221 : vector<16xi32>
        %jit3A_1223 = arith.constant 0 : i32
        %broadcast_in_dim3A_1224 = vector.broadcast %jit3A_1223 : i32 to vector<16xi32>
        %select_n3A_1225 = arith.select %gt3A_1206, %add3A_1222, %broadcast_in_dim3A_1224 : vector<16xi1>, vector<16xi32>
        %ge3A_1226 = arith.constant 32 : i32
        %ge3A_1227 = vector.broadcast %ge3A_1226 : i32 to vector<16xi32>
        %ge3A_1228 = arith.cmpi sge, %select_n3A_1225, %ge3A_1227 : vector<16xi32>
        %sub3A_1229 = arith.constant 32 : i32
        %sub3A_1230 = vector.broadcast %sub3A_1229 : i32 to vector<16xi32>
        %sub3A_1231 = arith.subi %select_n3A_1225, %sub3A_1230 : vector<16xi32>
        %select_n3A_1232 = arith.select %ge3A_1228, %sub3A_1231, %select_n3A_1225 : vector<16xi1>, vector<16xi32>
        %select_n3A_1233 = arith.select %ge3A_1228, %scan3A_1173, %scan3A_1172 : vector<16xi1>, vector<16xi32>
        %shift_right_logical3A_1234 = arith.shrui %select_n3A_1233, %select_n3A_1232 : vector<16xi32>
        %and3A_1235 = arith.constant 1 : i32
        %and3A_1236 = vector.broadcast %and3A_1235 : i32 to vector<16xi32>
        %and3A_1237 = arith.andi %shift_right_logical3A_1234, %and3A_1236 : vector<16xi32>
        %ge3A_1238 = arith.constant 32 : i32
        %ge3A_1239 = vector.broadcast %ge3A_1238 : i32 to vector<16xi32>
        %ge3A_1240 = arith.cmpi sge, %select_n3A_1225, %ge3A_1239 : vector<16xi32>
        %sub3A_1241 = arith.constant 32 : i32
        %sub3A_1242 = vector.broadcast %sub3A_1241 : i32 to vector<16xi32>
        %sub3A_1243 = arith.subi %select_n3A_1225, %sub3A_1242 : vector<16xi32>
        %select_n3A_1244 = arith.select %ge3A_1240, %sub3A_1243, %select_n3A_1225 : vector<16xi1>, vector<16xi32>
        %select_n3A_1245 = arith.select %ge3A_1240, %scan3A_1175, %scan3A_1174 : vector<16xi1>, vector<16xi32>
        %shift_right_logical3A_1246 = arith.shrui %select_n3A_1245, %select_n3A_1244 : vector<16xi32>
        %and3A_1247 = arith.constant 1 : i32
        %and3A_1248 = vector.broadcast %and3A_1247 : i32 to vector<16xi32>
        %and3A_1249 = arith.andi %shift_right_logical3A_1246, %and3A_1248 : vector<16xi32>
        %sub3A_1250 = arith.constant 1 : i32
        %sub3A_1251 = vector.broadcast %sub3A_1250 : i32 to vector<16xi32>
        %sub3A_1252 = arith.subi %sub3A_1251, %and3A_1237 : vector<16xi32>
        %mul3A_1253 = arith.muli %sub3A_1252, %and3A_1249 : vector<16xi32>
        %ne3A_1254 = arith.constant 0 : i32
        %ne3A_1255 = vector.broadcast %ne3A_1254 : i32 to vector<16xi32>
        %ne3A_1256 = arith.cmpi ne, %select_n3A_1225, %ne3A_1255 : vector<16xi32>
        %jit3A_1257 = arith.constant 1 : i32
        %jit3A_1258 = arith.constant 0 : i32
        %broadcast_in_dim3A_1259 = vector.broadcast %jit3A_1257 : i32 to vector<16xi32>
        %broadcast_in_dim3A_1260 = vector.broadcast %jit3A_1258 : i32 to vector<16xi32>
        %select_n3A_1261 = arith.select %ne3A_1256, %broadcast_in_dim3A_1259, %broadcast_in_dim3A_1260 : vector<16xi1>, vector<16xi32>
        %mul3A_1262 = arith.muli %mul3A_1253, %select_n3A_1261 : vector<16xi32>
        %lt3A_1263 = arith.constant 33 : i32
        %lt3A_1264 = vector.broadcast %lt3A_1263 : i32 to vector<16xi32>
        %lt3A_1265 = arith.cmpi slt, %scan3A_1176, %lt3A_1264 : vector<16xi32>
        %jit3A_1266 = arith.constant 1 : i32
        %jit3A_1267 = arith.constant 0 : i32
        %broadcast_in_dim3A_1268 = vector.broadcast %jit3A_1266 : i32 to vector<16xi32>
        %broadcast_in_dim3A_1269 = vector.broadcast %jit3A_1267 : i32 to vector<16xi32>
        %select_n3A_1270 = arith.select %lt3A_1265, %broadcast_in_dim3A_1268, %broadcast_in_dim3A_1269 : vector<16xi1>, vector<16xi32>
        %mul3A_1271 = arith.muli %mul3A_1262, %select_n3A_1270 : vector<16xi32>
        %min3A_1272 = arith.constant 32 : i32
        %min3A_1273 = vector.broadcast %min3A_1272 : i32 to vector<16xi32>
        %min3A_1274 = arith.minsi %scan3A_1176, %min3A_1273 : vector<16xi32>
        %mul3A_1275 = arith.constant 2 : i32
        %mul3A_1276 = vector.broadcast %mul3A_1275 : i32 to vector<16xi32>
        %mul3A_1277 = arith.muli %min3A_1274, %mul3A_1276 : vector<16xi32>
        %add3A_1278 = arith.addi %mul3A_9, %mul3A_1277 : vector<16xi32>
        %mul3A_1279 = arith.muli %select_n3A_1204, %mul3A_1271 : vector<16xi32>
        tpu.vector_store_idx %arg8[%add3A_1278], %mul3A_1279 {add = true} : memref<1056xi32, #tpu.memory_space<vmem>>[vector<16xi32>], vector<16xi32>,
        %mul3A_1280 = arith.constant 2 : i32
        %mul3A_1281 = vector.broadcast %mul3A_1280 : i32 to vector<16xi32>
        %mul3A_1282 = arith.muli %min3A_1274, %mul3A_1281 : vector<16xi32>
        %add3A_1283 = arith.addi %mul3A_9, %mul3A_1282 : vector<16xi32>
        %add3A_1284 = arith.constant 1 : i32
        %add3A_1285 = vector.broadcast %add3A_1284 : i32 to vector<16xi32>
        %add3A_1286 = arith.addi %add3A_1283, %add3A_1285 : vector<16xi32>
        %mul3A_1287 = arith.muli %select_n3A_1225, %mul3A_1271 : vector<16xi32>
        tpu.vector_store_idx %arg8[%add3A_1286], %mul3A_1287 {add = true} : memref<1056xi32, #tpu.memory_space<vmem>>[vector<16xi32>], vector<16xi32>,
        %add3A_1288 = arith.addi %scan3A_1176, %mul3A_1262 : vector<16xi32>
        %add3A_1289 = arith.addi %mul3A_6, %select_n3A_1225 : vector<16xi32>
        %mul3A_1290 = arith.muli %and3A_1237, %select_n3A_1204 : vector<16xi32>
        tpu.vector_store_idx %arg7[%add3A_1289], %mul3A_1290 {add = true} : memref<528xi32, #tpu.memory_space<vmem>>[vector<16xi32>], vector<16xi32>,
        %ge3A_1291 = arith.constant 32 : i32
        %ge3A_1292 = vector.broadcast %ge3A_1291 : i32 to vector<16xi32>
        %ge3A_1293 = arith.cmpi sge, %select_n3A_1225, %ge3A_1292 : vector<16xi32>
        %jit3A_1294 = arith.constant 0 : i32
        %broadcast_in_dim3A_1295 = vector.broadcast %jit3A_1294 : i32 to vector<16xi32>
        %select_n3A_1296 = arith.select %ge3A_1293, %broadcast_in_dim3A_1295, %select_n3A_1225 : vector<16xi1>, vector<16xi32>
        %shift_left3A_1297 = arith.constant 1 : i32
        %shift_left3A_1298 = vector.broadcast %shift_left3A_1297 : i32 to vector<16xi32>
        %shift_left3A_1299 = arith.shli %shift_left3A_1298, %select_n3A_1296 : vector<16xi32>
        %jit3A_1300 = arith.constant 0 : i32
        %broadcast_in_dim3A_1301 = vector.broadcast %jit3A_1300 : i32 to vector<16xi32>
        %select_n3A_1302 = arith.select %ge3A_1293, %broadcast_in_dim3A_1301, %shift_left3A_1299 : vector<16xi1>, vector<16xi32>
        %jit3A_1303 = arith.constant 1 : i32
        %jit3A_1304 = arith.constant 0 : i32
        %broadcast_in_dim3A_1305 = vector.broadcast %jit3A_1303 : i32 to vector<16xi32>
        %broadcast_in_dim3A_1306 = vector.broadcast %jit3A_1304 : i32 to vector<16xi32>
        %select_n3A_1307 = arith.select %ge3A_1293, %broadcast_in_dim3A_1305, %broadcast_in_dim3A_1306 : vector<16xi1>, vector<16xi32>
        %not3A_1308 = arith.constant dense<-1> : vector<16xi32>
        %not3A_1309 = arith.xori %select_n3A_1302, %not3A_1308 : vector<16xi32>
        %and3A_1310 = arith.andi %scan3A_1172, %not3A_1309 : vector<16xi32>
        %not3A_1311 = arith.constant dense<-1> : vector<16xi32>
        %not3A_1312 = arith.xori %select_n3A_1307, %not3A_1311 : vector<16xi32>
        %and3A_1313 = arith.andi %scan3A_1173, %not3A_1312 : vector<16xi32>
        %sub3A_1314 = arith.constant 1 : i32
        %sub3A_1315 = vector.broadcast %sub3A_1314 : i32 to vector<16xi32>
        %sub3A_1316 = arith.subi %select_n3A_1204, %sub3A_1315 : vector<16xi32>
        %mul3A_1317 = arith.constant 4 : i32
        %mul3A_1318 = vector.broadcast %mul3A_1317 : i32 to vector<16xi32>
        %mul3A_1319 = arith.muli %sub3A_1316, %mul3A_1318 : vector<16xi32>
        %add3A_1320 = arith.constant 1 : i32
        %add3A_1321 = vector.broadcast %add3A_1320 : i32 to vector<16xi32>
        %add3A_1322 = arith.addi %mul3A_1319, %add3A_1321 : vector<16xi32>
        %max3A_1323 = arith.constant 0 : i32
        %max3A_1324 = vector.broadcast %max3A_1323 : i32 to vector<16xi32>
        %max3A_1325 = arith.maxsi %add3A_1322, %max3A_1324 : vector<16xi32>
        %add3A_1326 = arith.addi %mul3A_3, %max3A_1325 : vector<16xi32>
        %gather3A_1327 = tpu.vector_load_idx %arg6[%add3A_1326] : memref<2048xi32, #tpu.memory_space<vmem>>[vector<16xi32>], vector<16xi32>,
        %add3A_1328 = arith.constant 1 : i32
        %add3A_1329 = vector.broadcast %add3A_1328 : i32 to vector<16xi32>
        %add3A_1330 = arith.addi %gather3A_1327, %add3A_1329 : vector<16xi32>
        %jit3A_1331 = arith.constant 0 : i32
        %broadcast_in_dim3A_1332 = vector.broadcast %jit3A_1331 : i32 to vector<16xi32>
        %select_n3A_1333 = arith.select %gt3A_1206, %add3A_1330, %broadcast_in_dim3A_1332 : vector<16xi1>, vector<16xi32>
        %ge3A_1334 = arith.constant 32 : i32
        %ge3A_1335 = vector.broadcast %ge3A_1334 : i32 to vector<16xi32>
        %ge3A_1336 = arith.cmpi sge, %select_n3A_1333, %ge3A_1335 : vector<16xi32>
        %sub3A_1337 = arith.constant 32 : i32
        %sub3A_1338 = vector.broadcast %sub3A_1337 : i32 to vector<16xi32>
        %sub3A_1339 = arith.subi %select_n3A_1333, %sub3A_1338 : vector<16xi32>
        %select_n3A_1340 = arith.select %ge3A_1336, %sub3A_1339, %select_n3A_1333 : vector<16xi1>, vector<16xi32>
        %select_n3A_1341 = arith.select %ge3A_1336, %and3A_1313, %and3A_1310 : vector<16xi1>, vector<16xi32>
        %shift_right_logical3A_1342 = arith.shrui %select_n3A_1341, %select_n3A_1340 : vector<16xi32>
        %and3A_1343 = arith.constant 1 : i32
        %and3A_1344 = vector.broadcast %and3A_1343 : i32 to vector<16xi32>
        %and3A_1345 = arith.andi %shift_right_logical3A_1342, %and3A_1344 : vector<16xi32>
        %ge3A_1346 = arith.constant 32 : i32
        %ge3A_1347 = vector.broadcast %ge3A_1346 : i32 to vector<16xi32>
        %ge3A_1348 = arith.cmpi sge, %select_n3A_1333, %ge3A_1347 : vector<16xi32>
        %sub3A_1349 = arith.constant 32 : i32
        %sub3A_1350 = vector.broadcast %sub3A_1349 : i32 to vector<16xi32>
        %sub3A_1351 = arith.subi %select_n3A_1333, %sub3A_1350 : vector<16xi32>
        %select_n3A_1352 = arith.select %ge3A_1348, %sub3A_1351, %select_n3A_1333 : vector<16xi1>, vector<16xi32>
        %select_n3A_1353 = arith.select %ge3A_1348, %scan3A_1175, %scan3A_1174 : vector<16xi1>, vector<16xi32>
        %shift_right_logical3A_1354 = arith.shrui %select_n3A_1353, %select_n3A_1352 : vector<16xi32>
        %and3A_1355 = arith.constant 1 : i32
        %and3A_1356 = vector.broadcast %and3A_1355 : i32 to vector<16xi32>
        %and3A_1357 = arith.andi %shift_right_logical3A_1354, %and3A_1356 : vector<16xi32>
        %sub3A_1358 = arith.constant 1 : i32
        %sub3A_1359 = vector.broadcast %sub3A_1358 : i32 to vector<16xi32>
        %sub3A_1360 = arith.subi %sub3A_1359, %and3A_1345 : vector<16xi32>
        %mul3A_1361 = arith.muli %sub3A_1360, %and3A_1357 : vector<16xi32>
        %ne3A_1362 = arith.constant 0 : i32
        %ne3A_1363 = vector.broadcast %ne3A_1362 : i32 to vector<16xi32>
        %ne3A_1364 = arith.cmpi ne, %select_n3A_1333, %ne3A_1363 : vector<16xi32>
        %jit3A_1365 = arith.constant 1 : i32
        %jit3A_1366 = arith.constant 0 : i32
        %broadcast_in_dim3A_1367 = vector.broadcast %jit3A_1365 : i32 to vector<16xi32>
        %broadcast_in_dim3A_1368 = vector.broadcast %jit3A_1366 : i32 to vector<16xi32>
        %select_n3A_1369 = arith.select %ne3A_1364, %broadcast_in_dim3A_1367, %broadcast_in_dim3A_1368 : vector<16xi1>, vector<16xi32>
        %mul3A_1370 = arith.muli %mul3A_1361, %select_n3A_1369 : vector<16xi32>
        %lt3A_1371 = arith.constant 33 : i32
        %lt3A_1372 = vector.broadcast %lt3A_1371 : i32 to vector<16xi32>
        %lt3A_1373 = arith.cmpi slt, %add3A_1288, %lt3A_1372 : vector<16xi32>
        %jit3A_1374 = arith.constant 1 : i32
        %jit3A_1375 = arith.constant 0 : i32
        %broadcast_in_dim3A_1376 = vector.broadcast %jit3A_1374 : i32 to vector<16xi32>
        %broadcast_in_dim3A_1377 = vector.broadcast %jit3A_1375 : i32 to vector<16xi32>
        %select_n3A_1378 = arith.select %lt3A_1373, %broadcast_in_dim3A_1376, %broadcast_in_dim3A_1377 : vector<16xi1>, vector<16xi32>
        %mul3A_1379 = arith.muli %mul3A_1370, %select_n3A_1378 : vector<16xi32>
        %min3A_1380 = arith.constant 32 : i32
        %min3A_1381 = vector.broadcast %min3A_1380 : i32 to vector<16xi32>
        %min3A_1382 = arith.minsi %add3A_1288, %min3A_1381 : vector<16xi32>
        %mul3A_1383 = arith.constant 2 : i32
        %mul3A_1384 = vector.broadcast %mul3A_1383 : i32 to vector<16xi32>
        %mul3A_1385 = arith.muli %min3A_1382, %mul3A_1384 : vector<16xi32>
        %add3A_1386 = arith.addi %mul3A_9, %mul3A_1385 : vector<16xi32>
        %mul3A_1387 = arith.muli %select_n3A_1204, %mul3A_1379 : vector<16xi32>
        tpu.vector_store_idx %arg8[%add3A_1386], %mul3A_1387 {add = true} : memref<1056xi32, #tpu.memory_space<vmem>>[vector<16xi32>], vector<16xi32>,
        %mul3A_1388 = arith.constant 2 : i32
        %mul3A_1389 = vector.broadcast %mul3A_1388 : i32 to vector<16xi32>
        %mul3A_1390 = arith.muli %min3A_1382, %mul3A_1389 : vector<16xi32>
        %add3A_1391 = arith.addi %mul3A_9, %mul3A_1390 : vector<16xi32>
        %add3A_1392 = arith.constant 1 : i32
        %add3A_1393 = vector.broadcast %add3A_1392 : i32 to vector<16xi32>
        %add3A_1394 = arith.addi %add3A_1391, %add3A_1393 : vector<16xi32>
        %mul3A_1395 = arith.muli %select_n3A_1333, %mul3A_1379 : vector<16xi32>
        tpu.vector_store_idx %arg8[%add3A_1394], %mul3A_1395 {add = true} : memref<1056xi32, #tpu.memory_space<vmem>>[vector<16xi32>], vector<16xi32>,
        %add3A_1396 = arith.addi %add3A_1288, %mul3A_1370 : vector<16xi32>
        %add3A_1397 = arith.addi %mul3A_6, %select_n3A_1333 : vector<16xi32>
        %mul3A_1398 = arith.muli %and3A_1345, %select_n3A_1204 : vector<16xi32>
        tpu.vector_store_idx %arg7[%add3A_1397], %mul3A_1398 {add = true} : memref<528xi32, #tpu.memory_space<vmem>>[vector<16xi32>], vector<16xi32>,
        %ge3A_1399 = arith.constant 32 : i32
        %ge3A_1400 = vector.broadcast %ge3A_1399 : i32 to vector<16xi32>
        %ge3A_1401 = arith.cmpi sge, %select_n3A_1333, %ge3A_1400 : vector<16xi32>
        %jit3A_1402 = arith.constant 0 : i32
        %broadcast_in_dim3A_1403 = vector.broadcast %jit3A_1402 : i32 to vector<16xi32>
        %select_n3A_1404 = arith.select %ge3A_1401, %broadcast_in_dim3A_1403, %select_n3A_1333 : vector<16xi1>, vector<16xi32>
        %shift_left3A_1405 = arith.constant 1 : i32
        %shift_left3A_1406 = vector.broadcast %shift_left3A_1405 : i32 to vector<16xi32>
        %shift_left3A_1407 = arith.shli %shift_left3A_1406, %select_n3A_1404 : vector<16xi32>
        %jit3A_1408 = arith.constant 0 : i32
        %broadcast_in_dim3A_1409 = vector.broadcast %jit3A_1408 : i32 to vector<16xi32>
        %select_n3A_1410 = arith.select %ge3A_1401, %broadcast_in_dim3A_1409, %shift_left3A_1407 : vector<16xi1>, vector<16xi32>
        %jit3A_1411 = arith.constant 1 : i32
        %jit3A_1412 = arith.constant 0 : i32
        %broadcast_in_dim3A_1413 = vector.broadcast %jit3A_1411 : i32 to vector<16xi32>
        %broadcast_in_dim3A_1414 = vector.broadcast %jit3A_1412 : i32 to vector<16xi32>
        %select_n3A_1415 = arith.select %ge3A_1401, %broadcast_in_dim3A_1413, %broadcast_in_dim3A_1414 : vector<16xi1>, vector<16xi32>
        %not3A_1416 = arith.constant dense<-1> : vector<16xi32>
        %not3A_1417 = arith.xori %select_n3A_1410, %not3A_1416 : vector<16xi32>
        %and3A_1418 = arith.andi %and3A_1310, %not3A_1417 : vector<16xi32>
        %not3A_1419 = arith.constant dense<-1> : vector<16xi32>
        %not3A_1420 = arith.xori %select_n3A_1415, %not3A_1419 : vector<16xi32>
        %and3A_1421 = arith.andi %and3A_1313, %not3A_1420 : vector<16xi32>
        %sub3A_1422 = arith.constant 1 : i32
        %sub3A_1423 = vector.broadcast %sub3A_1422 : i32 to vector<16xi32>
        %sub3A_1424 = arith.subi %select_n3A_1204, %sub3A_1423 : vector<16xi32>
        %mul3A_1425 = arith.constant 4 : i32
        %mul3A_1426 = vector.broadcast %mul3A_1425 : i32 to vector<16xi32>
        %mul3A_1427 = arith.muli %sub3A_1424, %mul3A_1426 : vector<16xi32>
        %add3A_1428 = arith.constant 2 : i32
        %add3A_1429 = vector.broadcast %add3A_1428 : i32 to vector<16xi32>
        %add3A_1430 = arith.addi %mul3A_1427, %add3A_1429 : vector<16xi32>
        %max3A_1431 = arith.constant 0 : i32
        %max3A_1432 = vector.broadcast %max3A_1431 : i32 to vector<16xi32>
        %max3A_1433 = arith.maxsi %add3A_1430, %max3A_1432 : vector<16xi32>
        %add3A_1434 = arith.addi %mul3A_3, %max3A_1433 : vector<16xi32>
        %gather3A_1435 = tpu.vector_load_idx %arg6[%add3A_1434] : memref<2048xi32, #tpu.memory_space<vmem>>[vector<16xi32>], vector<16xi32>,
        %add3A_1436 = arith.constant 1 : i32
        %add3A_1437 = vector.broadcast %add3A_1436 : i32 to vector<16xi32>
        %add3A_1438 = arith.addi %gather3A_1435, %add3A_1437 : vector<16xi32>
        %jit3A_1439 = arith.constant 0 : i32
        %broadcast_in_dim3A_1440 = vector.broadcast %jit3A_1439 : i32 to vector<16xi32>
        %select_n3A_1441 = arith.select %gt3A_1206, %add3A_1438, %broadcast_in_dim3A_1440 : vector<16xi1>, vector<16xi32>
        %ge3A_1442 = arith.constant 32 : i32
        %ge3A_1443 = vector.broadcast %ge3A_1442 : i32 to vector<16xi32>
        %ge3A_1444 = arith.cmpi sge, %select_n3A_1441, %ge3A_1443 : vector<16xi32>
        %sub3A_1445 = arith.constant 32 : i32
        %sub3A_1446 = vector.broadcast %sub3A_1445 : i32 to vector<16xi32>
        %sub3A_1447 = arith.subi %select_n3A_1441, %sub3A_1446 : vector<16xi32>
        %select_n3A_1448 = arith.select %ge3A_1444, %sub3A_1447, %select_n3A_1441 : vector<16xi1>, vector<16xi32>
        %select_n3A_1449 = arith.select %ge3A_1444, %and3A_1421, %and3A_1418 : vector<16xi1>, vector<16xi32>
        %shift_right_logical3A_1450 = arith.shrui %select_n3A_1449, %select_n3A_1448 : vector<16xi32>
        %and3A_1451 = arith.constant 1 : i32
        %and3A_1452 = vector.broadcast %and3A_1451 : i32 to vector<16xi32>
        %and3A_1453 = arith.andi %shift_right_logical3A_1450, %and3A_1452 : vector<16xi32>
        %ge3A_1454 = arith.constant 32 : i32
        %ge3A_1455 = vector.broadcast %ge3A_1454 : i32 to vector<16xi32>
        %ge3A_1456 = arith.cmpi sge, %select_n3A_1441, %ge3A_1455 : vector<16xi32>
        %sub3A_1457 = arith.constant 32 : i32
        %sub3A_1458 = vector.broadcast %sub3A_1457 : i32 to vector<16xi32>
        %sub3A_1459 = arith.subi %select_n3A_1441, %sub3A_1458 : vector<16xi32>
        %select_n3A_1460 = arith.select %ge3A_1456, %sub3A_1459, %select_n3A_1441 : vector<16xi1>, vector<16xi32>
        %select_n3A_1461 = arith.select %ge3A_1456, %scan3A_1175, %scan3A_1174 : vector<16xi1>, vector<16xi32>
        %shift_right_logical3A_1462 = arith.shrui %select_n3A_1461, %select_n3A_1460 : vector<16xi32>
        %and3A_1463 = arith.constant 1 : i32
        %and3A_1464 = vector.broadcast %and3A_1463 : i32 to vector<16xi32>
        %and3A_1465 = arith.andi %shift_right_logical3A_1462, %and3A_1464 : vector<16xi32>
        %sub3A_1466 = arith.constant 1 : i32
        %sub3A_1467 = vector.broadcast %sub3A_1466 : i32 to vector<16xi32>
        %sub3A_1468 = arith.subi %sub3A_1467, %and3A_1453 : vector<16xi32>
        %mul3A_1469 = arith.muli %sub3A_1468, %and3A_1465 : vector<16xi32>
        %ne3A_1470 = arith.constant 0 : i32
        %ne3A_1471 = vector.broadcast %ne3A_1470 : i32 to vector<16xi32>
        %ne3A_1472 = arith.cmpi ne, %select_n3A_1441, %ne3A_1471 : vector<16xi32>
        %jit3A_1473 = arith.constant 1 : i32
        %jit3A_1474 = arith.constant 0 : i32
        %broadcast_in_dim3A_1475 = vector.broadcast %jit3A_1473 : i32 to vector<16xi32>
        %broadcast_in_dim3A_1476 = vector.broadcast %jit3A_1474 : i32 to vector<16xi32>
        %select_n3A_1477 = arith.select %ne3A_1472, %broadcast_in_dim3A_1475, %broadcast_in_dim3A_1476 : vector<16xi1>, vector<16xi32>
        %mul3A_1478 = arith.muli %mul3A_1469, %select_n3A_1477 : vector<16xi32>
        %lt3A_1479 = arith.constant 33 : i32
        %lt3A_1480 = vector.broadcast %lt3A_1479 : i32 to vector<16xi32>
        %lt3A_1481 = arith.cmpi slt, %add3A_1396, %lt3A_1480 : vector<16xi32>
        %jit3A_1482 = arith.constant 1 : i32
        %jit3A_1483 = arith.constant 0 : i32
        %broadcast_in_dim3A_1484 = vector.broadcast %jit3A_1482 : i32 to vector<16xi32>
        %broadcast_in_dim3A_1485 = vector.broadcast %jit3A_1483 : i32 to vector<16xi32>
        %select_n3A_1486 = arith.select %lt3A_1481, %broadcast_in_dim3A_1484, %broadcast_in_dim3A_1485 : vector<16xi1>, vector<16xi32>
        %mul3A_1487 = arith.muli %mul3A_1478, %select_n3A_1486 : vector<16xi32>
        %min3A_1488 = arith.constant 32 : i32
        %min3A_1489 = vector.broadcast %min3A_1488 : i32 to vector<16xi32>
        %min3A_1490 = arith.minsi %add3A_1396, %min3A_1489 : vector<16xi32>
        %mul3A_1491 = arith.constant 2 : i32
        %mul3A_1492 = vector.broadcast %mul3A_1491 : i32 to vector<16xi32>
        %mul3A_1493 = arith.muli %min3A_1490, %mul3A_1492 : vector<16xi32>
        %add3A_1494 = arith.addi %mul3A_9, %mul3A_1493 : vector<16xi32>
        %mul3A_1495 = arith.muli %select_n3A_1204, %mul3A_1487 : vector<16xi32>
        tpu.vector_store_idx %arg8[%add3A_1494], %mul3A_1495 {add = true} : memref<1056xi32, #tpu.memory_space<vmem>>[vector<16xi32>], vector<16xi32>,
        %mul3A_1496 = arith.constant 2 : i32
        %mul3A_1497 = vector.broadcast %mul3A_1496 : i32 to vector<16xi32>
        %mul3A_1498 = arith.muli %min3A_1490, %mul3A_1497 : vector<16xi32>
        %add3A_1499 = arith.addi %mul3A_9, %mul3A_1498 : vector<16xi32>
        %add3A_1500 = arith.constant 1 : i32
        %add3A_1501 = vector.broadcast %add3A_1500 : i32 to vector<16xi32>
        %add3A_1502 = arith.addi %add3A_1499, %add3A_1501 : vector<16xi32>
        %mul3A_1503 = arith.muli %select_n3A_1441, %mul3A_1487 : vector<16xi32>
        tpu.vector_store_idx %arg8[%add3A_1502], %mul3A_1503 {add = true} : memref<1056xi32, #tpu.memory_space<vmem>>[vector<16xi32>], vector<16xi32>,
        %add3A_1504 = arith.addi %add3A_1396, %mul3A_1478 : vector<16xi32>
        %add3A_1505 = arith.addi %mul3A_6, %select_n3A_1441 : vector<16xi32>
        %mul3A_1506 = arith.muli %and3A_1453, %select_n3A_1204 : vector<16xi32>
        tpu.vector_store_idx %arg7[%add3A_1505], %mul3A_1506 {add = true} : memref<528xi32, #tpu.memory_space<vmem>>[vector<16xi32>], vector<16xi32>,
        %ge3A_1507 = arith.constant 32 : i32
        %ge3A_1508 = vector.broadcast %ge3A_1507 : i32 to vector<16xi32>
        %ge3A_1509 = arith.cmpi sge, %select_n3A_1441, %ge3A_1508 : vector<16xi32>
        %jit3A_1510 = arith.constant 0 : i32
        %broadcast_in_dim3A_1511 = vector.broadcast %jit3A_1510 : i32 to vector<16xi32>
        %select_n3A_1512 = arith.select %ge3A_1509, %broadcast_in_dim3A_1511, %select_n3A_1441 : vector<16xi1>, vector<16xi32>
        %shift_left3A_1513 = arith.constant 1 : i32
        %shift_left3A_1514 = vector.broadcast %shift_left3A_1513 : i32 to vector<16xi32>
        %shift_left3A_1515 = arith.shli %shift_left3A_1514, %select_n3A_1512 : vector<16xi32>
        %jit3A_1516 = arith.constant 0 : i32
        %broadcast_in_dim3A_1517 = vector.broadcast %jit3A_1516 : i32 to vector<16xi32>
        %select_n3A_1518 = arith.select %ge3A_1509, %broadcast_in_dim3A_1517, %shift_left3A_1515 : vector<16xi1>, vector<16xi32>
        %jit3A_1519 = arith.constant 1 : i32
        %jit3A_1520 = arith.constant 0 : i32
        %broadcast_in_dim3A_1521 = vector.broadcast %jit3A_1519 : i32 to vector<16xi32>
        %broadcast_in_dim3A_1522 = vector.broadcast %jit3A_1520 : i32 to vector<16xi32>
        %select_n3A_1523 = arith.select %ge3A_1509, %broadcast_in_dim3A_1521, %broadcast_in_dim3A_1522 : vector<16xi1>, vector<16xi32>
        %not3A_1524 = arith.constant dense<-1> : vector<16xi32>
        %not3A_1525 = arith.xori %select_n3A_1518, %not3A_1524 : vector<16xi32>
        %and3A_1526 = arith.andi %and3A_1418, %not3A_1525 : vector<16xi32>
        %not3A_1527 = arith.constant dense<-1> : vector<16xi32>
        %not3A_1528 = arith.xori %select_n3A_1523, %not3A_1527 : vector<16xi32>
        %and3A_1529 = arith.andi %and3A_1421, %not3A_1528 : vector<16xi32>
        %sub3A_1530 = arith.constant 1 : i32
        %sub3A_1531 = vector.broadcast %sub3A_1530 : i32 to vector<16xi32>
        %sub3A_1532 = arith.subi %select_n3A_1204, %sub3A_1531 : vector<16xi32>
        %mul3A_1533 = arith.constant 4 : i32
        %mul3A_1534 = vector.broadcast %mul3A_1533 : i32 to vector<16xi32>
        %mul3A_1535 = arith.muli %sub3A_1532, %mul3A_1534 : vector<16xi32>
        %add3A_1536 = arith.constant 3 : i32
        %add3A_1537 = vector.broadcast %add3A_1536 : i32 to vector<16xi32>
        %add3A_1538 = arith.addi %mul3A_1535, %add3A_1537 : vector<16xi32>
        %max3A_1539 = arith.constant 0 : i32
        %max3A_1540 = vector.broadcast %max3A_1539 : i32 to vector<16xi32>
        %max3A_1541 = arith.maxsi %add3A_1538, %max3A_1540 : vector<16xi32>
        %add3A_1542 = arith.addi %mul3A_3, %max3A_1541 : vector<16xi32>
        %gather3A_1543 = tpu.vector_load_idx %arg6[%add3A_1542] : memref<2048xi32, #tpu.memory_space<vmem>>[vector<16xi32>], vector<16xi32>,
        %add3A_1544 = arith.constant 1 : i32
        %add3A_1545 = vector.broadcast %add3A_1544 : i32 to vector<16xi32>
        %add3A_1546 = arith.addi %gather3A_1543, %add3A_1545 : vector<16xi32>
        %jit3A_1547 = arith.constant 0 : i32
        %broadcast_in_dim3A_1548 = vector.broadcast %jit3A_1547 : i32 to vector<16xi32>
        %select_n3A_1549 = arith.select %gt3A_1206, %add3A_1546, %broadcast_in_dim3A_1548 : vector<16xi1>, vector<16xi32>
        %ge3A_1550 = arith.constant 32 : i32
        %ge3A_1551 = vector.broadcast %ge3A_1550 : i32 to vector<16xi32>
        %ge3A_1552 = arith.cmpi sge, %select_n3A_1549, %ge3A_1551 : vector<16xi32>
        %sub3A_1553 = arith.constant 32 : i32
        %sub3A_1554 = vector.broadcast %sub3A_1553 : i32 to vector<16xi32>
        %sub3A_1555 = arith.subi %select_n3A_1549, %sub3A_1554 : vector<16xi32>
        %select_n3A_1556 = arith.select %ge3A_1552, %sub3A_1555, %select_n3A_1549 : vector<16xi1>, vector<16xi32>
        %select_n3A_1557 = arith.select %ge3A_1552, %and3A_1529, %and3A_1526 : vector<16xi1>, vector<16xi32>
        %shift_right_logical3A_1558 = arith.shrui %select_n3A_1557, %select_n3A_1556 : vector<16xi32>
        %and3A_1559 = arith.constant 1 : i32
        %and3A_1560 = vector.broadcast %and3A_1559 : i32 to vector<16xi32>
        %and3A_1561 = arith.andi %shift_right_logical3A_1558, %and3A_1560 : vector<16xi32>
        %ge3A_1562 = arith.constant 32 : i32
        %ge3A_1563 = vector.broadcast %ge3A_1562 : i32 to vector<16xi32>
        %ge3A_1564 = arith.cmpi sge, %select_n3A_1549, %ge3A_1563 : vector<16xi32>
        %sub3A_1565 = arith.constant 32 : i32
        %sub3A_1566 = vector.broadcast %sub3A_1565 : i32 to vector<16xi32>
        %sub3A_1567 = arith.subi %select_n3A_1549, %sub3A_1566 : vector<16xi32>
        %select_n3A_1568 = arith.select %ge3A_1564, %sub3A_1567, %select_n3A_1549 : vector<16xi1>, vector<16xi32>
        %select_n3A_1569 = arith.select %ge3A_1564, %scan3A_1175, %scan3A_1174 : vector<16xi1>, vector<16xi32>
        %shift_right_logical3A_1570 = arith.shrui %select_n3A_1569, %select_n3A_1568 : vector<16xi32>
        %and3A_1571 = arith.constant 1 : i32
        %and3A_1572 = vector.broadcast %and3A_1571 : i32 to vector<16xi32>
        %and3A_1573 = arith.andi %shift_right_logical3A_1570, %and3A_1572 : vector<16xi32>
        %sub3A_1574 = arith.constant 1 : i32
        %sub3A_1575 = vector.broadcast %sub3A_1574 : i32 to vector<16xi32>
        %sub3A_1576 = arith.subi %sub3A_1575, %and3A_1561 : vector<16xi32>
        %mul3A_1577 = arith.muli %sub3A_1576, %and3A_1573 : vector<16xi32>
        %ne3A_1578 = arith.constant 0 : i32
        %ne3A_1579 = vector.broadcast %ne3A_1578 : i32 to vector<16xi32>
        %ne3A_1580 = arith.cmpi ne, %select_n3A_1549, %ne3A_1579 : vector<16xi32>
        %jit3A_1581 = arith.constant 1 : i32
        %jit3A_1582 = arith.constant 0 : i32
        %broadcast_in_dim3A_1583 = vector.broadcast %jit3A_1581 : i32 to vector<16xi32>
        %broadcast_in_dim3A_1584 = vector.broadcast %jit3A_1582 : i32 to vector<16xi32>
        %select_n3A_1585 = arith.select %ne3A_1580, %broadcast_in_dim3A_1583, %broadcast_in_dim3A_1584 : vector<16xi1>, vector<16xi32>
        %mul3A_1586 = arith.muli %mul3A_1577, %select_n3A_1585 : vector<16xi32>
        %lt3A_1587 = arith.constant 33 : i32
        %lt3A_1588 = vector.broadcast %lt3A_1587 : i32 to vector<16xi32>
        %lt3A_1589 = arith.cmpi slt, %add3A_1504, %lt3A_1588 : vector<16xi32>
        %jit3A_1590 = arith.constant 1 : i32
        %jit3A_1591 = arith.constant 0 : i32
        %broadcast_in_dim3A_1592 = vector.broadcast %jit3A_1590 : i32 to vector<16xi32>
        %broadcast_in_dim3A_1593 = vector.broadcast %jit3A_1591 : i32 to vector<16xi32>
        %select_n3A_1594 = arith.select %lt3A_1589, %broadcast_in_dim3A_1592, %broadcast_in_dim3A_1593 : vector<16xi1>, vector<16xi32>
        %mul3A_1595 = arith.muli %mul3A_1586, %select_n3A_1594 : vector<16xi32>
        %min3A_1596 = arith.constant 32 : i32
        %min3A_1597 = vector.broadcast %min3A_1596 : i32 to vector<16xi32>
        %min3A_1598 = arith.minsi %add3A_1504, %min3A_1597 : vector<16xi32>
        %mul3A_1599 = arith.constant 2 : i32
        %mul3A_1600 = vector.broadcast %mul3A_1599 : i32 to vector<16xi32>
        %mul3A_1601 = arith.muli %min3A_1598, %mul3A_1600 : vector<16xi32>
        %add3A_1602 = arith.addi %mul3A_9, %mul3A_1601 : vector<16xi32>
        %mul3A_1603 = arith.muli %select_n3A_1204, %mul3A_1595 : vector<16xi32>
        tpu.vector_store_idx %arg8[%add3A_1602], %mul3A_1603 {add = true} : memref<1056xi32, #tpu.memory_space<vmem>>[vector<16xi32>], vector<16xi32>,
        %mul3A_1604 = arith.constant 2 : i32
        %mul3A_1605 = vector.broadcast %mul3A_1604 : i32 to vector<16xi32>
        %mul3A_1606 = arith.muli %min3A_1598, %mul3A_1605 : vector<16xi32>
        %add3A_1607 = arith.addi %mul3A_9, %mul3A_1606 : vector<16xi32>
        %add3A_1608 = arith.constant 1 : i32
        %add3A_1609 = vector.broadcast %add3A_1608 : i32 to vector<16xi32>
        %add3A_1610 = arith.addi %add3A_1607, %add3A_1609 : vector<16xi32>
        %mul3A_1611 = arith.muli %select_n3A_1549, %mul3A_1595 : vector<16xi32>
        tpu.vector_store_idx %arg8[%add3A_1610], %mul3A_1611 {add = true} : memref<1056xi32, #tpu.memory_space<vmem>>[vector<16xi32>], vector<16xi32>,
        %add3A_1612 = arith.addi %add3A_1504, %mul3A_1586 : vector<16xi32>
        %add3A_1613 = arith.addi %mul3A_6, %select_n3A_1549 : vector<16xi32>
        %mul3A_1614 = arith.muli %and3A_1561, %select_n3A_1204 : vector<16xi32>
        tpu.vector_store_idx %arg7[%add3A_1613], %mul3A_1614 {add = true} : memref<528xi32, #tpu.memory_space<vmem>>[vector<16xi32>], vector<16xi32>,
        %ge3A_1615 = arith.constant 32 : i32
        %ge3A_1616 = vector.broadcast %ge3A_1615 : i32 to vector<16xi32>
        %ge3A_1617 = arith.cmpi sge, %select_n3A_1549, %ge3A_1616 : vector<16xi32>
        %jit3A_1618 = arith.constant 0 : i32
        %broadcast_in_dim3A_1619 = vector.broadcast %jit3A_1618 : i32 to vector<16xi32>
        %select_n3A_1620 = arith.select %ge3A_1617, %broadcast_in_dim3A_1619, %select_n3A_1549 : vector<16xi1>, vector<16xi32>
        %shift_left3A_1621 = arith.constant 1 : i32
        %shift_left3A_1622 = vector.broadcast %shift_left3A_1621 : i32 to vector<16xi32>
        %shift_left3A_1623 = arith.shli %shift_left3A_1622, %select_n3A_1620 : vector<16xi32>
        %jit3A_1624 = arith.constant 0 : i32
        %broadcast_in_dim3A_1625 = vector.broadcast %jit3A_1624 : i32 to vector<16xi32>
        %select_n3A_1626 = arith.select %ge3A_1617, %broadcast_in_dim3A_1625, %shift_left3A_1623 : vector<16xi1>, vector<16xi32>
        %jit3A_1627 = arith.constant 1 : i32
        %jit3A_1628 = arith.constant 0 : i32
        %broadcast_in_dim3A_1629 = vector.broadcast %jit3A_1627 : i32 to vector<16xi32>
        %broadcast_in_dim3A_1630 = vector.broadcast %jit3A_1628 : i32 to vector<16xi32>
        %select_n3A_1631 = arith.select %ge3A_1617, %broadcast_in_dim3A_1629, %broadcast_in_dim3A_1630 : vector<16xi1>, vector<16xi32>
        %not3A_1632 = arith.constant dense<-1> : vector<16xi32>
        %not3A_1633 = arith.xori %select_n3A_1626, %not3A_1632 : vector<16xi32>
        %and3A_1634 = arith.andi %and3A_1526, %not3A_1633 : vector<16xi32>
        %not3A_1635 = arith.constant dense<-1> : vector<16xi32>
        %not3A_1636 = arith.xori %select_n3A_1631, %not3A_1635 : vector<16xi32>
        %and3A_1637 = arith.andi %and3A_1529, %not3A_1636 : vector<16xi32>
        %ge3A_1638 = arith.constant 32 : i32
        %ge3A_1639 = vector.broadcast %ge3A_1638 : i32 to vector<16xi32>
        %ge3A_1640 = arith.cmpi sge, %select_n3A_1204, %ge3A_1639 : vector<16xi32>
        %jit3A_1641 = arith.constant 0 : i32
        %broadcast_in_dim3A_1642 = vector.broadcast %jit3A_1641 : i32 to vector<16xi32>
        %select_n3A_1643 = arith.select %ge3A_1640, %broadcast_in_dim3A_1642, %select_n3A_1204 : vector<16xi1>, vector<16xi32>
        %shift_left3A_1644 = arith.constant 1 : i32
        %shift_left3A_1645 = vector.broadcast %shift_left3A_1644 : i32 to vector<16xi32>
        %shift_left3A_1646 = arith.shli %shift_left3A_1645, %select_n3A_1643 : vector<16xi32>
        %jit3A_1647 = arith.constant 0 : i32
        %broadcast_in_dim3A_1648 = vector.broadcast %jit3A_1647 : i32 to vector<16xi32>
        %select_n3A_1649 = arith.select %ge3A_1640, %broadcast_in_dim3A_1648, %shift_left3A_1646 : vector<16xi1>, vector<16xi32>
        %jit3A_1650 = arith.constant 1 : i32
        %jit3A_1651 = arith.constant 0 : i32
        %broadcast_in_dim3A_1652 = vector.broadcast %jit3A_1650 : i32 to vector<16xi32>
        %broadcast_in_dim3A_1653 = vector.broadcast %jit3A_1651 : i32 to vector<16xi32>
        %select_n3A_1654 = arith.select %ge3A_1640, %broadcast_in_dim3A_1652, %broadcast_in_dim3A_1653 : vector<16xi1>, vector<16xi32>
        %not3A_1655 = arith.constant dense<-1> : vector<16xi32>
        %not3A_1656 = arith.xori %select_n3A_1649, %not3A_1655 : vector<16xi32>
        %and3A_1657 = arith.andi %scan3A_1174, %not3A_1656 : vector<16xi32>
        %not3A_1658 = arith.constant dense<-1> : vector<16xi32>
        %not3A_1659 = arith.xori %select_n3A_1654, %not3A_1658 : vector<16xi32>
        %and3A_1660 = arith.andi %scan3A_1175, %not3A_1659 : vector<16xi32>
        scf.yield %and3A_1634, %and3A_1637, %and3A_1657, %and3A_1660, %add3A_1612 : vector<16xi32>, vector<16xi32>, vector<16xi32>, vector<16xi32>, vector<16xi32>
      }
      %scan3A_623 = arith.constant 32 : i32
      %add3A_624 = arith.constant 0 : i32
      %add3A_625 = vector.broadcast %add3A_624 : i32 to vector<16xi32>
      %add3A_626 = arith.addi %mul3A_9, %add3A_625 : vector<16xi32>
      %gather3A = tpu.vector_load_idx %arg8[%add3A_626] : memref<1056xi32, #tpu.memory_space<vmem>>[vector<16xi32>], vector<16xi32>,
      %add3A_627 = arith.constant 2 : i32
      %add3A_628 = vector.broadcast %add3A_627 : i32 to vector<16xi32>
      %add3A_629 = arith.addi %mul3A_9, %add3A_628 : vector<16xi32>
      %gather3A_630 = tpu.vector_load_idx %arg8[%add3A_629] : memref<1056xi32, #tpu.memory_space<vmem>>[vector<16xi32>], vector<16xi32>,
      %add3A_631 = arith.constant 4 : i32
      %add3A_632 = vector.broadcast %add3A_631 : i32 to vector<16xi32>
      %add3A_633 = arith.addi %mul3A_9, %add3A_632 : vector<16xi32>
      %gather3A_634 = tpu.vector_load_idx %arg8[%add3A_633] : memref<1056xi32, #tpu.memory_space<vmem>>[vector<16xi32>], vector<16xi32>,
      %add3A_635 = arith.constant 6 : i32
      %add3A_636 = vector.broadcast %add3A_635 : i32 to vector<16xi32>
      %add3A_637 = arith.addi %mul3A_9, %add3A_636 : vector<16xi32>
      %gather3A_638 = tpu.vector_load_idx %arg8[%add3A_637] : memref<1056xi32, #tpu.memory_space<vmem>>[vector<16xi32>], vector<16xi32>,
      %add3A_639 = arith.constant 8 : i32
      %add3A_640 = vector.broadcast %add3A_639 : i32 to vector<16xi32>
      %add3A_641 = arith.addi %mul3A_9, %add3A_640 : vector<16xi32>
      %gather3A_642 = tpu.vector_load_idx %arg8[%add3A_641] : memref<1056xi32, #tpu.memory_space<vmem>>[vector<16xi32>], vector<16xi32>,
      %add3A_643 = arith.constant 10 : i32
      %add3A_644 = vector.broadcast %add3A_643 : i32 to vector<16xi32>
      %add3A_645 = arith.addi %mul3A_9, %add3A_644 : vector<16xi32>
      %gather3A_646 = tpu.vector_load_idx %arg8[%add3A_645] : memref<1056xi32, #tpu.memory_space<vmem>>[vector<16xi32>], vector<16xi32>,
      %add3A_647 = arith.constant 0 : i32
      %add3A_648 = vector.broadcast %add3A_647 : i32 to vector<16xi32>
      %add3A_649 = arith.addi %mul3A_9, %add3A_648 : vector<16xi32>
      %add3A_650 = arith.constant 1 : i32
      %add3A_651 = vector.broadcast %add3A_650 : i32 to vector<16xi32>
      %add3A_652 = arith.addi %add3A_649, %add3A_651 : vector<16xi32>
      %gather3A_653 = tpu.vector_load_idx %arg8[%add3A_652] : memref<1056xi32, #tpu.memory_space<vmem>>[vector<16xi32>], vector<16xi32>,
      %add3A_654 = arith.constant 2 : i32
      %add3A_655 = vector.broadcast %add3A_654 : i32 to vector<16xi32>
      %add3A_656 = arith.addi %mul3A_9, %add3A_655 : vector<16xi32>
      %add3A_657 = arith.constant 1 : i32
      %add3A_658 = vector.broadcast %add3A_657 : i32 to vector<16xi32>
      %add3A_659 = arith.addi %add3A_656, %add3A_658 : vector<16xi32>
      %gather3A_660 = tpu.vector_load_idx %arg8[%add3A_659] : memref<1056xi32, #tpu.memory_space<vmem>>[vector<16xi32>], vector<16xi32>,
      %add3A_661 = arith.constant 4 : i32
      %add3A_662 = vector.broadcast %add3A_661 : i32 to vector<16xi32>
      %add3A_663 = arith.addi %mul3A_9, %add3A_662 : vector<16xi32>
      %add3A_664 = arith.constant 1 : i32
      %add3A_665 = vector.broadcast %add3A_664 : i32 to vector<16xi32>
      %add3A_666 = arith.addi %add3A_663, %add3A_665 : vector<16xi32>
      %gather3A_667 = tpu.vector_load_idx %arg8[%add3A_666] : memref<1056xi32, #tpu.memory_space<vmem>>[vector<16xi32>], vector<16xi32>,
      %add3A_668 = arith.constant 6 : i32
      %add3A_669 = vector.broadcast %add3A_668 : i32 to vector<16xi32>
      %add3A_670 = arith.addi %mul3A_9, %add3A_669 : vector<16xi32>
      %add3A_671 = arith.constant 1 : i32
      %add3A_672 = vector.broadcast %add3A_671 : i32 to vector<16xi32>
      %add3A_673 = arith.addi %add3A_670, %add3A_672 : vector<16xi32>
      %gather3A_674 = tpu.vector_load_idx %arg8[%add3A_673] : memref<1056xi32, #tpu.memory_space<vmem>>[vector<16xi32>], vector<16xi32>,
      %add3A_675 = arith.constant 8 : i32
      %add3A_676 = vector.broadcast %add3A_675 : i32 to vector<16xi32>
      %add3A_677 = arith.addi %mul3A_9, %add3A_676 : vector<16xi32>
      %add3A_678 = arith.constant 1 : i32
      %add3A_679 = vector.broadcast %add3A_678 : i32 to vector<16xi32>
      %add3A_680 = arith.addi %add3A_677, %add3A_679 : vector<16xi32>
      %gather3A_681 = tpu.vector_load_idx %arg8[%add3A_680] : memref<1056xi32, #tpu.memory_space<vmem>>[vector<16xi32>], vector<16xi32>,
      %add3A_682 = arith.constant 10 : i32
      %add3A_683 = vector.broadcast %add3A_682 : i32 to vector<16xi32>
      %add3A_684 = arith.addi %mul3A_9, %add3A_683 : vector<16xi32>
      %add3A_685 = arith.constant 1 : i32
      %add3A_686 = vector.broadcast %add3A_685 : i32 to vector<16xi32>
      %add3A_687 = arith.addi %add3A_684, %add3A_686 : vector<16xi32>
      %gather3A_688 = tpu.vector_load_idx %arg8[%add3A_687] : memref<1056xi32, #tpu.memory_space<vmem>>[vector<16xi32>], vector<16xi32>,
      %ge3A = arith.constant 32 : i32
      %ge3A_689 = vector.broadcast %ge3A : i32 to vector<16xi32>
      %ge3A_690 = arith.cmpi sge, %gather3A, %ge3A_689 : vector<16xi32>
      %jit3A = arith.constant 0 : i32
      %broadcast_in_dim3A_691 = vector.broadcast %jit3A : i32 to vector<16xi32>
      %select_n3A = arith.select %ge3A_690, %broadcast_in_dim3A_691, %gather3A : vector<16xi1>, vector<16xi32>
      %shift_left3A = arith.constant 1 : i32
      %shift_left3A_692 = vector.broadcast %shift_left3A : i32 to vector<16xi32>
      %shift_left3A_693 = arith.shli %shift_left3A_692, %select_n3A : vector<16xi32>
      %jit3A_694 = arith.constant 0 : i32
      %broadcast_in_dim3A_695 = vector.broadcast %jit3A_694 : i32 to vector<16xi32>
      %select_n3A_696 = arith.select %ge3A_690, %broadcast_in_dim3A_695, %shift_left3A_693 : vector<16xi1>, vector<16xi32>
      %jit3A_697 = arith.constant 1 : i32
      %jit3A_698 = arith.constant 0 : i32
      %broadcast_in_dim3A_699 = vector.broadcast %jit3A_697 : i32 to vector<16xi32>
      %broadcast_in_dim3A_700 = vector.broadcast %jit3A_698 : i32 to vector<16xi32>
      %select_n3A_701 = arith.select %ge3A_690, %broadcast_in_dim3A_699, %broadcast_in_dim3A_700 : vector<16xi1>, vector<16xi32>
      %or3A = arith.ori %broadcast_in_dim3A_13, %select_n3A_696 : vector<16xi32>
      %or3A_702 = arith.ori %broadcast_in_dim3A_13, %select_n3A_701 : vector<16xi32>
      %ge3A_703 = arith.constant 32 : i32
      %ge3A_704 = vector.broadcast %ge3A_703 : i32 to vector<16xi32>
      %ge3A_705 = arith.cmpi sge, %gather3A_630, %ge3A_704 : vector<16xi32>
      %jit3A_706 = arith.constant 0 : i32
      %broadcast_in_dim3A_707 = vector.broadcast %jit3A_706 : i32 to vector<16xi32>
      %select_n3A_708 = arith.select %ge3A_705, %broadcast_in_dim3A_707, %gather3A_630 : vector<16xi1>, vector<16xi32>
      %shift_left3A_709 = arith.constant 1 : i32
      %shift_left3A_710 = vector.broadcast %shift_left3A_709 : i32 to vector<16xi32>
      %shift_left3A_711 = arith.shli %shift_left3A_710, %select_n3A_708 : vector<16xi32>
      %jit3A_712 = arith.constant 0 : i32
      %broadcast_in_dim3A_713 = vector.broadcast %jit3A_712 : i32 to vector<16xi32>
      %select_n3A_714 = arith.select %ge3A_705, %broadcast_in_dim3A_713, %shift_left3A_711 : vector<16xi1>, vector<16xi32>
      %jit3A_715 = arith.constant 1 : i32
      %jit3A_716 = arith.constant 0 : i32
      %broadcast_in_dim3A_717 = vector.broadcast %jit3A_715 : i32 to vector<16xi32>
      %broadcast_in_dim3A_718 = vector.broadcast %jit3A_716 : i32 to vector<16xi32>
      %select_n3A_719 = arith.select %ge3A_705, %broadcast_in_dim3A_717, %broadcast_in_dim3A_718 : vector<16xi1>, vector<16xi32>
      %or3A_720 = arith.ori %broadcast_in_dim3A_13, %select_n3A_714 : vector<16xi32>
      %or3A_721 = arith.ori %broadcast_in_dim3A_13, %select_n3A_719 : vector<16xi32>
      %ge3A_722 = arith.constant 32 : i32
      %ge3A_723 = vector.broadcast %ge3A_722 : i32 to vector<16xi32>
      %ge3A_724 = arith.cmpi sge, %gather3A_634, %ge3A_723 : vector<16xi32>
      %jit3A_725 = arith.constant 0 : i32
      %broadcast_in_dim3A_726 = vector.broadcast %jit3A_725 : i32 to vector<16xi32>
      %select_n3A_727 = arith.select %ge3A_724, %broadcast_in_dim3A_726, %gather3A_634 : vector<16xi1>, vector<16xi32>
      %shift_left3A_728 = arith.constant 1 : i32
      %shift_left3A_729 = vector.broadcast %shift_left3A_728 : i32 to vector<16xi32>
      %shift_left3A_730 = arith.shli %shift_left3A_729, %select_n3A_727 : vector<16xi32>
      %jit3A_731 = arith.constant 0 : i32
      %broadcast_in_dim3A_732 = vector.broadcast %jit3A_731 : i32 to vector<16xi32>
      %select_n3A_733 = arith.select %ge3A_724, %broadcast_in_dim3A_732, %shift_left3A_730 : vector<16xi1>, vector<16xi32>
      %jit3A_734 = arith.constant 1 : i32
      %jit3A_735 = arith.constant 0 : i32
      %broadcast_in_dim3A_736 = vector.broadcast %jit3A_734 : i32 to vector<16xi32>
      %broadcast_in_dim3A_737 = vector.broadcast %jit3A_735 : i32 to vector<16xi32>
      %select_n3A_738 = arith.select %ge3A_724, %broadcast_in_dim3A_736, %broadcast_in_dim3A_737 : vector<16xi1>, vector<16xi32>
      %or3A_739 = arith.ori %broadcast_in_dim3A_13, %select_n3A_733 : vector<16xi32>
      %or3A_740 = arith.ori %broadcast_in_dim3A_13, %select_n3A_738 : vector<16xi32>
      %ge3A_741 = arith.constant 32 : i32
      %ge3A_742 = vector.broadcast %ge3A_741 : i32 to vector<16xi32>
      %ge3A_743 = arith.cmpi sge, %gather3A_638, %ge3A_742 : vector<16xi32>
      %jit3A_744 = arith.constant 0 : i32
      %broadcast_in_dim3A_745 = vector.broadcast %jit3A_744 : i32 to vector<16xi32>
      %select_n3A_746 = arith.select %ge3A_743, %broadcast_in_dim3A_745, %gather3A_638 : vector<16xi1>, vector<16xi32>
      %shift_left3A_747 = arith.constant 1 : i32
      %shift_left3A_748 = vector.broadcast %shift_left3A_747 : i32 to vector<16xi32>
      %shift_left3A_749 = arith.shli %shift_left3A_748, %select_n3A_746 : vector<16xi32>
      %jit3A_750 = arith.constant 0 : i32
      %broadcast_in_dim3A_751 = vector.broadcast %jit3A_750 : i32 to vector<16xi32>
      %select_n3A_752 = arith.select %ge3A_743, %broadcast_in_dim3A_751, %shift_left3A_749 : vector<16xi1>, vector<16xi32>
      %jit3A_753 = arith.constant 1 : i32
      %jit3A_754 = arith.constant 0 : i32
      %broadcast_in_dim3A_755 = vector.broadcast %jit3A_753 : i32 to vector<16xi32>
      %broadcast_in_dim3A_756 = vector.broadcast %jit3A_754 : i32 to vector<16xi32>
      %select_n3A_757 = arith.select %ge3A_743, %broadcast_in_dim3A_755, %broadcast_in_dim3A_756 : vector<16xi1>, vector<16xi32>
      %or3A_758 = arith.ori %broadcast_in_dim3A_13, %select_n3A_752 : vector<16xi32>
      %or3A_759 = arith.ori %broadcast_in_dim3A_13, %select_n3A_757 : vector<16xi32>
      %ge3A_760 = arith.constant 32 : i32
      %ge3A_761 = vector.broadcast %ge3A_760 : i32 to vector<16xi32>
      %ge3A_762 = arith.cmpi sge, %gather3A_642, %ge3A_761 : vector<16xi32>
      %jit3A_763 = arith.constant 0 : i32
      %broadcast_in_dim3A_764 = vector.broadcast %jit3A_763 : i32 to vector<16xi32>
      %select_n3A_765 = arith.select %ge3A_762, %broadcast_in_dim3A_764, %gather3A_642 : vector<16xi1>, vector<16xi32>
      %shift_left3A_766 = arith.constant 1 : i32
      %shift_left3A_767 = vector.broadcast %shift_left3A_766 : i32 to vector<16xi32>
      %shift_left3A_768 = arith.shli %shift_left3A_767, %select_n3A_765 : vector<16xi32>
      %jit3A_769 = arith.constant 0 : i32
      %broadcast_in_dim3A_770 = vector.broadcast %jit3A_769 : i32 to vector<16xi32>
      %select_n3A_771 = arith.select %ge3A_762, %broadcast_in_dim3A_770, %shift_left3A_768 : vector<16xi1>, vector<16xi32>
      %jit3A_772 = arith.constant 1 : i32
      %jit3A_773 = arith.constant 0 : i32
      %broadcast_in_dim3A_774 = vector.broadcast %jit3A_772 : i32 to vector<16xi32>
      %broadcast_in_dim3A_775 = vector.broadcast %jit3A_773 : i32 to vector<16xi32>
      %select_n3A_776 = arith.select %ge3A_762, %broadcast_in_dim3A_774, %broadcast_in_dim3A_775 : vector<16xi1>, vector<16xi32>
      %or3A_777 = arith.ori %broadcast_in_dim3A_13, %select_n3A_771 : vector<16xi32>
      %or3A_778 = arith.ori %broadcast_in_dim3A_13, %select_n3A_776 : vector<16xi32>
      %ge3A_779 = arith.constant 32 : i32
      %ge3A_780 = vector.broadcast %ge3A_779 : i32 to vector<16xi32>
      %ge3A_781 = arith.cmpi sge, %gather3A_646, %ge3A_780 : vector<16xi32>
      %jit3A_782 = arith.constant 0 : i32
      %broadcast_in_dim3A_783 = vector.broadcast %jit3A_782 : i32 to vector<16xi32>
      %select_n3A_784 = arith.select %ge3A_781, %broadcast_in_dim3A_783, %gather3A_646 : vector<16xi1>, vector<16xi32>
      %shift_left3A_785 = arith.constant 1 : i32
      %shift_left3A_786 = vector.broadcast %shift_left3A_785 : i32 to vector<16xi32>
      %shift_left3A_787 = arith.shli %shift_left3A_786, %select_n3A_784 : vector<16xi32>
      %jit3A_788 = arith.constant 0 : i32
      %broadcast_in_dim3A_789 = vector.broadcast %jit3A_788 : i32 to vector<16xi32>
      %select_n3A_790 = arith.select %ge3A_781, %broadcast_in_dim3A_789, %shift_left3A_787 : vector<16xi1>, vector<16xi32>
      %jit3A_791 = arith.constant 1 : i32
      %jit3A_792 = arith.constant 0 : i32
      %broadcast_in_dim3A_793 = vector.broadcast %jit3A_791 : i32 to vector<16xi32>
      %broadcast_in_dim3A_794 = vector.broadcast %jit3A_792 : i32 to vector<16xi32>
      %select_n3A_795 = arith.select %ge3A_781, %broadcast_in_dim3A_793, %broadcast_in_dim3A_794 : vector<16xi1>, vector<16xi32>
      %or3A_796 = arith.ori %broadcast_in_dim3A_13, %select_n3A_790 : vector<16xi32>
      %or3A_797 = arith.ori %broadcast_in_dim3A_13, %select_n3A_795 : vector<16xi32>
      %while3A = arith.constant 0 : i32
      %while3A_798:19 = scf.while (%while3A_1171 = %while3A, %while3A_1172 = %gather3A, %while3A_1173 = %gather3A_630, %while3A_1174 = %gather3A_634, %while3A_1175 = %gather3A_638, %while3A_1176 = %gather3A_642, %while3A_1177 = %gather3A_646, %while3A_1178 = %or3A, %while3A_1179 = %or3A_720, %while3A_1180 = %or3A_739, %while3A_1181 = %or3A_758, %while3A_1182 = %or3A_777, %while3A_1183 = %or3A_796, %while3A_1184 = %or3A_702, %while3A_1185 = %or3A_721, %while3A_1186 = %or3A_740, %while3A_1187 = %or3A_759, %while3A_1188 = %or3A_778, %while3A_1189 = %or3A_797) : (i32, vector<16xi32>, vector<16xi32>, vector<16xi32>, vector<16xi32>, vector<16xi32>, vector<16xi32>, vector<16xi32>, vector<16xi32>, vector<16xi32>, vector<16xi32>, vector<16xi32>, vector<16xi32>, vector<16xi32>, vector<16xi32>, vector<16xi32>, vector<16xi32>, vector<16xi32>, vector<16xi32>) -> (i32, vector<16xi32>, vector<16xi32>, vector<16xi32>, vector<16xi32>, vector<16xi32>, vector<16xi32>, vector<16xi32>, vector<16xi32>, vector<16xi32>, vector<16xi32>, vector<16xi32>, vector<16xi32>, vector<16xi32>, vector<16xi32>, vector<16xi32>, vector<16xi32>, vector<16xi32>, vector<16xi32>) {
        %or3A_1190 = arith.ori %while3A_1172, %while3A_1173 : vector<16xi32>
        %or3A_1191 = arith.ori %or3A_1190, %while3A_1174 : vector<16xi32>
        %or3A_1192 = arith.ori %or3A_1191, %while3A_1175 : vector<16xi32>
        %or3A_1193 = arith.ori %or3A_1192, %while3A_1176 : vector<16xi32>
        %or3A_1194 = arith.ori %or3A_1193, %while3A_1177 : vector<16xi32>
        %lt3A_1195 = arith.constant 32 : i32
        %lt3A_1196 = arith.cmpi slt, %while3A_1171, %lt3A_1195 : i32
        %ne3A = arith.constant 0 : i32
        %ne3A_1197 = vector.broadcast %ne3A : i32 to vector<16xi32>
        %ne3A_1198 = arith.cmpi ne, %or3A_1194, %ne3A_1197 : vector<16xi32>
        %reduce_or3A = arith.constant 1.000000e+00 : f32
        %reduce_or3A_1199 = arith.constant 0.000000e+00 : f32
        %reduce_or3A_1200 = vector.broadcast %reduce_or3A : f32 to vector<16xf32>
        %reduce_or3A_1201 = vector.broadcast %reduce_or3A_1199 : f32 to vector<16xf32>
        %reduce_or3A_1202 = arith.select %ne3A_1198, %reduce_or3A_1200, %reduce_or3A_1201 : vector<16xi1>, vector<16xf32>
        %reduce_or3A_1203 = arith.constant true
        %reduce_or3A_1204 = vector.broadcast %reduce_or3A_1203 : i1 to vector<16xi1>
        %reduce_or3A_1205 = tpu.scan <max>, %reduce_or3A_1202 masked %reduce_or3A_1204 : vector<16xf32>, vector<16xi1> -> vector<16xf32>
        %reduce_or3A_1206 = vector.extract %reduce_or3A_1205[15] : f32 from vector<16xf32>
        %reduce_or3A_1207 = arith.constant 0.000000e+00 : f32
        %reduce_or3A_1208 = arith.cmpf ogt, %reduce_or3A_1206, %reduce_or3A_1207 : f32
        %and3A = arith.andi %lt3A_1196, %reduce_or3A_1208 : i1
        scf.condition(%and3A) %while3A_1171, %while3A_1172, %while3A_1173, %while3A_1174, %while3A_1175, %while3A_1176, %while3A_1177, %while3A_1178, %while3A_1179, %while3A_1180, %while3A_1181, %while3A_1182, %while3A_1183, %while3A_1184, %while3A_1185, %while3A_1186, %while3A_1187, %while3A_1188, %while3A_1189 : i32, vector<16xi32>, vector<16xi32>, vector<16xi32>, vector<16xi32>, vector<16xi32>, vector<16xi32>, vector<16xi32>, vector<16xi32>, vector<16xi32>, vector<16xi32>, vector<16xi32>, vector<16xi32>, vector<16xi32>, vector<16xi32>, vector<16xi32>, vector<16xi32>, vector<16xi32>, vector<16xi32>
      } do {
      ^bb0(%while3A_1171: i32, %while3A_1172: vector<16xi32>, %while3A_1173: vector<16xi32>, %while3A_1174: vector<16xi32>, %while3A_1175: vector<16xi32>, %while3A_1176: vector<16xi32>, %while3A_1177: vector<16xi32>, %while3A_1178: vector<16xi32>, %while3A_1179: vector<16xi32>, %while3A_1180: vector<16xi32>, %while3A_1181: vector<16xi32>, %while3A_1182: vector<16xi32>, %while3A_1183: vector<16xi32>, %while3A_1184: vector<16xi32>, %while3A_1185: vector<16xi32>, %while3A_1186: vector<16xi32>, %while3A_1187: vector<16xi32>, %while3A_1188: vector<16xi32>, %while3A_1189: vector<16xi32>):
        %add3A_1190 = arith.addi %mul3A_6, %while3A_1172 : vector<16xi32>
        %gather3A_1191 = tpu.vector_load_idx %arg7[%add3A_1190] : memref<528xi32, #tpu.memory_space<vmem>>[vector<16xi32>], vector<16xi32>,
        %ge3A_1192 = arith.constant 32 : i32
        %ge3A_1193 = vector.broadcast %ge3A_1192 : i32 to vector<16xi32>
        %ge3A_1194 = arith.cmpi sge, %gather3A_1191, %ge3A_1193 : vector<16xi32>
        %jit3A_1195 = arith.constant 0 : i32
        %broadcast_in_dim3A_1196 = vector.broadcast %jit3A_1195 : i32 to vector<16xi32>
        %select_n3A_1197 = arith.select %ge3A_1194, %broadcast_in_dim3A_1196, %gather3A_1191 : vector<16xi1>, vector<16xi32>
        %shift_left3A_1198 = arith.constant 1 : i32
        %shift_left3A_1199 = vector.broadcast %shift_left3A_1198 : i32 to vector<16xi32>
        %shift_left3A_1200 = arith.shli %shift_left3A_1199, %select_n3A_1197 : vector<16xi32>
        %jit3A_1201 = arith.constant 0 : i32
        %broadcast_in_dim3A_1202 = vector.broadcast %jit3A_1201 : i32 to vector<16xi32>
        %select_n3A_1203 = arith.select %ge3A_1194, %broadcast_in_dim3A_1202, %shift_left3A_1200 : vector<16xi1>, vector<16xi32>
        %jit3A_1204 = arith.constant 1 : i32
        %jit3A_1205 = arith.constant 0 : i32
        %broadcast_in_dim3A_1206 = vector.broadcast %jit3A_1204 : i32 to vector<16xi32>
        %broadcast_in_dim3A_1207 = vector.broadcast %jit3A_1205 : i32 to vector<16xi32>
        %select_n3A_1208 = arith.select %ge3A_1194, %broadcast_in_dim3A_1206, %broadcast_in_dim3A_1207 : vector<16xi1>, vector<16xi32>
        %or3A_1209 = arith.ori %while3A_1178, %select_n3A_1203 : vector<16xi32>
        %or3A_1210 = arith.ori %while3A_1184, %select_n3A_1208 : vector<16xi32>
        %add3A_1211 = arith.addi %mul3A_6, %while3A_1173 : vector<16xi32>
        %gather3A_1212 = tpu.vector_load_idx %arg7[%add3A_1211] : memref<528xi32, #tpu.memory_space<vmem>>[vector<16xi32>], vector<16xi32>,
        %ge3A_1213 = arith.constant 32 : i32
        %ge3A_1214 = vector.broadcast %ge3A_1213 : i32 to vector<16xi32>
        %ge3A_1215 = arith.cmpi sge, %gather3A_1212, %ge3A_1214 : vector<16xi32>
        %jit3A_1216 = arith.constant 0 : i32
        %broadcast_in_dim3A_1217 = vector.broadcast %jit3A_1216 : i32 to vector<16xi32>
        %select_n3A_1218 = arith.select %ge3A_1215, %broadcast_in_dim3A_1217, %gather3A_1212 : vector<16xi1>, vector<16xi32>
        %shift_left3A_1219 = arith.constant 1 : i32
        %shift_left3A_1220 = vector.broadcast %shift_left3A_1219 : i32 to vector<16xi32>
        %shift_left3A_1221 = arith.shli %shift_left3A_1220, %select_n3A_1218 : vector<16xi32>
        %jit3A_1222 = arith.constant 0 : i32
        %broadcast_in_dim3A_1223 = vector.broadcast %jit3A_1222 : i32 to vector<16xi32>
        %select_n3A_1224 = arith.select %ge3A_1215, %broadcast_in_dim3A_1223, %shift_left3A_1221 : vector<16xi1>, vector<16xi32>
        %jit3A_1225 = arith.constant 1 : i32
        %jit3A_1226 = arith.constant 0 : i32
        %broadcast_in_dim3A_1227 = vector.broadcast %jit3A_1225 : i32 to vector<16xi32>
        %broadcast_in_dim3A_1228 = vector.broadcast %jit3A_1226 : i32 to vector<16xi32>
        %select_n3A_1229 = arith.select %ge3A_1215, %broadcast_in_dim3A_1227, %broadcast_in_dim3A_1228 : vector<16xi1>, vector<16xi32>
        %or3A_1230 = arith.ori %while3A_1179, %select_n3A_1224 : vector<16xi32>
        %or3A_1231 = arith.ori %while3A_1185, %select_n3A_1229 : vector<16xi32>
        %add3A_1232 = arith.addi %mul3A_6, %while3A_1174 : vector<16xi32>
        %gather3A_1233 = tpu.vector_load_idx %arg7[%add3A_1232] : memref<528xi32, #tpu.memory_space<vmem>>[vector<16xi32>], vector<16xi32>,
        %ge3A_1234 = arith.constant 32 : i32
        %ge3A_1235 = vector.broadcast %ge3A_1234 : i32 to vector<16xi32>
        %ge3A_1236 = arith.cmpi sge, %gather3A_1233, %ge3A_1235 : vector<16xi32>
        %jit3A_1237 = arith.constant 0 : i32
        %broadcast_in_dim3A_1238 = vector.broadcast %jit3A_1237 : i32 to vector<16xi32>
        %select_n3A_1239 = arith.select %ge3A_1236, %broadcast_in_dim3A_1238, %gather3A_1233 : vector<16xi1>, vector<16xi32>
        %shift_left3A_1240 = arith.constant 1 : i32
        %shift_left3A_1241 = vector.broadcast %shift_left3A_1240 : i32 to vector<16xi32>
        %shift_left3A_1242 = arith.shli %shift_left3A_1241, %select_n3A_1239 : vector<16xi32>
        %jit3A_1243 = arith.constant 0 : i32
        %broadcast_in_dim3A_1244 = vector.broadcast %jit3A_1243 : i32 to vector<16xi32>
        %select_n3A_1245 = arith.select %ge3A_1236, %broadcast_in_dim3A_1244, %shift_left3A_1242 : vector<16xi1>, vector<16xi32>
        %jit3A_1246 = arith.constant 1 : i32
        %jit3A_1247 = arith.constant 0 : i32
        %broadcast_in_dim3A_1248 = vector.broadcast %jit3A_1246 : i32 to vector<16xi32>
        %broadcast_in_dim3A_1249 = vector.broadcast %jit3A_1247 : i32 to vector<16xi32>
        %select_n3A_1250 = arith.select %ge3A_1236, %broadcast_in_dim3A_1248, %broadcast_in_dim3A_1249 : vector<16xi1>, vector<16xi32>
        %or3A_1251 = arith.ori %while3A_1180, %select_n3A_1245 : vector<16xi32>
        %or3A_1252 = arith.ori %while3A_1186, %select_n3A_1250 : vector<16xi32>
        %add3A_1253 = arith.addi %mul3A_6, %while3A_1175 : vector<16xi32>
        %gather3A_1254 = tpu.vector_load_idx %arg7[%add3A_1253] : memref<528xi32, #tpu.memory_space<vmem>>[vector<16xi32>], vector<16xi32>,
        %ge3A_1255 = arith.constant 32 : i32
        %ge3A_1256 = vector.broadcast %ge3A_1255 : i32 to vector<16xi32>
        %ge3A_1257 = arith.cmpi sge, %gather3A_1254, %ge3A_1256 : vector<16xi32>
        %jit3A_1258 = arith.constant 0 : i32
        %broadcast_in_dim3A_1259 = vector.broadcast %jit3A_1258 : i32 to vector<16xi32>
        %select_n3A_1260 = arith.select %ge3A_1257, %broadcast_in_dim3A_1259, %gather3A_1254 : vector<16xi1>, vector<16xi32>
        %shift_left3A_1261 = arith.constant 1 : i32
        %shift_left3A_1262 = vector.broadcast %shift_left3A_1261 : i32 to vector<16xi32>
        %shift_left3A_1263 = arith.shli %shift_left3A_1262, %select_n3A_1260 : vector<16xi32>
        %jit3A_1264 = arith.constant 0 : i32
        %broadcast_in_dim3A_1265 = vector.broadcast %jit3A_1264 : i32 to vector<16xi32>
        %select_n3A_1266 = arith.select %ge3A_1257, %broadcast_in_dim3A_1265, %shift_left3A_1263 : vector<16xi1>, vector<16xi32>
        %jit3A_1267 = arith.constant 1 : i32
        %jit3A_1268 = arith.constant 0 : i32
        %broadcast_in_dim3A_1269 = vector.broadcast %jit3A_1267 : i32 to vector<16xi32>
        %broadcast_in_dim3A_1270 = vector.broadcast %jit3A_1268 : i32 to vector<16xi32>
        %select_n3A_1271 = arith.select %ge3A_1257, %broadcast_in_dim3A_1269, %broadcast_in_dim3A_1270 : vector<16xi1>, vector<16xi32>
        %or3A_1272 = arith.ori %while3A_1181, %select_n3A_1266 : vector<16xi32>
        %or3A_1273 = arith.ori %while3A_1187, %select_n3A_1271 : vector<16xi32>
        %add3A_1274 = arith.addi %mul3A_6, %while3A_1176 : vector<16xi32>
        %gather3A_1275 = tpu.vector_load_idx %arg7[%add3A_1274] : memref<528xi32, #tpu.memory_space<vmem>>[vector<16xi32>], vector<16xi32>,
        %ge3A_1276 = arith.constant 32 : i32
        %ge3A_1277 = vector.broadcast %ge3A_1276 : i32 to vector<16xi32>
        %ge3A_1278 = arith.cmpi sge, %gather3A_1275, %ge3A_1277 : vector<16xi32>
        %jit3A_1279 = arith.constant 0 : i32
        %broadcast_in_dim3A_1280 = vector.broadcast %jit3A_1279 : i32 to vector<16xi32>
        %select_n3A_1281 = arith.select %ge3A_1278, %broadcast_in_dim3A_1280, %gather3A_1275 : vector<16xi1>, vector<16xi32>
        %shift_left3A_1282 = arith.constant 1 : i32
        %shift_left3A_1283 = vector.broadcast %shift_left3A_1282 : i32 to vector<16xi32>
        %shift_left3A_1284 = arith.shli %shift_left3A_1283, %select_n3A_1281 : vector<16xi32>
        %jit3A_1285 = arith.constant 0 : i32
        %broadcast_in_dim3A_1286 = vector.broadcast %jit3A_1285 : i32 to vector<16xi32>
        %select_n3A_1287 = arith.select %ge3A_1278, %broadcast_in_dim3A_1286, %shift_left3A_1284 : vector<16xi1>, vector<16xi32>
        %jit3A_1288 = arith.constant 1 : i32
        %jit3A_1289 = arith.constant 0 : i32
        %broadcast_in_dim3A_1290 = vector.broadcast %jit3A_1288 : i32 to vector<16xi32>
        %broadcast_in_dim3A_1291 = vector.broadcast %jit3A_1289 : i32 to vector<16xi32>
        %select_n3A_1292 = arith.select %ge3A_1278, %broadcast_in_dim3A_1290, %broadcast_in_dim3A_1291 : vector<16xi1>, vector<16xi32>
        %or3A_1293 = arith.ori %while3A_1182, %select_n3A_1287 : vector<16xi32>
        %or3A_1294 = arith.ori %while3A_1188, %select_n3A_1292 : vector<16xi32>
        %add3A_1295 = arith.addi %mul3A_6, %while3A_1177 : vector<16xi32>
        %gather3A_1296 = tpu.vector_load_idx %arg7[%add3A_1295] : memref<528xi32, #tpu.memory_space<vmem>>[vector<16xi32>], vector<16xi32>,
        %ge3A_1297 = arith.constant 32 : i32
        %ge3A_1298 = vector.broadcast %ge3A_1297 : i32 to vector<16xi32>
        %ge3A_1299 = arith.cmpi sge, %gather3A_1296, %ge3A_1298 : vector<16xi32>
        %jit3A_1300 = arith.constant 0 : i32
        %broadcast_in_dim3A_1301 = vector.broadcast %jit3A_1300 : i32 to vector<16xi32>
        %select_n3A_1302 = arith.select %ge3A_1299, %broadcast_in_dim3A_1301, %gather3A_1296 : vector<16xi1>, vector<16xi32>
        %shift_left3A_1303 = arith.constant 1 : i32
        %shift_left3A_1304 = vector.broadcast %shift_left3A_1303 : i32 to vector<16xi32>
        %shift_left3A_1305 = arith.shli %shift_left3A_1304, %select_n3A_1302 : vector<16xi32>
        %jit3A_1306 = arith.constant 0 : i32
        %broadcast_in_dim3A_1307 = vector.broadcast %jit3A_1306 : i32 to vector<16xi32>
        %select_n3A_1308 = arith.select %ge3A_1299, %broadcast_in_dim3A_1307, %shift_left3A_1305 : vector<16xi1>, vector<16xi32>
        %jit3A_1309 = arith.constant 1 : i32
        %jit3A_1310 = arith.constant 0 : i32
        %broadcast_in_dim3A_1311 = vector.broadcast %jit3A_1309 : i32 to vector<16xi32>
        %broadcast_in_dim3A_1312 = vector.broadcast %jit3A_1310 : i32 to vector<16xi32>
        %select_n3A_1313 = arith.select %ge3A_1299, %broadcast_in_dim3A_1311, %broadcast_in_dim3A_1312 : vector<16xi1>, vector<16xi32>
        %or3A_1314 = arith.ori %while3A_1183, %select_n3A_1308 : vector<16xi32>
        %or3A_1315 = arith.ori %while3A_1189, %select_n3A_1313 : vector<16xi32>
        %add3A_1316 = arith.constant 1 : i32
        %add3A_1317 = arith.addi %while3A_1171, %add3A_1316 : i32
        scf.yield %add3A_1317, %gather3A_1191, %gather3A_1212, %gather3A_1233, %gather3A_1254, %gather3A_1275, %gather3A_1296, %or3A_1209, %or3A_1230, %or3A_1251, %or3A_1272, %or3A_1293, %or3A_1314, %or3A_1210, %or3A_1231, %or3A_1252, %or3A_1273, %or3A_1294, %or3A_1315 : i32, vector<16xi32>, vector<16xi32>, vector<16xi32>, vector<16xi32>, vector<16xi32>, vector<16xi32>, vector<16xi32>, vector<16xi32>, vector<16xi32>, vector<16xi32>, vector<16xi32>, vector<16xi32>, vector<16xi32>, vector<16xi32>, vector<16xi32>, vector<16xi32>, vector<16xi32>, vector<16xi32>
      }
      %ge3A_799 = arith.constant 32 : i32
      %ge3A_800 = vector.broadcast %ge3A_799 : i32 to vector<16xi32>
      %ge3A_801 = arith.cmpi sge, %gather3A_653, %ge3A_800 : vector<16xi32>
      %jit3A_802 = arith.constant 0 : i32
      %broadcast_in_dim3A_803 = vector.broadcast %jit3A_802 : i32 to vector<16xi32>
      %select_n3A_804 = arith.select %ge3A_801, %broadcast_in_dim3A_803, %gather3A_653 : vector<16xi1>, vector<16xi32>
      %shift_left3A_805 = arith.constant 1 : i32
      %shift_left3A_806 = vector.broadcast %shift_left3A_805 : i32 to vector<16xi32>
      %shift_left3A_807 = arith.shli %shift_left3A_806, %select_n3A_804 : vector<16xi32>
      %jit3A_808 = arith.constant 0 : i32
      %broadcast_in_dim3A_809 = vector.broadcast %jit3A_808 : i32 to vector<16xi32>
      %select_n3A_810 = arith.select %ge3A_801, %broadcast_in_dim3A_809, %shift_left3A_807 : vector<16xi1>, vector<16xi32>
      %jit3A_811 = arith.constant 1 : i32
      %jit3A_812 = arith.constant 0 : i32
      %broadcast_in_dim3A_813 = vector.broadcast %jit3A_811 : i32 to vector<16xi32>
      %broadcast_in_dim3A_814 = vector.broadcast %jit3A_812 : i32 to vector<16xi32>
      %select_n3A_815 = arith.select %ge3A_801, %broadcast_in_dim3A_813, %broadcast_in_dim3A_814 : vector<16xi1>, vector<16xi32>
      %or3A_816 = arith.ori %broadcast_in_dim3A_13, %select_n3A_810 : vector<16xi32>
      %or3A_817 = arith.ori %broadcast_in_dim3A_13, %select_n3A_815 : vector<16xi32>
      %ge3A_818 = arith.constant 32 : i32
      %ge3A_819 = vector.broadcast %ge3A_818 : i32 to vector<16xi32>
      %ge3A_820 = arith.cmpi sge, %gather3A_660, %ge3A_819 : vector<16xi32>
      %jit3A_821 = arith.constant 0 : i32
      %broadcast_in_dim3A_822 = vector.broadcast %jit3A_821 : i32 to vector<16xi32>
      %select_n3A_823 = arith.select %ge3A_820, %broadcast_in_dim3A_822, %gather3A_660 : vector<16xi1>, vector<16xi32>
      %shift_left3A_824 = arith.constant 1 : i32
      %shift_left3A_825 = vector.broadcast %shift_left3A_824 : i32 to vector<16xi32>
      %shift_left3A_826 = arith.shli %shift_left3A_825, %select_n3A_823 : vector<16xi32>
      %jit3A_827 = arith.constant 0 : i32
      %broadcast_in_dim3A_828 = vector.broadcast %jit3A_827 : i32 to vector<16xi32>
      %select_n3A_829 = arith.select %ge3A_820, %broadcast_in_dim3A_828, %shift_left3A_826 : vector<16xi1>, vector<16xi32>
      %jit3A_830 = arith.constant 1 : i32
      %jit3A_831 = arith.constant 0 : i32
      %broadcast_in_dim3A_832 = vector.broadcast %jit3A_830 : i32 to vector<16xi32>
      %broadcast_in_dim3A_833 = vector.broadcast %jit3A_831 : i32 to vector<16xi32>
      %select_n3A_834 = arith.select %ge3A_820, %broadcast_in_dim3A_832, %broadcast_in_dim3A_833 : vector<16xi1>, vector<16xi32>
      %or3A_835 = arith.ori %broadcast_in_dim3A_13, %select_n3A_829 : vector<16xi32>
      %or3A_836 = arith.ori %broadcast_in_dim3A_13, %select_n3A_834 : vector<16xi32>
      %ge3A_837 = arith.constant 32 : i32
      %ge3A_838 = vector.broadcast %ge3A_837 : i32 to vector<16xi32>
      %ge3A_839 = arith.cmpi sge, %gather3A_667, %ge3A_838 : vector<16xi32>
      %jit3A_840 = arith.constant 0 : i32
      %broadcast_in_dim3A_841 = vector.broadcast %jit3A_840 : i32 to vector<16xi32>
      %select_n3A_842 = arith.select %ge3A_839, %broadcast_in_dim3A_841, %gather3A_667 : vector<16xi1>, vector<16xi32>
      %shift_left3A_843 = arith.constant 1 : i32
      %shift_left3A_844 = vector.broadcast %shift_left3A_843 : i32 to vector<16xi32>
      %shift_left3A_845 = arith.shli %shift_left3A_844, %select_n3A_842 : vector<16xi32>
      %jit3A_846 = arith.constant 0 : i32
      %broadcast_in_dim3A_847 = vector.broadcast %jit3A_846 : i32 to vector<16xi32>
      %select_n3A_848 = arith.select %ge3A_839, %broadcast_in_dim3A_847, %shift_left3A_845 : vector<16xi1>, vector<16xi32>
      %jit3A_849 = arith.constant 1 : i32
      %jit3A_850 = arith.constant 0 : i32
      %broadcast_in_dim3A_851 = vector.broadcast %jit3A_849 : i32 to vector<16xi32>
      %broadcast_in_dim3A_852 = vector.broadcast %jit3A_850 : i32 to vector<16xi32>
      %select_n3A_853 = arith.select %ge3A_839, %broadcast_in_dim3A_851, %broadcast_in_dim3A_852 : vector<16xi1>, vector<16xi32>
      %or3A_854 = arith.ori %broadcast_in_dim3A_13, %select_n3A_848 : vector<16xi32>
      %or3A_855 = arith.ori %broadcast_in_dim3A_13, %select_n3A_853 : vector<16xi32>
      %ge3A_856 = arith.constant 32 : i32
      %ge3A_857 = vector.broadcast %ge3A_856 : i32 to vector<16xi32>
      %ge3A_858 = arith.cmpi sge, %gather3A_674, %ge3A_857 : vector<16xi32>
      %jit3A_859 = arith.constant 0 : i32
      %broadcast_in_dim3A_860 = vector.broadcast %jit3A_859 : i32 to vector<16xi32>
      %select_n3A_861 = arith.select %ge3A_858, %broadcast_in_dim3A_860, %gather3A_674 : vector<16xi1>, vector<16xi32>
      %shift_left3A_862 = arith.constant 1 : i32
      %shift_left3A_863 = vector.broadcast %shift_left3A_862 : i32 to vector<16xi32>
      %shift_left3A_864 = arith.shli %shift_left3A_863, %select_n3A_861 : vector<16xi32>
      %jit3A_865 = arith.constant 0 : i32
      %broadcast_in_dim3A_866 = vector.broadcast %jit3A_865 : i32 to vector<16xi32>
      %select_n3A_867 = arith.select %ge3A_858, %broadcast_in_dim3A_866, %shift_left3A_864 : vector<16xi1>, vector<16xi32>
      %jit3A_868 = arith.constant 1 : i32
      %jit3A_869 = arith.constant 0 : i32
      %broadcast_in_dim3A_870 = vector.broadcast %jit3A_868 : i32 to vector<16xi32>
      %broadcast_in_dim3A_871 = vector.broadcast %jit3A_869 : i32 to vector<16xi32>
      %select_n3A_872 = arith.select %ge3A_858, %broadcast_in_dim3A_870, %broadcast_in_dim3A_871 : vector<16xi1>, vector<16xi32>
      %or3A_873 = arith.ori %broadcast_in_dim3A_13, %select_n3A_867 : vector<16xi32>
      %or3A_874 = arith.ori %broadcast_in_dim3A_13, %select_n3A_872 : vector<16xi32>
      %ge3A_875 = arith.constant 32 : i32
      %ge3A_876 = vector.broadcast %ge3A_875 : i32 to vector<16xi32>
      %ge3A_877 = arith.cmpi sge, %gather3A_681, %ge3A_876 : vector<16xi32>
      %jit3A_878 = arith.constant 0 : i32
      %broadcast_in_dim3A_879 = vector.broadcast %jit3A_878 : i32 to vector<16xi32>
      %select_n3A_880 = arith.select %ge3A_877, %broadcast_in_dim3A_879, %gather3A_681 : vector<16xi1>, vector<16xi32>
      %shift_left3A_881 = arith.constant 1 : i32
      %shift_left3A_882 = vector.broadcast %shift_left3A_881 : i32 to vector<16xi32>
      %shift_left3A_883 = arith.shli %shift_left3A_882, %select_n3A_880 : vector<16xi32>
      %jit3A_884 = arith.constant 0 : i32
      %broadcast_in_dim3A_885 = vector.broadcast %jit3A_884 : i32 to vector<16xi32>
      %select_n3A_886 = arith.select %ge3A_877, %broadcast_in_dim3A_885, %shift_left3A_883 : vector<16xi1>, vector<16xi32>
      %jit3A_887 = arith.constant 1 : i32
      %jit3A_888 = arith.constant 0 : i32
      %broadcast_in_dim3A_889 = vector.broadcast %jit3A_887 : i32 to vector<16xi32>
      %broadcast_in_dim3A_890 = vector.broadcast %jit3A_888 : i32 to vector<16xi32>
      %select_n3A_891 = arith.select %ge3A_877, %broadcast_in_dim3A_889, %broadcast_in_dim3A_890 : vector<16xi1>, vector<16xi32>
      %or3A_892 = arith.ori %broadcast_in_dim3A_13, %select_n3A_886 : vector<16xi32>
      %or3A_893 = arith.ori %broadcast_in_dim3A_13, %select_n3A_891 : vector<16xi32>
      %ge3A_894 = arith.constant 32 : i32
      %ge3A_895 = vector.broadcast %ge3A_894 : i32 to vector<16xi32>
      %ge3A_896 = arith.cmpi sge, %gather3A_688, %ge3A_895 : vector<16xi32>
      %jit3A_897 = arith.constant 0 : i32
      %broadcast_in_dim3A_898 = vector.broadcast %jit3A_897 : i32 to vector<16xi32>
      %select_n3A_899 = arith.select %ge3A_896, %broadcast_in_dim3A_898, %gather3A_688 : vector<16xi1>, vector<16xi32>
      %shift_left3A_900 = arith.constant 1 : i32
      %shift_left3A_901 = vector.broadcast %shift_left3A_900 : i32 to vector<16xi32>
      %shift_left3A_902 = arith.shli %shift_left3A_901, %select_n3A_899 : vector<16xi32>
      %jit3A_903 = arith.constant 0 : i32
      %broadcast_in_dim3A_904 = vector.broadcast %jit3A_903 : i32 to vector<16xi32>
      %select_n3A_905 = arith.select %ge3A_896, %broadcast_in_dim3A_904, %shift_left3A_902 : vector<16xi1>, vector<16xi32>
      %jit3A_906 = arith.constant 1 : i32
      %jit3A_907 = arith.constant 0 : i32
      %broadcast_in_dim3A_908 = vector.broadcast %jit3A_906 : i32 to vector<16xi32>
      %broadcast_in_dim3A_909 = vector.broadcast %jit3A_907 : i32 to vector<16xi32>
      %select_n3A_910 = arith.select %ge3A_896, %broadcast_in_dim3A_908, %broadcast_in_dim3A_909 : vector<16xi1>, vector<16xi32>
      %or3A_911 = arith.ori %broadcast_in_dim3A_13, %select_n3A_905 : vector<16xi32>
      %or3A_912 = arith.ori %broadcast_in_dim3A_13, %select_n3A_910 : vector<16xi32>
      %add3A_913 = arith.constant 0 : i32
      %add3A_914 = vector.broadcast %add3A_913 : i32 to vector<16xi32>
      %add3A_915 = arith.addi %mul3A_12, %add3A_914 : vector<16xi32>
      tpu.vector_store_idx %arg9[%add3A_915], %gather3A_653 {add = true} : memref<3072xi32, #tpu.memory_space<vmem>>[vector<16xi32>], vector<16xi32>,
      %add3A_916 = arith.constant 32 : i32
      %add3A_917 = vector.broadcast %add3A_916 : i32 to vector<16xi32>
      %add3A_918 = arith.addi %mul3A_12, %add3A_917 : vector<16xi32>
      tpu.vector_store_idx %arg9[%add3A_918], %gather3A_660 {add = true} : memref<3072xi32, #tpu.memory_space<vmem>>[vector<16xi32>], vector<16xi32>,
      %add3A_919 = arith.constant 64 : i32
      %add3A_920 = vector.broadcast %add3A_919 : i32 to vector<16xi32>
      %add3A_921 = arith.addi %mul3A_12, %add3A_920 : vector<16xi32>
      tpu.vector_store_idx %arg9[%add3A_921], %gather3A_667 {add = true} : memref<3072xi32, #tpu.memory_space<vmem>>[vector<16xi32>], vector<16xi32>,
      %add3A_922 = arith.constant 96 : i32
      %add3A_923 = vector.broadcast %add3A_922 : i32 to vector<16xi32>
      %add3A_924 = arith.addi %mul3A_12, %add3A_923 : vector<16xi32>
      tpu.vector_store_idx %arg9[%add3A_924], %gather3A_674 {add = true} : memref<3072xi32, #tpu.memory_space<vmem>>[vector<16xi32>], vector<16xi32>,
      %add3A_925 = arith.constant 128 : i32
      %add3A_926 = vector.broadcast %add3A_925 : i32 to vector<16xi32>
      %add3A_927 = arith.addi %mul3A_12, %add3A_926 : vector<16xi32>
      tpu.vector_store_idx %arg9[%add3A_927], %gather3A_681 {add = true} : memref<3072xi32, #tpu.memory_space<vmem>>[vector<16xi32>], vector<16xi32>,
      %add3A_928 = arith.constant 160 : i32
      %add3A_929 = vector.broadcast %add3A_928 : i32 to vector<16xi32>
      %add3A_930 = arith.addi %mul3A_12, %add3A_929 : vector<16xi32>
      tpu.vector_store_idx %arg9[%add3A_930], %gather3A_688 {add = true} : memref<3072xi32, #tpu.memory_space<vmem>>[vector<16xi32>], vector<16xi32>,
      %while3A_931 = arith.constant 0 : i32
      %while3A_932:25 = scf.while (%while3A_1171 = %while3A_931, %while3A_1172 = %gather3A_653, %while3A_1173 = %gather3A_660, %while3A_1174 = %gather3A_667, %while3A_1175 = %gather3A_674, %while3A_1176 = %gather3A_681, %while3A_1177 = %gather3A_688, %while3A_1178 = %or3A_816, %while3A_1179 = %or3A_835, %while3A_1180 = %or3A_854, %while3A_1181 = %or3A_873, %while3A_1182 = %or3A_892, %while3A_1183 = %or3A_911, %while3A_1184 = %or3A_817, %while3A_1185 = %or3A_836, %while3A_1186 = %or3A_855, %while3A_1187 = %or3A_874, %while3A_1188 = %or3A_893, %while3A_1189 = %or3A_912, %while3A_1190 = %broadcast_in_dim3A_13, %while3A_1191 = %broadcast_in_dim3A_13, %while3A_1192 = %broadcast_in_dim3A_13, %while3A_1193 = %broadcast_in_dim3A_13, %while3A_1194 = %broadcast_in_dim3A_13, %while3A_1195 = %broadcast_in_dim3A_13) : (i32, vector<16xi32>, vector<16xi32>, vector<16xi32>, vector<16xi32>, vector<16xi32>, vector<16xi32>, vector<16xi32>, vector<16xi32>, vector<16xi32>, vector<16xi32>, vector<16xi32>, vector<16xi32>, vector<16xi32>, vector<16xi32>, vector<16xi32>, vector<16xi32>, vector<16xi32>, vector<16xi32>, vector<16xi32>, vector<16xi32>, vector<16xi32>, vector<16xi32>, vector<16xi32>, vector<16xi32>) -> (i32, vector<16xi32>, vector<16xi32>, vector<16xi32>, vector<16xi32>, vector<16xi32>, vector<16xi32>, vector<16xi32>, vector<16xi32>, vector<16xi32>, vector<16xi32>, vector<16xi32>, vector<16xi32>, vector<16xi32>, vector<16xi32>, vector<16xi32>, vector<16xi32>, vector<16xi32>, vector<16xi32>, vector<16xi32>, vector<16xi32>, vector<16xi32>, vector<16xi32>, vector<16xi32>, vector<16xi32>) {
        %or3A_1196 = arith.ori %while3A_1172, %while3A_1173 : vector<16xi32>
        %or3A_1197 = arith.ori %or3A_1196, %while3A_1174 : vector<16xi32>
        %or3A_1198 = arith.ori %or3A_1197, %while3A_1175 : vector<16xi32>
        %or3A_1199 = arith.ori %or3A_1198, %while3A_1176 : vector<16xi32>
        %or3A_1200 = arith.ori %or3A_1199, %while3A_1177 : vector<16xi32>
        %lt3A_1201 = arith.constant 32 : i32
        %lt3A_1202 = arith.cmpi slt, %while3A_1171, %lt3A_1201 : i32
        %ne3A = arith.constant 0 : i32
        %ne3A_1203 = vector.broadcast %ne3A : i32 to vector<16xi32>
        %ne3A_1204 = arith.cmpi ne, %or3A_1200, %ne3A_1203 : vector<16xi32>
        %reduce_or3A = arith.constant 1.000000e+00 : f32
        %reduce_or3A_1205 = arith.constant 0.000000e+00 : f32
        %reduce_or3A_1206 = vector.broadcast %reduce_or3A : f32 to vector<16xf32>
        %reduce_or3A_1207 = vector.broadcast %reduce_or3A_1205 : f32 to vector<16xf32>
        %reduce_or3A_1208 = arith.select %ne3A_1204, %reduce_or3A_1206, %reduce_or3A_1207 : vector<16xi1>, vector<16xf32>
        %reduce_or3A_1209 = arith.constant true
        %reduce_or3A_1210 = vector.broadcast %reduce_or3A_1209 : i1 to vector<16xi1>
        %reduce_or3A_1211 = tpu.scan <max>, %reduce_or3A_1208 masked %reduce_or3A_1210 : vector<16xf32>, vector<16xi1> -> vector<16xf32>
        %reduce_or3A_1212 = vector.extract %reduce_or3A_1211[15] : f32 from vector<16xf32>
        %reduce_or3A_1213 = arith.constant 0.000000e+00 : f32
        %reduce_or3A_1214 = arith.cmpf ogt, %reduce_or3A_1212, %reduce_or3A_1213 : f32
        %and3A = arith.andi %lt3A_1202, %reduce_or3A_1214 : i1
        scf.condition(%and3A) %while3A_1171, %while3A_1172, %while3A_1173, %while3A_1174, %while3A_1175, %while3A_1176, %while3A_1177, %while3A_1178, %while3A_1179, %while3A_1180, %while3A_1181, %while3A_1182, %while3A_1183, %while3A_1184, %while3A_1185, %while3A_1186, %while3A_1187, %while3A_1188, %while3A_1189, %while3A_1190, %while3A_1191, %while3A_1192, %while3A_1193, %while3A_1194, %while3A_1195 : i32, vector<16xi32>, vector<16xi32>, vector<16xi32>, vector<16xi32>, vector<16xi32>, vector<16xi32>, vector<16xi32>, vector<16xi32>, vector<16xi32>, vector<16xi32>, vector<16xi32>, vector<16xi32>, vector<16xi32>, vector<16xi32>, vector<16xi32>, vector<16xi32>, vector<16xi32>, vector<16xi32>, vector<16xi32>, vector<16xi32>, vector<16xi32>, vector<16xi32>, vector<16xi32>, vector<16xi32>
      } do {
      ^bb0(%while3A_1171: i32, %while3A_1172: vector<16xi32>, %while3A_1173: vector<16xi32>, %while3A_1174: vector<16xi32>, %while3A_1175: vector<16xi32>, %while3A_1176: vector<16xi32>, %while3A_1177: vector<16xi32>, %while3A_1178: vector<16xi32>, %while3A_1179: vector<16xi32>, %while3A_1180: vector<16xi32>, %while3A_1181: vector<16xi32>, %while3A_1182: vector<16xi32>, %while3A_1183: vector<16xi32>, %while3A_1184: vector<16xi32>, %while3A_1185: vector<16xi32>, %while3A_1186: vector<16xi32>, %while3A_1187: vector<16xi32>, %while3A_1188: vector<16xi32>, %while3A_1189: vector<16xi32>, %while3A_1190: vector<16xi32>, %while3A_1191: vector<16xi32>, %while3A_1192: vector<16xi32>, %while3A_1193: vector<16xi32>, %while3A_1194: vector<16xi32>, %while3A_1195: vector<16xi32>):
        %add3A_1196 = arith.addi %mul3A_6, %while3A_1172 : vector<16xi32>
        %gather3A_1197 = tpu.vector_load_idx %arg7[%add3A_1196] : memref<528xi32, #tpu.memory_space<vmem>>[vector<16xi32>], vector<16xi32>,
        %and3A = arith.andi %while3A_798#7, %while3A_1178 : vector<16xi32>
        %and3A_1198 = arith.andi %while3A_798#13, %while3A_1184 : vector<16xi32>
        %or3A_1199 = arith.ori %and3A, %and3A_1198 : vector<16xi32>
        %ne3A = arith.constant 0 : i32
        %ne3A_1200 = vector.broadcast %ne3A : i32 to vector<16xi32>
        %ne3A_1201 = arith.cmpi ne, %or3A_1199, %ne3A_1200 : vector<16xi32>
        %jit3A_1202 = arith.constant 0 : i32
        %jit3A_1203 = arith.constant 1 : i32
        %broadcast_in_dim3A_1204 = vector.broadcast %jit3A_1202 : i32 to vector<16xi32>
        %broadcast_in_dim3A_1205 = vector.broadcast %jit3A_1203 : i32 to vector<16xi32>
        %select_n3A_1206 = arith.select %ne3A_1201, %broadcast_in_dim3A_1204, %broadcast_in_dim3A_1205 : vector<16xi1>, vector<16xi32>
        %add3A_1207 = arith.addi %while3A_1190, %select_n3A_1206 : vector<16xi32>
        %lt3A_1208 = arith.constant 32 : i32
        %lt3A_1209 = vector.broadcast %lt3A_1208 : i32 to vector<16xi32>
        %lt3A_1210 = arith.cmpi slt, %add3A_1207, %lt3A_1209 : vector<16xi32>
        %jit3A_1211 = arith.constant 1 : i32
        %jit3A_1212 = arith.constant 0 : i32
        %broadcast_in_dim3A_1213 = vector.broadcast %jit3A_1211 : i32 to vector<16xi32>
        %broadcast_in_dim3A_1214 = vector.broadcast %jit3A_1212 : i32 to vector<16xi32>
        %select_n3A_1215 = arith.select %lt3A_1210, %broadcast_in_dim3A_1213, %broadcast_in_dim3A_1214 : vector<16xi1>, vector<16xi32>
        %mul3A_1216 = arith.muli %select_n3A_1206, %select_n3A_1215 : vector<16xi32>
        %min3A_1217 = arith.constant 31 : i32
        %min3A_1218 = vector.broadcast %min3A_1217 : i32 to vector<16xi32>
        %min3A_1219 = arith.minsi %add3A_1207, %min3A_1218 : vector<16xi32>
        %add3A_1220 = arith.constant 0 : i32
        %add3A_1221 = vector.broadcast %add3A_1220 : i32 to vector<16xi32>
        %add3A_1222 = arith.addi %mul3A_12, %add3A_1221 : vector<16xi32>
        %add3A_1223 = arith.addi %add3A_1222, %min3A_1219 : vector<16xi32>
        %mul3A_1224 = arith.muli %gather3A_1197, %mul3A_1216 : vector<16xi32>
        tpu.vector_store_idx %arg9[%add3A_1223], %mul3A_1224 {add = true} : memref<3072xi32, #tpu.memory_space<vmem>>[vector<16xi32>], vector<16xi32>,
        %ge3A_1225 = arith.constant 32 : i32
        %ge3A_1226 = vector.broadcast %ge3A_1225 : i32 to vector<16xi32>
        %ge3A_1227 = arith.cmpi sge, %gather3A_1197, %ge3A_1226 : vector<16xi32>
        %jit3A_1228 = arith.constant 0 : i32
        %broadcast_in_dim3A_1229 = vector.broadcast %jit3A_1228 : i32 to vector<16xi32>
        %select_n3A_1230 = arith.select %ge3A_1227, %broadcast_in_dim3A_1229, %gather3A_1197 : vector<16xi1>, vector<16xi32>
        %shift_left3A_1231 = arith.constant 1 : i32
        %shift_left3A_1232 = vector.broadcast %shift_left3A_1231 : i32 to vector<16xi32>
        %shift_left3A_1233 = arith.shli %shift_left3A_1232, %select_n3A_1230 : vector<16xi32>
        %jit3A_1234 = arith.constant 0 : i32
        %broadcast_in_dim3A_1235 = vector.broadcast %jit3A_1234 : i32 to vector<16xi32>
        %select_n3A_1236 = arith.select %ge3A_1227, %broadcast_in_dim3A_1235, %shift_left3A_1233 : vector<16xi1>, vector<16xi32>
        %jit3A_1237 = arith.constant 1 : i32
        %jit3A_1238 = arith.constant 0 : i32
        %broadcast_in_dim3A_1239 = vector.broadcast %jit3A_1237 : i32 to vector<16xi32>
        %broadcast_in_dim3A_1240 = vector.broadcast %jit3A_1238 : i32 to vector<16xi32>
        %select_n3A_1241 = arith.select %ge3A_1227, %broadcast_in_dim3A_1239, %broadcast_in_dim3A_1240 : vector<16xi1>, vector<16xi32>
        %or3A_1242 = arith.ori %while3A_1178, %select_n3A_1236 : vector<16xi32>
        %or3A_1243 = arith.ori %while3A_1184, %select_n3A_1241 : vector<16xi32>
        %add3A_1244 = arith.addi %mul3A_6, %while3A_1173 : vector<16xi32>
        %gather3A_1245 = tpu.vector_load_idx %arg7[%add3A_1244] : memref<528xi32, #tpu.memory_space<vmem>>[vector<16xi32>], vector<16xi32>,
        %and3A_1246 = arith.andi %while3A_798#8, %while3A_1179 : vector<16xi32>
        %and3A_1247 = arith.andi %while3A_798#14, %while3A_1185 : vector<16xi32>
        %or3A_1248 = arith.ori %and3A_1246, %and3A_1247 : vector<16xi32>
        %ne3A_1249 = arith.constant 0 : i32
        %ne3A_1250 = vector.broadcast %ne3A_1249 : i32 to vector<16xi32>
        %ne3A_1251 = arith.cmpi ne, %or3A_1248, %ne3A_1250 : vector<16xi32>
        %jit3A_1252 = arith.constant 0 : i32
        %jit3A_1253 = arith.constant 1 : i32
        %broadcast_in_dim3A_1254 = vector.broadcast %jit3A_1252 : i32 to vector<16xi32>
        %broadcast_in_dim3A_1255 = vector.broadcast %jit3A_1253 : i32 to vector<16xi32>
        %select_n3A_1256 = arith.select %ne3A_1251, %broadcast_in_dim3A_1254, %broadcast_in_dim3A_1255 : vector<16xi1>, vector<16xi32>
        %add3A_1257 = arith.addi %while3A_1191, %select_n3A_1256 : vector<16xi32>
        %lt3A_1258 = arith.constant 32 : i32
        %lt3A_1259 = vector.broadcast %lt3A_1258 : i32 to vector<16xi32>
        %lt3A_1260 = arith.cmpi slt, %add3A_1257, %lt3A_1259 : vector<16xi32>
        %jit3A_1261 = arith.constant 1 : i32
        %jit3A_1262 = arith.constant 0 : i32
        %broadcast_in_dim3A_1263 = vector.broadcast %jit3A_1261 : i32 to vector<16xi32>
        %broadcast_in_dim3A_1264 = vector.broadcast %jit3A_1262 : i32 to vector<16xi32>
        %select_n3A_1265 = arith.select %lt3A_1260, %broadcast_in_dim3A_1263, %broadcast_in_dim3A_1264 : vector<16xi1>, vector<16xi32>
        %mul3A_1266 = arith.muli %select_n3A_1256, %select_n3A_1265 : vector<16xi32>
        %min3A_1267 = arith.constant 31 : i32
        %min3A_1268 = vector.broadcast %min3A_1267 : i32 to vector<16xi32>
        %min3A_1269 = arith.minsi %add3A_1257, %min3A_1268 : vector<16xi32>
        %add3A_1270 = arith.constant 32 : i32
        %add3A_1271 = vector.broadcast %add3A_1270 : i32 to vector<16xi32>
        %add3A_1272 = arith.addi %mul3A_12, %add3A_1271 : vector<16xi32>
        %add3A_1273 = arith.addi %add3A_1272, %min3A_1269 : vector<16xi32>
        %mul3A_1274 = arith.muli %gather3A_1245, %mul3A_1266 : vector<16xi32>
        tpu.vector_store_idx %arg9[%add3A_1273], %mul3A_1274 {add = true} : memref<3072xi32, #tpu.memory_space<vmem>>[vector<16xi32>], vector<16xi32>,
        %ge3A_1275 = arith.constant 32 : i32
        %ge3A_1276 = vector.broadcast %ge3A_1275 : i32 to vector<16xi32>
        %ge3A_1277 = arith.cmpi sge, %gather3A_1245, %ge3A_1276 : vector<16xi32>
        %jit3A_1278 = arith.constant 0 : i32
        %broadcast_in_dim3A_1279 = vector.broadcast %jit3A_1278 : i32 to vector<16xi32>
        %select_n3A_1280 = arith.select %ge3A_1277, %broadcast_in_dim3A_1279, %gather3A_1245 : vector<16xi1>, vector<16xi32>
        %shift_left3A_1281 = arith.constant 1 : i32
        %shift_left3A_1282 = vector.broadcast %shift_left3A_1281 : i32 to vector<16xi32>
        %shift_left3A_1283 = arith.shli %shift_left3A_1282, %select_n3A_1280 : vector<16xi32>
        %jit3A_1284 = arith.constant 0 : i32
        %broadcast_in_dim3A_1285 = vector.broadcast %jit3A_1284 : i32 to vector<16xi32>
        %select_n3A_1286 = arith.select %ge3A_1277, %broadcast_in_dim3A_1285, %shift_left3A_1283 : vector<16xi1>, vector<16xi32>
        %jit3A_1287 = arith.constant 1 : i32
        %jit3A_1288 = arith.constant 0 : i32
        %broadcast_in_dim3A_1289 = vector.broadcast %jit3A_1287 : i32 to vector<16xi32>
        %broadcast_in_dim3A_1290 = vector.broadcast %jit3A_1288 : i32 to vector<16xi32>
        %select_n3A_1291 = arith.select %ge3A_1277, %broadcast_in_dim3A_1289, %broadcast_in_dim3A_1290 : vector<16xi1>, vector<16xi32>
        %or3A_1292 = arith.ori %while3A_1179, %select_n3A_1286 : vector<16xi32>
        %or3A_1293 = arith.ori %while3A_1185, %select_n3A_1291 : vector<16xi32>
        %add3A_1294 = arith.addi %mul3A_6, %while3A_1174 : vector<16xi32>
        %gather3A_1295 = tpu.vector_load_idx %arg7[%add3A_1294] : memref<528xi32, #tpu.memory_space<vmem>>[vector<16xi32>], vector<16xi32>,
        %and3A_1296 = arith.andi %while3A_798#9, %while3A_1180 : vector<16xi32>
        %and3A_1297 = arith.andi %while3A_798#15, %while3A_1186 : vector<16xi32>
        %or3A_1298 = arith.ori %and3A_1296, %and3A_1297 : vector<16xi32>
        %ne3A_1299 = arith.constant 0 : i32
        %ne3A_1300 = vector.broadcast %ne3A_1299 : i32 to vector<16xi32>
        %ne3A_1301 = arith.cmpi ne, %or3A_1298, %ne3A_1300 : vector<16xi32>
        %jit3A_1302 = arith.constant 0 : i32
        %jit3A_1303 = arith.constant 1 : i32
        %broadcast_in_dim3A_1304 = vector.broadcast %jit3A_1302 : i32 to vector<16xi32>
        %broadcast_in_dim3A_1305 = vector.broadcast %jit3A_1303 : i32 to vector<16xi32>
        %select_n3A_1306 = arith.select %ne3A_1301, %broadcast_in_dim3A_1304, %broadcast_in_dim3A_1305 : vector<16xi1>, vector<16xi32>
        %add3A_1307 = arith.addi %while3A_1192, %select_n3A_1306 : vector<16xi32>
        %lt3A_1308 = arith.constant 32 : i32
        %lt3A_1309 = vector.broadcast %lt3A_1308 : i32 to vector<16xi32>
        %lt3A_1310 = arith.cmpi slt, %add3A_1307, %lt3A_1309 : vector<16xi32>
        %jit3A_1311 = arith.constant 1 : i32
        %jit3A_1312 = arith.constant 0 : i32
        %broadcast_in_dim3A_1313 = vector.broadcast %jit3A_1311 : i32 to vector<16xi32>
        %broadcast_in_dim3A_1314 = vector.broadcast %jit3A_1312 : i32 to vector<16xi32>
        %select_n3A_1315 = arith.select %lt3A_1310, %broadcast_in_dim3A_1313, %broadcast_in_dim3A_1314 : vector<16xi1>, vector<16xi32>
        %mul3A_1316 = arith.muli %select_n3A_1306, %select_n3A_1315 : vector<16xi32>
        %min3A_1317 = arith.constant 31 : i32
        %min3A_1318 = vector.broadcast %min3A_1317 : i32 to vector<16xi32>
        %min3A_1319 = arith.minsi %add3A_1307, %min3A_1318 : vector<16xi32>
        %add3A_1320 = arith.constant 64 : i32
        %add3A_1321 = vector.broadcast %add3A_1320 : i32 to vector<16xi32>
        %add3A_1322 = arith.addi %mul3A_12, %add3A_1321 : vector<16xi32>
        %add3A_1323 = arith.addi %add3A_1322, %min3A_1319 : vector<16xi32>
        %mul3A_1324 = arith.muli %gather3A_1295, %mul3A_1316 : vector<16xi32>
        tpu.vector_store_idx %arg9[%add3A_1323], %mul3A_1324 {add = true} : memref<3072xi32, #tpu.memory_space<vmem>>[vector<16xi32>], vector<16xi32>,
        %ge3A_1325 = arith.constant 32 : i32
        %ge3A_1326 = vector.broadcast %ge3A_1325 : i32 to vector<16xi32>
        %ge3A_1327 = arith.cmpi sge, %gather3A_1295, %ge3A_1326 : vector<16xi32>
        %jit3A_1328 = arith.constant 0 : i32
        %broadcast_in_dim3A_1329 = vector.broadcast %jit3A_1328 : i32 to vector<16xi32>
        %select_n3A_1330 = arith.select %ge3A_1327, %broadcast_in_dim3A_1329, %gather3A_1295 : vector<16xi1>, vector<16xi32>
        %shift_left3A_1331 = arith.constant 1 : i32
        %shift_left3A_1332 = vector.broadcast %shift_left3A_1331 : i32 to vector<16xi32>
        %shift_left3A_1333 = arith.shli %shift_left3A_1332, %select_n3A_1330 : vector<16xi32>
        %jit3A_1334 = arith.constant 0 : i32
        %broadcast_in_dim3A_1335 = vector.broadcast %jit3A_1334 : i32 to vector<16xi32>
        %select_n3A_1336 = arith.select %ge3A_1327, %broadcast_in_dim3A_1335, %shift_left3A_1333 : vector<16xi1>, vector<16xi32>
        %jit3A_1337 = arith.constant 1 : i32
        %jit3A_1338 = arith.constant 0 : i32
        %broadcast_in_dim3A_1339 = vector.broadcast %jit3A_1337 : i32 to vector<16xi32>
        %broadcast_in_dim3A_1340 = vector.broadcast %jit3A_1338 : i32 to vector<16xi32>
        %select_n3A_1341 = arith.select %ge3A_1327, %broadcast_in_dim3A_1339, %broadcast_in_dim3A_1340 : vector<16xi1>, vector<16xi32>
        %or3A_1342 = arith.ori %while3A_1180, %select_n3A_1336 : vector<16xi32>
        %or3A_1343 = arith.ori %while3A_1186, %select_n3A_1341 : vector<16xi32>
        %add3A_1344 = arith.addi %mul3A_6, %while3A_1175 : vector<16xi32>
        %gather3A_1345 = tpu.vector_load_idx %arg7[%add3A_1344] : memref<528xi32, #tpu.memory_space<vmem>>[vector<16xi32>], vector<16xi32>,
        %and3A_1346 = arith.andi %while3A_798#10, %while3A_1181 : vector<16xi32>
        %and3A_1347 = arith.andi %while3A_798#16, %while3A_1187 : vector<16xi32>
        %or3A_1348 = arith.ori %and3A_1346, %and3A_1347 : vector<16xi32>
        %ne3A_1349 = arith.constant 0 : i32
        %ne3A_1350 = vector.broadcast %ne3A_1349 : i32 to vector<16xi32>
        %ne3A_1351 = arith.cmpi ne, %or3A_1348, %ne3A_1350 : vector<16xi32>
        %jit3A_1352 = arith.constant 0 : i32
        %jit3A_1353 = arith.constant 1 : i32
        %broadcast_in_dim3A_1354 = vector.broadcast %jit3A_1352 : i32 to vector<16xi32>
        %broadcast_in_dim3A_1355 = vector.broadcast %jit3A_1353 : i32 to vector<16xi32>
        %select_n3A_1356 = arith.select %ne3A_1351, %broadcast_in_dim3A_1354, %broadcast_in_dim3A_1355 : vector<16xi1>, vector<16xi32>
        %add3A_1357 = arith.addi %while3A_1193, %select_n3A_1356 : vector<16xi32>
        %lt3A_1358 = arith.constant 32 : i32
        %lt3A_1359 = vector.broadcast %lt3A_1358 : i32 to vector<16xi32>
        %lt3A_1360 = arith.cmpi slt, %add3A_1357, %lt3A_1359 : vector<16xi32>
        %jit3A_1361 = arith.constant 1 : i32
        %jit3A_1362 = arith.constant 0 : i32
        %broadcast_in_dim3A_1363 = vector.broadcast %jit3A_1361 : i32 to vector<16xi32>
        %broadcast_in_dim3A_1364 = vector.broadcast %jit3A_1362 : i32 to vector<16xi32>
        %select_n3A_1365 = arith.select %lt3A_1360, %broadcast_in_dim3A_1363, %broadcast_in_dim3A_1364 : vector<16xi1>, vector<16xi32>
        %mul3A_1366 = arith.muli %select_n3A_1356, %select_n3A_1365 : vector<16xi32>
        %min3A_1367 = arith.constant 31 : i32
        %min3A_1368 = vector.broadcast %min3A_1367 : i32 to vector<16xi32>
        %min3A_1369 = arith.minsi %add3A_1357, %min3A_1368 : vector<16xi32>
        %add3A_1370 = arith.constant 96 : i32
        %add3A_1371 = vector.broadcast %add3A_1370 : i32 to vector<16xi32>
        %add3A_1372 = arith.addi %mul3A_12, %add3A_1371 : vector<16xi32>
        %add3A_1373 = arith.addi %add3A_1372, %min3A_1369 : vector<16xi32>
        %mul3A_1374 = arith.muli %gather3A_1345, %mul3A_1366 : vector<16xi32>
        tpu.vector_store_idx %arg9[%add3A_1373], %mul3A_1374 {add = true} : memref<3072xi32, #tpu.memory_space<vmem>>[vector<16xi32>], vector<16xi32>,
        %ge3A_1375 = arith.constant 32 : i32
        %ge3A_1376 = vector.broadcast %ge3A_1375 : i32 to vector<16xi32>
        %ge3A_1377 = arith.cmpi sge, %gather3A_1345, %ge3A_1376 : vector<16xi32>
        %jit3A_1378 = arith.constant 0 : i32
        %broadcast_in_dim3A_1379 = vector.broadcast %jit3A_1378 : i32 to vector<16xi32>
        %select_n3A_1380 = arith.select %ge3A_1377, %broadcast_in_dim3A_1379, %gather3A_1345 : vector<16xi1>, vector<16xi32>
        %shift_left3A_1381 = arith.constant 1 : i32
        %shift_left3A_1382 = vector.broadcast %shift_left3A_1381 : i32 to vector<16xi32>
        %shift_left3A_1383 = arith.shli %shift_left3A_1382, %select_n3A_1380 : vector<16xi32>
        %jit3A_1384 = arith.constant 0 : i32
        %broadcast_in_dim3A_1385 = vector.broadcast %jit3A_1384 : i32 to vector<16xi32>
        %select_n3A_1386 = arith.select %ge3A_1377, %broadcast_in_dim3A_1385, %shift_left3A_1383 : vector<16xi1>, vector<16xi32>
        %jit3A_1387 = arith.constant 1 : i32
        %jit3A_1388 = arith.constant 0 : i32
        %broadcast_in_dim3A_1389 = vector.broadcast %jit3A_1387 : i32 to vector<16xi32>
        %broadcast_in_dim3A_1390 = vector.broadcast %jit3A_1388 : i32 to vector<16xi32>
        %select_n3A_1391 = arith.select %ge3A_1377, %broadcast_in_dim3A_1389, %broadcast_in_dim3A_1390 : vector<16xi1>, vector<16xi32>
        %or3A_1392 = arith.ori %while3A_1181, %select_n3A_1386 : vector<16xi32>
        %or3A_1393 = arith.ori %while3A_1187, %select_n3A_1391 : vector<16xi32>
        %add3A_1394 = arith.addi %mul3A_6, %while3A_1176 : vector<16xi32>
        %gather3A_1395 = tpu.vector_load_idx %arg7[%add3A_1394] : memref<528xi32, #tpu.memory_space<vmem>>[vector<16xi32>], vector<16xi32>,
        %and3A_1396 = arith.andi %while3A_798#11, %while3A_1182 : vector<16xi32>
        %and3A_1397 = arith.andi %while3A_798#17, %while3A_1188 : vector<16xi32>
        %or3A_1398 = arith.ori %and3A_1396, %and3A_1397 : vector<16xi32>
        %ne3A_1399 = arith.constant 0 : i32
        %ne3A_1400 = vector.broadcast %ne3A_1399 : i32 to vector<16xi32>
        %ne3A_1401 = arith.cmpi ne, %or3A_1398, %ne3A_1400 : vector<16xi32>
        %jit3A_1402 = arith.constant 0 : i32
        %jit3A_1403 = arith.constant 1 : i32
        %broadcast_in_dim3A_1404 = vector.broadcast %jit3A_1402 : i32 to vector<16xi32>
        %broadcast_in_dim3A_1405 = vector.broadcast %jit3A_1403 : i32 to vector<16xi32>
        %select_n3A_1406 = arith.select %ne3A_1401, %broadcast_in_dim3A_1404, %broadcast_in_dim3A_1405 : vector<16xi1>, vector<16xi32>
        %add3A_1407 = arith.addi %while3A_1194, %select_n3A_1406 : vector<16xi32>
        %lt3A_1408 = arith.constant 32 : i32
        %lt3A_1409 = vector.broadcast %lt3A_1408 : i32 to vector<16xi32>
        %lt3A_1410 = arith.cmpi slt, %add3A_1407, %lt3A_1409 : vector<16xi32>
        %jit3A_1411 = arith.constant 1 : i32
        %jit3A_1412 = arith.constant 0 : i32
        %broadcast_in_dim3A_1413 = vector.broadcast %jit3A_1411 : i32 to vector<16xi32>
        %broadcast_in_dim3A_1414 = vector.broadcast %jit3A_1412 : i32 to vector<16xi32>
        %select_n3A_1415 = arith.select %lt3A_1410, %broadcast_in_dim3A_1413, %broadcast_in_dim3A_1414 : vector<16xi1>, vector<16xi32>
        %mul3A_1416 = arith.muli %select_n3A_1406, %select_n3A_1415 : vector<16xi32>
        %min3A_1417 = arith.constant 31 : i32
        %min3A_1418 = vector.broadcast %min3A_1417 : i32 to vector<16xi32>
        %min3A_1419 = arith.minsi %add3A_1407, %min3A_1418 : vector<16xi32>
        %add3A_1420 = arith.constant 128 : i32
        %add3A_1421 = vector.broadcast %add3A_1420 : i32 to vector<16xi32>
        %add3A_1422 = arith.addi %mul3A_12, %add3A_1421 : vector<16xi32>
        %add3A_1423 = arith.addi %add3A_1422, %min3A_1419 : vector<16xi32>
        %mul3A_1424 = arith.muli %gather3A_1395, %mul3A_1416 : vector<16xi32>
        tpu.vector_store_idx %arg9[%add3A_1423], %mul3A_1424 {add = true} : memref<3072xi32, #tpu.memory_space<vmem>>[vector<16xi32>], vector<16xi32>,
        %ge3A_1425 = arith.constant 32 : i32
        %ge3A_1426 = vector.broadcast %ge3A_1425 : i32 to vector<16xi32>
        %ge3A_1427 = arith.cmpi sge, %gather3A_1395, %ge3A_1426 : vector<16xi32>
        %jit3A_1428 = arith.constant 0 : i32
        %broadcast_in_dim3A_1429 = vector.broadcast %jit3A_1428 : i32 to vector<16xi32>
        %select_n3A_1430 = arith.select %ge3A_1427, %broadcast_in_dim3A_1429, %gather3A_1395 : vector<16xi1>, vector<16xi32>
        %shift_left3A_1431 = arith.constant 1 : i32
        %shift_left3A_1432 = vector.broadcast %shift_left3A_1431 : i32 to vector<16xi32>
        %shift_left3A_1433 = arith.shli %shift_left3A_1432, %select_n3A_1430 : vector<16xi32>
        %jit3A_1434 = arith.constant 0 : i32
        %broadcast_in_dim3A_1435 = vector.broadcast %jit3A_1434 : i32 to vector<16xi32>
        %select_n3A_1436 = arith.select %ge3A_1427, %broadcast_in_dim3A_1435, %shift_left3A_1433 : vector<16xi1>, vector<16xi32>
        %jit3A_1437 = arith.constant 1 : i32
        %jit3A_1438 = arith.constant 0 : i32
        %broadcast_in_dim3A_1439 = vector.broadcast %jit3A_1437 : i32 to vector<16xi32>
        %broadcast_in_dim3A_1440 = vector.broadcast %jit3A_1438 : i32 to vector<16xi32>
        %select_n3A_1441 = arith.select %ge3A_1427, %broadcast_in_dim3A_1439, %broadcast_in_dim3A_1440 : vector<16xi1>, vector<16xi32>
        %or3A_1442 = arith.ori %while3A_1182, %select_n3A_1436 : vector<16xi32>
        %or3A_1443 = arith.ori %while3A_1188, %select_n3A_1441 : vector<16xi32>
        %add3A_1444 = arith.addi %mul3A_6, %while3A_1177 : vector<16xi32>
        %gather3A_1445 = tpu.vector_load_idx %arg7[%add3A_1444] : memref<528xi32, #tpu.memory_space<vmem>>[vector<16xi32>], vector<16xi32>,
        %and3A_1446 = arith.andi %while3A_798#12, %while3A_1183 : vector<16xi32>
        %and3A_1447 = arith.andi %while3A_798#18, %while3A_1189 : vector<16xi32>
        %or3A_1448 = arith.ori %and3A_1446, %and3A_1447 : vector<16xi32>
        %ne3A_1449 = arith.constant 0 : i32
        %ne3A_1450 = vector.broadcast %ne3A_1449 : i32 to vector<16xi32>
        %ne3A_1451 = arith.cmpi ne, %or3A_1448, %ne3A_1450 : vector<16xi32>
        %jit3A_1452 = arith.constant 0 : i32
        %jit3A_1453 = arith.constant 1 : i32
        %broadcast_in_dim3A_1454 = vector.broadcast %jit3A_1452 : i32 to vector<16xi32>
        %broadcast_in_dim3A_1455 = vector.broadcast %jit3A_1453 : i32 to vector<16xi32>
        %select_n3A_1456 = arith.select %ne3A_1451, %broadcast_in_dim3A_1454, %broadcast_in_dim3A_1455 : vector<16xi1>, vector<16xi32>
        %add3A_1457 = arith.addi %while3A_1195, %select_n3A_1456 : vector<16xi32>
        %lt3A_1458 = arith.constant 32 : i32
        %lt3A_1459 = vector.broadcast %lt3A_1458 : i32 to vector<16xi32>
        %lt3A_1460 = arith.cmpi slt, %add3A_1457, %lt3A_1459 : vector<16xi32>
        %jit3A_1461 = arith.constant 1 : i32
        %jit3A_1462 = arith.constant 0 : i32
        %broadcast_in_dim3A_1463 = vector.broadcast %jit3A_1461 : i32 to vector<16xi32>
        %broadcast_in_dim3A_1464 = vector.broadcast %jit3A_1462 : i32 to vector<16xi32>
        %select_n3A_1465 = arith.select %lt3A_1460, %broadcast_in_dim3A_1463, %broadcast_in_dim3A_1464 : vector<16xi1>, vector<16xi32>
        %mul3A_1466 = arith.muli %select_n3A_1456, %select_n3A_1465 : vector<16xi32>
        %min3A_1467 = arith.constant 31 : i32
        %min3A_1468 = vector.broadcast %min3A_1467 : i32 to vector<16xi32>
        %min3A_1469 = arith.minsi %add3A_1457, %min3A_1468 : vector<16xi32>
        %add3A_1470 = arith.constant 160 : i32
        %add3A_1471 = vector.broadcast %add3A_1470 : i32 to vector<16xi32>
        %add3A_1472 = arith.addi %mul3A_12, %add3A_1471 : vector<16xi32>
        %add3A_1473 = arith.addi %add3A_1472, %min3A_1469 : vector<16xi32>
        %mul3A_1474 = arith.muli %gather3A_1445, %mul3A_1466 : vector<16xi32>
        tpu.vector_store_idx %arg9[%add3A_1473], %mul3A_1474 {add = true} : memref<3072xi32, #tpu.memory_space<vmem>>[vector<16xi32>], vector<16xi32>,
        %ge3A_1475 = arith.constant 32 : i32
        %ge3A_1476 = vector.broadcast %ge3A_1475 : i32 to vector<16xi32>
        %ge3A_1477 = arith.cmpi sge, %gather3A_1445, %ge3A_1476 : vector<16xi32>
        %jit3A_1478 = arith.constant 0 : i32
        %broadcast_in_dim3A_1479 = vector.broadcast %jit3A_1478 : i32 to vector<16xi32>
        %select_n3A_1480 = arith.select %ge3A_1477, %broadcast_in_dim3A_1479, %gather3A_1445 : vector<16xi1>, vector<16xi32>
        %shift_left3A_1481 = arith.constant 1 : i32
        %shift_left3A_1482 = vector.broadcast %shift_left3A_1481 : i32 to vector<16xi32>
        %shift_left3A_1483 = arith.shli %shift_left3A_1482, %select_n3A_1480 : vector<16xi32>
        %jit3A_1484 = arith.constant 0 : i32
        %broadcast_in_dim3A_1485 = vector.broadcast %jit3A_1484 : i32 to vector<16xi32>
        %select_n3A_1486 = arith.select %ge3A_1477, %broadcast_in_dim3A_1485, %shift_left3A_1483 : vector<16xi1>, vector<16xi32>
        %jit3A_1487 = arith.constant 1 : i32
        %jit3A_1488 = arith.constant 0 : i32
        %broadcast_in_dim3A_1489 = vector.broadcast %jit3A_1487 : i32 to vector<16xi32>
        %broadcast_in_dim3A_1490 = vector.broadcast %jit3A_1488 : i32 to vector<16xi32>
        %select_n3A_1491 = arith.select %ge3A_1477, %broadcast_in_dim3A_1489, %broadcast_in_dim3A_1490 : vector<16xi1>, vector<16xi32>
        %or3A_1492 = arith.ori %while3A_1183, %select_n3A_1486 : vector<16xi32>
        %or3A_1493 = arith.ori %while3A_1189, %select_n3A_1491 : vector<16xi32>
        %add3A_1494 = arith.constant 1 : i32
        %add3A_1495 = arith.addi %while3A_1171, %add3A_1494 : i32
        scf.yield %add3A_1495, %gather3A_1197, %gather3A_1245, %gather3A_1295, %gather3A_1345, %gather3A_1395, %gather3A_1445, %or3A_1242, %or3A_1292, %or3A_1342, %or3A_1392, %or3A_1442, %or3A_1492, %or3A_1243, %or3A_1293, %or3A_1343, %or3A_1393, %or3A_1443, %or3A_1493, %add3A_1207, %add3A_1257, %add3A_1307, %add3A_1357, %add3A_1407, %add3A_1457 : i32, vector<16xi32>, vector<16xi32>, vector<16xi32>, vector<16xi32>, vector<16xi32>, vector<16xi32>, vector<16xi32>, vector<16xi32>, vector<16xi32>, vector<16xi32>, vector<16xi32>, vector<16xi32>, vector<16xi32>, vector<16xi32>, vector<16xi32>, vector<16xi32>, vector<16xi32>, vector<16xi32>, vector<16xi32>, vector<16xi32>, vector<16xi32>, vector<16xi32>, vector<16xi32>, vector<16xi32>
      }
      %ge3A_933 = arith.constant 32 : i32
      %ge3A_934 = vector.broadcast %ge3A_933 : i32 to vector<16xi32>
      %ge3A_935 = arith.cmpi sge, %gather3A, %ge3A_934 : vector<16xi32>
      %jit3A_936 = arith.constant 0 : i32
      %broadcast_in_dim3A_937 = vector.broadcast %jit3A_936 : i32 to vector<16xi32>
      %select_n3A_938 = arith.select %ge3A_935, %broadcast_in_dim3A_937, %gather3A : vector<16xi1>, vector<16xi32>
      %shift_left3A_939 = arith.constant 1 : i32
      %shift_left3A_940 = vector.broadcast %shift_left3A_939 : i32 to vector<16xi32>
      %shift_left3A_941 = arith.shli %shift_left3A_940, %select_n3A_938 : vector<16xi32>
      %jit3A_942 = arith.constant 0 : i32
      %broadcast_in_dim3A_943 = vector.broadcast %jit3A_942 : i32 to vector<16xi32>
      %select_n3A_944 = arith.select %ge3A_935, %broadcast_in_dim3A_943, %shift_left3A_941 : vector<16xi1>, vector<16xi32>
      %jit3A_945 = arith.constant 1 : i32
      %jit3A_946 = arith.constant 0 : i32
      %broadcast_in_dim3A_947 = vector.broadcast %jit3A_945 : i32 to vector<16xi32>
      %broadcast_in_dim3A_948 = vector.broadcast %jit3A_946 : i32 to vector<16xi32>
      %select_n3A_949 = arith.select %ge3A_935, %broadcast_in_dim3A_947, %broadcast_in_dim3A_948 : vector<16xi1>, vector<16xi32>
      %or3A_950 = arith.ori %broadcast_in_dim3A_13, %select_n3A_944 : vector<16xi32>
      %or3A_951 = arith.ori %broadcast_in_dim3A_13, %select_n3A_949 : vector<16xi32>
      %ge3A_952 = arith.constant 32 : i32
      %ge3A_953 = vector.broadcast %ge3A_952 : i32 to vector<16xi32>
      %ge3A_954 = arith.cmpi sge, %gather3A_630, %ge3A_953 : vector<16xi32>
      %jit3A_955 = arith.constant 0 : i32
      %broadcast_in_dim3A_956 = vector.broadcast %jit3A_955 : i32 to vector<16xi32>
      %select_n3A_957 = arith.select %ge3A_954, %broadcast_in_dim3A_956, %gather3A_630 : vector<16xi1>, vector<16xi32>
      %shift_left3A_958 = arith.constant 1 : i32
      %shift_left3A_959 = vector.broadcast %shift_left3A_958 : i32 to vector<16xi32>
      %shift_left3A_960 = arith.shli %shift_left3A_959, %select_n3A_957 : vector<16xi32>
      %jit3A_961 = arith.constant 0 : i32
      %broadcast_in_dim3A_962 = vector.broadcast %jit3A_961 : i32 to vector<16xi32>
      %select_n3A_963 = arith.select %ge3A_954, %broadcast_in_dim3A_962, %shift_left3A_960 : vector<16xi1>, vector<16xi32>
      %jit3A_964 = arith.constant 1 : i32
      %jit3A_965 = arith.constant 0 : i32
      %broadcast_in_dim3A_966 = vector.broadcast %jit3A_964 : i32 to vector<16xi32>
      %broadcast_in_dim3A_967 = vector.broadcast %jit3A_965 : i32 to vector<16xi32>
      %select_n3A_968 = arith.select %ge3A_954, %broadcast_in_dim3A_966, %broadcast_in_dim3A_967 : vector<16xi1>, vector<16xi32>
      %or3A_969 = arith.ori %broadcast_in_dim3A_13, %select_n3A_963 : vector<16xi32>
      %or3A_970 = arith.ori %broadcast_in_dim3A_13, %select_n3A_968 : vector<16xi32>
      %ge3A_971 = arith.constant 32 : i32
      %ge3A_972 = vector.broadcast %ge3A_971 : i32 to vector<16xi32>
      %ge3A_973 = arith.cmpi sge, %gather3A_634, %ge3A_972 : vector<16xi32>
      %jit3A_974 = arith.constant 0 : i32
      %broadcast_in_dim3A_975 = vector.broadcast %jit3A_974 : i32 to vector<16xi32>
      %select_n3A_976 = arith.select %ge3A_973, %broadcast_in_dim3A_975, %gather3A_634 : vector<16xi1>, vector<16xi32>
      %shift_left3A_977 = arith.constant 1 : i32
      %shift_left3A_978 = vector.broadcast %shift_left3A_977 : i32 to vector<16xi32>
      %shift_left3A_979 = arith.shli %shift_left3A_978, %select_n3A_976 : vector<16xi32>
      %jit3A_980 = arith.constant 0 : i32
      %broadcast_in_dim3A_981 = vector.broadcast %jit3A_980 : i32 to vector<16xi32>
      %select_n3A_982 = arith.select %ge3A_973, %broadcast_in_dim3A_981, %shift_left3A_979 : vector<16xi1>, vector<16xi32>
      %jit3A_983 = arith.constant 1 : i32
      %jit3A_984 = arith.constant 0 : i32
      %broadcast_in_dim3A_985 = vector.broadcast %jit3A_983 : i32 to vector<16xi32>
      %broadcast_in_dim3A_986 = vector.broadcast %jit3A_984 : i32 to vector<16xi32>
      %select_n3A_987 = arith.select %ge3A_973, %broadcast_in_dim3A_985, %broadcast_in_dim3A_986 : vector<16xi1>, vector<16xi32>
      %or3A_988 = arith.ori %broadcast_in_dim3A_13, %select_n3A_982 : vector<16xi32>
      %or3A_989 = arith.ori %broadcast_in_dim3A_13, %select_n3A_987 : vector<16xi32>
      %ge3A_990 = arith.constant 32 : i32
      %ge3A_991 = vector.broadcast %ge3A_990 : i32 to vector<16xi32>
      %ge3A_992 = arith.cmpi sge, %gather3A_638, %ge3A_991 : vector<16xi32>
      %jit3A_993 = arith.constant 0 : i32
      %broadcast_in_dim3A_994 = vector.broadcast %jit3A_993 : i32 to vector<16xi32>
      %select_n3A_995 = arith.select %ge3A_992, %broadcast_in_dim3A_994, %gather3A_638 : vector<16xi1>, vector<16xi32>
      %shift_left3A_996 = arith.constant 1 : i32
      %shift_left3A_997 = vector.broadcast %shift_left3A_996 : i32 to vector<16xi32>
      %shift_left3A_998 = arith.shli %shift_left3A_997, %select_n3A_995 : vector<16xi32>
      %jit3A_999 = arith.constant 0 : i32
      %broadcast_in_dim3A_1000 = vector.broadcast %jit3A_999 : i32 to vector<16xi32>
      %select_n3A_1001 = arith.select %ge3A_992, %broadcast_in_dim3A_1000, %shift_left3A_998 : vector<16xi1>, vector<16xi32>
      %jit3A_1002 = arith.constant 1 : i32
      %jit3A_1003 = arith.constant 0 : i32
      %broadcast_in_dim3A_1004 = vector.broadcast %jit3A_1002 : i32 to vector<16xi32>
      %broadcast_in_dim3A_1005 = vector.broadcast %jit3A_1003 : i32 to vector<16xi32>
      %select_n3A_1006 = arith.select %ge3A_992, %broadcast_in_dim3A_1004, %broadcast_in_dim3A_1005 : vector<16xi1>, vector<16xi32>
      %or3A_1007 = arith.ori %broadcast_in_dim3A_13, %select_n3A_1001 : vector<16xi32>
      %or3A_1008 = arith.ori %broadcast_in_dim3A_13, %select_n3A_1006 : vector<16xi32>
      %ge3A_1009 = arith.constant 32 : i32
      %ge3A_1010 = vector.broadcast %ge3A_1009 : i32 to vector<16xi32>
      %ge3A_1011 = arith.cmpi sge, %gather3A_642, %ge3A_1010 : vector<16xi32>
      %jit3A_1012 = arith.constant 0 : i32
      %broadcast_in_dim3A_1013 = vector.broadcast %jit3A_1012 : i32 to vector<16xi32>
      %select_n3A_1014 = arith.select %ge3A_1011, %broadcast_in_dim3A_1013, %gather3A_642 : vector<16xi1>, vector<16xi32>
      %shift_left3A_1015 = arith.constant 1 : i32
      %shift_left3A_1016 = vector.broadcast %shift_left3A_1015 : i32 to vector<16xi32>
      %shift_left3A_1017 = arith.shli %shift_left3A_1016, %select_n3A_1014 : vector<16xi32>
      %jit3A_1018 = arith.constant 0 : i32
      %broadcast_in_dim3A_1019 = vector.broadcast %jit3A_1018 : i32 to vector<16xi32>
      %select_n3A_1020 = arith.select %ge3A_1011, %broadcast_in_dim3A_1019, %shift_left3A_1017 : vector<16xi1>, vector<16xi32>
      %jit3A_1021 = arith.constant 1 : i32
      %jit3A_1022 = arith.constant 0 : i32
      %broadcast_in_dim3A_1023 = vector.broadcast %jit3A_1021 : i32 to vector<16xi32>
      %broadcast_in_dim3A_1024 = vector.broadcast %jit3A_1022 : i32 to vector<16xi32>
      %select_n3A_1025 = arith.select %ge3A_1011, %broadcast_in_dim3A_1023, %broadcast_in_dim3A_1024 : vector<16xi1>, vector<16xi32>
      %or3A_1026 = arith.ori %broadcast_in_dim3A_13, %select_n3A_1020 : vector<16xi32>
      %or3A_1027 = arith.ori %broadcast_in_dim3A_13, %select_n3A_1025 : vector<16xi32>
      %ge3A_1028 = arith.constant 32 : i32
      %ge3A_1029 = vector.broadcast %ge3A_1028 : i32 to vector<16xi32>
      %ge3A_1030 = arith.cmpi sge, %gather3A_646, %ge3A_1029 : vector<16xi32>
      %jit3A_1031 = arith.constant 0 : i32
      %broadcast_in_dim3A_1032 = vector.broadcast %jit3A_1031 : i32 to vector<16xi32>
      %select_n3A_1033 = arith.select %ge3A_1030, %broadcast_in_dim3A_1032, %gather3A_646 : vector<16xi1>, vector<16xi32>
      %shift_left3A_1034 = arith.constant 1 : i32
      %shift_left3A_1035 = vector.broadcast %shift_left3A_1034 : i32 to vector<16xi32>
      %shift_left3A_1036 = arith.shli %shift_left3A_1035, %select_n3A_1033 : vector<16xi32>
      %jit3A_1037 = arith.constant 0 : i32
      %broadcast_in_dim3A_1038 = vector.broadcast %jit3A_1037 : i32 to vector<16xi32>
      %select_n3A_1039 = arith.select %ge3A_1030, %broadcast_in_dim3A_1038, %shift_left3A_1036 : vector<16xi1>, vector<16xi32>
      %jit3A_1040 = arith.constant 1 : i32
      %jit3A_1041 = arith.constant 0 : i32
      %broadcast_in_dim3A_1042 = vector.broadcast %jit3A_1040 : i32 to vector<16xi32>
      %broadcast_in_dim3A_1043 = vector.broadcast %jit3A_1041 : i32 to vector<16xi32>
      %select_n3A_1044 = arith.select %ge3A_1030, %broadcast_in_dim3A_1042, %broadcast_in_dim3A_1043 : vector<16xi1>, vector<16xi32>
      %or3A_1045 = arith.ori %broadcast_in_dim3A_13, %select_n3A_1039 : vector<16xi32>
      %or3A_1046 = arith.ori %broadcast_in_dim3A_13, %select_n3A_1044 : vector<16xi32>
      %add3A_1047 = arith.constant 1 : i32
      %add3A_1048 = vector.broadcast %add3A_1047 : i32 to vector<16xi32>
      %add3A_1049 = arith.addi %while3A_932#19, %add3A_1048 : vector<16xi32>
      %lt3A = arith.constant 32 : i32
      %lt3A_1050 = vector.broadcast %lt3A : i32 to vector<16xi32>
      %lt3A_1051 = arith.cmpi slt, %add3A_1049, %lt3A_1050 : vector<16xi32>
      %jit3A_1052 = arith.constant 1 : i32
      %jit3A_1053 = arith.constant 0 : i32
      %broadcast_in_dim3A_1054 = vector.broadcast %jit3A_1052 : i32 to vector<16xi32>
      %broadcast_in_dim3A_1055 = vector.broadcast %jit3A_1053 : i32 to vector<16xi32>
      %select_n3A_1056 = arith.select %lt3A_1051, %broadcast_in_dim3A_1054, %broadcast_in_dim3A_1055 : vector<16xi1>, vector<16xi32>
      %min3A = arith.constant 31 : i32
      %min3A_1057 = vector.broadcast %min3A : i32 to vector<16xi32>
      %min3A_1058 = arith.minsi %add3A_1049, %min3A_1057 : vector<16xi32>
      %add3A_1059 = arith.constant 0 : i32
      %add3A_1060 = vector.broadcast %add3A_1059 : i32 to vector<16xi32>
      %add3A_1061 = arith.addi %mul3A_12, %add3A_1060 : vector<16xi32>
      %add3A_1062 = arith.addi %add3A_1061, %min3A_1058 : vector<16xi32>
      %mul3A_1063 = arith.muli %gather3A, %select_n3A_1056 : vector<16xi32>
      tpu.vector_store_idx %arg9[%add3A_1062], %mul3A_1063 {add = true} : memref<3072xi32, #tpu.memory_space<vmem>>[vector<16xi32>], vector<16xi32>,
      %add3A_1064 = arith.constant 1 : i32
      %add3A_1065 = vector.broadcast %add3A_1064 : i32 to vector<16xi32>
      %add3A_1066 = arith.addi %while3A_932#20, %add3A_1065 : vector<16xi32>
      %lt3A_1067 = arith.constant 32 : i32
      %lt3A_1068 = vector.broadcast %lt3A_1067 : i32 to vector<16xi32>
      %lt3A_1069 = arith.cmpi slt, %add3A_1066, %lt3A_1068 : vector<16xi32>
      %jit3A_1070 = arith.constant 1 : i32
      %jit3A_1071 = arith.constant 0 : i32
      %broadcast_in_dim3A_1072 = vector.broadcast %jit3A_1070 : i32 to vector<16xi32>
      %broadcast_in_dim3A_1073 = vector.broadcast %jit3A_1071 : i32 to vector<16xi32>
      %select_n3A_1074 = arith.select %lt3A_1069, %broadcast_in_dim3A_1072, %broadcast_in_dim3A_1073 : vector<16xi1>, vector<16xi32>
      %min3A_1075 = arith.constant 31 : i32
      %min3A_1076 = vector.broadcast %min3A_1075 : i32 to vector<16xi32>
      %min3A_1077 = arith.minsi %add3A_1066, %min3A_1076 : vector<16xi32>
      %add3A_1078 = arith.constant 32 : i32
      %add3A_1079 = vector.broadcast %add3A_1078 : i32 to vector<16xi32>
      %add3A_1080 = arith.addi %mul3A_12, %add3A_1079 : vector<16xi32>
      %add3A_1081 = arith.addi %add3A_1080, %min3A_1077 : vector<16xi32>
      %mul3A_1082 = arith.muli %gather3A_630, %select_n3A_1074 : vector<16xi32>
      tpu.vector_store_idx %arg9[%add3A_1081], %mul3A_1082 {add = true} : memref<3072xi32, #tpu.memory_space<vmem>>[vector<16xi32>], vector<16xi32>,
      %add3A_1083 = arith.constant 1 : i32
      %add3A_1084 = vector.broadcast %add3A_1083 : i32 to vector<16xi32>
      %add3A_1085 = arith.addi %while3A_932#21, %add3A_1084 : vector<16xi32>
      %lt3A_1086 = arith.constant 32 : i32
      %lt3A_1087 = vector.broadcast %lt3A_1086 : i32 to vector<16xi32>
      %lt3A_1088 = arith.cmpi slt, %add3A_1085, %lt3A_1087 : vector<16xi32>
      %jit3A_1089 = arith.constant 1 : i32
      %jit3A_1090 = arith.constant 0 : i32
      %broadcast_in_dim3A_1091 = vector.broadcast %jit3A_1089 : i32 to vector<16xi32>
      %broadcast_in_dim3A_1092 = vector.broadcast %jit3A_1090 : i32 to vector<16xi32>
      %select_n3A_1093 = arith.select %lt3A_1088, %broadcast_in_dim3A_1091, %broadcast_in_dim3A_1092 : vector<16xi1>, vector<16xi32>
      %min3A_1094 = arith.constant 31 : i32
      %min3A_1095 = vector.broadcast %min3A_1094 : i32 to vector<16xi32>
      %min3A_1096 = arith.minsi %add3A_1085, %min3A_1095 : vector<16xi32>
      %add3A_1097 = arith.constant 64 : i32
      %add3A_1098 = vector.broadcast %add3A_1097 : i32 to vector<16xi32>
      %add3A_1099 = arith.addi %mul3A_12, %add3A_1098 : vector<16xi32>
      %add3A_1100 = arith.addi %add3A_1099, %min3A_1096 : vector<16xi32>
      %mul3A_1101 = arith.muli %gather3A_634, %select_n3A_1093 : vector<16xi32>
      tpu.vector_store_idx %arg9[%add3A_1100], %mul3A_1101 {add = true} : memref<3072xi32, #tpu.memory_space<vmem>>[vector<16xi32>], vector<16xi32>,
      %add3A_1102 = arith.constant 1 : i32
      %add3A_1103 = vector.broadcast %add3A_1102 : i32 to vector<16xi32>
      %add3A_1104 = arith.addi %while3A_932#22, %add3A_1103 : vector<16xi32>
      %lt3A_1105 = arith.constant 32 : i32
      %lt3A_1106 = vector.broadcast %lt3A_1105 : i32 to vector<16xi32>
      %lt3A_1107 = arith.cmpi slt, %add3A_1104, %lt3A_1106 : vector<16xi32>
      %jit3A_1108 = arith.constant 1 : i32
      %jit3A_1109 = arith.constant 0 : i32
      %broadcast_in_dim3A_1110 = vector.broadcast %jit3A_1108 : i32 to vector<16xi32>
      %broadcast_in_dim3A_1111 = vector.broadcast %jit3A_1109 : i32 to vector<16xi32>
      %select_n3A_1112 = arith.select %lt3A_1107, %broadcast_in_dim3A_1110, %broadcast_in_dim3A_1111 : vector<16xi1>, vector<16xi32>
      %min3A_1113 = arith.constant 31 : i32
      %min3A_1114 = vector.broadcast %min3A_1113 : i32 to vector<16xi32>
      %min3A_1115 = arith.minsi %add3A_1104, %min3A_1114 : vector<16xi32>
      %add3A_1116 = arith.constant 96 : i32
      %add3A_1117 = vector.broadcast %add3A_1116 : i32 to vector<16xi32>
      %add3A_1118 = arith.addi %mul3A_12, %add3A_1117 : vector<16xi32>
      %add3A_1119 = arith.addi %add3A_1118, %min3A_1115 : vector<16xi32>
      %mul3A_1120 = arith.muli %gather3A_638, %select_n3A_1112 : vector<16xi32>
      tpu.vector_store_idx %arg9[%add3A_1119], %mul3A_1120 {add = true} : memref<3072xi32, #tpu.memory_space<vmem>>[vector<16xi32>], vector<16xi32>,
      %add3A_1121 = arith.constant 1 : i32
      %add3A_1122 = vector.broadcast %add3A_1121 : i32 to vector<16xi32>
      %add3A_1123 = arith.addi %while3A_932#23, %add3A_1122 : vector<16xi32>
      %lt3A_1124 = arith.constant 32 : i32
      %lt3A_1125 = vector.broadcast %lt3A_1124 : i32 to vector<16xi32>
      %lt3A_1126 = arith.cmpi slt, %add3A_1123, %lt3A_1125 : vector<16xi32>
      %jit3A_1127 = arith.constant 1 : i32
      %jit3A_1128 = arith.constant 0 : i32
      %broadcast_in_dim3A_1129 = vector.broadcast %jit3A_1127 : i32 to vector<16xi32>
      %broadcast_in_dim3A_1130 = vector.broadcast %jit3A_1128 : i32 to vector<16xi32>
      %select_n3A_1131 = arith.select %lt3A_1126, %broadcast_in_dim3A_1129, %broadcast_in_dim3A_1130 : vector<16xi1>, vector<16xi32>
      %min3A_1132 = arith.constant 31 : i32
      %min3A_1133 = vector.broadcast %min3A_1132 : i32 to vector<16xi32>
      %min3A_1134 = arith.minsi %add3A_1123, %min3A_1133 : vector<16xi32>
      %add3A_1135 = arith.constant 128 : i32
      %add3A_1136 = vector.broadcast %add3A_1135 : i32 to vector<16xi32>
      %add3A_1137 = arith.addi %mul3A_12, %add3A_1136 : vector<16xi32>
      %add3A_1138 = arith.addi %add3A_1137, %min3A_1134 : vector<16xi32>
      %mul3A_1139 = arith.muli %gather3A_642, %select_n3A_1131 : vector<16xi32>
      tpu.vector_store_idx %arg9[%add3A_1138], %mul3A_1139 {add = true} : memref<3072xi32, #tpu.memory_space<vmem>>[vector<16xi32>], vector<16xi32>,
      %add3A_1140 = arith.constant 1 : i32
      %add3A_1141 = vector.broadcast %add3A_1140 : i32 to vector<16xi32>
      %add3A_1142 = arith.addi %while3A_932#24, %add3A_1141 : vector<16xi32>
      %lt3A_1143 = arith.constant 32 : i32
      %lt3A_1144 = vector.broadcast %lt3A_1143 : i32 to vector<16xi32>
      %lt3A_1145 = arith.cmpi slt, %add3A_1142, %lt3A_1144 : vector<16xi32>
      %jit3A_1146 = arith.constant 1 : i32
      %jit3A_1147 = arith.constant 0 : i32
      %broadcast_in_dim3A_1148 = vector.broadcast %jit3A_1146 : i32 to vector<16xi32>
      %broadcast_in_dim3A_1149 = vector.broadcast %jit3A_1147 : i32 to vector<16xi32>
      %select_n3A_1150 = arith.select %lt3A_1145, %broadcast_in_dim3A_1148, %broadcast_in_dim3A_1149 : vector<16xi1>, vector<16xi32>
      %min3A_1151 = arith.constant 31 : i32
      %min3A_1152 = vector.broadcast %min3A_1151 : i32 to vector<16xi32>
      %min3A_1153 = arith.minsi %add3A_1142, %min3A_1152 : vector<16xi32>
      %add3A_1154 = arith.constant 160 : i32
      %add3A_1155 = vector.broadcast %add3A_1154 : i32 to vector<16xi32>
      %add3A_1156 = arith.addi %mul3A_12, %add3A_1155 : vector<16xi32>
      %add3A_1157 = arith.addi %add3A_1156, %min3A_1153 : vector<16xi32>
      %mul3A_1158 = arith.muli %gather3A_646, %select_n3A_1150 : vector<16xi32>
      tpu.vector_store_idx %arg9[%add3A_1157], %mul3A_1158 {add = true} : memref<3072xi32, #tpu.memory_space<vmem>>[vector<16xi32>], vector<16xi32>,
      %while3A_1159 = arith.constant 0 : i32
      %while3A_1160:25 = scf.while (%while3A_1171 = %while3A_1159, %while3A_1172 = %gather3A, %while3A_1173 = %gather3A_630, %while3A_1174 = %gather3A_634, %while3A_1175 = %gather3A_638, %while3A_1176 = %gather3A_642, %while3A_1177 = %gather3A_646, %while3A_1178 = %or3A_950, %while3A_1179 = %or3A_969, %while3A_1180 = %or3A_988, %while3A_1181 = %or3A_1007, %while3A_1182 = %or3A_1026, %while3A_1183 = %or3A_1045, %while3A_1184 = %or3A_951, %while3A_1185 = %or3A_970, %while3A_1186 = %or3A_989, %while3A_1187 = %or3A_1008, %while3A_1188 = %or3A_1027, %while3A_1189 = %or3A_1046, %while3A_1190 = %add3A_1049, %while3A_1191 = %add3A_1066, %while3A_1192 = %add3A_1085, %while3A_1193 = %add3A_1104, %while3A_1194 = %add3A_1123, %while3A_1195 = %add3A_1142) : (i32, vector<16xi32>, vector<16xi32>, vector<16xi32>, vector<16xi32>, vector<16xi32>, vector<16xi32>, vector<16xi32>, vector<16xi32>, vector<16xi32>, vector<16xi32>, vector<16xi32>, vector<16xi32>, vector<16xi32>, vector<16xi32>, vector<16xi32>, vector<16xi32>, vector<16xi32>, vector<16xi32>, vector<16xi32>, vector<16xi32>, vector<16xi32>, vector<16xi32>, vector<16xi32>, vector<16xi32>) -> (i32, vector<16xi32>, vector<16xi32>, vector<16xi32>, vector<16xi32>, vector<16xi32>, vector<16xi32>, vector<16xi32>, vector<16xi32>, vector<16xi32>, vector<16xi32>, vector<16xi32>, vector<16xi32>, vector<16xi32>, vector<16xi32>, vector<16xi32>, vector<16xi32>, vector<16xi32>, vector<16xi32>, vector<16xi32>, vector<16xi32>, vector<16xi32>, vector<16xi32>, vector<16xi32>, vector<16xi32>) {
        %or3A_1196 = arith.ori %while3A_1172, %while3A_1173 : vector<16xi32>
        %or3A_1197 = arith.ori %or3A_1196, %while3A_1174 : vector<16xi32>
        %or3A_1198 = arith.ori %or3A_1197, %while3A_1175 : vector<16xi32>
        %or3A_1199 = arith.ori %or3A_1198, %while3A_1176 : vector<16xi32>
        %or3A_1200 = arith.ori %or3A_1199, %while3A_1177 : vector<16xi32>
        %lt3A_1201 = arith.constant 32 : i32
        %lt3A_1202 = arith.cmpi slt, %while3A_1171, %lt3A_1201 : i32
        %ne3A = arith.constant 0 : i32
        %ne3A_1203 = vector.broadcast %ne3A : i32 to vector<16xi32>
        %ne3A_1204 = arith.cmpi ne, %or3A_1200, %ne3A_1203 : vector<16xi32>
        %reduce_or3A = arith.constant 1.000000e+00 : f32
        %reduce_or3A_1205 = arith.constant 0.000000e+00 : f32
        %reduce_or3A_1206 = vector.broadcast %reduce_or3A : f32 to vector<16xf32>
        %reduce_or3A_1207 = vector.broadcast %reduce_or3A_1205 : f32 to vector<16xf32>
        %reduce_or3A_1208 = arith.select %ne3A_1204, %reduce_or3A_1206, %reduce_or3A_1207 : vector<16xi1>, vector<16xf32>
        %reduce_or3A_1209 = arith.constant true
        %reduce_or3A_1210 = vector.broadcast %reduce_or3A_1209 : i1 to vector<16xi1>
        %reduce_or3A_1211 = tpu.scan <max>, %reduce_or3A_1208 masked %reduce_or3A_1210 : vector<16xf32>, vector<16xi1> -> vector<16xf32>
        %reduce_or3A_1212 = vector.extract %reduce_or3A_1211[15] : f32 from vector<16xf32>
        %reduce_or3A_1213 = arith.constant 0.000000e+00 : f32
        %reduce_or3A_1214 = arith.cmpf ogt, %reduce_or3A_1212, %reduce_or3A_1213 : f32
        %and3A = arith.andi %lt3A_1202, %reduce_or3A_1214 : i1
        scf.condition(%and3A) %while3A_1171, %while3A_1172, %while3A_1173, %while3A_1174, %while3A_1175, %while3A_1176, %while3A_1177, %while3A_1178, %while3A_1179, %while3A_1180, %while3A_1181, %while3A_1182, %while3A_1183, %while3A_1184, %while3A_1185, %while3A_1186, %while3A_1187, %while3A_1188, %while3A_1189, %while3A_1190, %while3A_1191, %while3A_1192, %while3A_1193, %while3A_1194, %while3A_1195 : i32, vector<16xi32>, vector<16xi32>, vector<16xi32>, vector<16xi32>, vector<16xi32>, vector<16xi32>, vector<16xi32>, vector<16xi32>, vector<16xi32>, vector<16xi32>, vector<16xi32>, vector<16xi32>, vector<16xi32>, vector<16xi32>, vector<16xi32>, vector<16xi32>, vector<16xi32>, vector<16xi32>, vector<16xi32>, vector<16xi32>, vector<16xi32>, vector<16xi32>, vector<16xi32>, vector<16xi32>
      } do {
      ^bb0(%while3A_1171: i32, %while3A_1172: vector<16xi32>, %while3A_1173: vector<16xi32>, %while3A_1174: vector<16xi32>, %while3A_1175: vector<16xi32>, %while3A_1176: vector<16xi32>, %while3A_1177: vector<16xi32>, %while3A_1178: vector<16xi32>, %while3A_1179: vector<16xi32>, %while3A_1180: vector<16xi32>, %while3A_1181: vector<16xi32>, %while3A_1182: vector<16xi32>, %while3A_1183: vector<16xi32>, %while3A_1184: vector<16xi32>, %while3A_1185: vector<16xi32>, %while3A_1186: vector<16xi32>, %while3A_1187: vector<16xi32>, %while3A_1188: vector<16xi32>, %while3A_1189: vector<16xi32>, %while3A_1190: vector<16xi32>, %while3A_1191: vector<16xi32>, %while3A_1192: vector<16xi32>, %while3A_1193: vector<16xi32>, %while3A_1194: vector<16xi32>, %while3A_1195: vector<16xi32>):
        %add3A_1196 = arith.addi %mul3A_6, %while3A_1172 : vector<16xi32>
        %gather3A_1197 = tpu.vector_load_idx %arg7[%add3A_1196] : memref<528xi32, #tpu.memory_space<vmem>>[vector<16xi32>], vector<16xi32>,
        %ge3A_1198 = arith.constant 32 : i32
        %ge3A_1199 = vector.broadcast %ge3A_1198 : i32 to vector<16xi32>
        %ge3A_1200 = arith.cmpi sge, %gather3A_1197, %ge3A_1199 : vector<16xi32>
        %jit3A_1201 = arith.constant 0 : i32
        %broadcast_in_dim3A_1202 = vector.broadcast %jit3A_1201 : i32 to vector<16xi32>
        %select_n3A_1203 = arith.select %ge3A_1200, %broadcast_in_dim3A_1202, %gather3A_1197 : vector<16xi1>, vector<16xi32>
        %shift_left3A_1204 = arith.constant 1 : i32
        %shift_left3A_1205 = vector.broadcast %shift_left3A_1204 : i32 to vector<16xi32>
        %shift_left3A_1206 = arith.shli %shift_left3A_1205, %select_n3A_1203 : vector<16xi32>
        %jit3A_1207 = arith.constant 0 : i32
        %broadcast_in_dim3A_1208 = vector.broadcast %jit3A_1207 : i32 to vector<16xi32>
        %select_n3A_1209 = arith.select %ge3A_1200, %broadcast_in_dim3A_1208, %shift_left3A_1206 : vector<16xi1>, vector<16xi32>
        %jit3A_1210 = arith.constant 1 : i32
        %jit3A_1211 = arith.constant 0 : i32
        %broadcast_in_dim3A_1212 = vector.broadcast %jit3A_1210 : i32 to vector<16xi32>
        %broadcast_in_dim3A_1213 = vector.broadcast %jit3A_1211 : i32 to vector<16xi32>
        %select_n3A_1214 = arith.select %ge3A_1200, %broadcast_in_dim3A_1212, %broadcast_in_dim3A_1213 : vector<16xi1>, vector<16xi32>
        %or3A_1215 = arith.ori %while3A_1178, %select_n3A_1209 : vector<16xi32>
        %or3A_1216 = arith.ori %while3A_1184, %select_n3A_1214 : vector<16xi32>
        %and3A = arith.andi %or3A_1215, %while3A_932#7 : vector<16xi32>
        %and3A_1217 = arith.andi %or3A_1216, %while3A_932#13 : vector<16xi32>
        %or3A_1218 = arith.ori %and3A, %and3A_1217 : vector<16xi32>
        %ne3A = arith.constant 0 : i32
        %ne3A_1219 = vector.broadcast %ne3A : i32 to vector<16xi32>
        %ne3A_1220 = arith.cmpi ne, %or3A_1218, %ne3A_1219 : vector<16xi32>
        %jit3A_1221 = arith.constant 0 : i32
        %jit3A_1222 = arith.constant 1 : i32
        %broadcast_in_dim3A_1223 = vector.broadcast %jit3A_1221 : i32 to vector<16xi32>
        %broadcast_in_dim3A_1224 = vector.broadcast %jit3A_1222 : i32 to vector<16xi32>
        %select_n3A_1225 = arith.select %ne3A_1220, %broadcast_in_dim3A_1223, %broadcast_in_dim3A_1224 : vector<16xi1>, vector<16xi32>
        %add3A_1226 = arith.addi %while3A_1190, %select_n3A_1225 : vector<16xi32>
        %lt3A_1227 = arith.constant 32 : i32
        %lt3A_1228 = vector.broadcast %lt3A_1227 : i32 to vector<16xi32>
        %lt3A_1229 = arith.cmpi slt, %add3A_1226, %lt3A_1228 : vector<16xi32>
        %jit3A_1230 = arith.constant 1 : i32
        %jit3A_1231 = arith.constant 0 : i32
        %broadcast_in_dim3A_1232 = vector.broadcast %jit3A_1230 : i32 to vector<16xi32>
        %broadcast_in_dim3A_1233 = vector.broadcast %jit3A_1231 : i32 to vector<16xi32>
        %select_n3A_1234 = arith.select %lt3A_1229, %broadcast_in_dim3A_1232, %broadcast_in_dim3A_1233 : vector<16xi1>, vector<16xi32>
        %mul3A_1235 = arith.muli %select_n3A_1225, %select_n3A_1234 : vector<16xi32>
        %min3A_1236 = arith.constant 31 : i32
        %min3A_1237 = vector.broadcast %min3A_1236 : i32 to vector<16xi32>
        %min3A_1238 = arith.minsi %add3A_1226, %min3A_1237 : vector<16xi32>
        %add3A_1239 = arith.constant 0 : i32
        %add3A_1240 = vector.broadcast %add3A_1239 : i32 to vector<16xi32>
        %add3A_1241 = arith.addi %mul3A_12, %add3A_1240 : vector<16xi32>
        %add3A_1242 = arith.addi %add3A_1241, %min3A_1238 : vector<16xi32>
        %mul3A_1243 = arith.muli %gather3A_1197, %mul3A_1235 : vector<16xi32>
        tpu.vector_store_idx %arg9[%add3A_1242], %mul3A_1243 {add = true} : memref<3072xi32, #tpu.memory_space<vmem>>[vector<16xi32>], vector<16xi32>,
        %add3A_1244 = arith.addi %mul3A_6, %while3A_1173 : vector<16xi32>
        %gather3A_1245 = tpu.vector_load_idx %arg7[%add3A_1244] : memref<528xi32, #tpu.memory_space<vmem>>[vector<16xi32>], vector<16xi32>,
        %ge3A_1246 = arith.constant 32 : i32
        %ge3A_1247 = vector.broadcast %ge3A_1246 : i32 to vector<16xi32>
        %ge3A_1248 = arith.cmpi sge, %gather3A_1245, %ge3A_1247 : vector<16xi32>
        %jit3A_1249 = arith.constant 0 : i32
        %broadcast_in_dim3A_1250 = vector.broadcast %jit3A_1249 : i32 to vector<16xi32>
        %select_n3A_1251 = arith.select %ge3A_1248, %broadcast_in_dim3A_1250, %gather3A_1245 : vector<16xi1>, vector<16xi32>
        %shift_left3A_1252 = arith.constant 1 : i32
        %shift_left3A_1253 = vector.broadcast %shift_left3A_1252 : i32 to vector<16xi32>
        %shift_left3A_1254 = arith.shli %shift_left3A_1253, %select_n3A_1251 : vector<16xi32>
        %jit3A_1255 = arith.constant 0 : i32
        %broadcast_in_dim3A_1256 = vector.broadcast %jit3A_1255 : i32 to vector<16xi32>
        %select_n3A_1257 = arith.select %ge3A_1248, %broadcast_in_dim3A_1256, %shift_left3A_1254 : vector<16xi1>, vector<16xi32>
        %jit3A_1258 = arith.constant 1 : i32
        %jit3A_1259 = arith.constant 0 : i32
        %broadcast_in_dim3A_1260 = vector.broadcast %jit3A_1258 : i32 to vector<16xi32>
        %broadcast_in_dim3A_1261 = vector.broadcast %jit3A_1259 : i32 to vector<16xi32>
        %select_n3A_1262 = arith.select %ge3A_1248, %broadcast_in_dim3A_1260, %broadcast_in_dim3A_1261 : vector<16xi1>, vector<16xi32>
        %or3A_1263 = arith.ori %while3A_1179, %select_n3A_1257 : vector<16xi32>
        %or3A_1264 = arith.ori %while3A_1185, %select_n3A_1262 : vector<16xi32>
        %and3A_1265 = arith.andi %or3A_1263, %while3A_932#8 : vector<16xi32>
        %and3A_1266 = arith.andi %or3A_1264, %while3A_932#14 : vector<16xi32>
        %or3A_1267 = arith.ori %and3A_1265, %and3A_1266 : vector<16xi32>
        %ne3A_1268 = arith.constant 0 : i32
        %ne3A_1269 = vector.broadcast %ne3A_1268 : i32 to vector<16xi32>
        %ne3A_1270 = arith.cmpi ne, %or3A_1267, %ne3A_1269 : vector<16xi32>
        %jit3A_1271 = arith.constant 0 : i32
        %jit3A_1272 = arith.constant 1 : i32
        %broadcast_in_dim3A_1273 = vector.broadcast %jit3A_1271 : i32 to vector<16xi32>
        %broadcast_in_dim3A_1274 = vector.broadcast %jit3A_1272 : i32 to vector<16xi32>
        %select_n3A_1275 = arith.select %ne3A_1270, %broadcast_in_dim3A_1273, %broadcast_in_dim3A_1274 : vector<16xi1>, vector<16xi32>
        %add3A_1276 = arith.addi %while3A_1191, %select_n3A_1275 : vector<16xi32>
        %lt3A_1277 = arith.constant 32 : i32
        %lt3A_1278 = vector.broadcast %lt3A_1277 : i32 to vector<16xi32>
        %lt3A_1279 = arith.cmpi slt, %add3A_1276, %lt3A_1278 : vector<16xi32>
        %jit3A_1280 = arith.constant 1 : i32
        %jit3A_1281 = arith.constant 0 : i32
        %broadcast_in_dim3A_1282 = vector.broadcast %jit3A_1280 : i32 to vector<16xi32>
        %broadcast_in_dim3A_1283 = vector.broadcast %jit3A_1281 : i32 to vector<16xi32>
        %select_n3A_1284 = arith.select %lt3A_1279, %broadcast_in_dim3A_1282, %broadcast_in_dim3A_1283 : vector<16xi1>, vector<16xi32>
        %mul3A_1285 = arith.muli %select_n3A_1275, %select_n3A_1284 : vector<16xi32>
        %min3A_1286 = arith.constant 31 : i32
        %min3A_1287 = vector.broadcast %min3A_1286 : i32 to vector<16xi32>
        %min3A_1288 = arith.minsi %add3A_1276, %min3A_1287 : vector<16xi32>
        %add3A_1289 = arith.constant 32 : i32
        %add3A_1290 = vector.broadcast %add3A_1289 : i32 to vector<16xi32>
        %add3A_1291 = arith.addi %mul3A_12, %add3A_1290 : vector<16xi32>
        %add3A_1292 = arith.addi %add3A_1291, %min3A_1288 : vector<16xi32>
        %mul3A_1293 = arith.muli %gather3A_1245, %mul3A_1285 : vector<16xi32>
        tpu.vector_store_idx %arg9[%add3A_1292], %mul3A_1293 {add = true} : memref<3072xi32, #tpu.memory_space<vmem>>[vector<16xi32>], vector<16xi32>,
        %add3A_1294 = arith.addi %mul3A_6, %while3A_1174 : vector<16xi32>
        %gather3A_1295 = tpu.vector_load_idx %arg7[%add3A_1294] : memref<528xi32, #tpu.memory_space<vmem>>[vector<16xi32>], vector<16xi32>,
        %ge3A_1296 = arith.constant 32 : i32
        %ge3A_1297 = vector.broadcast %ge3A_1296 : i32 to vector<16xi32>
        %ge3A_1298 = arith.cmpi sge, %gather3A_1295, %ge3A_1297 : vector<16xi32>
        %jit3A_1299 = arith.constant 0 : i32
        %broadcast_in_dim3A_1300 = vector.broadcast %jit3A_1299 : i32 to vector<16xi32>
        %select_n3A_1301 = arith.select %ge3A_1298, %broadcast_in_dim3A_1300, %gather3A_1295 : vector<16xi1>, vector<16xi32>
        %shift_left3A_1302 = arith.constant 1 : i32
        %shift_left3A_1303 = vector.broadcast %shift_left3A_1302 : i32 to vector<16xi32>
        %shift_left3A_1304 = arith.shli %shift_left3A_1303, %select_n3A_1301 : vector<16xi32>
        %jit3A_1305 = arith.constant 0 : i32
        %broadcast_in_dim3A_1306 = vector.broadcast %jit3A_1305 : i32 to vector<16xi32>
        %select_n3A_1307 = arith.select %ge3A_1298, %broadcast_in_dim3A_1306, %shift_left3A_1304 : vector<16xi1>, vector<16xi32>
        %jit3A_1308 = arith.constant 1 : i32
        %jit3A_1309 = arith.constant 0 : i32
        %broadcast_in_dim3A_1310 = vector.broadcast %jit3A_1308 : i32 to vector<16xi32>
        %broadcast_in_dim3A_1311 = vector.broadcast %jit3A_1309 : i32 to vector<16xi32>
        %select_n3A_1312 = arith.select %ge3A_1298, %broadcast_in_dim3A_1310, %broadcast_in_dim3A_1311 : vector<16xi1>, vector<16xi32>
        %or3A_1313 = arith.ori %while3A_1180, %select_n3A_1307 : vector<16xi32>
        %or3A_1314 = arith.ori %while3A_1186, %select_n3A_1312 : vector<16xi32>
        %and3A_1315 = arith.andi %or3A_1313, %while3A_932#9 : vector<16xi32>
        %and3A_1316 = arith.andi %or3A_1314, %while3A_932#15 : vector<16xi32>
        %or3A_1317 = arith.ori %and3A_1315, %and3A_1316 : vector<16xi32>
        %ne3A_1318 = arith.constant 0 : i32
        %ne3A_1319 = vector.broadcast %ne3A_1318 : i32 to vector<16xi32>
        %ne3A_1320 = arith.cmpi ne, %or3A_1317, %ne3A_1319 : vector<16xi32>
        %jit3A_1321 = arith.constant 0 : i32
        %jit3A_1322 = arith.constant 1 : i32
        %broadcast_in_dim3A_1323 = vector.broadcast %jit3A_1321 : i32 to vector<16xi32>
        %broadcast_in_dim3A_1324 = vector.broadcast %jit3A_1322 : i32 to vector<16xi32>
        %select_n3A_1325 = arith.select %ne3A_1320, %broadcast_in_dim3A_1323, %broadcast_in_dim3A_1324 : vector<16xi1>, vector<16xi32>
        %add3A_1326 = arith.addi %while3A_1192, %select_n3A_1325 : vector<16xi32>
        %lt3A_1327 = arith.constant 32 : i32
        %lt3A_1328 = vector.broadcast %lt3A_1327 : i32 to vector<16xi32>
        %lt3A_1329 = arith.cmpi slt, %add3A_1326, %lt3A_1328 : vector<16xi32>
        %jit3A_1330 = arith.constant 1 : i32
        %jit3A_1331 = arith.constant 0 : i32
        %broadcast_in_dim3A_1332 = vector.broadcast %jit3A_1330 : i32 to vector<16xi32>
        %broadcast_in_dim3A_1333 = vector.broadcast %jit3A_1331 : i32 to vector<16xi32>
        %select_n3A_1334 = arith.select %lt3A_1329, %broadcast_in_dim3A_1332, %broadcast_in_dim3A_1333 : vector<16xi1>, vector<16xi32>
        %mul3A_1335 = arith.muli %select_n3A_1325, %select_n3A_1334 : vector<16xi32>
        %min3A_1336 = arith.constant 31 : i32
        %min3A_1337 = vector.broadcast %min3A_1336 : i32 to vector<16xi32>
        %min3A_1338 = arith.minsi %add3A_1326, %min3A_1337 : vector<16xi32>
        %add3A_1339 = arith.constant 64 : i32
        %add3A_1340 = vector.broadcast %add3A_1339 : i32 to vector<16xi32>
        %add3A_1341 = arith.addi %mul3A_12, %add3A_1340 : vector<16xi32>
        %add3A_1342 = arith.addi %add3A_1341, %min3A_1338 : vector<16xi32>
        %mul3A_1343 = arith.muli %gather3A_1295, %mul3A_1335 : vector<16xi32>
        tpu.vector_store_idx %arg9[%add3A_1342], %mul3A_1343 {add = true} : memref<3072xi32, #tpu.memory_space<vmem>>[vector<16xi32>], vector<16xi32>,
        %add3A_1344 = arith.addi %mul3A_6, %while3A_1175 : vector<16xi32>
        %gather3A_1345 = tpu.vector_load_idx %arg7[%add3A_1344] : memref<528xi32, #tpu.memory_space<vmem>>[vector<16xi32>], vector<16xi32>,
        %ge3A_1346 = arith.constant 32 : i32
        %ge3A_1347 = vector.broadcast %ge3A_1346 : i32 to vector<16xi32>
        %ge3A_1348 = arith.cmpi sge, %gather3A_1345, %ge3A_1347 : vector<16xi32>
        %jit3A_1349 = arith.constant 0 : i32
        %broadcast_in_dim3A_1350 = vector.broadcast %jit3A_1349 : i32 to vector<16xi32>
        %select_n3A_1351 = arith.select %ge3A_1348, %broadcast_in_dim3A_1350, %gather3A_1345 : vector<16xi1>, vector<16xi32>
        %shift_left3A_1352 = arith.constant 1 : i32
        %shift_left3A_1353 = vector.broadcast %shift_left3A_1352 : i32 to vector<16xi32>
        %shift_left3A_1354 = arith.shli %shift_left3A_1353, %select_n3A_1351 : vector<16xi32>
        %jit3A_1355 = arith.constant 0 : i32
        %broadcast_in_dim3A_1356 = vector.broadcast %jit3A_1355 : i32 to vector<16xi32>
        %select_n3A_1357 = arith.select %ge3A_1348, %broadcast_in_dim3A_1356, %shift_left3A_1354 : vector<16xi1>, vector<16xi32>
        %jit3A_1358 = arith.constant 1 : i32
        %jit3A_1359 = arith.constant 0 : i32
        %broadcast_in_dim3A_1360 = vector.broadcast %jit3A_1358 : i32 to vector<16xi32>
        %broadcast_in_dim3A_1361 = vector.broadcast %jit3A_1359 : i32 to vector<16xi32>
        %select_n3A_1362 = arith.select %ge3A_1348, %broadcast_in_dim3A_1360, %broadcast_in_dim3A_1361 : vector<16xi1>, vector<16xi32>
        %or3A_1363 = arith.ori %while3A_1181, %select_n3A_1357 : vector<16xi32>
        %or3A_1364 = arith.ori %while3A_1187, %select_n3A_1362 : vector<16xi32>
        %and3A_1365 = arith.andi %or3A_1363, %while3A_932#10 : vector<16xi32>
        %and3A_1366 = arith.andi %or3A_1364, %while3A_932#16 : vector<16xi32>
        %or3A_1367 = arith.ori %and3A_1365, %and3A_1366 : vector<16xi32>
        %ne3A_1368 = arith.constant 0 : i32
        %ne3A_1369 = vector.broadcast %ne3A_1368 : i32 to vector<16xi32>
        %ne3A_1370 = arith.cmpi ne, %or3A_1367, %ne3A_1369 : vector<16xi32>
        %jit3A_1371 = arith.constant 0 : i32
        %jit3A_1372 = arith.constant 1 : i32
        %broadcast_in_dim3A_1373 = vector.broadcast %jit3A_1371 : i32 to vector<16xi32>
        %broadcast_in_dim3A_1374 = vector.broadcast %jit3A_1372 : i32 to vector<16xi32>
        %select_n3A_1375 = arith.select %ne3A_1370, %broadcast_in_dim3A_1373, %broadcast_in_dim3A_1374 : vector<16xi1>, vector<16xi32>
        %add3A_1376 = arith.addi %while3A_1193, %select_n3A_1375 : vector<16xi32>
        %lt3A_1377 = arith.constant 32 : i32
        %lt3A_1378 = vector.broadcast %lt3A_1377 : i32 to vector<16xi32>
        %lt3A_1379 = arith.cmpi slt, %add3A_1376, %lt3A_1378 : vector<16xi32>
        %jit3A_1380 = arith.constant 1 : i32
        %jit3A_1381 = arith.constant 0 : i32
        %broadcast_in_dim3A_1382 = vector.broadcast %jit3A_1380 : i32 to vector<16xi32>
        %broadcast_in_dim3A_1383 = vector.broadcast %jit3A_1381 : i32 to vector<16xi32>
        %select_n3A_1384 = arith.select %lt3A_1379, %broadcast_in_dim3A_1382, %broadcast_in_dim3A_1383 : vector<16xi1>, vector<16xi32>
        %mul3A_1385 = arith.muli %select_n3A_1375, %select_n3A_1384 : vector<16xi32>
        %min3A_1386 = arith.constant 31 : i32
        %min3A_1387 = vector.broadcast %min3A_1386 : i32 to vector<16xi32>
        %min3A_1388 = arith.minsi %add3A_1376, %min3A_1387 : vector<16xi32>
        %add3A_1389 = arith.constant 96 : i32
        %add3A_1390 = vector.broadcast %add3A_1389 : i32 to vector<16xi32>
        %add3A_1391 = arith.addi %mul3A_12, %add3A_1390 : vector<16xi32>
        %add3A_1392 = arith.addi %add3A_1391, %min3A_1388 : vector<16xi32>
        %mul3A_1393 = arith.muli %gather3A_1345, %mul3A_1385 : vector<16xi32>
        tpu.vector_store_idx %arg9[%add3A_1392], %mul3A_1393 {add = true} : memref<3072xi32, #tpu.memory_space<vmem>>[vector<16xi32>], vector<16xi32>,
        %add3A_1394 = arith.addi %mul3A_6, %while3A_1176 : vector<16xi32>
        %gather3A_1395 = tpu.vector_load_idx %arg7[%add3A_1394] : memref<528xi32, #tpu.memory_space<vmem>>[vector<16xi32>], vector<16xi32>,
        %ge3A_1396 = arith.constant 32 : i32
        %ge3A_1397 = vector.broadcast %ge3A_1396 : i32 to vector<16xi32>
        %ge3A_1398 = arith.cmpi sge, %gather3A_1395, %ge3A_1397 : vector<16xi32>
        %jit3A_1399 = arith.constant 0 : i32
        %broadcast_in_dim3A_1400 = vector.broadcast %jit3A_1399 : i32 to vector<16xi32>
        %select_n3A_1401 = arith.select %ge3A_1398, %broadcast_in_dim3A_1400, %gather3A_1395 : vector<16xi1>, vector<16xi32>
        %shift_left3A_1402 = arith.constant 1 : i32
        %shift_left3A_1403 = vector.broadcast %shift_left3A_1402 : i32 to vector<16xi32>
        %shift_left3A_1404 = arith.shli %shift_left3A_1403, %select_n3A_1401 : vector<16xi32>
        %jit3A_1405 = arith.constant 0 : i32
        %broadcast_in_dim3A_1406 = vector.broadcast %jit3A_1405 : i32 to vector<16xi32>
        %select_n3A_1407 = arith.select %ge3A_1398, %broadcast_in_dim3A_1406, %shift_left3A_1404 : vector<16xi1>, vector<16xi32>
        %jit3A_1408 = arith.constant 1 : i32
        %jit3A_1409 = arith.constant 0 : i32
        %broadcast_in_dim3A_1410 = vector.broadcast %jit3A_1408 : i32 to vector<16xi32>
        %broadcast_in_dim3A_1411 = vector.broadcast %jit3A_1409 : i32 to vector<16xi32>
        %select_n3A_1412 = arith.select %ge3A_1398, %broadcast_in_dim3A_1410, %broadcast_in_dim3A_1411 : vector<16xi1>, vector<16xi32>
        %or3A_1413 = arith.ori %while3A_1182, %select_n3A_1407 : vector<16xi32>
        %or3A_1414 = arith.ori %while3A_1188, %select_n3A_1412 : vector<16xi32>
        %and3A_1415 = arith.andi %or3A_1413, %while3A_932#11 : vector<16xi32>
        %and3A_1416 = arith.andi %or3A_1414, %while3A_932#17 : vector<16xi32>
        %or3A_1417 = arith.ori %and3A_1415, %and3A_1416 : vector<16xi32>
        %ne3A_1418 = arith.constant 0 : i32
        %ne3A_1419 = vector.broadcast %ne3A_1418 : i32 to vector<16xi32>
        %ne3A_1420 = arith.cmpi ne, %or3A_1417, %ne3A_1419 : vector<16xi32>
        %jit3A_1421 = arith.constant 0 : i32
        %jit3A_1422 = arith.constant 1 : i32
        %broadcast_in_dim3A_1423 = vector.broadcast %jit3A_1421 : i32 to vector<16xi32>
        %broadcast_in_dim3A_1424 = vector.broadcast %jit3A_1422 : i32 to vector<16xi32>
        %select_n3A_1425 = arith.select %ne3A_1420, %broadcast_in_dim3A_1423, %broadcast_in_dim3A_1424 : vector<16xi1>, vector<16xi32>
        %add3A_1426 = arith.addi %while3A_1194, %select_n3A_1425 : vector<16xi32>
        %lt3A_1427 = arith.constant 32 : i32
        %lt3A_1428 = vector.broadcast %lt3A_1427 : i32 to vector<16xi32>
        %lt3A_1429 = arith.cmpi slt, %add3A_1426, %lt3A_1428 : vector<16xi32>
        %jit3A_1430 = arith.constant 1 : i32
        %jit3A_1431 = arith.constant 0 : i32
        %broadcast_in_dim3A_1432 = vector.broadcast %jit3A_1430 : i32 to vector<16xi32>
        %broadcast_in_dim3A_1433 = vector.broadcast %jit3A_1431 : i32 to vector<16xi32>
        %select_n3A_1434 = arith.select %lt3A_1429, %broadcast_in_dim3A_1432, %broadcast_in_dim3A_1433 : vector<16xi1>, vector<16xi32>
        %mul3A_1435 = arith.muli %select_n3A_1425, %select_n3A_1434 : vector<16xi32>
        %min3A_1436 = arith.constant 31 : i32
        %min3A_1437 = vector.broadcast %min3A_1436 : i32 to vector<16xi32>
        %min3A_1438 = arith.minsi %add3A_1426, %min3A_1437 : vector<16xi32>
        %add3A_1439 = arith.constant 128 : i32
        %add3A_1440 = vector.broadcast %add3A_1439 : i32 to vector<16xi32>
        %add3A_1441 = arith.addi %mul3A_12, %add3A_1440 : vector<16xi32>
        %add3A_1442 = arith.addi %add3A_1441, %min3A_1438 : vector<16xi32>
        %mul3A_1443 = arith.muli %gather3A_1395, %mul3A_1435 : vector<16xi32>
        tpu.vector_store_idx %arg9[%add3A_1442], %mul3A_1443 {add = true} : memref<3072xi32, #tpu.memory_space<vmem>>[vector<16xi32>], vector<16xi32>,
        %add3A_1444 = arith.addi %mul3A_6, %while3A_1177 : vector<16xi32>
        %gather3A_1445 = tpu.vector_load_idx %arg7[%add3A_1444] : memref<528xi32, #tpu.memory_space<vmem>>[vector<16xi32>], vector<16xi32>,
        %ge3A_1446 = arith.constant 32 : i32
        %ge3A_1447 = vector.broadcast %ge3A_1446 : i32 to vector<16xi32>
        %ge3A_1448 = arith.cmpi sge, %gather3A_1445, %ge3A_1447 : vector<16xi32>
        %jit3A_1449 = arith.constant 0 : i32
        %broadcast_in_dim3A_1450 = vector.broadcast %jit3A_1449 : i32 to vector<16xi32>
        %select_n3A_1451 = arith.select %ge3A_1448, %broadcast_in_dim3A_1450, %gather3A_1445 : vector<16xi1>, vector<16xi32>
        %shift_left3A_1452 = arith.constant 1 : i32
        %shift_left3A_1453 = vector.broadcast %shift_left3A_1452 : i32 to vector<16xi32>
        %shift_left3A_1454 = arith.shli %shift_left3A_1453, %select_n3A_1451 : vector<16xi32>
        %jit3A_1455 = arith.constant 0 : i32
        %broadcast_in_dim3A_1456 = vector.broadcast %jit3A_1455 : i32 to vector<16xi32>
        %select_n3A_1457 = arith.select %ge3A_1448, %broadcast_in_dim3A_1456, %shift_left3A_1454 : vector<16xi1>, vector<16xi32>
        %jit3A_1458 = arith.constant 1 : i32
        %jit3A_1459 = arith.constant 0 : i32
        %broadcast_in_dim3A_1460 = vector.broadcast %jit3A_1458 : i32 to vector<16xi32>
        %broadcast_in_dim3A_1461 = vector.broadcast %jit3A_1459 : i32 to vector<16xi32>
        %select_n3A_1462 = arith.select %ge3A_1448, %broadcast_in_dim3A_1460, %broadcast_in_dim3A_1461 : vector<16xi1>, vector<16xi32>
        %or3A_1463 = arith.ori %while3A_1183, %select_n3A_1457 : vector<16xi32>
        %or3A_1464 = arith.ori %while3A_1189, %select_n3A_1462 : vector<16xi32>
        %and3A_1465 = arith.andi %or3A_1463, %while3A_932#12 : vector<16xi32>
        %and3A_1466 = arith.andi %or3A_1464, %while3A_932#18 : vector<16xi32>
        %or3A_1467 = arith.ori %and3A_1465, %and3A_1466 : vector<16xi32>
        %ne3A_1468 = arith.constant 0 : i32
        %ne3A_1469 = vector.broadcast %ne3A_1468 : i32 to vector<16xi32>
        %ne3A_1470 = arith.cmpi ne, %or3A_1467, %ne3A_1469 : vector<16xi32>
        %jit3A_1471 = arith.constant 0 : i32
        %jit3A_1472 = arith.constant 1 : i32
        %broadcast_in_dim3A_1473 = vector.broadcast %jit3A_1471 : i32 to vector<16xi32>
        %broadcast_in_dim3A_1474 = vector.broadcast %jit3A_1472 : i32 to vector<16xi32>
        %select_n3A_1475 = arith.select %ne3A_1470, %broadcast_in_dim3A_1473, %broadcast_in_dim3A_1474 : vector<16xi1>, vector<16xi32>
        %add3A_1476 = arith.addi %while3A_1195, %select_n3A_1475 : vector<16xi32>
        %lt3A_1477 = arith.constant 32 : i32
        %lt3A_1478 = vector.broadcast %lt3A_1477 : i32 to vector<16xi32>
        %lt3A_1479 = arith.cmpi slt, %add3A_1476, %lt3A_1478 : vector<16xi32>
        %jit3A_1480 = arith.constant 1 : i32
        %jit3A_1481 = arith.constant 0 : i32
        %broadcast_in_dim3A_1482 = vector.broadcast %jit3A_1480 : i32 to vector<16xi32>
        %broadcast_in_dim3A_1483 = vector.broadcast %jit3A_1481 : i32 to vector<16xi32>
        %select_n3A_1484 = arith.select %lt3A_1479, %broadcast_in_dim3A_1482, %broadcast_in_dim3A_1483 : vector<16xi1>, vector<16xi32>
        %mul3A_1485 = arith.muli %select_n3A_1475, %select_n3A_1484 : vector<16xi32>
        %min3A_1486 = arith.constant 31 : i32
        %min3A_1487 = vector.broadcast %min3A_1486 : i32 to vector<16xi32>
        %min3A_1488 = arith.minsi %add3A_1476, %min3A_1487 : vector<16xi32>
        %add3A_1489 = arith.constant 160 : i32
        %add3A_1490 = vector.broadcast %add3A_1489 : i32 to vector<16xi32>
        %add3A_1491 = arith.addi %mul3A_12, %add3A_1490 : vector<16xi32>
        %add3A_1492 = arith.addi %add3A_1491, %min3A_1488 : vector<16xi32>
        %mul3A_1493 = arith.muli %gather3A_1445, %mul3A_1485 : vector<16xi32>
        tpu.vector_store_idx %arg9[%add3A_1492], %mul3A_1493 {add = true} : memref<3072xi32, #tpu.memory_space<vmem>>[vector<16xi32>], vector<16xi32>,
        %add3A_1494 = arith.constant 1 : i32
        %add3A_1495 = arith.addi %while3A_1171, %add3A_1494 : i32
        scf.yield %add3A_1495, %gather3A_1197, %gather3A_1245, %gather3A_1295, %gather3A_1345, %gather3A_1395, %gather3A_1445, %or3A_1215, %or3A_1263, %or3A_1313, %or3A_1363, %or3A_1413, %or3A_1463, %or3A_1216, %or3A_1264, %or3A_1314, %or3A_1364, %or3A_1414, %or3A_1464, %add3A_1226, %add3A_1276, %add3A_1326, %add3A_1376, %add3A_1426, %add3A_1476 : i32, vector<16xi32>, vector<16xi32>, vector<16xi32>, vector<16xi32>, vector<16xi32>, vector<16xi32>, vector<16xi32>, vector<16xi32>, vector<16xi32>, vector<16xi32>, vector<16xi32>, vector<16xi32>, vector<16xi32>, vector<16xi32>, vector<16xi32>, vector<16xi32>, vector<16xi32>, vector<16xi32>, vector<16xi32>, vector<16xi32>, vector<16xi32>, vector<16xi32>, vector<16xi32>, vector<16xi32>
      }
      %mul3A_1161 = arith.constant 33 : i32
      %mul3A_1162 = arith.muli %add3A_26, %mul3A_1161 : i32
      "tpu.region"() ({
        %run_scoped3A = tpu.sem_alloc : memref<!tpu.dma_semaphore, #tpu.memory_space<semaphore_mem>>
        %dma_start3A = tpu.memref_slice %arg3[%mul3A_1162] : memref<135168xi32, #tpu.memory_space<hbm>> -> memref<528xi32, #tpu.memory_space<hbm>>
        %dma_start3A_1171 = tpu.memref_slice %arg3[%mul3A_1162] : memref<135168xi32, #tpu.memory_space<hbm>> -> memref<528xi32, #tpu.memory_space<hbm>>
        tpu.enqueue_dma source(%arg7 : memref<528xi32, #tpu.memory_space<vmem>>) target(%dma_start3A_1171 : memref<528xi32, #tpu.memory_space<hbm>>) target_semaphore(%run_scoped3A : memref<!tpu.dma_semaphore, #tpu.memory_space<semaphore_mem>>)
        %dma_wait3A = tpu.memref_slice %arg3[%mul3A_1162] : memref<135168xi32, #tpu.memory_space<hbm>> -> memref<528xi32, #tpu.memory_space<hbm>>
        %dma_wait3A_1172 = tpu.memref_slice %arg3[%mul3A_1162] : memref<135168xi32, #tpu.memory_space<hbm>> -> memref<528xi32, #tpu.memory_space<hbm>>
        tpu.wait_dma2 semaphore(%run_scoped3A : memref<!tpu.dma_semaphore, #tpu.memory_space<semaphore_mem>>) src(%arg7 : memref<528xi32, #tpu.memory_space<vmem>>) dst(%dma_wait3A_1172 : memref<528xi32, #tpu.memory_space<hbm>>)
        tpu.yield
      }) : () -> ()
      %mul3A_1163 = arith.constant 2 : i32
      %mul3A_1164 = arith.muli %add3A_26, %mul3A_1163 : i32
      %mul3A_1165 = arith.constant 33 : i32
      %mul3A_1166 = arith.muli %mul3A_1164, %mul3A_1165 : i32
      "tpu.region"() ({
        %run_scoped3A = tpu.sem_alloc : memref<!tpu.dma_semaphore, #tpu.memory_space<semaphore_mem>>
        %dma_start3A = tpu.memref_slice %arg4[%mul3A_1166] : memref<270336xi32, #tpu.memory_space<hbm>> -> memref<1056xi32, #tpu.memory_space<hbm>>
        %dma_start3A_1171 = tpu.memref_slice %arg4[%mul3A_1166] : memref<270336xi32, #tpu.memory_space<hbm>> -> memref<1056xi32, #tpu.memory_space<hbm>>
        tpu.enqueue_dma source(%arg8 : memref<1056xi32, #tpu.memory_space<vmem>>) target(%dma_start3A_1171 : memref<1056xi32, #tpu.memory_space<hbm>>) target_semaphore(%run_scoped3A : memref<!tpu.dma_semaphore, #tpu.memory_space<semaphore_mem>>)
        %dma_wait3A = tpu.memref_slice %arg4[%mul3A_1166] : memref<270336xi32, #tpu.memory_space<hbm>> -> memref<1056xi32, #tpu.memory_space<hbm>>
        %dma_wait3A_1172 = tpu.memref_slice %arg4[%mul3A_1166] : memref<270336xi32, #tpu.memory_space<hbm>> -> memref<1056xi32, #tpu.memory_space<hbm>>
        tpu.wait_dma2 semaphore(%run_scoped3A : memref<!tpu.dma_semaphore, #tpu.memory_space<semaphore_mem>>) src(%arg8 : memref<1056xi32, #tpu.memory_space<vmem>>) dst(%dma_wait3A_1172 : memref<1056xi32, #tpu.memory_space<hbm>>)
        tpu.yield
      }) : () -> ()
      %mul3A_1167 = arith.constant 6 : i32
      %mul3A_1168 = arith.muli %add3A_26, %mul3A_1167 : i32
      %mul3A_1169 = arith.constant 32 : i32
      %mul3A_1170 = arith.muli %mul3A_1168, %mul3A_1169 : i32
      "tpu.region"() ({
        %run_scoped3A = tpu.sem_alloc : memref<!tpu.dma_semaphore, #tpu.memory_space<semaphore_mem>>
        %dma_start3A = tpu.memref_slice %arg5[%mul3A_1170] : memref<786432xi32, #tpu.memory_space<hbm>> -> memref<3072xi32, #tpu.memory_space<hbm>>
        %dma_start3A_1171 = tpu.memref_slice %arg5[%mul3A_1170] : memref<786432xi32, #tpu.memory_space<hbm>> -> memref<3072xi32, #tpu.memory_space<hbm>>
        tpu.enqueue_dma source(%arg9 : memref<3072xi32, #tpu.memory_space<vmem>>) target(%dma_start3A_1171 : memref<3072xi32, #tpu.memory_space<hbm>>) target_semaphore(%run_scoped3A : memref<!tpu.dma_semaphore, #tpu.memory_space<semaphore_mem>>)
        %dma_wait3A = tpu.memref_slice %arg5[%mul3A_1170] : memref<786432xi32, #tpu.memory_space<hbm>> -> memref<3072xi32, #tpu.memory_space<hbm>>
        %dma_wait3A_1172 = tpu.memref_slice %arg5[%mul3A_1170] : memref<786432xi32, #tpu.memory_space<hbm>> -> memref<3072xi32, #tpu.memory_space<hbm>>
        tpu.wait_dma2 semaphore(%run_scoped3A : memref<!tpu.dma_semaphore, #tpu.memory_space<semaphore_mem>>) src(%arg9 : memref<3072xi32, #tpu.memory_space<vmem>>) dst(%dma_wait3A_1172 : memref<3072xi32, #tpu.memory_space<hbm>>)
        tpu.yield
      }) : () -> ()
    }
    %scan3A_20 = arith.constant 8 : i32
    return
  }
}

</mosaic_0001>

<sc_bundles>
// kernel: kernel.3.cloned.1.call-start
scs
__scs_entry_jumppad:
0x0: {  	(pc) =	sbr.rel $0x88, $3  }
0x1: {  	(tag) =	ssettag $0x0;
	lr =	simm.s32 $0x1  }
0x2: {  	[smem:$0x3FA0] =	sst lr;
	_ =	strace $0xD0000000  }
0x3: {  	_ = 	snop  }
0x4: {  	_ = 	snop  }
0x5: {  	_ = 	snop  }
0x6: {  	_ = 	snop  }
0x7: {  	_ = 	snop  }
__scs_overlays_trampoline_lowered:
0x8: {  	[smem:$0x3FAF] =	sst s0  }
0x9: {  	[smem:$0x3FB0] =	sst s1  }
0xa: {  	[smem:$0x3FB1] =	sst s2  }
0xb: {  	[smem:$0x3FB2] =	sst s3  }
0xc: {  	[smem:$0x3FB3] =	sst s4  }
0xd: {  	[smem:$0x3FB4] =	sst s5  }
0xe: {  	[smem:$0x3FB5] =	sst s6  }
0xf: {  	[smem:$0x3FB6] =	sst s7  }
0x10: {  	[smem:$0x3FB7] =	sst s8  }
0x11: {  	[smem:$0x3FB8] =	sst s9;
	s0 =	simm.s32 @!p0 $0x0  }
0x12: {  	s1 =	sld [smem:$0x3F9E];
	s0 =	simm.s32 @p0 $0x1  }
0x13: {  	[smem:$0x3FB9] =	sst s0;
	s0 =	simm.s32 @!p1 $0x0  }
0x14: {  	s2 =	sld [smem:$0x3F9D];
	s0 =	simm.s32 @p1 $0x1  }
0x15: {  	[smem:$0x3FBA] =	sst s0;
	s0 =	simm.s32 @!p2 $0x0  }
0x16: {  	s3 =	sld [smem:$0x3FDB];
	s0 =	simm.s32 @p2 $0x1  }
0x17: {  	s4 =	simm.s32 $0x1BF5;
	[smem:$0x3FBC] =	sst s0  }
0x18: {  	s0 =	sld [smem:$0x3F9F];
	_ =	swait.ge [sflag:s4], $0x0  }
0x19: {  	s7 =	sld [smem:$0x3FA0]  }
0x1a: {  	s8 =	sadd.s32 $0xFFFFE003, lr  }
0x1b: {  	s9 =	sadd.s32 $0xFFFFFEF7, lr;
	s5 =	simm.s32 $0xFFFFFFFF;
	p2 =	slt.u32 s8, $0xFFFFF086  }
0x1c: {  	p1 =	slt.u32 s9, $0xF7A;
	s5 =	simm.s32 @!p2 $0x0  }
0x1d: {  	s5 =	simm.s32 @p1 $0x1;
	p0 =	seq.s32 s7, s2  }
0x1e: {  	s7 =	smul.u32 @!p0 $0xF7A, s2;
	p2 =	seq.s32 @!p0 s5, $0x0  }
0x1f: {  	s9 =	smul.u32 $0xF7A, s1;
	s8 =	simm.s32 @!p0 $0x1BF5;
	p2 =	por !p2, p0  }
0x20: {  	[sflag:s8] =	ssyncset.s32 @!p0 $0xFFFFF086;
	s6 =	sadd.s32 @!p0 s3, s7;
	s7 =	simm.s32 @!p0 $0x108  }
0x21: {  	s3 =	sadd.s32 s3, s9;
	s6 =	sadd.s32 @!p0 $0x88, s6;
	s7 =	simm.s32 @p2 $0x1082  }
0x22: {  	[simem:s7], [sflag:s8] =	dma.local @!p0 [hbm:s6], $0xF7A  }
0x23: {  	s9 =	sor.u32 $0xD0000000, s2;
	s6 =	simm.s32 $0x108;
	_ =	swait.ge @!p0 [sflag:s8], $0x0  }
0x24: {  	s3 =	sadd.s32 $0x88, s3;
	s6 =	simm.s32 @!p1 $0x1082;
	[sflag:s4] =	ssyncset.s32 $0xFFFFF086  }
0x25: {  	[simem:s6], [sflag:s4] =	dma.local [hbm:s3], $0xF7A  }
0x26: {  	[smem:$0x3FA0] =	sst s1;
	(tag) =	ssettag s2;
	_ =	strace s9  }
0x27: {  	s1 =	sld [smem:$0x3FB0]  }
0x28: {  	s2 =	sld [smem:$0x3FB1]  }
0x29: {  	s4 =	sld [smem:$0x3FB3]  }
0x2a: {  	p0 =	seq.s32 s5, $0x0;
	s5 =	sld [smem:$0x3FB4]  }
0x2b: {  	s6 =	sld [smem:$0x3FB5]  }
0x2c: {  	s7 =	sld [smem:$0x3FB6]  }
0x2d: {  	s3 =	simm.s32 $0x108;
	s8 =	sld [smem:$0x3FB7]  }
0x2e: {  	s3 =	simm.s32 @!p0 $0x1082;
	s9 =	sld [smem:$0x3FB8]  }
0x2f: {  	lr =	sadd.s32 s0, s3;
	s0 =	sld [smem:$0x3FAF]  }
0x30: {  	s3 =	sld [smem:$0x3FB2]  }
0x31: {  	[smem:$0x3FBB] =	sst s10  }
0x32: {  	s10 =	sld [smem:$0x3FB9];
	_ =	sdelay $0x3  }
0x33: {  	p0 =	seq.s32 s10, $0x1;
	s10 =	sld [smem:$0x3FBB];
	_ =	sdelay $0x3  }
0x34: {  	[smem:$0x3FBB] =	sst s10  }
0x35: {  	s10 =	sld [smem:$0x3FBA];
	_ =	sdelay $0x3  }
0x36: {  	p1 =	seq.s32 s10, $0x1;
	s10 =	sld [smem:$0x3FBB];
	_ =	sdelay $0x3  }
0x37: {  	[smem:$0x3FBB] =	sst s10  }
0x38: {  	s10 =	sld [smem:$0x3FBC]  }
0x39: {  	_ = 	snop;
	(pc) =	sbr.ind lr, $3  }
0x3a: {  	_ = 	snop  }
0x3b: {  	_ = 	snop  }
0x3c: {  	p2 =	seq.s32 s10, $0x1;
	s10 =	sld [smem:$0x3FBB]  }
0x3d: {  	_ =	shalt  }
0x3e: {  	_ =	shalt  }
0x3f: {  	_ =	shalt  }
0x40: {  	_ =	shalt  }
0x41: {  	_ =	shalt  }
0x42: {  	_ =	shalt  }
0x43: {  	_ =	shalt  }
0x44: {  	_ =	shalt  }
0x45: {  	_ =	shalt  }
0x46: {  	_ =	shalt  }
0x47: {  	_ =	shalt  }
0x48: {  	_ =	shalt  }
0x49: {  	_ =	shalt  }
0x4a: {  	_ =	shalt  }
0x4b: {  	_ =	shalt  }
0x4c: {  	_ =	shalt  }
0x4d: {  	_ =	shalt  }
0x4e: {  	_ =	shalt  }
0x4f: {  	_ =	shalt  }
0x50: {  	_ =	shalt  }
0x51: {  	_ =	shalt  }
0x52: {  	_ =	shalt  }
0x53: {  	_ =	shalt  }
0x54: {  	_ =	shalt  }
0x55: {  	_ =	shalt  }
0x56: {  	_ =	shalt  }
0x57: {  	_ =	shalt  }
0x58: {  	_ =	shalt  }
0x59: {  	_ =	shalt  }
0x5a: {  	_ =	shalt  }
0x5b: {  	_ =	shalt  }
0x5c: {  	_ =	shalt  }
0x5d: {  	_ =	shalt  }
0x5e: {  	_ =	shalt  }
0x5f: {  	_ =	shalt  }
0x60: {  	_ =	shalt  }
0x61: {  	_ =	shalt  }
0x62: {  	_ =	shalt  }
0x63: {  	_ =	shalt  }
0x64: {  	_ =	shalt  }
0x65: {  	_ =	shalt  }
0x66: {  	_ =	shalt  }
0x67: {  	_ =	shalt  }
0x68: {  	_ =	shalt  }
0x69: {  	_ =	shalt  }
0x6a: {  	_ =	shalt  }
0x6b: {  	_ =	shalt  }
0x6c: {  	_ =	shalt  }
0x6d: {  	_ =	shalt  }
0x6e: {  	_ =	shalt  }
0x6f: {  	_ =	shalt  }
0x70: {  	_ =	shalt  }
0x71: {  	_ =	shalt  }
0x72: {  	_ =	shalt  }
0x73: {  	_ =	shalt  }
0x74: {  	_ =	shalt  }
0x75: {  	_ =	shalt  }
0x76: {  	_ =	shalt  }
0x77: {  	_ =	shalt  }
0x78: {  	_ =	shalt  }
0x79: {  	_ =	shalt  }
0x7a: {  	_ =	shalt  }
0x7b: {  	_ =	shalt  }
0x7c: {  	_ =	shalt  }
0x7d: {  	_ =	shalt  }
0x7e: {  	_ =	shalt  }
0x7f: {  	_ =	shalt  }
0x80: {  	_ =	shalt  }
0x81: {  	_ =	shalt  }
0x82: {  	_ =	shalt  }
0x83: {  	_ =	shalt  }
0x84: {  	_ =	shalt  }
0x85: {  	_ =	shalt  }
0x86: {  	_ =	shalt  }
0x87: {  	_ =	shalt  }
.Lfunc_end0:
.L_simem_size_0:
called_computation_lowered:
.L_overlay_start_0:
0x88: {  	s2 =	sld [smem:$0x3FD9]  }
0x89: {  	s3 =	sld [smem:$0x3FFE];
	_ =	sdelay $0x1  }
0x8a: {  	s1 =	srdreg.scid  }
0x8b: {  	s0 =	sand.u32 $0x1, s1  }
0x8c: {  	s14 =	sshll.u32 s0, $0xA;
	s2 =	sadd.s32 s3, s2  }
0x8d: {  	s2 =	sadd.s32 s2, s14  }
0x8e: {  	[smem:$0x3FC7] =	sst s2  }
0x8f: {  	_ = 	snop  }
0x90: {  	s2 =	sld [smem:$0x3FD0];
	_ =	sdelay $0x2  }
0x91: {  	s15 =	simm.s32 $0xA;
	s4 =	simm.s32 $0x10  }
0x92: {  	[smem:s4], [sflag:s15] =	dma.local [hbm:s2], $0x1  }
0x93: {  	_ =	swait.eq [sflag:s15], $0x1  }
0x94: {  	s16 =	sld [smem:$0x10];
	[sflag:s15] =	ssyncset.done $0x0  }
0x95: {  	s17 =	sld [smem:$0x11];
	[sflag:s15] =	ssyncadd.s32 $0xFFFFFFFF  }
0x96: {  	s18 =	sld [smem:$0x12];
	(tm) =	ssettm $0x1  }
0x97: {  	s5 =	sld [smem:$0x3FFB];
	_ =	sdelay $0x3  }
0x98: {  	_ =	strace s5  }
0x99: {  	s5 =	sld [smem:$0x3FFC];
	_ =	sdelay $0x3  }
0x9a: {  	_ =	strace s5  }
0x9b: {  	s5 =	sld [smem:$0x3FFD];
	_ =	sdelay $0x3  }
0x9c: {  	_ =	strace s5  }
0x9d: {  	_ =	strace $0x8FFFFFFF  }
0x9e: {  	s19 =	sld [smem:$0x3FDB];
	_ =	sdelay $0x1  }
0x9f: {  	s6 =	simm.s32 $_scs_section_size  }
0xa0: {  	s7 =	simm.s32 $_size__tile_overlayer_lowered;
	s8 =	simm.s32 $_tile_overlayer_lowered  }
0xa1: {  	s22 =	simm.s32 $0x1BFF;
	s21 =	sshll.u32 s8, $0x1;
	s5 =	sadd.s32 s6, s19  }
0xa2: {  	s9 =	simm.s32 $0x0;
	s20 =	sshll.u32 s7, $0x1;
	s7 =	sadd.s32 s21, s5  }
0xa3: {  	[timem:s9], [sflag:s22] =	dma.local [hbm:s7], s20  }
0xa4: {  	_ =	swait.ge [sflag:s22], s20  }
0xa5: {  	s6 =	ssub.s32 $0x0, s20;
	[sflag:s22] =	ssyncset.done $0x0  }
0xa6: {  	[sflag:s22] =	ssyncadd.s32 s6;
	_ =	sdelay $0x1  }
0xa7: {  	s23 =	simm.s32 $0x1B8B  }
0xa8: {  	_ =	swait.ge [sflag:s23], $0x1  }
0xa9: {  	[sflag:s23] =	ssyncset.done $0x0  }
0xaa: {  	s25 =	simm.s32 $0x1B8E;
	s24 =	sld [smem:$0x3FFE];
	[sflag:s23] =	ssyncadd.s32 $0xFFFFFFFF  }
0xab: {  	s26 =	simm.s32 $execute0_lowered;
	[smem:$0x3FD2] =	sst s25  }
0xac: {  	s7 =	sshll.u32 s26, $0x1;
	_ =	strace $0x80000046;
	[dreg:$0x1] =	wrdreg $0xFFFFFFFF  }
0xad: {  	s28 =	simm.s32 $_size_execute0_lowered;
	s5 =	sadd.s32 s5, s7;
	[dreg:$0x0] =	wrdreg $0x0  }
0xae: {  	s7 =	sshll.u32 s28, $0x1;
	[dreg:$0x2] =	wrdreg s5  }
0xaf: {  	[dreg:$0x3] =	wrdreg s7  }
0xb0: {  	[dreg:$0x4] =	wrdreg $0xC0  }
0xb1: {  	_ =	task [dreg:s9], $0x5FFFF  }
0xb2: {  	[dreg:$0x1] =	wrdreg $0xFFFFFFFF  }
0xb3: {  	[dreg:$0x0] =	wrdreg $0x60  }
0xb4: {  	[dreg:$0x2] =	wrdreg s24  }
0xb5: {  	[dreg:$0x3] =	wrdreg s16  }
0xb6: {  	[dreg:$0x4] =	wrdreg s17  }
0xb7: {  	[dreg:$0x5] =	wrdreg s18  }
0xb8: {  	[dreg:$0x6] =	wrdreg $0x9  }
0xb9: {  	_ =	task.clear_ibuf [dreg:s9], $0x7FFFF;
	_ =	strace $0x90000046  }
0xba: {  	s29 =	simm.s32 $0x9;
	_ =	strace $0x80000048  }
0xbb: {  	_ =	swait.ge [sflag:s29], $0x1  }
0xbc: {  	[sflag:s29] =	ssyncadd.s32 $0xFFFFFFFF  }
0xbd: {  	_ =	strace $0x90000048  }
0xbe: {  	_ =	sfence  }
0xbf: {  	s30 =	sld [smem:$0x0];
	_ =	sdelay $0x2  }
0xc0: {  	s31 =	sshll.u32 s1, $0xD;
	s1 =	sshrl.u32 s1, $0x2  }
0xc1: {  	s3 =	sand.u32 $0x4000, s31;
	s1 =	sadd.s32 s1, s30  }
0xc2: {  	s0 =	sor.u32 s3, s0;
	s1 =	sshll.u32 s1, $0x11  }
0xc3: {  	s0 =	sor.u32 s1, s0  }
0xc4: {  	s0 =	sadd.s32 $0x8F2B, s0  }
0xc5: {  	[sflag:s0] =	ssyncadd.remote.s32 $0x1  }
0xc6: {  	_ =	sfence.sel $0xFFFF  }
0xc7: {  	[dreg:$0x0] =	wrdreg $0xFFFFFFFF;
	(pc) =	sbr.abs _section_cstart, $3  }
0xc8: {  	[dreg:$0x1] =	wrdreg $0xFFFFFFFF  }
0xc9: {  	_ =	task.clear_ibuf [dreg:s9], $0x2FFFF;
	_ =	strace $0x9FFFFFFF  }
0xca: {  	(tm) =	ssettm $0x7FFFFFFF  }
0xcb: {  	_ =	shalt  }
tec
execute0_lowered:
.L_overlay_start_1:
0x0: {  	(tag) =	ssettag $0x1  }
0x1: {  	s6 =	rddreg [dreg:$0x0]  }
0x2: {  	s1 =	rddreg [dreg:$0x1];
	v61 =	vlaneseq.u32  }
0x3: {  	s2 =	rddreg [dreg:$0x2];
	v0 =	vmul.u32 $0x80, v61  }
0x4: {  	s3 =	rddreg [dreg:$0x3];
	v1 =	vmul.u32 $0x42, v61  }
0x5: {  	s0 =	rddreg [dreg:$0x4];
	s4 =	simm.s32 $0x0;
	v4 =	vadd.s32 $0xFFFFFFFC, v0;
	v8 =	vadd.s32 $0xFFFFFFFD, v0  }
0x6: {  	[smem:$0x7FF] =	sst s4;
	v9 =	vadd.s32 $0xFFFFFFFE, v0;
	v10 =	vadd.s32 $0xFFFFFFFF, v0;
	v0 =	vadd.s32 $0x4, v1  }
0x7: {  	s5 =	srdreg.scid;
	s11 =	simm.s32 $0x800;
	_ =	strace $0x80000047;
	v63 =	vadd.s32 $0x2, v1;
	[tilespmem:$0x1FFA0] =	vst v0  }
.Ltmp0:
0x8: {  	s12 =	simm.s32 $0xF00;
	s7 =	sand.u32 $0x1, s5;
	v0 =	vadd.s32 $0x6, v1;
	[tilespmem:$0x1FFF0] =	vst v63;
	(pc) =	sbr.rel .LBB2_1-.Ltmp0, $4  }
0x9: {  	s13 =	simm.s32 $0x0;
	s5 =	stileid.u32;
	s8 =	ssub.s32 $0x2, s7;
	[tilespmem:$0x1FFB0] =	vst v0;
	v0 =	vadd.s32 $0x8, v1  }
0xa: {  	s10 =	sshll.u32 s5, $0x8;
	s7 =	sshll.u32 s7, $0x7;
	s9 =	sshrl.u32 s8, $0x1;
	[tilespmem:$0x1FFC0] =	vst v0;
	v0 =	vadd.s32 $0xA, v1  }
0xb: {  	v62 =	vimm.s32 $0xFFFFFFFF;
	v7 =	vmul.u32 $0x21, v61;
	s6 =	sadd.s32 $0x200C00, s6;
	s7 =	sor.u32 s7, s10;
	s8 =	ssub.s32 s8, s9;
	[tilespmem:$0x1FFD0] =	vst v0;
	v0 =	vadd.s32 $0x3, v1  }
0xc: {  	v3 =	vimm.s32 $0x0;
	v6 =	vimm.s32 $0x1;
	v5 =	vor.u32 $0x1, v1;
	s10 =	simm.s32 $0xA80;
	s9 =	simm.s32 $0x1;
	s8 =	smax.u32 s8, $0x1;
	[tilespmem:$0x1FFE0] =	vst v0  }
.LBB2_15:
0xd: {  	s13 =	sadd.s32 $0x1, s13  }
0xe: {  	p0 =	sne.s32 s13, s8  }
.Ltmp1:
0xf: {  	_ = 	snop;
	(pc) =	sbr.rel @!p0 .LBB2_16-.Ltmp1, $1  }
0x10: {  	_ =	sdelay $0x3  }
.LBB2_1:
.Ltmp2:
0x11: {  	(pc) =	sbr.rel .LBB2_2-.Ltmp2, $2  }
0x12: {  	_ =	sdelay $0x2  }
0x13: {  	s14 =	simm.s32 $0x0  }
.LBB2_14:
0x14: {  	s16 =	smul.u32 $0x21, s15;
	_ =	sdelay $0x1  }
0x15: {  	s16 =	sshrl.u32 s16, $0x3  }
0x16: {  	s30 =	smul.u32 $0x42, s15;
	s16 =	sadd.s32 s1, s16  }
0x17: {  	[hbm4b:s16+s4] =	stream.linear.scatter [tilespmem:s11], [sflag:$0x1], $0x210, $0x38;
	[tilespmem:$0x1B00] =	vst v63  }
0x18: {  	_ =	swait.ge [sflag:s9], $0x210  }
0x19: {  	s16 =	sshrl.u32 s30, $0x3;
	[sflag:s9] =	ssyncset.done $0x0  }
0x1a: {  	s16 =	sadd.s32 s2, s16;
	[sflag:s9] =	ssyncadd.s32 $0xFFFFFDF0  }
0x1b: {  	[hbm4b:s16+s4] =	stream.linear.scatter [tilespmem:s10], [sflag:$0x1], $0x420, $0x38;
	[tilespmem:$0x1B00] =	vst v63  }
0x1c: {  	s31 =	smul.u32 $0x18, s15;
	s14 =	sadd.s32 $0x1, s14;
	_ =	swait.ge [sflag:s9], $0x420  }
0x1d: {  	p0 =	sne.s32 s14, $0x8;
	[sflag:s9] =	ssyncset.done $0x0  }
.Ltmp3:
0x1e: {  	s15 =	sadd.s32 s3, s31;
	[sflag:s9] =	ssyncadd.s32 $0xFFFFFBE0;
	(pc) =	sbr.rel @!p0 .LBB2_15-.Ltmp3, $4  }
0x1f: {  	[hbm4b:s15+s4] =	stream.linear.scatter [tilespmem:s12], [sflag:$0x1], $0xC00, $0x38;
	[tilespmem:$0x1B00] =	vst v63  }
0x20: {  	_ =	swait.ge [sflag:s9], $0xC00  }
0x21: {  	[sflag:s9] =	ssyncset.done $0x0  }
0x22: {  	[sflag:s9] =	ssyncadd.s32 $0xFFFFF400  }
.LBB2_2:
0x23: {  	s15 =	sshll.u32 s14, $0x4  }
0x24: {  	s15 =	sadd.s32 s7, s15  }
0x25: {  	s16 =	sshll.u32 s15, $0x4  }
0x26: {  	s16 =	sadd.s32 s6, s16  }
0x27: {  	[tilespmem:s4], [sflag:$0x1] =	stream.linear.gather [hbm4b:s16+s4], $0x800, $0x38;
	[tilespmem:$0x1B00] =	vst v63  }
0x28: {  	_ =	swait.ge [sflag:s9], $0x800  }
0x29: {  	[sflag:s9] =	ssyncset.done $0x0  }
0x2a: {  	v19 =	vimm.s32 $0x0;
	[sflag:s9] =	ssyncadd.s32 $0xFFFFF800  }
0x2b: {  	[tilespmem:$0x800] =	vst v19  }
0x2c: {  	[tilespmem:$0x810] =	vst v19  }
0x2d: {  	[tilespmem:$0x820] =	vst v19  }
0x2e: {  	[tilespmem:$0x830] =	vst v19  }
0x2f: {  	[tilespmem:$0x840] =	vst v19  }
0x30: {  	[tilespmem:$0x850] =	vst v19  }
0x31: {  	[tilespmem:$0x860] =	vst v19  }
0x32: {  	[tilespmem:$0x870] =	vst v19  }
0x33: {  	[tilespmem:$0x880] =	vst v19  }
0x34: {  	[tilespmem:$0x890] =	vst v19  }
0x35: {  	[tilespmem:$0x8A0] =	vst v19  }
0x36: {  	[tilespmem:$0x8B0] =	vst v19  }
0x37: {  	[tilespmem:$0x8C0] =	vst v19  }
0x38: {  	[tilespmem:$0x8D0] =	vst v19  }
0x39: {  	[tilespmem:$0x8E0] =	vst v19  }
0x3a: {  	[tilespmem:$0x8F0] =	vst v19  }
0x3b: {  	[tilespmem:$0x900] =	vst v19  }
0x3c: {  	[tilespmem:$0x910] =	vst v19  }
0x3d: {  	[tilespmem:$0x920] =	vst v19  }
0x3e: {  	[tilespmem:$0x930] =	vst v19  }
0x3f: {  	[tilespmem:$0x940] =	vst v19  }
0x40: {  	[tilespmem:$0x950] =	vst v19  }
0x41: {  	[tilespmem:$0x960] =	vst v19  }
0x42: {  	[tilespmem:$0x970] =	vst v19  }
0x43: {  	[tilespmem:$0x980] =	vst v19  }
0x44: {  	[tilespmem:$0x990] =	vst v19  }
0x45: {  	[tilespmem:$0x9A0] =	vst v19  }
0x46: {  	[tilespmem:$0x9B0] =	vst v19  }
0x47: {  	[tilespmem:$0x9C0] =	vst v19  }
0x48: {  	[tilespmem:$0x9D0] =	vst v19  }
0x49: {  	[tilespmem:$0x9E0] =	vst v19  }
0x4a: {  	[tilespmem:$0x9F0] =	vst v19  }
0x4b: {  	[tilespmem:$0xA00] =	vst v19  }
0x4c: {  	[tilespmem:$0xA80] =	vst v19  }
0x4d: {  	[tilespmem:$0xA90] =	vst v19  }
0x4e: {  	[tilespmem:$0xAA0] =	vst v19  }
0x4f: {  	[tilespmem:$0xAB0] =	vst v19  }
0x50: {  	[tilespmem:$0xAC0] =	vst v19  }
0x51: {  	[tilespmem:$0xAD0] =	vst v19  }
0x52: {  	[tilespmem:$0xAE0] =	vst v19  }
0x53: {  	[tilespmem:$0xAF0] =	vst v19  }
0x54: {  	[tilespmem:$0xB00] =	vst v19  }
0x55: {  	[tilespmem:$0xB10] =	vst v19  }
0x56: {  	[tilespmem:$0xB20] =	vst v19  }
0x57: {  	[tilespmem:$0xB30] =	vst v19  }
0x58: {  	[tilespmem:$0xB40] =	vst v19  }
0x59: {  	[tilespmem:$0xB50] =	vst v19  }
0x5a: {  	[tilespmem:$0xB60] =	vst v19  }
0x5b: {  	[tilespmem:$0xB70] =	vst v19  }
0x5c: {  	[tilespmem:$0xB80] =	vst v19  }
0x5d: {  	[tilespmem:$0xB90] =	vst v19  }
0x5e: {  	[tilespmem:$0xBA0] =	vst v19  }
0x5f: {  	[tilespmem:$0xBB0] =	vst v19  }
0x60: {  	[tilespmem:$0xBC0] =	vst v19  }
0x61: {  	[tilespmem:$0xBD0] =	vst v19  }
0x62: {  	[tilespmem:$0xBE0] =	vst v19  }
0x63: {  	[tilespmem:$0xBF0] =	vst v19  }
0x64: {  	[tilespmem:$0xC00] =	vst v19  }
0x65: {  	[tilespmem:$0xC10] =	vst v19  }
0x66: {  	[tilespmem:$0xC20] =	vst v19  }
0x67: {  	[tilespmem:$0xC30] =	vst v19  }
0x68: {  	[tilespmem:$0xC40] =	vst v19  }
0x69: {  	[tilespmem:$0xC50] =	vst v19  }
0x6a: {  	[tilespmem:$0xC60] =	vst v19  }
0x6b: {  	[tilespmem:$0xC70] =	vst v19  }
0x6c: {  	[tilespmem:$0xC80] =	vst v19  }
0x6d: {  	[tilespmem:$0xC90] =	vst v19  }
0x6e: {  	[tilespmem:$0xCA0] =	vst v19  }
0x6f: {  	[tilespmem:$0xCB0] =	vst v19  }
0x70: {  	[tilespmem:$0xCC0] =	vst v19  }
0x71: {  	[tilespmem:$0xCD0] =	vst v19  }
0x72: {  	[tilespmem:$0xCE0] =	vst v19  }
0x73: {  	[tilespmem:$0xCF0] =	vst v19  }
0x74: {  	[tilespmem:$0xD00] =	vst v19  }
0x75: {  	[tilespmem:$0xD10] =	vst v19  }
0x76: {  	[tilespmem:$0xD20] =	vst v19  }
0x77: {  	[tilespmem:$0xD30] =	vst v19  }
0x78: {  	[tilespmem:$0xD40] =	vst v19  }
0x79: {  	[tilespmem:$0xD50] =	vst v19  }
0x7a: {  	[tilespmem:$0xD60] =	vst v19  }
0x7b: {  	[tilespmem:$0xD70] =	vst v19  }
0x7c: {  	[tilespmem:$0xD80] =	vst v19  }
0x7d: {  	[tilespmem:$0xD90] =	vst v19  }
0x7e: {  	[tilespmem:$0xDA0] =	vst v19  }
0x7f: {  	[tilespmem:$0xDB0] =	vst v19  }
0x80: {  	[tilespmem:$0xDC0] =	vst v19  }
0x81: {  	[tilespmem:$0xDD0] =	vst v19  }
0x82: {  	[tilespmem:$0xDE0] =	vst v19  }
0x83: {  	[tilespmem:$0xDF0] =	vst v19  }
0x84: {  	[tilespmem:$0xE00] =	vst v19  }
0x85: {  	[tilespmem:$0xE10] =	vst v19  }
0x86: {  	[tilespmem:$0xE20] =	vst v19  }
0x87: {  	[tilespmem:$0xE30] =	vst v19  }
0x88: {  	[tilespmem:$0xE40] =	vst v19  }
0x89: {  	[tilespmem:$0xE50] =	vst v19  }
0x8a: {  	[tilespmem:$0xE60] =	vst v19  }
0x8b: {  	[tilespmem:$0xE70] =	vst v19  }
0x8c: {  	[tilespmem:$0xE80] =	vst v19  }
0x8d: {  	[tilespmem:$0xE90] =	vst v19  }
0x8e: {  	[tilespmem:$0xF00] =	vst v62  }
0x8f: {  	[tilespmem:$0xF10] =	vst v62  }
0x90: {  	[tilespmem:$0xF20] =	vst v62  }
0x91: {  	[tilespmem:$0xF30] =	vst v62  }
0x92: {  	[tilespmem:$0xF40] =	vst v62  }
0x93: {  	[tilespmem:$0xF50] =	vst v62  }
0x94: {  	[tilespmem:$0xF60] =	vst v62  }
0x95: {  	[tilespmem:$0xF70] =	vst v62  }
0x96: {  	[tilespmem:$0xF80] =	vst v62  }
0x97: {  	[tilespmem:$0xF90] =	vst v62  }
0x98: {  	[tilespmem:$0xFA0] =	vst v62  }
0x99: {  	[tilespmem:$0xFB0] =	vst v62  }
0x9a: {  	[tilespmem:$0xFC0] =	vst v62  }
0x9b: {  	[tilespmem:$0xFD0] =	vst v62  }
0x9c: {  	[tilespmem:$0xFE0] =	vst v62  }
0x9d: {  	[tilespmem:$0xFF0] =	vst v62  }
0x9e: {  	[tilespmem:$0x1000] =	vst v62  }
0x9f: {  	[tilespmem:$0x1010] =	vst v62  }
0xa0: {  	[tilespmem:$0x1020] =	vst v62  }
0xa1: {  	[tilespmem:$0x1030] =	vst v62  }
0xa2: {  	[tilespmem:$0x1040] =	vst v62  }
0xa3: {  	[tilespmem:$0x1050] =	vst v62  }
0xa4: {  	[tilespmem:$0x1060] =	vst v62  }
0xa5: {  	[tilespmem:$0x1070] =	vst v62  }
0xa6: {  	[tilespmem:$0x1080] =	vst v62  }
0xa7: {  	[tilespmem:$0x1090] =	vst v62  }
0xa8: {  	[tilespmem:$0x10A0] =	vst v62  }
0xa9: {  	[tilespmem:$0x10B0] =	vst v62  }
0xaa: {  	[tilespmem:$0x10C0] =	vst v62  }
0xab: {  	[tilespmem:$0x10D0] =	vst v62  }
0xac: {  	[tilespmem:$0x10E0] =	vst v62  }
0xad: {  	[tilespmem:$0x10F0] =	vst v62  }
0xae: {  	[tilespmem:$0x1100] =	vst v62  }
0xaf: {  	[tilespmem:$0x1110] =	vst v62  }
0xb0: {  	[tilespmem:$0x1120] =	vst v62  }
0xb1: {  	[tilespmem:$0x1130] =	vst v62  }
0xb2: {  	[tilespmem:$0x1140] =	vst v62  }
0xb3: {  	[tilespmem:$0x1150] =	vst v62  }
0xb4: {  	[tilespmem:$0x1160] =	vst v62  }
0xb5: {  	[tilespmem:$0x1170] =	vst v62  }
0xb6: {  	[tilespmem:$0x1180] =	vst v62  }
0xb7: {  	[tilespmem:$0x1190] =	vst v62  }
0xb8: {  	[tilespmem:$0x11A0] =	vst v62  }
0xb9: {  	[tilespmem:$0x11B0] =	vst v62  }
0xba: {  	[tilespmem:$0x11C0] =	vst v62  }
0xbb: {  	[tilespmem:$0x11D0] =	vst v62  }
0xbc: {  	[tilespmem:$0x11E0] =	vst v62  }
0xbd: {  	[tilespmem:$0x11F0] =	vst v62  }
0xbe: {  	[tilespmem:$0x1200] =	vst v62  }
0xbf: {  	[tilespmem:$0x1210] =	vst v62  }
0xc0: {  	[tilespmem:$0x1220] =	vst v62  }
0xc1: {  	[tilespmem:$0x1230] =	vst v62  }
0xc2: {  	[tilespmem:$0x1240] =	vst v62  }
0xc3: {  	[tilespmem:$0x1250] =	vst v62  }
0xc4: {  	[tilespmem:$0x1260] =	vst v62  }
0xc5: {  	[tilespmem:$0x1270] =	vst v62  }
0xc6: {  	[tilespmem:$0x1280] =	vst v62  }
0xc7: {  	[tilespmem:$0x1290] =	vst v62  }
0xc8: {  	[tilespmem:$0x12A0] =	vst v62  }
0xc9: {  	[tilespmem:$0x12B0] =	vst v62  }
0xca: {  	[tilespmem:$0x12C0] =	vst v62  }
0xcb: {  	[tilespmem:$0x12D0] =	vst v62  }
0xcc: {  	[tilespmem:$0x12E0] =	vst v62  }
0xcd: {  	[tilespmem:$0x12F0] =	vst v62  }
0xce: {  	[tilespmem:$0x1300] =	vst v62  }
0xcf: {  	[tilespmem:$0x1310] =	vst v62  }
0xd0: {  	[tilespmem:$0x1320] =	vst v62  }
0xd1: {  	[tilespmem:$0x1330] =	vst v62  }
0xd2: {  	[tilespmem:$0x1340] =	vst v62  }
0xd3: {  	[tilespmem:$0x1350] =	vst v62  }
0xd4: {  	[tilespmem:$0x1360] =	vst v62  }
0xd5: {  	[tilespmem:$0x1370] =	vst v62  }
0xd6: {  	[tilespmem:$0x1380] =	vst v62  }
0xd7: {  	[tilespmem:$0x1390] =	vst v62  }
0xd8: {  	[tilespmem:$0x13A0] =	vst v62  }
0xd9: {  	[tilespmem:$0x13B0] =	vst v62  }
0xda: {  	[tilespmem:$0x13C0] =	vst v62  }
0xdb: {  	[tilespmem:$0x13D0] =	vst v62  }
0xdc: {  	[tilespmem:$0x13E0] =	vst v62  }
0xdd: {  	[tilespmem:$0x13F0] =	vst v62  }
0xde: {  	[tilespmem:$0x1400] =	vst v62  }
0xdf: {  	[tilespmem:$0x1410] =	vst v62  }
0xe0: {  	[tilespmem:$0x1420] =	vst v62  }
0xe1: {  	[tilespmem:$0x1430] =	vst v62  }
0xe2: {  	[tilespmem:$0x1440] =	vst v62  }
0xe3: {  	[tilespmem:$0x1450] =	vst v62  }
0xe4: {  	[tilespmem:$0x1460] =	vst v62  }
0xe5: {  	[tilespmem:$0x1470] =	vst v62  }
0xe6: {  	[tilespmem:$0x1480] =	vst v62  }
0xe7: {  	[tilespmem:$0x1490] =	vst v62  }
0xe8: {  	[tilespmem:$0x14A0] =	vst v62  }
0xe9: {  	[tilespmem:$0x14B0] =	vst v62  }
0xea: {  	[tilespmem:$0x14C0] =	vst v62  }
0xeb: {  	[tilespmem:$0x14D0] =	vst v62  }
0xec: {  	[tilespmem:$0x14E0] =	vst v62  }
0xed: {  	[tilespmem:$0x14F0] =	vst v62  }
0xee: {  	[tilespmem:$0x1500] =	vst v62  }
0xef: {  	[tilespmem:$0x1510] =	vst v62  }
0xf0: {  	[tilespmem:$0x1520] =	vst v62  }
0xf1: {  	[tilespmem:$0x1530] =	vst v62  }
0xf2: {  	[tilespmem:$0x1540] =	vst v62  }
0xf3: {  	[tilespmem:$0x1550] =	vst v62  }
0xf4: {  	[tilespmem:$0x1560] =	vst v62  }
0xf5: {  	[tilespmem:$0x1570] =	vst v62  }
0xf6: {  	[tilespmem:$0x1580] =	vst v62  }
0xf7: {  	[tilespmem:$0x1590] =	vst v62  }
0xf8: {  	[tilespmem:$0x15A0] =	vst v62  }
0xf9: {  	[tilespmem:$0x15B0] =	vst v62  }
0xfa: {  	[tilespmem:$0x15C0] =	vst v62  }
0xfb: {  	[tilespmem:$0x15D0] =	vst v62  }
0xfc: {  	[tilespmem:$0x15E0] =	vst v62  }
0xfd: {  	[tilespmem:$0x15F0] =	vst v62  }
0xfe: {  	[tilespmem:$0x1600] =	vst v62  }
0xff: {  	[tilespmem:$0x1610] =	vst v62  }
0x100: {  	[tilespmem:$0x1620] =	vst v62  }
0x101: {  	[tilespmem:$0x1630] =	vst v62  }
0x102: {  	[tilespmem:$0x1640] =	vst v62  }
0x103: {  	[tilespmem:$0x1650] =	vst v62  }
0x104: {  	[tilespmem:$0x1660] =	vst v62  }
0x105: {  	[tilespmem:$0x1670] =	vst v62  }
0x106: {  	[tilespmem:$0x1680] =	vst v62  }
0x107: {  	[tilespmem:$0x1690] =	vst v62  }
0x108: {  	[tilespmem:$0x16A0] =	vst v62  }
0x109: {  	[tilespmem:$0x16B0] =	vst v62  }
0x10a: {  	[tilespmem:$0x16C0] =	vst v62  }
0x10b: {  	[tilespmem:$0x16D0] =	vst v62  }
0x10c: {  	[tilespmem:$0x16E0] =	vst v62  }
0x10d: {  	[tilespmem:$0x16F0] =	vst v62  }
0x10e: {  	[tilespmem:$0x1700] =	vst v62  }
0x10f: {  	[tilespmem:$0x1710] =	vst v62  }
0x110: {  	[tilespmem:$0x1720] =	vst v62  }
0x111: {  	[tilespmem:$0x1730] =	vst v62  }
0x112: {  	[tilespmem:$0x1740] =	vst v62  }
0x113: {  	[tilespmem:$0x1750] =	vst v62  }
0x114: {  	[tilespmem:$0x1760] =	vst v62  }
0x115: {  	[tilespmem:$0x1770] =	vst v62  }
0x116: {  	[tilespmem:$0x1780] =	vst v62  }
0x117: {  	[tilespmem:$0x1790] =	vst v62  }
0x118: {  	[tilespmem:$0x17A0] =	vst v62  }
0x119: {  	[tilespmem:$0x17B0] =	vst v62  }
0x11a: {  	[tilespmem:$0x17C0] =	vst v62  }
0x11b: {  	[tilespmem:$0x17D0] =	vst v62  }
0x11c: {  	[tilespmem:$0x17E0] =	vst v62  }
0x11d: {  	[tilespmem:$0x17F0] =	vst v62  }
0x11e: {  	[tilespmem:$0x1800] =	vst v62  }
0x11f: {  	[tilespmem:$0x1810] =	vst v62  }
0x120: {  	[tilespmem:$0x1820] =	vst v62  }
0x121: {  	[tilespmem:$0x1830] =	vst v62  }
0x122: {  	[tilespmem:$0x1840] =	vst v62  }
0x123: {  	[tilespmem:$0x1850] =	vst v62  }
0x124: {  	[tilespmem:$0x1860] =	vst v62  }
0x125: {  	[tilespmem:$0x1870] =	vst v62  }
0x126: {  	[tilespmem:$0x1880] =	vst v62  }
0x127: {  	[tilespmem:$0x1890] =	vst v62  }
0x128: {  	[tilespmem:$0x18B0] =	vst v62  }
0x129: {  	[tilespmem:$0x1AA0] =	vst v62  }
0x12a: {  	[tilespmem:$0x1A30] =	vst v62  }
0x12b: {  	[tilespmem:$0x18D0] =	vst v62  }
0x12c: {  	[tilespmem:$0x18E0] =	vst v62  }
0x12d: {  	[tilespmem:$0x19C0] =	vst v62  }
0x12e: {  	[tilespmem:$0x1900] =	vst v62  }
0x12f: {  	[tilespmem:$0x18F0] =	vst v62  }
0x130: {  	[tilespmem:$0x1910] =	vst v62  }
0x131: {  	[tilespmem:$0x1920] =	vst v62  }
0x132: {  	[tilespmem:$0x1940] =	vst v62  }
0x133: {  	[tilespmem:$0x1950] =	vst v62  }
0x134: {  	[tilespmem:$0x1960] =	vst v62  }
0x135: {  	[tilespmem:$0x1930] =	vst v62  }
0x136: {  	[tilespmem:$0x1970] =	vst v62  }
0x137: {  	[tilespmem:$0x1980] =	vst v62  }
0x138: {  	[tilespmem:$0x1990] =	vst v62  }
0x139: {  	[tilespmem:$0x19B0] =	vst v62  }
0x13a: {  	v0 =	vimm.s32 $0xFFFFFFFE;
	v11 =	vimm.s32 $0xFFFFFFFC;
	[tilespmem:$0x19D0] =	vst v62  }
0x13b: {  	v12 =	vandn.u32 v0, v11;
	[tilespmem:$0x19E0] =	vst v62  }
0x13c: {  	v2 =	vsub.s32 $0x0, v12;
	[tilespmem:$0x19F0] =	vst v62  }
0x13d: {  	v2 =	vand.u32 v2, v12;
	[tilespmem:$0x1A00] =	vst v62  }
0x13e: {  	v13 =	vcvt.s32.f32 v2;
	[tilespmem:$0x1A10] =	vst v62  }
0x13f: {  	v2 =	vimm.s32 $0x1;
	[tilespmem:$0x1A20] =	vst v62  }
0x140: {  	v14 =	vandn.u32 v2, v2;
	v13 =	vshrl.u32 v13, $0x17;
	[tilespmem:$0x1A40] =	vst v62  }
0x141: {  	v14 =	vshll.u32 v14, $0x5;
	v13 =	vand.u32 $0xFF, v13;
	[tilespmem:$0x18A0] =	vst v62  }
0x142: {  	vm0 =	veq.s32 v3, v12;
	v13 =	vadd.s32 $0xFFFFFF81, v13;
	v14 =	vand.u32 $0x20, v14;
	[tilespmem:$0x1AB0] =	vst v62  }
0x143: {  	[tilespmem:$0x1A50] =	vst v62;
	v18 =	vsel vm0, v14, v13  }
0x144: {  	[tilespmem:$0x1A60] =	vst v62;
	v12 =	vshll.u32 v18, $0x2  }
0x145: {  	[tilespmem:$0x1A70] =	vst v62;
	vm0 =	vgt.s32 v12, $0x4  }
0x146: {  	[tilespmem:$0x1A80] =	vst v62;
	v13 =	vnsel vm0, $0x4, v12  }
0x147: {  	[tilespmem:$0x1A90] =	vst v62;
	v14 =	vadd.s32 $0x7C, v13;
	v13 =	vadd.s32 v4, v13  }
0x148: {  	[tilespmem:$0x18C0] =	vst v62;
	v14 =	vand.u32 $0x7C, v14;
	v13 =	vand.u32 $0xFFFFFF80, v13  }
0x149: {  	v13 =	vor.u32 v14, v13;
	[tilespmem:$0x1AC0] =	vst v62  }
0x14a: {  	[tilespmem:$0x1AD0] =	vst v62  }
0x14b: {  	[tilespmem:$0x1AE0] =	vst v62  }
0x14c: {  	[tilespmem:$0x19A0] =	vst v62  }
0x14d: {  	[tilespmem:$0x1AF0] =	vst v62  }
0x14e: {  	v13 =	vld.idx.msk [tilespmem:v13+s4+$0x0], $0xffff;
	_ =	sdelay $0x4  }
0x14f: {  	vm0 =	vgt.s32 v18, $0x0;
	v13 =	vadd.s32 $0x1, v13  }
0x150: {  	v13 =	vnsel vm0, $0x0, v13  }
0x151: {  	vm3 =	vlt.s32 v19, $0x20;
	vm1 =	vgt.s32 v13, $0x1F;
	v14 =	vadd.s32 $0xFFFFFFE0, v13  }
0x152: {  	vm11 =	vlt.s32 v19, $0x21;
	v14 =	vsel vm1, v14, v13;
	v15 =	vsel vm1, v2, v0  }
0x153: {  	v16 =	vnsel vm3, $0x20, v19;
	v17 =	vsel vm1, v2, v11;
	v15 =	vshrl.u32 v15, v14  }
0x154: {  	v16 =	vshll.u32 v16, $0x1;
	v14 =	vshrl.u32 v17, v14;
	v15 =	vand.u32 $0x1, v15  }
0x155: {  	vm3 =	vne.s32 v13, $0x0;
	v14 =	vand.u32 $0x1, v14;
	vm4 =	veq.s32 v15, $0x1  }
0x156: {  	v15 =	vadd.s32 v1, v16;
	v17 =	vxor.u32 $0x1, v14;
	vm3 =	vmand vm3, vm4  }
0x157: {  	vm2 =	vgt.s32 v12, $0x3;
	v16 =	vadd.s32 v5, v16;
	v17 =	vnsel vm3, $0x0, v17  }
0x158: {  	v20 =	vnsel vm2, $0x3, v12;
	v21 =	vadd.s32 v7, v13;
	v22 =	vnsel vm11, $0x0, v17  }
0x159: {  	v20 =	vadd.s32 v8, v20;
	v23 =	vmul.u32 v18, v22  }
0x15a: {  	v22 =	vmul.u32 v13, v22  }
0x15b: {  	v14 =	vmul.u32 v18, v14;
	[tilespmem:v15+s10+$0x0] =	vst.idx.add.s32.msk $0xffff, v23  }
0x15c: {  	[tilespmem:v16+s10+$0x0] =	vst.idx.add.s32.msk $0xffff, v22  }
0x15d: {  	[tilespmem:v21+s11+$0x0] =	vst.idx.add.s32.msk $0xffff, v14  }
0x15e: {  	v14 =	vld.idx.msk [tilespmem:v20+s4+$0x0], $0xffff;
	_ =	sdelay $0x2  }
0x15f: {  	v13 =	vshll.u32 v6, v13  }
0x160: {  	vm2 =	vgt.s32 v12, $0x2;
	v13 =	vxor.u32 $0xFFFFFFFF, v13  }
0x161: {  	v13 =	vsel vm1, $0xFFFFFFFF, v13;
	v15 =	vadd.s32 v19, v17;
	v14 =	vadd.s32 $0x1, v14  }
0x162: {  	v16 =	vsel vm1, $0x1, v3;
	vm3 =	vlt.s32 v15, $0x20;
	v14 =	vnsel vm0, $0x0, v14  }
0x163: {  	v11 =	vand.u32 v11, v13;
	vm1 =	vgt.s32 v14, $0x1F;
	v17 =	vadd.s32 $0xFFFFFFE0, v14  }
0x164: {  	v16 =	vandn.u32 v2, v16;
	v13 =	vsel vm1, v17, v14;
	v17 =	vsel vm1, v2, v0  }
0x165: {  	v19 =	vnsel vm3, $0x20, v15;
	v20 =	vsel vm1, v16, v11;
	v17 =	vshrl.u32 v17, v13  }
0x166: {  	v19 =	vshll.u32 v19, $0x1;
	v13 =	vshrl.u32 v20, v13;
	v17 =	vand.u32 $0x1, v17  }
0x167: {  	vm3 =	vne.s32 v14, $0x0;
	v13 =	vand.u32 $0x1, v13;
	vm12 =	veq.s32 v17, $0x1  }
0x168: {  	v17 =	vadd.s32 v1, v19;
	v20 =	vxor.u32 $0x1, v13;
	vm3 =	vmand vm3, vm12  }
0x169: {  	vm13 =	vlt.s32 v15, $0x21;
	v19 =	vadd.s32 v5, v19;
	v20 =	vnsel vm3, $0x0, v20  }
0x16a: {  	v21 =	vnsel vm2, $0x2, v12;
	v22 =	vadd.s32 v7, v14;
	v23 =	vnsel vm13, $0x0, v20  }
0x16b: {  	v21 =	vadd.s32 v9, v21;
	v24 =	vmul.u32 v18, v23  }
0x16c: {  	v23 =	vmul.u32 v14, v23  }
0x16d: {  	v13 =	vmul.u32 v18, v13;
	[tilespmem:v17+s10+$0x0] =	vst.idx.add.s32.msk $0xffff, v24  }
0x16e: {  	[tilespmem:v19+s10+$0x0] =	vst.idx.add.s32.msk $0xffff, v23  }
0x16f: {  	[tilespmem:v22+s11+$0x0] =	vst.idx.add.s32.msk $0xffff, v13  }
0x170: {  	v13 =	vld.idx.msk [tilespmem:v21+s4+$0x0], $0xffff;
	_ =	sdelay $0x3  }
0x171: {  	vm2 =	vgt.s32 v12, $0x1;
	v15 =	vadd.s32 v15, v20;
	v14 =	vshll.u32 v6, v14  }
0x172: {  	vm3 =	vlt.s32 v15, $0x20;
	v14 =	vxor.u32 $0xFFFFFFFF, v14;
	v13 =	vadd.s32 $0x1, v13  }
0x173: {  	v17 =	vsel vm1, $0x1, v3;
	v14 =	vsel vm1, $0xFFFFFFFF, v14;
	v13 =	vnsel vm0, $0x0, v13  }
0x174: {  	v14 =	vand.u32 v11, v14;
	vm1 =	vgt.s32 v13, $0x1F;
	v11 =	vadd.s32 $0xFFFFFFE0, v13  }
0x175: {  	v16 =	vandn.u32 v16, v17;
	v11 =	vsel vm1, v11, v13;
	v17 =	vsel vm1, v2, v0  }
0x176: {  	v19 =	vnsel vm3, $0x20, v15;
	v20 =	vsel vm1, v16, v14;
	v17 =	vshrl.u32 v17, v11  }
0x177: {  	v19 =	vshll.u32 v19, $0x1;
	v11 =	vshrl.u32 v20, v11;
	v17 =	vand.u32 $0x1, v17  }
0x178: {  	vm3 =	vne.s32 v13, $0x0;
	v11 =	vand.u32 $0x1, v11;
	vm14 =	veq.s32 v17, $0x1  }
0x179: {  	v17 =	vadd.s32 v1, v19;
	v20 =	vxor.u32 $0x1, v11;
	vm3 =	vmand vm3, vm14  }
0x17a: {  	vm15 =	vlt.s32 v15, $0x21;
	v19 =	vadd.s32 v5, v19;
	v20 =	vnsel vm3, $0x0, v20  }
0x17b: {  	v12 =	vnsel vm2, $0x1, v12;
	v21 =	vadd.s32 v7, v13;
	v22 =	vnsel vm15, $0x0, v20  }
0x17c: {  	v12 =	vadd.s32 v10, v12;
	v23 =	vmul.u32 v18, v22  }
0x17d: {  	v22 =	vmul.u32 v13, v22  }
0x17e: {  	v11 =	vmul.u32 v18, v11;
	[tilespmem:v17+s10+$0x0] =	vst.idx.add.s32.msk $0xffff, v23  }
0x17f: {  	[tilespmem:v19+s10+$0x0] =	vst.idx.add.s32.msk $0xffff, v22  }
0x180: {  	v13 =	vshll.u32 v6, v13;
	[tilespmem:v21+s11+$0x0] =	vst.idx.add.s32.msk $0xffff, v11  }
0x181: {  	vm2 =	vgt.s32 v18, $0x1F;
	v13 =	vxor.u32 $0xFFFFFFFF, v13;
	v17 =	vshll.u32 v6, v18;
	v12 =	vld.idx.msk [tilespmem:v12+s4+$0x0], $0xffff  }
0x182: {  	v13 =	vsel vm1, $0xFFFFFFFF, v13;
	v11 =	vxor.u32 $0xFFFFFFFF, v17;
	v17 =	vsel vm2, $0x1, v3  }
0x183: {  	v19 =	vsel vm2, $0xFFFFFFFF, v11;
	v11 =	vadd.s32 v15, v20;
	v22 =	vandn.u32 v2, v17  }
0x184: {  	v17 =	vsel vm1, $0x1, v3;
	v20 =	vand.u32 v14, v13;
	vm2 =	vlt.s32 v11, $0x20  }
0x185: {  	v21 =	vand.u32 v0, v19;
	vm1 =	vlt.s32 v11, $0x21;
	v15 =	vnsel vm2, $0x20, v11  }
0x186: {  	v16 =	vandn.u32 v16, v17;
	v19 =	vshll.u32 v15, $0x1;
	v12 =	vadd.s32 $0x1, v12  }
0x187: {  	v13 =	vadd.s32 v1, v19;
	v15 =	vnsel vm0, $0x0, v12;
	v12 =	vadd.s32 v5, v19  }
0x188: {  	vm0 =	vgt.s32 v15, $0x1F;
	v14 =	vadd.s32 $0xFFFFFFE0, v15;
	v17 =	vshll.u32 v6, v15  }
0x189: {  	vm3 =	vne.s32 v15, $0x0;
	v19 =	vsel vm0, v14, v15;
	v17 =	vxor.u32 $0xFFFFFFFF, v17  }
0x18a: {  	v0 =	vsel vm0, v2, v0;
	v2 =	vsel vm0, $0x1, v3;
	v17 =	vsel vm0, $0xFFFFFFFF, v17  }
0x18b: {  	v25 =	vsel vm0, v16, v20;
	v0 =	vshrl.u32 v0, v19;
	v23 =	vand.u32 v20, v17  }
0x18c: {  	v24 =	vandn.u32 v16, v2;
	v16 =	vshrl.u32 v25, v19;
	v17 =	vandn.u32 v21, v23  }
0x18d: {  	v0 =	vand.u32 $0x1, v0;
	v19 =	vandn.u32 v22, v24;
	v2 =	vsub.s32 $0x0, v17  }
0x18e: {  	v14 =	vadd.s32 v7, v15;
	vm2 =	veq.s32 v0, $0x1;
	v0 =	vand.u32 v2, v17  }
0x18f: {  	vm0 =	veq.s32 v3, v17;
	v2 =	vand.u32 $0x1, v16;
	v0 =	vcvt.s32.f32 v0  }
0x190: {  	s16 =	simm.s32 $0x1E;
	v20 =	vmovc v21;
	vm2 =	vmand vm3, vm2;
	v17 =	vshll.u32 v19, $0x5;
	v19 =	vmovc v22;
	v16 =	vxor.u32 $0x1, v2  }
.LBB2_3:
0x191: {  	p0 =	sne.s32 s16, $0x1;
	s16 =	sadd.s32 $0xFFFFFFFF, s16;
	v0 =	vshrl.u32 v0, $0x17;
	v17 =	vand.u32 $0x20, v17;
	v16 =	vnsel vm2, $0x0, v16  }
0x192: {  	v0 =	vand.u32 $0xFF, v0;
	v25 =	vnsel vm1, $0x0, v16;
	v11 =	vadd.s32 v11, v16  }
0x193: {  	v2 =	vmul.u32 v18, v2;
	v0 =	vadd.s32 $0xFFFFFF81, v0;
	v16 =	vmul.u32 v18, v25  }
0x194: {  	v18 =	vsel vm0, v17, v0;
	v0 =	vmul.u32 v15, v25  }
0x195: {  	v15 =	vshll.u32 v18, $0x2;
	v17 =	vshll.u32 v6, v18;
	[tilespmem:v13+s10+$0x0] =	vst.idx.add.s32.msk $0xffff, v16  }
0x196: {  	vm0 =	vgt.s32 v15, $0x4;
	vm1 =	vgt.s32 v15, $0x3;
	vm2 =	vgt.s32 v15, $0x2;
	[tilespmem:v12+s10+$0x0] =	vst.idx.add.s32.msk $0xffff, v0  }
0x197: {  	v0 =	vnsel vm0, $0x4, v15;
	vm0 =	vlt.s32 v11, $0x20;
	v12 =	vnsel vm1, $0x3, v15;
	[tilespmem:v14+s11+$0x0] =	vst.idx.add.s32.msk $0xffff, v2  }
0x198: {  	v2 =	vadd.s32 $0x7C, v0;
	v0 =	vadd.s32 v4, v0;
	v13 =	vnsel vm0, $0x20, v11  }
0x199: {  	v0 =	vand.u32 $0xFFFFFF80, v0;
	v2 =	vand.u32 $0x7C, v2;
	v13 =	vshll.u32 v13, $0x1  }
0x19a: {  	v14 =	vnsel vm2, $0x2, v15;
	vm0 =	vgt.s32 v15, $0x1;
	v2 =	vor.u32 v2, v0  }
0x19b: {  	v0 =	vnsel vm0, $0x1, v15;
	vm0 =	vgt.s32 v18, $0x1F;
	v15 =	vxor.u32 $0xFFFFFFFF, v17  }
0x19c: {  	v16 =	vsel vm0, $0x1, v3;
	v15 =	vsel vm0, $0xFFFFFFFF, v15  }
0x19d: {  	v21 =	vand.u32 v21, v15;
	v22 =	vandn.u32 v22, v16;
	_ =	sdelay $0x1  }
0x19e: {  	v2 =	vld.idx.msk [tilespmem:v2+s4+$0x0], $0xffff;
	_ =	sdelay $0x4  }
0x19f: {  	vm0 =	vgt.s32 v18, $0x0  }
0x1a0: {  	v2 =	vadd.s32 $0x1, v2  }
0x1a1: {  	vm1 =	vlt.s32 v11, $0x21;
	v12 =	vadd.s32 v8, v12;
	v2 =	vnsel vm0, $0x0, v2  }
0x1a2: {  	vm2 =	vgt.s32 v2, $0x1F;
	v15 =	vadd.s32 $0xFFFFFFE0, v2;
	v16 =	vshll.u32 v6, v2  }
0x1a3: {  	v15 =	vsel vm2, v15, v2;
	v17 =	vsel vm2, v24, v23;
	v25 =	vsel vm2, v19, v20  }
0x1a4: {  	v17 =	vshrl.u32 v17, v15;
	v15 =	vshrl.u32 v25, v15;
	v25 =	vadd.s32 v1, v13  }
0x1a5: {  	vm3 =	vne.s32 v2, $0x0;
	v17 =	vand.u32 $0x1, v17;
	v15 =	vand.u32 $0x1, v15  }
0x1a6: {  	v26 =	vxor.u32 $0x1, v17;
	vm4 =	veq.s32 v15, $0x1;
	v15 =	vmul.u32 v18, v17  }
0x1a7: {  	v16 =	vxor.u32 $0xFFFFFFFF, v16;
	v13 =	vadd.s32 v5, v13;
	vm3 =	vmand vm3, vm4  }
0x1a8: {  	v16 =	vsel vm2, $0xFFFFFFFF, v16;
	v17 =	vnsel vm3, $0x0, v26;
	v26 =	vadd.s32 v7, v2  }
0x1a9: {  	v27 =	vnsel vm1, $0x0, v17;
	v11 =	vadd.s32 v11, v17;
	v17 =	vsel vm2, $0x1, v3  }
0x1aa: {  	v28 =	vmul.u32 v18, v27;
	v2 =	vmul.u32 v2, v27;
	vm1 =	vlt.s32 v11, $0x20  }
0x1ab: {  	v27 =	vnsel vm1, $0x20, v11  }
0x1ac: {  	[tilespmem:v25+s10+$0x0] =	vst.idx.add.s32.msk $0xffff, v28;
	v25 =	vshll.u32 v27, $0x1  }
0x1ad: {  	[tilespmem:v13+s10+$0x0] =	vst.idx.add.s32.msk $0xffff, v2  }
0x1ae: {  	[tilespmem:v26+s11+$0x0] =	vst.idx.add.s32.msk $0xffff, v15  }
0x1af: {  	v2 =	vld.idx.msk [tilespmem:v12+s4+$0x0], $0xffff;
	_ =	sdelay $0x5  }
0x1b0: {  	v2 =	vadd.s32 $0x1, v2  }
0x1b1: {  	v13 =	vadd.s32 v9, v14;
	v12 =	vandn.u32 v24, v17;
	v2 =	vnsel vm0, $0x0, v2  }
0x1b2: {  	v14 =	vand.u32 v23, v16;
	vm1 =	vgt.s32 v2, $0x1F;
	v15 =	vadd.s32 $0xFFFFFFE0, v2  }
0x1b3: {  	v15 =	vsel vm1, v15, v2;
	v16 =	vsel vm1, v12, v14;
	v17 =	vsel vm1, v19, v20  }
0x1b4: {  	v16 =	vshrl.u32 v16, v15;
	v15 =	vshrl.u32 v17, v15;
	v17 =	vadd.s32 v1, v25  }
0x1b5: {  	vm2 =	vne.s32 v2, $0x0;
	v16 =	vand.u32 $0x1, v16;
	v15 =	vand.u32 $0x1, v15  }
0x1b6: {  	v23 =	vxor.u32 $0x1, v16;
	vm3 =	veq.s32 v15, $0x1;
	v15 =	vmul.u32 v18, v16  }
0x1b7: {  	v16 =	vadd.s32 v5, v25;
	vm2 =	vmand vm2, vm3;
	vm3 =	vlt.s32 v11, $0x21  }
0x1b8: {  	v24 =	vadd.s32 v7, v2;
	v25 =	vshll.u32 v6, v2;
	v23 =	vnsel vm2, $0x0, v23  }
0x1b9: {  	v26 =	vnsel vm3, $0x0, v23;
	v11 =	vadd.s32 v11, v23;
	v23 =	vxor.u32 $0xFFFFFFFF, v25  }
0x1ba: {  	v25 =	vmul.u32 v18, v26;
	v2 =	vmul.u32 v2, v26;
	vm2 =	vlt.s32 v11, $0x20  }
0x1bb: {  	v26 =	vsel vm1, $0x1, v3;
	v23 =	vsel vm1, $0xFFFFFFFF, v23;
	v27 =	vnsel vm2, $0x20, v11  }
0x1bc: {  	v14 =	vand.u32 v14, v23;
	v12 =	vandn.u32 v12, v26;
	[tilespmem:v17+s10+$0x0] =	vst.idx.add.s32.msk $0xffff, v25;
	v17 =	vshll.u32 v27, $0x1  }
0x1bd: {  	[tilespmem:v16+s10+$0x0] =	vst.idx.add.s32.msk $0xffff, v2  }
0x1be: {  	[tilespmem:v24+s11+$0x0] =	vst.idx.add.s32.msk $0xffff, v15  }
0x1bf: {  	v2 =	vld.idx.msk [tilespmem:v13+s4+$0x0], $0xffff;
	_ =	sdelay $0x5  }
0x1c0: {  	v2 =	vadd.s32 $0x1, v2  }
0x1c1: {  	v0 =	vadd.s32 v10, v0;
	v2 =	vnsel vm0, $0x0, v2  }
0x1c2: {  	vm1 =	vgt.s32 v2, $0x1F;
	v13 =	vadd.s32 $0xFFFFFFE0, v2;
	v15 =	vshll.u32 v6, v2  }
0x1c3: {  	v13 =	vsel vm1, v13, v2;
	v16 =	vsel vm1, v12, v14;
	v23 =	vsel vm1, v19, v20  }
0x1c4: {  	v16 =	vshrl.u32 v16, v13;
	v13 =	vshrl.u32 v23, v13;
	v23 =	vadd.s32 v1, v17  }
0x1c5: {  	vm2 =	vne.s32 v2, $0x0;
	v16 =	vand.u32 $0x1, v16;
	v13 =	vand.u32 $0x1, v13  }
0x1c6: {  	v24 =	vxor.u32 $0x1, v16;
	vm3 =	veq.s32 v13, $0x1;
	v13 =	vmul.u32 v18, v16  }
0x1c7: {  	v16 =	vadd.s32 v5, v17;
	vm2 =	vmand vm2, vm3;
	vm3 =	vlt.s32 v11, $0x21  }
0x1c8: {  	v15 =	vxor.u32 $0xFFFFFFFF, v15;
	v17 =	vnsel vm2, $0x0, v24;
	v24 =	vadd.s32 v7, v2  }
0x1c9: {  	v15 =	vsel vm1, $0xFFFFFFFF, v15;
	v25 =	vnsel vm3, $0x0, v17;
	v11 =	vadd.s32 v11, v17  }
0x1ca: {  	v17 =	vmul.u32 v18, v25;
	v2 =	vmul.u32 v2, v25;
	vm2 =	vlt.s32 v11, $0x20  }
0x1cb: {  	v25 =	vsel vm1, $0x1, v3;
	v26 =	vnsel vm2, $0x20, v11  }
0x1cc: {  	[tilespmem:v23+s10+$0x0] =	vst.idx.add.s32.msk $0xffff, v17;
	v17 =	vshll.u32 v26, $0x1  }
0x1cd: {  	[tilespmem:v16+s10+$0x0] =	vst.idx.add.s32.msk $0xffff, v2  }
0x1ce: {  	[tilespmem:v24+s11+$0x0] =	vst.idx.add.s32.msk $0xffff, v13  }
0x1cf: {  	v0 =	vld.idx.msk [tilespmem:v0+s4+$0x0], $0xffff;
	_ =	sdelay $0x4  }
0x1d0: {  	vm1 =	vlt.s32 v11, $0x21  }
0x1d1: {  	v2 =	vand.u32 v14, v15;
	v16 =	vandn.u32 v12, v25;
	v0 =	vadd.s32 $0x1, v0  }
0x1d2: {  	v12 =	vadd.s32 v5, v17;
	v13 =	vadd.s32 v1, v17;
	v15 =	vnsel vm0, $0x0, v0  }
0x1d3: {  	vm0 =	vgt.s32 v15, $0x1F;
	v0 =	vadd.s32 $0xFFFFFFE0, v15;
	v17 =	vshll.u32 v6, v15  }
0x1d4: {  	v14 =	vadd.s32 v7, v15;
	v0 =	vsel vm0, v0, v15;
	v17 =	vxor.u32 $0xFFFFFFFF, v17  }
0x1d5: {  	v23 =	vsel vm0, v19, v20;
	v24 =	vsel vm0, $0x1, v3;
	v20 =	vmovc v21;
	v19 =	vmovc v22;
	v17 =	vsel vm0, $0xFFFFFFFF, v17  }
0x1d6: {  	v25 =	vsel vm0, v16, v2;
	v26 =	vshrl.u32 v23, v0;
	v23 =	vand.u32 v2, v17  }
.Ltmp4:
0x1d7: {  	v24 =	vandn.u32 v16, v24;
	v2 =	vand.u32 $0x1, v26;
	v17 =	vandn.u32 v21, v23;
	(pc) =	sbr.rel @p0 .LBB2_3-.Ltmp4, $4  }
0x1d8: {  	v0 =	vshrl.u32 v25, v0;
	vm2 =	veq.s32 v2, $0x1;
	v16 =	vsub.s32 $0x0, v17  }
0x1d9: {  	v25 =	vandn.u32 v22, v24;
	v2 =	vand.u32 $0x1, v0;
	v16 =	vand.u32 v16, v17  }
0x1da: {  	vm3 =	vne.s32 v15, $0x0;
	v0 =	vcvt.s32.f32 v16;
	v16 =	vxor.u32 $0x1, v2  }
0x1db: {  	vm0 =	veq.s32 v3, v17;
	vm2 =	vmand vm3, vm2;
	v17 =	vshll.u32 v25, $0x5  }
0x1dc: {  	v0 =	vshrl.u32 v0, $0x17  }
0x1dd: {  	v0 =	vand.u32 $0xFF, v0  }
0x1de: {  	v17 =	vand.u32 $0x20, v17;
	v0 =	vadd.s32 $0xFFFFFF81, v0  }
0x1df: {  	v0 =	vsel vm0, v17, v0  }
0x1e0: {  	v17 =	vshll.u32 v0, $0x2  }
0x1e1: {  	vm7 =	vgt.s32 v17, $0x4  }
0x1e2: {  	v21 =	vnsel vm7, $0x4, v17  }
0x1e3: {  	v16 =	vnsel vm2, $0x0, v16;
	v22 =	vadd.s32 $0x7C, v21;
	v21 =	vadd.s32 v4, v21  }
0x1e4: {  	v25 =	vnsel vm1, $0x0, v16;
	v21 =	vand.u32 $0xFFFFFF80, v21;
	v22 =	vand.u32 $0x7C, v22  }
0x1e5: {  	v26 =	vmul.u32 v18, v25;
	v21 =	vor.u32 v22, v21  }
0x1e6: {  	v15 =	vmul.u32 v15, v25  }
0x1e7: {  	v2 =	vmul.u32 v18, v2;
	[tilespmem:v13+s10+$0x0] =	vst.idx.add.s32.msk $0xffff, v26  }
0x1e8: {  	[tilespmem:v12+s10+$0x0] =	vst.idx.add.s32.msk $0xffff, v15  }
0x1e9: {  	[tilespmem:v14+s11+$0x0] =	vst.idx.add.s32.msk $0xffff, v2  }
0x1ea: {  	v2 =	vld.idx.msk [tilespmem:v21+s4+$0x0], $0xffff;
	_ =	sdelay $0x4  }
0x1eb: {  	vm0 =	vgt.s32 v0, $0x0;
	v2 =	vadd.s32 $0x1, v2  }
0x1ec: {  	v11 =	vadd.s32 v11, v16;
	v2 =	vnsel vm0, $0x0, v2  }
0x1ed: {  	vm3 =	vlt.s32 v11, $0x20;
	vm9 =	vgt.s32 v2, $0x1F;
	v12 =	vadd.s32 $0xFFFFFFE0, v2  }
0x1ee: {  	vm11 =	vlt.s32 v11, $0x21;
	v12 =	vsel vm9, v12, v2;
	v13 =	vsel vm9, v19, v20  }
0x1ef: {  	v14 =	vnsel vm3, $0x20, v11;
	v15 =	vsel vm9, v24, v23;
	v13 =	vshrl.u32 v13, v12  }
0x1f0: {  	v14 =	vshll.u32 v14, $0x1;
	v12 =	vshrl.u32 v15, v12;
	v13 =	vand.u32 $0x1, v13  }
0x1f1: {  	vm10 =	vne.s32 v2, $0x0;
	v12 =	vand.u32 $0x1, v12;
	vm4 =	veq.s32 v13, $0x1  }
0x1f2: {  	v13 =	vadd.s32 v1, v14;
	v15 =	vxor.u32 $0x1, v12;
	vm3 =	vmand vm10, vm4  }
0x1f3: {  	vm8 =	vgt.s32 v17, $0x3;
	v14 =	vadd.s32 v5, v14;
	v15 =	vnsel vm3, $0x0, v15  }
0x1f4: {  	v16 =	vnsel vm8, $0x3, v17;
	v18 =	vadd.s32 v7, v2;
	v21 =	vnsel vm11, $0x0, v15  }
0x1f5: {  	v16 =	vadd.s32 v8, v16;
	v22 =	vmul.u32 v0, v21  }
0x1f6: {  	v21 =	vmul.u32 v2, v21  }
0x1f7: {  	v12 =	vmul.u32 v0, v12;
	[tilespmem:v13+s10+$0x0] =	vst.idx.add.s32.msk $0xffff, v22  }
0x1f8: {  	[tilespmem:v14+s10+$0x0] =	vst.idx.add.s32.msk $0xffff, v21  }
0x1f9: {  	[tilespmem:v18+s11+$0x0] =	vst.idx.add.s32.msk $0xffff, v12  }
0x1fa: {  	v12 =	vld.idx.msk [tilespmem:v16+s4+$0x0], $0xffff;
	_ =	sdelay $0x3  }
0x1fb: {  	vm12 =	vgt.s32 v17, $0x2;
	v11 =	vadd.s32 v11, v15;
	v2 =	vshll.u32 v6, v2  }
0x1fc: {  	vm13 =	vlt.s32 v11, $0x20;
	v2 =	vxor.u32 $0xFFFFFFFF, v2;
	v12 =	vadd.s32 $0x1, v12  }
0x1fd: {  	v2 =	vsel vm9, $0xFFFFFFFF, v2;
	v13 =	vsel vm9, $0x1, v3;
	v12 =	vnsel vm0, $0x0, v12  }
0x1fe: {  	v13 =	vandn.u32 v24, v13;
	vm14 =	vgt.s32 v12, $0x1F;
	v14 =	vadd.s32 $0xFFFFFFE0, v12  }
0x1ff: {  	v2 =	vand.u32 v23, v2;
	v14 =	vsel vm14, v14, v12;
	v15 =	vsel vm14, v19, v20  }
0x200: {  	v16 =	vnsel vm13, $0x20, v11;
	v18 =	vsel vm14, v13, v2;
	v15 =	vshrl.u32 v15, v14  }
0x201: {  	v16 =	vshll.u32 v16, $0x1;
	v14 =	vshrl.u32 v18, v14;
	v15 =	vand.u32 $0x1, v15  }
0x202: {  	vm15 =	vne.s32 v12, $0x0;
	v14 =	vand.u32 $0x1, v14;
	vm8 =	veq.s32 v15, $0x1  }
0x203: {  	v15 =	vadd.s32 v1, v16;
	v18 =	vxor.u32 $0x1, v14;
	vm3 =	vmand vm15, vm8  }
0x204: {  	vm9 =	vlt.s32 v11, $0x21;
	v16 =	vadd.s32 v5, v16;
	v18 =	vnsel vm3, $0x0, v18  }
0x205: {  	v21 =	vnsel vm12, $0x2, v17;
	v22 =	vadd.s32 v7, v12;
	v23 =	vnsel vm9, $0x0, v18  }
0x206: {  	v21 =	vadd.s32 v9, v21;
	v24 =	vmul.u32 v0, v23  }
0x207: {  	v23 =	vmul.u32 v12, v23  }
0x208: {  	v14 =	vmul.u32 v0, v14;
	[tilespmem:v15+s10+$0x0] =	vst.idx.add.s32.msk $0xffff, v24  }
0x209: {  	[tilespmem:v16+s10+$0x0] =	vst.idx.add.s32.msk $0xffff, v23  }
0x20a: {  	[tilespmem:v22+s11+$0x0] =	vst.idx.add.s32.msk $0xffff, v14  }
0x20b: {  	v14 =	vld.idx.msk [tilespmem:v21+s4+$0x0], $0xffff;
	_ =	sdelay $0x3  }
0x20c: {  	vm10 =	vgt.s32 v17, $0x1;
	v11 =	vadd.s32 v11, v18;
	v12 =	vshll.u32 v6, v12  }
0x20d: {  	vm11 =	vlt.s32 v11, $0x20;
	v12 =	vxor.u32 $0xFFFFFFFF, v12;
	v14 =	vadd.s32 $0x1, v14  }
0x20e: {  	v15 =	vsel vm14, $0x1, v3;
	v12 =	vsel vm14, $0xFFFFFFFF, v12;
	v14 =	vnsel vm0, $0x0, v14  }
0x20f: {  	v2 =	vand.u32 v2, v12;
	vm12 =	vgt.s32 v14, $0x1F;
	v12 =	vadd.s32 $0xFFFFFFE0, v14  }
0x210: {  	v13 =	vandn.u32 v13, v15;
	v12 =	vsel vm12, v12, v14;
	v15 =	vsel vm12, v19, v20  }
0x211: {  	v16 =	vnsel vm11, $0x20, v11;
	v18 =	vsel vm12, v13, v2;
	v15 =	vshrl.u32 v15, v12  }
0x212: {  	v16 =	vshll.u32 v16, $0x1;
	v12 =	vshrl.u32 v18, v12;
	v15 =	vand.u32 $0x1, v15  }
0x213: {  	vm13 =	vne.s32 v14, $0x0;
	v12 =	vand.u32 $0x1, v12;
	vm14 =	veq.s32 v15, $0x1  }
0x214: {  	v15 =	vadd.s32 v1, v16;
	v18 =	vxor.u32 $0x1, v12;
	vm3 =	vmand vm13, vm14  }
0x215: {  	vm15 =	vlt.s32 v11, $0x21;
	v16 =	vadd.s32 v5, v16;
	v18 =	vnsel vm3, $0x0, v18  }
0x216: {  	v17 =	vnsel vm10, $0x1, v17;
	v21 =	vadd.s32 v7, v14;
	v22 =	vnsel vm15, $0x0, v18  }
0x217: {  	v17 =	vadd.s32 v10, v17;
	v23 =	vmul.u32 v0, v22  }
0x218: {  	v22 =	vmul.u32 v14, v22  }
0x219: {  	v12 =	vmul.u32 v0, v12;
	[tilespmem:v15+s10+$0x0] =	vst.idx.add.s32.msk $0xffff, v23  }
0x21a: {  	[tilespmem:v16+s10+$0x0] =	vst.idx.add.s32.msk $0xffff, v22  }
0x21b: {  	[tilespmem:v21+s11+$0x0] =	vst.idx.add.s32.msk $0xffff, v12  }
0x21c: {  	v12 =	vld.idx.msk [tilespmem:v17+s4+$0x0], $0xffff;
	_ =	sdelay $0x3  }
0x21d: {  	v11 =	vadd.s32 v11, v18;
	v14 =	vshll.u32 v6, v14  }
0x21e: {  	vm5 =	vlt.s32 v11, $0x20;
	v14 =	vxor.u32 $0xFFFFFFFF, v14;
	v12 =	vadd.s32 $0x1, v12  }
0x21f: {  	v14 =	vsel vm12, $0xFFFFFFFF, v14;
	v15 =	vsel vm12, $0x1, v3;
	v12 =	vnsel vm0, $0x0, v12  }
0x220: {  	v2 =	vand.u32 v2, v14;
	vm0 =	vgt.s32 v12, $0x1F;
	v14 =	vadd.s32 $0xFFFFFFE0, v12  }
0x221: {  	v13 =	vandn.u32 v13, v15;
	v14 =	vsel vm0, v14, v12;
	v15 =	vsel vm0, v19, v20  }
0x222: {  	v16 =	vnsel vm5, $0x20, v11;
	v2 =	vsel vm0, v13, v2;
	v13 =	vshrl.u32 v15, v14  }
0x223: {  	vm7 =	vne.s32 v12, $0x0;
	v2 =	vshrl.u32 v2, v14;
	v13 =	vand.u32 $0x1, v13  }
0x224: {  	v15 =	vshll.u32 v16, $0x1;
	v2 =	vand.u32 $0x1, v2;
	vm6 =	veq.s32 v13, $0x1  }
0x225: {  	v13 =	vadd.s32 v1, v15;
	v14 =	vxor.u32 $0x1, v2;
	vm0 =	vmand vm7, vm6  }
0x226: {  	vm8 =	vlt.s32 v11, $0x21;
	v11 =	vadd.s32 v5, v15;
	v14 =	vnsel vm0, $0x0, v14  }
0x227: {  	v15 =	vadd.s32 v7, v12;
	v14 =	vnsel vm8, $0x0, v14  }
0x228: {  	v16 =	vmul.u32 v0, v14  }
0x229: {  	v12 =	vmul.u32 v12, v14  }
0x22a: {  	v0 =	vmul.u32 v0, v2;
	[tilespmem:v13+s10+$0x0] =	vst.idx.add.s32.msk $0xffff, v16  }
0x22b: {  	[tilespmem:v11+s10+$0x0] =	vst.idx.add.s32.msk $0xffff, v12  }
0x22c: {  	[tilespmem:v15+s11+$0x0] =	vst.idx.add.s32.msk $0xffff, v0  }
0x22d: {  	v0 =	vld [tilespmem:$0x1FFA0];
	_ =	sdelay $0x7  }
0x22e: {  	v20 =	vld.idx.msk [tilespmem:v0+s10+$0x0], $0xffff  }
0x22f: {  	v0 =	vld [tilespmem:$0x1FFB0];
	_ =	sdelay $0x7  }
0x230: {  	v21 =	vld.idx.msk [tilespmem:v0+s10+$0x0], $0xffff  }
0x231: {  	v0 =	vld [tilespmem:$0x1FFC0];
	_ =	sdelay $0x7  }
0x232: {  	v22 =	vld.idx.msk [tilespmem:v0+s10+$0x0], $0xffff  }
0x233: {  	v0 =	vld [tilespmem:$0x1FFD0];
	_ =	sdelay $0x2  }
0x234: {  	v18 =	vld.idx.msk [tilespmem:v1+s10+$0x0], $0xffff  }
0x235: {  	v19 =	vld.idx.msk [tilespmem:v63+s10+$0x0], $0xffff;
	_ =	sdelay $0x3  }
0x236: {  	v23 =	vld.idx.msk [tilespmem:v0+s10+$0x0], $0xffff  }
0x237: {  	v0 =	vor.u32 v18, v19  }
0x238: {  	v0 =	vor.u32 v20, v0  }
0x239: {  	v0 =	vor.u32 v21, v0  }
0x23a: {  	v0 =	vor.u32 v22, v0  }
0x23b: {  	v0 =	vor.u32 v23, v0  }
0x23c: {  	v17 =	vimm.f32 $1.000000000e+00;
	vm9 =	veq.s32 v0, $0x0  }
0x23d: {  	v0 =	vsel vm9, $0x0, v17  }
0x23e: {  	(xrf0) =	vmax.scan.msk.f32 $0xffff, v0;
	_ =	sdelay $0x5  }
0x23f: {  	v0, _, _ =	vpop (xrf0)  }
0x240: {  	(v2sf) =	vpush v0, $0xF;
	_ =	sdelay $0x7  }
0x241: {  	v15 =	vld [tilespmem:$0x1FFE0]  }
0x242: {  	v2 =	vadd.s32 $0x7, v1  }
0x243: {  	v13 =	vadd.s32 $0xB, v1;
	vm10 =	vgt.s32 v18, $0x1F;
	v11 =	vshll.u32 v6, v18  }
0x244: {  	v12 =	vadd.s32 $0x9, v1;
	vm11 =	vgt.s32 v19, $0x1F;
	v24 =	vsel vm10, $0x0, v11  }
0x245: {  	v11 =	vshll.u32 v6, v19;
	v27 =	vsel vm11, $0x1, v3;
	v0 =	vadd.s32 $0x5, v1  }
0x246: {  	v50 =	vmovc v19;
	v51 =	vmovc v18;
	v25 =	vsel vm10, $0x1, v3;
	v26 =	vsel vm11, $0x0, v11;
	v38 =	vmov v27  }
0x247: {  	v57 =	vld.idx.msk [tilespmem:v2+s10+$0x0], $0xffff;
	v39 =	vmovc v25;
	v45 =	vmovc v24;
	v2 =	vmov v24;
	vm12 =	vgt.s32 v20, $0x1F;
	v11 =	vshll.u32 v6, v20  }
0x248: {  	v52 =	vmovc v25;
	v53 =	vmovc v27;
	v44 =	vmov v26;
	v28 =	vsel vm12, $0x0, v11;
	v29 =	vsel vm12, $0x1, v3;
	s16 =	spop (v2sf)  }
0x249: {  	v55 =	vld.idx.msk [tilespmem:v15+s10+$0x0], $0xffff;
	v49 =	vmovc v20;
	v37 =	vmovc v29;
	v43 =	vmov v28;
	vm13 =	vgt.s32 v21, $0x1F;
	v14 =	vshll.u32 v6, v21;
	p0 =	sgt.f32 s16, $0.0e+00  }
.Ltmp5:
0x24a: {  	v15 =	vmovc v28;
	v60 =	vmovc v29;
	v31 =	vsel vm13, $0x1, v3;
	vm14 =	vgt.s32 v22, $0x1F;
	v56 =	vld.idx.msk [tilespmem:v0+s10+$0x0], $0xffff;
	v0 =	vshll.u32 v6, v22;
	(pc) =	sbr.rel @!p0 .LBB2_7-.Ltmp5, $4  }
0x24b: {  	v48 =	vmovc v21;
	v30 =	vsel vm13, $0x0, v14;
	v36 =	vmovc v31;
	v32 =	vsel vm14, $0x0, v0;
	v0 =	vshll.u32 v6, v23  }
0x24c: {  	v54 =	vld.idx.msk [tilespmem:v5+s10+$0x0], $0xffff;
	v42 =	vmovc v30;
	v16 =	vmovc v30;
	[tilespmem:$0x1FF90] =	vst v31;
	v14 =	vmov v26;
	v33 =	vsel vm14, $0x1, v3;
	vm15 =	vgt.s32 v23, $0x1F  }
0x24d: {  	v58 =	vld.idx.msk [tilespmem:v13+s10+$0x0], $0xffff;
	v47 =	vmovc v22;
	v11 =	vmovc v33;
	v13 =	vmov v33;
	v35 =	vsel vm15, $0x1, v3;
	v34 =	vsel vm15, $0x0, v0;
	[tilespmem:$0x1FF70] =	vst v32  }
0x24e: {  	v59 =	vld.idx.msk [tilespmem:v12+s10+$0x0], $0xffff;
	v46 =	vmovc v23;
	v12 =	vmovc v35;
	v41 =	vmov v32;
	v40 =	vmov v34;
	[tilespmem:$0x1FF80] =	vst v34;
	v0 =	vmov v35;
	s16 =	simm.s32 $0x0  }
.LBB2_5:
0x24f: {  	v2 =	vadd.s32 v7, v51  }
0x250: {  	v12 =	vadd.s32 v7, v50  }
0x251: {  	v13 =	vadd.s32 v7, v49  }
0x252: {  	v14 =	vadd.s32 v7, v48  }
0x253: {  	v15 =	vadd.s32 v7, v47  }
0x254: {  	v51 =	vld.idx.msk [tilespmem:v2+s11+$0x0], $0xffff;
	v2 =	vadd.s32 v7, v46  }
0x255: {  	v50 =	vld.idx.msk [tilespmem:v12+s11+$0x0], $0xffff  }
0x256: {  	v49 =	vld.idx.msk [tilespmem:v13+s11+$0x0], $0xffff  }
0x257: {  	v48 =	vld.idx.msk [tilespmem:v14+s11+$0x0], $0xffff  }
0x258: {  	v47 =	vld.idx.msk [tilespmem:v15+s11+$0x0], $0xffff  }
0x259: {  	v46 =	vld.idx.msk [tilespmem:v2+s11+$0x0], $0xffff  }
0x25a: {  	v2 =	vor.u32 v51, v50  }
0x25b: {  	v2 =	vor.u32 v49, v2  }
0x25c: {  	v2 =	vor.u32 v48, v2  }
0x25d: {  	v2 =	vor.u32 v47, v2  }
0x25e: {  	v2 =	vor.u32 v46, v2  }
0x25f: {  	vm0 =	veq.s32 v2, $0x0  }
0x260: {  	v2 =	vsel vm0, $0x0, v17  }
0x261: {  	(xrf0) =	vmax.scan.msk.f32 $0xffff, v2;
	_ =	sdelay $0x5  }
0x262: {  	v2, _, _ =	vpop (xrf0)  }
0x263: {  	(v2sf) =	vpush v2, $0xF;
	_ =	sdelay $0xb  }
0x264: {  	vm10 =	vgt.s32 v51, $0x1F;
	vm11 =	vgt.s32 v50, $0x1F;
	v60 =	vshll.u32 v6, v50  }
0x265: {  	vm12 =	vgt.s32 v49, $0x1F;
	vm13 =	vgt.s32 v48, $0x1F;
	v53 =	vsel vm10, $0x1, v3  }
0x266: {  	vm14 =	vgt.s32 v47, $0x1F;
	v52 =	vsel vm11, $0x1, v3;
	v39 =	vor.u32 v53, v39  }
0x267: {  	p1 =	sgt.u32 s16, $0x1E;
	v53 =	vshll.u32 v6, v49;
	v38 =	vor.u32 v52, v38;
	v2 =	vshll.u32 v6, v51;
	s17 =	spop (v2sf)  }
0x268: {  	v52 =	vshll.u32 v6, v48;
	vm15 =	vgt.s32 v46, $0x1F;
	v2 =	vsel vm10, $0x0, v2;
	p2 =	sgt.f32 @!p1 s17, $0.0e+00  }
0x269: {  	v45 =	vor.u32 v45, v2;
	v2 =	vsel vm11, $0x0, v60;
	v60 =	vsel vm12, $0x1, v3  }
0x26a: {  	v44 =	vor.u32 v44, v2;
	v2 =	vsel vm12, $0x0, v53;
	v37 =	vor.u32 v60, v37;
	p2 =	por p1, !p2  }
.Ltmp6:
0x26b: {  	v53 =	vsel vm13, $0x1, v3;
	v60 =	vshll.u32 v6, v47;
	v43 =	vor.u32 v43, v2;
	(pc) =	sbr.rel @!p2 .LBB2_5-.Ltmp6, $4  }
0x26c: {  	v2 =	vsel vm13, $0x0, v52;
	v36 =	vor.u32 v53, v36;
	v52 =	vsel vm14, $0x1, v3  }
0x26d: {  	v53 =	vshll.u32 v6, v46;
	v42 =	vor.u32 v42, v2;
	v2 =	vsel vm14, $0x0, v60  }
0x26e: {  	v60 =	vsel vm15, $0x1, v3;
	v41 =	vor.u32 v41, v2;
	v2 =	vsel vm15, $0x0, v53  }
0x26f: {  	s16 =	sadd.s32 $0x1, s16;
	v11 =	vor.u32 v52, v11;
	v0 =	vor.u32 v60, v0;
	v40 =	vor.u32 v40, v2  }
0x270: {  	v2 =	vpsel p1, v45, v45;
	v14 =	vpsel p1, v44, v44;
	v12 =	vpsel p1, v41, v41  }
0x271: {  	v15 =	vpsel p1, v43, v43;
	v16 =	vpsel p1, v42, v42;
	[tilespmem:$0x1FF70] =	vst v12;
	v12 =	vpsel p1, v40, v40  }
0x272: {  	v52 =	vpsel p1, v39, v39;
	v53 =	vpsel p1, v38, v38;
	[tilespmem:$0x1FF80] =	vst v12;
	v12 =	vpsel p1, v36, v36  }
0x273: {  	v60 =	vpsel p1, v37, v37;
	v13 =	vpsel p1, v11, v11;
	[tilespmem:$0x1FF90] =	vst v12;
	v12 =	vpsel p1, v0, v0  }
.LBB2_7:
0x274: {  	_ =	sdelay $0x1  }
0x275: {  	v0 =	vor.u32 v54, v55  }
0x276: {  	v0 =	vor.u32 v56, v0  }
0x277: {  	v0 =	vor.u32 v57, v0  }
0x278: {  	v0 =	vor.u32 v59, v0  }
0x279: {  	v0 =	vor.u32 v58, v0  }
0x27a: {  	vm0 =	veq.s32 v0, $0x0  }
0x27b: {  	v0 =	vsel vm0, $0x0, v17  }
0x27c: {  	(xrf0) =	vmax.scan.msk.f32 $0xffff, v0;
	_ =	sdelay $0x5  }
0x27d: {  	v0, _, _ =	vpop (xrf0)  }
0x27e: {  	(v2sf) =	vpush v0, $0xF;
	_ =	sdelay $0x9  }
0x27f: {  	v36 =	vmul.u32 $0xC0, v61;
	_ =	sdelay $0x1  }
0x280: {  	[tilespmem:$0x1FF40] =	vst v60;
	v60 =	vimm.s32 $0x1;
	vm1 =	vgt.s32 v55, $0x1F;
	v37 =	vor.u32 $0x20, v36  }
0x281: {  	vm12 =	vgt.s32 v56, $0x1F;
	vm13 =	vgt.s32 v57, $0x1F;
	v39 =	vadd.s32 $0x40, v36  }
0x282: {  	[tilespmem:$0x1FF50] =	vst v53;
	v44 =	vsel vm1, $0x1, v3;
	v11 =	vshll.u32 v60, v57;
	v40 =	vadd.s32 $0x60, v36  }
0x283: {  	[tilespmem:$0x1FF60] =	vst v52;
	v47 =	vsel vm12, $0x1, v3;
	v49 =	vsel vm13, $0x1, v3;
	v43 =	vadd.s32 $0x80, v36;
	s16 =	spop (v2sf)  }
0x284: {  	vm11 =	vgt.s32 v54, $0x1F;
	v45 =	vadd.s32 $0xA0, v36;
	[tilespmem:v36+s12+$0x0] =	vst.idx.add.s32.msk $0xffff, v54;
	v0 =	vshll.u32 v60, v54;
	p1 =	sgt.f32 s16, $0.0e+00  }
.Ltmp7:
0x285: {  	v48 =	vsel vm13, $0x0, v11;
	[tilespmem:v37+s12+$0x0] =	vst.idx.add.s32.msk $0xffff, v55;
	v38 =	vsel vm11, $0x0, v0;
	v0 =	vshll.u32 v60, v55;
	(pc) =	sbr.rel @!p1 .LBB2_8-.Ltmp7, $4  }
0x286: {  	v41 =	vsel vm11, $0x1, v3;
	[tilespmem:v39+s12+$0x0] =	vst.idx.add.s32.msk $0xffff, v56;
	v42 =	vsel vm1, $0x0, v0;
	v0 =	vshll.u32 v60, v56  }
0x287: {  	vm14 =	vgt.s32 v59, $0x1F;
	[tilespmem:v40+s12+$0x0] =	vst.idx.add.s32.msk $0xffff, v57;
	v46 =	vsel vm12, $0x0, v0;
	v0 =	vshll.u32 v60, v59  }
0x288: {  	vm15 =	vgt.s32 v58, $0x1F;
	[tilespmem:v43+s12+$0x0] =	vst.idx.add.s32.msk $0xffff, v59;
	v50 =	vsel vm14, $0x0, v0;
	v0 =	vshll.u32 v60, v58  }
0x289: {  	v53 =	vsel vm15, $0x1, v3;
	v51 =	vsel vm14, $0x1, v3;
	[tilespmem:v45+s12+$0x0] =	vst.idx.add.s32.msk $0xffff, v58;
	v52 =	vsel vm15, $0x0, v0  }
0x28a: {  	[tilespmem:$0x1FEE0] =	vst v36  }
0x28b: {  	[tilespmem:$0x1FF00] =	vst v43;
	v43 =	vld [tilespmem:$0x1FF70]  }
0x28c: {  	[tilespmem:$0x1FEF0] =	vst v45;
	v45 =	vld [tilespmem:$0x1FF80]  }
0x28d: {  	[tilespmem:$0x1FF10] =	vst v40  }
0x28e: {  	[tilespmem:$0x1FF20] =	vst v39  }
0x28f: {  	[tilespmem:$0x1FF30] =	vst v37  }
0x290: {  	v61 =	vimm.s32 $0x0;
	v62 =	vimm.s32 $0x0;
	v63 =	vimm.s32 $0x0;
	[tilespmem:$0x1FF70] =	vst v43  }
0x291: {  	s16 =	simm.s32 $0x0;
	v11 =	vimm.s32 $0x0;
	v0 =	vimm.s32 $0x0;
	v60 =	vimm.s32 $0x0;
	v39 =	vld [tilespmem:$0x1FF90];
	v40 =	vmovc v13;
	[tilespmem:$0x1FF80] =	vst v45;
	v43 =	vmovc v12  }
.LBB2_10:
0x292: {  	v13 =	vld [tilespmem:$0x1FF60];
	_ =	sdelay $0x4  }
0x293: {  	v12 =	vand.u32 v2, v38;
	v13 =	vand.u32 v13, v41  }
0x294: {  	v12 =	vor.u32 v12, v13  }
0x295: {  	v13 =	vld [tilespmem:$0x1FEE0];
	vm0 =	veq.s32 v12, $0x0  }
0x296: {  	v54 =	vadd.s32 v7, v54;
	v12 =	vsel vm0, $0x1, v3  }
0x297: {  	v60 =	vadd.s32 v12, v60  }
0x298: {  	vm1 =	vlt.s32 v60, $0x1F  }
0x299: {  	v12 =	vnsel vm1, $0x1F, v60  }
0x29a: {  	v37 =	vmov v14;
	v12 =	vadd.s32 v13, v12;
	v13 =	vand.u32 v14, v42;
	v14 =	vld [tilespmem:$0x1FF50]  }
0x29b: {  	v54 =	vld.idx.msk [tilespmem:v54+s11+$0x0], $0xffff;
	_ =	sdelay $0x2  }
0x29c: {  	vm6 =	vlt.s32 v60, $0x20  }
0x29d: {  	vm0 =	vmand vm0, vm6;
	v14 =	vand.u32 v14, v44  }
0x29e: {  	v13 =	vor.u32 v13, v14;
	v14 =	vnsel vm0, $0x0, v54  }
0x29f: {  	vm2 =	veq.s32 v13, $0x0;
	[tilespmem:v12+s12+$0x0] =	vst.idx.add.s32.msk $0xffff, v14  }
0x2a0: {  	v14 =	vld [tilespmem:$0x1FF40];
	v13 =	vsel vm2, $0x1, v3  }
0x2a1: {  	v0 =	vadd.s32 v13, v0;
	v13 =	vld [tilespmem:$0x1FF30];
	_ =	sdelay $0x1  }
0x2a2: {  	v55 =	vadd.s32 v7, v55  }
0x2a3: {  	vm7 =	vlt.s32 v0, $0x1F  }
0x2a4: {  	v12 =	vnsel vm7, $0x1F, v0  }
0x2a5: {  	v14 =	vand.u32 v14, v47;
	v12 =	vadd.s32 v13, v12;
	v13 =	vand.u32 v15, v46  }
0x2a6: {  	v13 =	vor.u32 v13, v14  }
0x2a7: {  	v55 =	vld.idx.msk [tilespmem:v55+s11+$0x0], $0xffff;
	vm9 =	veq.s32 v13, $0x0  }
0x2a8: {  	v13 =	vsel vm9, $0x1, v3  }
0x2a9: {  	v11 =	vadd.s32 v13, v11;
	v13 =	vld [tilespmem:$0x1FF20]  }
0x2aa: {  	vm8 =	vlt.s32 v0, $0x20  }
0x2ab: {  	v56 =	vadd.s32 v7, v56;
	vm0 =	vmand vm2, vm8  }
0x2ac: {  	v14 =	vnsel vm0, $0x0, v55;
	vm10 =	vlt.s32 v11, $0x1F  }
0x2ad: {  	[tilespmem:v12+s12+$0x0] =	vst.idx.add.s32.msk $0xffff, v14;
	v12 =	vnsel vm10, $0x1F, v11  }
0x2ae: {  	v14 =	vand.u32 v39, v49;
	v12 =	vadd.s32 v13, v12;
	v13 =	vand.u32 v16, v48  }
0x2af: {  	v13 =	vor.u32 v13, v14  }
0x2b0: {  	v56 =	vld.idx.msk [tilespmem:v56+s11+$0x0], $0xffff;
	vm12 =	veq.s32 v13, $0x0  }
0x2b1: {  	v13 =	vsel vm12, $0x1, v3  }
0x2b2: {  	v63 =	vadd.s32 v13, v63;
	v13 =	vld [tilespmem:$0x1FF10]  }
0x2b3: {  	vm11 =	vlt.s32 v11, $0x20  }
0x2b4: {  	vm0 =	vmand vm9, vm11  }
0x2b5: {  	v14 =	vnsel vm0, $0x0, v56;
	vm13 =	vlt.s32 v63, $0x1F  }
0x2b6: {  	[tilespmem:v12+s12+$0x0] =	vst.idx.add.s32.msk $0xffff, v14;
	v12 =	vnsel vm13, $0x1F, v63  }
0x2b7: {  	v12 =	vadd.s32 v13, v12;
	v13 =	vld [tilespmem:$0x1FF70]  }
0x2b8: {  	v57 =	vadd.s32 v7, v57;
	_ =	sdelay $0x3  }
0x2b9: {  	v14 =	vand.u32 v40, v51;
	v13 =	vand.u32 v13, v50  }
0x2ba: {  	v57 =	vld.idx.msk [tilespmem:v57+s11+$0x0], $0xffff;
	v13 =	vor.u32 v13, v14  }
0x2bb: {  	vm15 =	veq.s32 v13, $0x0  }
0x2bc: {  	v59 =	vadd.s32 v7, v59;
	v13 =	vsel vm15, $0x1, v3  }
0x2bd: {  	vm14 =	vlt.s32 v63, $0x20;
	v62 =	vadd.s32 v13, v62;
	v13 =	vld [tilespmem:$0x1FF00]  }
0x2be: {  	vm0 =	vmand vm12, vm14  }
0x2bf: {  	v14 =	vnsel vm0, $0x0, v57  }
0x2c0: {  	[tilespmem:v12+s12+$0x0] =	vst.idx.add.s32.msk $0xffff, v14;
	vm4 =	vlt.s32 v62, $0x1F  }
0x2c1: {  	v59 =	vld.idx.msk [tilespmem:v59+s11+$0x0], $0xffff;
	v12 =	vnsel vm4, $0x1F, v62  }
0x2c2: {  	v12 =	vadd.s32 v13, v12  }
0x2c3: {  	v13 =	vadd.s32 v7, v58  }
0x2c4: {  	vm5 =	vlt.s32 v62, $0x20  }
0x2c5: {  	vm0 =	vmand vm15, vm5  }
0x2c6: {  	v14 =	vnsel vm0, $0x0, v59  }
0x2c7: {  	[tilespmem:v12+s12+$0x0] =	vst.idx.add.s32.msk $0xffff, v14  }
0x2c8: {  	v58 =	vld.idx.msk [tilespmem:v13+s11+$0x0], $0xffff  }
0x2c9: {  	v12 =	vor.u32 v54, v55  }
0x2ca: {  	v12 =	vor.u32 v56, v12  }
0x2cb: {  	v12 =	vor.u32 v57, v12  }
0x2cc: {  	v12 =	vor.u32 v59, v12  }
0x2cd: {  	v12 =	vor.u32 v58, v12  }
0x2ce: {  	vm6 =	veq.s32 v12, $0x0  }
0x2cf: {  	v12 =	vsel vm6, $0x0, v17  }
0x2d0: {  	(xrf0) =	vmax.scan.msk.f32 $0xffff, v12;
	_ =	sdelay $0x5  }
0x2d1: {  	v12, _, _ =	vpop (xrf0)  }
0x2d2: {  	(v2sf) =	vpush v12, $0xF;
	_ =	sdelay $0x3  }
0x2d3: {  	v14 =	vld [tilespmem:$0x1FF80];
	_ =	sdelay $0x2  }
0x2d4: {  	v36 =	vmovc v15;
	vm7 =	vgt.s32 v54, $0x1F;
	vm8 =	vgt.s32 v55, $0x1F;
	v15 =	vand.u32 v43, v53  }
0x2d5: {  	vm12 =	vgt.s32 v57, $0x1F;
	v13 =	vsel vm7, $0x1, v3;
	v12 =	vshll.u32 v6, v54  }
0x2d6: {  	v41 =	vor.u32 v13, v41;
	v14 =	vand.u32 v14, v52;
	v12 =	vsel vm7, $0x0, v12  }
0x2d7: {  	v13 =	vshll.u32 v6, v55;
	v38 =	vor.u32 v38, v12;
	v12 =	vor.u32 v14, v15  }
0x2d8: {  	v17 =	vshll.u32 v6, v57;
	vm9 =	veq.s32 v12, $0x0;
	v12 =	vsel vm8, $0x0, v13  }
0x2d9: {  	v42 =	vor.u32 v42, v12;
	v12 =	vsel vm12, $0x0, v17;
	v17 =	vld [tilespmem:$0x1FEF0]  }
0x2da: {  	vm10 =	vgt.s32 v56, $0x1F;
	vm14 =	vgt.s32 v59, $0x1F;
	v14 =	vsel vm9, $0x1, v3  }
0x2db: {  	vm15 =	vgt.s32 v58, $0x1F;
	v13 =	vsel vm8, $0x1, v3;
	v61 =	vadd.s32 v14, v61  }
0x2dc: {  	p1 =	sgt.u32 s16, $0x1E;
	v15 =	vshll.u32 v6, v56;
	v44 =	vor.u32 v13, v44;
	vm11 =	vlt.s32 v61, $0x1F;
	s17 =	spop (v2sf)  }
0x2dd: {  	v45 =	vmovc v16;
	v13 =	vsel vm12, $0x1, v3;
	v14 =	vsel vm10, $0x0, v15;
	v16 =	vnsel vm11, $0x1F, v61;
	p2 =	sgt.f32 @!p1 s17, $0.0e+00  }
0x2de: {  	v15 =	vsel vm10, $0x1, v3;
	v48 =	vor.u32 v48, v12;
	v16 =	vadd.s32 v17, v16  }
0x2df: {  	v49 =	vor.u32 v13, v49;
	v13 =	vshll.u32 v6, v58;
	v17 =	vshll.u32 v6, v59;
	p1 =	por p1, !p2  }
.Ltmp8:
0x2e0: {  	vm13 =	vlt.s32 v61, $0x20;
	v46 =	vor.u32 v46, v14;
	v14 =	vsel vm14, $0x0, v17;
	(pc) =	sbr.rel @!p1 .LBB2_10-.Ltmp8, $4  }
0x2e1: {  	vm0 =	vmand vm9, vm13;
	v50 =	vor.u32 v50, v14;
	v14 =	vsel vm15, $0x1, v3  }
0x2e2: {  	v47 =	vor.u32 v15, v47;
	v13 =	vsel vm15, $0x0, v13;
	v12 =	vnsel vm0, $0x0, v58  }
0x2e3: {  	v52 =	vor.u32 v52, v13;
	v15 =	vmov v36;
	[tilespmem:v16+s12+$0x0] =	vst.idx.add.s32.msk $0xffff, v12;
	v12 =	vsel vm14, $0x1, v3  }
0x2e4: {  	s16 =	sadd.s32 $0x1, s16;
	v17 =	vimm.f32 $1.000000000e+00;
	v53 =	vor.u32 v14, v53;
	v16 =	vmovc v45;
	v14 =	vmovc v37;
	v51 =	vor.u32 v12, v51  }
0x2e5: {  	v2 =	vadd.s32 $0x1, v11;
	v11 =	vadd.s32 $0x1, v63;
	v63 =	vld [tilespmem:$0x1FFF0]  }
0x2e6: {  	v37 =	vld [tilespmem:$0x1FF30]  }
.Ltmp9:
0x2e7: {  	v39 =	vld [tilespmem:$0x1FF20];
	(pc) =	sbr.rel .LBB2_12-.Ltmp9, $4  }
0x2e8: {  	v40 =	vld [tilespmem:$0x1FF10]  }
0x2e9: {  	v43 =	vld [tilespmem:$0x1FF00]  }
0x2ea: {  	v60 =	vadd.s32 $0x1, v60;
	v0 =	vadd.s32 $0x1, v0;
	v12 =	vadd.s32 $0x1, v62;
	v45 =	vld [tilespmem:$0x1FEF0]  }
0x2eb: {  	v13 =	vadd.s32 $0x1, v61;
	v61 =	vlaneseq.u32;
	v62 =	vimm.s32 $0xFFFFFFFF;
	v36 =	vld [tilespmem:$0x1FEE0]  }
.LBB2_8:
0x2ec: {  	v0 =	vimm.s32 $0x1;
	v2 =	vimm.s32 $0x1  }
0x2ed: {  	v11 =	vimm.s32 $0x1;
	v12 =	vimm.s32 $0x1;
	v13 =	vimm.s32 $0x1  }
.LBB2_12:
0x2ee: {  	_ =	sdelay $0x1  }
0x2ef: {  	vm0 =	vlt.s32 v60, $0x1F;
	vm6 =	vlt.s32 v60, $0x20  }
0x2f0: {  	vm1 =	vlt.s32 v0, $0x1F;
	vm7 =	vlt.s32 v2, $0x1F;
	v14 =	vnsel vm0, $0x1F, v60  }
0x2f1: {  	vm8 =	vlt.s32 v11, $0x1F;
	v16 =	vnsel vm1, $0x1F, v0;
	v14 =	vadd.s32 v36, v14  }
0x2f2: {  	vm9 =	vlt.s32 v12, $0x1F;
	v17 =	vnsel vm7, $0x1F, v2;
	v16 =	vadd.s32 v37, v16  }
0x2f3: {  	vm10 =	vlt.s32 v13, $0x1F;
	v54 =	vnsel vm8, $0x1F, v11;
	v17 =	vadd.s32 v39, v17  }
0x2f4: {  	vm11 =	vlt.s32 v0, $0x20;
	v55 =	vnsel vm9, $0x1F, v12;
	v54 =	vadd.s32 v40, v54  }
0x2f5: {  	v15 =	vnsel vm6, $0x0, v18;
	v56 =	vnsel vm10, $0x1F, v13;
	v55 =	vadd.s32 v43, v55  }
0x2f6: {  	vm12 =	vlt.s32 v2, $0x20;
	[tilespmem:v14+s12+$0x0] =	vst.idx.add.s32.msk $0xffff, v15;
	v14 =	vnsel vm11, $0x0, v19;
	v15 =	vadd.s32 v45, v56  }
.Ltmp10:
0x2f7: {  	vm13 =	vlt.s32 v11, $0x20;
	[tilespmem:v16+s12+$0x0] =	vst.idx.add.s32.msk $0xffff, v14;
	v14 =	vnsel vm12, $0x0, v20;
	(pc) =	sbr.rel @!p0 .LBB2_14-.Ltmp10, $4  }
0x2f8: {  	vm14 =	vlt.s32 v12, $0x20;
	[tilespmem:v17+s12+$0x0] =	vst.idx.add.s32.msk $0xffff, v14;
	v14 =	vnsel vm13, $0x0, v21  }
0x2f9: {  	vm15 =	vlt.s32 v13, $0x20;
	[tilespmem:v54+s12+$0x0] =	vst.idx.add.s32.msk $0xffff, v14;
	v14 =	vnsel vm14, $0x0, v22  }
0x2fa: {  	[tilespmem:v55+s12+$0x0] =	vst.idx.add.s32.msk $0xffff, v14;
	v14 =	vnsel vm15, $0x0, v23  }
0x2fb: {  	s16 =	simm.s32 $0x0;
	v17 =	vimm.f32 $1.000000000e+00;
	[tilespmem:v15+s12+$0x0] =	vst.idx.add.s32.msk $0xffff, v14  }
.LBB2_13:
0x2fc: {  	v14 =	vadd.s32 v7, v18;
	_ =	sdelay $0x4  }
0x2fd: {  	v18 =	vld.idx.msk [tilespmem:v14+s11+$0x0], $0xffff;
	_ =	sdelay $0x4  }
0x2fe: {  	vm0 =	vgt.s32 v18, $0x1F;
	v14 =	vshll.u32 v6, v18  }
0x2ff: {  	v14 =	vsel vm0, $0x0, v14;
	v15 =	vsel vm0, $0x1, v3  }
0x300: {  	v24 =	vor.u32 v24, v14;
	v25 =	vor.u32 v15, v25  }
0x301: {  	v14 =	vand.u32 v38, v24;
	v15 =	vand.u32 v41, v25  }
0x302: {  	v14 =	vor.u32 v15, v14  }
0x303: {  	vm5 =	veq.s32 v14, $0x0  }
0x304: {  	v14 =	vsel vm5, $0x1, v3  }
0x305: {  	v60 =	vadd.s32 v14, v60  }
0x306: {  	vm1 =	vlt.s32 v60, $0x1F  }
0x307: {  	v14 =	vnsel vm1, $0x1F, v60  }
0x308: {  	v14 =	vadd.s32 v36, v14  }
0x309: {  	v15 =	vadd.s32 v7, v19  }
0x30a: {  	vm6 =	vlt.s32 v60, $0x20  }
0x30b: {  	vm0 =	vmand vm5, vm6  }
0x30c: {  	v16 =	vnsel vm0, $0x0, v18  }
0x30d: {  	[tilespmem:v14+s12+$0x0] =	vst.idx.add.s32.msk $0xffff, v16  }
0x30e: {  	v19 =	vld.idx.msk [tilespmem:v15+s11+$0x0], $0xffff;
	_ =	sdelay $0x4  }
0x30f: {  	vm7 =	vgt.s32 v19, $0x1F;
	v14 =	vshll.u32 v6, v19  }
0x310: {  	v14 =	vsel vm7, $0x0, v14;
	v15 =	vsel vm7, $0x1, v3  }
0x311: {  	v26 =	vor.u32 v26, v14;
	v27 =	vor.u32 v15, v27  }
0x312: {  	v14 =	vand.u32 v42, v26;
	v15 =	vand.u32 v44, v27  }
0x313: {  	v14 =	vor.u32 v15, v14  }
0x314: {  	vm8 =	veq.s32 v14, $0x0  }
0x315: {  	v14 =	vsel vm8, $0x1, v3  }
0x316: {  	v0 =	vadd.s32 v14, v0  }
0x317: {  	vm9 =	vlt.s32 v0, $0x1F  }
0x318: {  	v14 =	vnsel vm9, $0x1F, v0  }
0x319: {  	v14 =	vadd.s32 v37, v14  }
0x31a: {  	v15 =	vadd.s32 v7, v20  }
0x31b: {  	vm10 =	vlt.s32 v0, $0x20  }
0x31c: {  	vm0 =	vmand vm8, vm10  }
0x31d: {  	v16 =	vnsel vm0, $0x0, v19  }
0x31e: {  	[tilespmem:v14+s12+$0x0] =	vst.idx.add.s32.msk $0xffff, v16  }
0x31f: {  	v20 =	vld.idx.msk [tilespmem:v15+s11+$0x0], $0xffff;
	_ =	sdelay $0x4  }
0x320: {  	vm11 =	vgt.s32 v20, $0x1F;
	v14 =	vshll.u32 v6, v20  }
0x321: {  	v14 =	vsel vm11, $0x0, v14;
	v15 =	vsel vm11, $0x1, v3  }
0x322: {  	v28 =	vor.u32 v28, v14;
	v29 =	vor.u32 v15, v29  }
0x323: {  	v14 =	vand.u32 v46, v28;
	v15 =	vand.u32 v47, v29  }
0x324: {  	v14 =	vor.u32 v15, v14  }
0x325: {  	vm12 =	veq.s32 v14, $0x0  }
0x326: {  	v14 =	vsel vm12, $0x1, v3  }
0x327: {  	v2 =	vadd.s32 v14, v2  }
0x328: {  	vm13 =	vlt.s32 v2, $0x1F  }
0x329: {  	v14 =	vnsel vm13, $0x1F, v2  }
0x32a: {  	v14 =	vadd.s32 v39, v14  }
0x32b: {  	v15 =	vadd.s32 v7, v21  }
0x32c: {  	vm14 =	vlt.s32 v2, $0x20  }
0x32d: {  	vm0 =	vmand vm12, vm14  }
0x32e: {  	v16 =	vnsel vm0, $0x0, v20  }
0x32f: {  	[tilespmem:v14+s12+$0x0] =	vst.idx.add.s32.msk $0xffff, v16  }
0x330: {  	v21 =	vld.idx.msk [tilespmem:v15+s11+$0x0], $0xffff;
	_ =	sdelay $0x4  }
0x331: {  	vm15 =	vgt.s32 v21, $0x1F;
	v14 =	vshll.u32 v6, v21  }
0x332: {  	v14 =	vsel vm15, $0x0, v14;
	v15 =	vsel vm15, $0x1, v3  }
0x333: {  	v30 =	vor.u32 v30, v14;
	v31 =	vor.u32 v15, v31  }
0x334: {  	v14 =	vand.u32 v48, v30;
	v15 =	vand.u32 v49, v31  }
0x335: {  	v14 =	vor.u32 v15, v14  }
0x336: {  	vm4 =	veq.s32 v14, $0x0  }
0x337: {  	v14 =	vsel vm4, $0x1, v3  }
0x338: {  	v11 =	vadd.s32 v14, v11  }
0x339: {  	vm5 =	vlt.s32 v11, $0x1F  }
0x33a: {  	v14 =	vnsel vm5, $0x1F, v11  }
0x33b: {  	v14 =	vadd.s32 v40, v14  }
0x33c: {  	v15 =	vadd.s32 v7, v22  }
0x33d: {  	vm6 =	vlt.s32 v11, $0x20  }
0x33e: {  	vm0 =	vmand vm4, vm6  }
0x33f: {  	v16 =	vnsel vm0, $0x0, v21  }
0x340: {  	[tilespmem:v14+s12+$0x0] =	vst.idx.add.s32.msk $0xffff, v16  }
0x341: {  	v22 =	vld.idx.msk [tilespmem:v15+s11+$0x0], $0xffff;
	_ =	sdelay $0x4  }
0x342: {  	vm7 =	vgt.s32 v22, $0x1F;
	v14 =	vshll.u32 v6, v22  }
0x343: {  	v14 =	vsel vm7, $0x0, v14;
	v15 =	vsel vm7, $0x1, v3  }
0x344: {  	v32 =	vor.u32 v32, v14;
	v33 =	vor.u32 v15, v33  }
0x345: {  	v14 =	vand.u32 v50, v32;
	v15 =	vand.u32 v51, v33  }
0x346: {  	v14 =	vor.u32 v15, v14  }
0x347: {  	vm8 =	veq.s32 v14, $0x0  }
0x348: {  	v14 =	vsel vm8, $0x1, v3  }
0x349: {  	v12 =	vadd.s32 v14, v12  }
0x34a: {  	vm9 =	vlt.s32 v12, $0x1F  }
0x34b: {  	v14 =	vnsel vm9, $0x1F, v12  }
0x34c: {  	v14 =	vadd.s32 v43, v14  }
0x34d: {  	v15 =	vadd.s32 v7, v23  }
0x34e: {  	vm10 =	vlt.s32 v12, $0x20  }
0x34f: {  	vm0 =	vmand vm8, vm10  }
0x350: {  	v16 =	vnsel vm0, $0x0, v22  }
0x351: {  	[tilespmem:v14+s12+$0x0] =	vst.idx.add.s32.msk $0xffff, v16  }
0x352: {  	v23 =	vld.idx.msk [tilespmem:v15+s11+$0x0], $0xffff  }
0x353: {  	v14 =	vor.u32 v18, v19  }
0x354: {  	v14 =	vor.u32 v20, v14  }
0x355: {  	v14 =	vor.u32 v21, v14  }
0x356: {  	v14 =	vor.u32 v22, v14  }
0x357: {  	v14 =	vor.u32 v23, v14  }
0x358: {  	vm11 =	veq.s32 v14, $0x0  }
0x359: {  	v14 =	vsel vm11, $0x0, v17  }
0x35a: {  	(xrf0) =	vmax.scan.msk.f32 $0xffff, v14;
	_ =	sdelay $0x5  }
0x35b: {  	v14, _, _ =	vpop (xrf0)  }
0x35c: {  	(v2sf) =	vpush v14, $0xF;
	_ =	sdelay $0x7  }
0x35d: {  	vm12 =	vgt.s32 v23, $0x1F;
	v14 =	vshll.u32 v6, v23  }
0x35e: {  	v15 =	vsel vm12, $0x1, v3;
	v14 =	vsel vm12, $0x0, v14  }
0x35f: {  	v35 =	vor.u32 v15, v35;
	v34 =	vor.u32 v34, v14  }
0x360: {  	v15 =	vand.u32 v53, v35;
	v14 =	vand.u32 v52, v34  }
0x361: {  	v14 =	vor.u32 v15, v14  }
0x362: {  	vm13 =	veq.s32 v14, $0x0  }
0x363: {  	v14 =	vsel vm13, $0x1, v3  }
0x364: {  	p0 =	sgt.u32 s16, $0x1E;
	v13 =	vadd.s32 v14, v13;
	s17 =	spop (v2sf)  }
0x365: {  	vm14 =	vlt.s32 v13, $0x1F;
	p1 =	sgt.f32 @!p0 s17, $0.0e+00  }
0x366: {  	v14 =	vnsel vm14, $0x1F, v13  }
0x367: {  	v14 =	vadd.s32 v45, v14;
	p0 =	por p0, !p1  }
.Ltmp11:
0x368: {  	_ = 	snop;
	(pc) =	sbr.rel @!p0 .LBB2_13-.Ltmp11, $4  }
0x369: {  	vm15 =	vlt.s32 v13, $0x20  }
0x36a: {  	vm0 =	vmand vm13, vm15  }
0x36b: {  	v15 =	vnsel vm0, $0x0, v23  }
0x36c: {  	s16 =	sadd.s32 $0x1, s16;
	[tilespmem:v14+s12+$0x0] =	vst.idx.add.s32.msk $0xffff, v15  }
.Ltmp12:
0x36d: {  	_ = 	snop;
	(pc) =	sbr.rel .LBB2_14-.Ltmp12, $1  }
0x36e: {  	_ =	sdelay $0x3  }
.LBB2_16:
0x36f: {  	_ =	sfence.sel $0x180000  }
0x370: {  	[bflag:$0x0] =	sbarrier.arrive $0xFFFF  }
0x371: {  	p0 =	sne.s32 s5, $0x0;
	_ =	strace $0x90000047  }
0x372: {  	s0 =	sadd.s32 @!p0 $0x100000, s0;
	[bflag:$0x2] =	sbarrier.arrive $0xFFFF  }
0x373: {  	[sflag:s0] =	ssyncadd.tile.s32 @!p0 $0x1;
	_ =	shalt  }
.Lfunc_end2:
_tile_overlayer_lowered:
.L_overlay_start_2:
0x374: {  	(tag) =	ssettag $0x2  }
0x375: {  	s0 =	rddreg [dreg:$0x0];
	s2 =	stileid.u32  }
0x376: {  	s1 =	rddreg [dreg:$0x1];
	p0 =	sne.s32 s2, $0x0  }
0x377: {  	s3 =	rddreg [dreg:$0x2];
	[bflag:$0x3] =	sbarrier.arrive $0xFFFF;
	s2 =	simm.s32 @!p0 $0x1C01  }
0x378: {  	[timem:s3], [sflag:s2] =	dma.local @!p0 [hbm:s0], s1  }
0x379: {  	s0 =	simm.s32 @!p0 $0x1  }
0x37a: {  	_ =	swait.ge @!p0 [sflag:s0], s1  }
0x37b: {  	s1 =	ssub.s32 @!p0 $0x0, s1;
	[sflag:s0] =	ssyncset.done @!p0 $0x0  }
0x37c: {  	[sflag:s0] =	ssyncadd.s32 @!p0 s1  }
0x37d: {  	[bflag:$0x3] =	sbarrier.arrive $0xFFFF  }
0x37e: {  	_ =	shalt  }

</sc_bundles>
